<compile_context>
chip_gen: v7x
topology: tpu7x:2x2x1
jax: 0.10.2.dev20260603
libtpu: 0.0.44.dev20260713+nightly
codegen_flags: <defaults>
</compile_context>

<pallas_src>
import jax
import jax.numpy as jnp
from jax import lax
from jax.experimental import pallas as pl
from jax.experimental.pallas import tpu as pltpu
from jax.experimental.pallas import tpu_sc as plsc

N = 10000
FM = 128
H = 8
E = 320000
OUT_CH = 128
N_CIRC = 504

NP = 10240
NC, NS = 2, 16
NW = NC * NS
E_REAL = E + N
TA = 10368
EP = TA * NW
KA = 96
KB = 16
ZR = 32
ROWS_W = NP // NS

_MESH = plsc.VectorSubcoreMesh(core_axis_name="c", subcore_axis_name="s")



def _linear_body(xb, w_ref, asrc_ref, adst_ref, xw_ref, als_ref, ald_ref):
    xw = jnp.dot(xb, w_ref[...], preferred_element_type=jnp.float32)
    xw_ref[...] = xw
    row = lax.broadcasted_iota(jnp.int32, (H * FM, FM), 0) // FM
    col = lax.broadcasted_iota(jnp.int32, (H * FM, FM), 1)
    msk = (row == col).astype(jnp.float32)
    amat_s = jnp.reshape(asrc_ref[...], (H * FM, 1)) * msk
    amat_d = jnp.reshape(adst_ref[...], (H * FM, 1)) * msk
    als_ref[...] = jnp.dot(xw, amat_s, preferred_element_type=jnp.float32)
    ald_ref[...] = jnp.dot(xw, amat_d, preferred_element_type=jnp.float32)


def _linear1_kernel(x_ref, w_ref, asrc_ref, adst_ref, xw_ref, als_ref, ald_ref):
    _linear_body(x_ref[...], w_ref, asrc_ref, adst_ref, xw_ref, als_ref, ald_ref)


def _linear2_kernel(y0_ref, y1_ref, b_ref, w_ref, asrc_ref, adst_ref,
                    x_out_ref, xw_ref, als_ref, ald_ref):
    xb = jnp.maximum(y0_ref[...] + y1_ref[...] + b_ref[...], 0.0)
    x_out_ref[...] = xb
    _linear_body(xb, w_ref, asrc_ref, adst_ref, xw_ref, als_ref, ald_ref)


_BM = 512


def _tc_linear1(x_pad, W, a_src_f, a_dst_f):
    grid = NP // _BM
    return pl.pallas_call(
        _linear1_kernel,
        grid=(grid,),
        in_specs=[
            pl.BlockSpec((_BM, FM), lambda i: (i, 0)),
            pl.BlockSpec((FM, H * FM), lambda i: (0, 0)),
            pl.BlockSpec((1, H * FM), lambda i: (0, 0)),
            pl.BlockSpec((1, H * FM), lambda i: (0, 0)),
        ],
        out_specs=[
            pl.BlockSpec((_BM, H * FM), lambda i: (i, 0)),
            pl.BlockSpec((_BM, FM), lambda i: (i, 0)),
            pl.BlockSpec((_BM, FM), lambda i: (i, 0)),
        ],
        out_shape=[
            jax.ShapeDtypeStruct((NP, H * FM), jnp.float32),
            jax.ShapeDtypeStruct((NP, FM), jnp.float32),
            jax.ShapeDtypeStruct((NP, FM), jnp.float32),
        ],
    )(x_pad, W, a_src_f, a_dst_f)


def _tc_linear2(ypart, b, W, a_src_f, a_dst_f):
    grid = NP // _BM
    return pl.pallas_call(
        _linear2_kernel,
        grid=(grid,),
        in_specs=[
            pl.BlockSpec((_BM, FM), lambda i: (i, 0)),
            pl.BlockSpec((_BM, FM), lambda i: (i + NP // _BM, 0)),
            pl.BlockSpec((1, FM), lambda i: (0, 0)),
            pl.BlockSpec((FM, H * FM), lambda i: (0, 0)),
            pl.BlockSpec((1, H * FM), lambda i: (0, 0)),
            pl.BlockSpec((1, H * FM), lambda i: (0, 0)),
        ],
        out_specs=[
            pl.BlockSpec((_BM, FM), lambda i: (i, 0)),
            pl.BlockSpec((_BM, H * FM), lambda i: (i, 0)),
            pl.BlockSpec((_BM, FM), lambda i: (i, 0)),
            pl.BlockSpec((_BM, FM), lambda i: (i, 0)),
        ],
        out_shape=[
            jax.ShapeDtypeStruct((NP, FM), jnp.float32),
            jax.ShapeDtypeStruct((NP, H * FM), jnp.float32),
            jax.ShapeDtypeStruct((NP, FM), jnp.float32),
            jax.ShapeDtypeStruct((NP, FM), jnp.float32),
        ],
    )(ypart, ypart, b, W, a_src_f, a_dst_f)


def _dinv_kernel(d0_ref, d1_ref, out_ref):
    out_ref[...] = 1.0 / (H * (d0_ref[...] + d1_ref[...]) + H * 1e-16)


def _tc_dinv(denom_flat):
    blk = 1024
    return pl.pallas_call(
        _dinv_kernel,
        grid=(NP // blk,),
        in_specs=[
            pl.BlockSpec((blk, FM), lambda i: (i, 0)),
            pl.BlockSpec((blk, FM), lambda i: (i + NP // blk, 0)),
        ],
        out_specs=pl.BlockSpec((blk, FM), lambda i: (i, 0)),
        out_shape=jax.ShapeDtypeStruct((NP, FM), jnp.float32),
    )(denom_flat, denom_flat)


def _final_kernel(y0_ref, y1_ref, b2_ref, x1_ref, c1_ref, c2_ref, cb_ref, xo_ref):
    x2 = jnp.maximum(y0_ref[...] + y1_ref[...] + b2_ref[...], 0.0)
    xo_ref[...] = (
        jnp.dot(x1_ref[...], c1_ref[...], preferred_element_type=jnp.float32)
        + jnp.dot(x2, c2_ref[...], preferred_element_type=jnp.float32)
        + cb_ref[...]
    )


def _tc_final(ypart2, b2, x1, c1t, c2t, conv_b_row):
    grid = NP // _BM
    return pl.pallas_call(
        _final_kernel,
        grid=(grid,),
        in_specs=[
            pl.BlockSpec((_BM, FM), lambda i: (i, 0)),
            pl.BlockSpec((_BM, FM), lambda i: (i + NP // _BM, 0)),
            pl.BlockSpec((1, FM), lambda i: (0, 0)),
            pl.BlockSpec((_BM, FM), lambda i: (i, 0)),
            pl.BlockSpec((FM, OUT_CH), lambda i: (0, 0)),
            pl.BlockSpec((FM, OUT_CH), lambda i: (0, 0)),
            pl.BlockSpec((1, OUT_CH), lambda i: (0, 0)),
        ],
        out_specs=pl.BlockSpec((_BM, OUT_CH), lambda i: (i, 0)),
        out_shape=jax.ShapeDtypeStruct((NP, OUT_CH), jnp.float32),
    )(ypart2, ypart2, b2, x1, c1t, c2t, conv_b_row)


def _scores_kernel(a_ref, b_ref, out_ref):
    out_ref[...] = lax.dot_general(
        a_ref[...], b_ref[...], (((1,), (1,)), ((), ())),
        preferred_element_type=jnp.float32)


def _tc_scores(circ_pad, mirna_pad):
    bn = 640
    nb = mirna_pad.shape[0] // bn
    return pl.pallas_call(
        _scores_kernel,
        grid=(nb,),
        in_specs=[
            pl.BlockSpec((512, FM), lambda i: (0, 0)),
            pl.BlockSpec((bn, FM), lambda i: (i, 0)),
        ],
        out_specs=pl.BlockSpec((512, bn), lambda i: (0, i)),
        out_shape=jax.ShapeDtypeStruct((512, nb * bn), jnp.float32),
    )(circ_pad, mirna_pad)



def _zero_acc(acc_sh, zeros_hbm, zv, s):
    pltpu.sync_copy(zeros_hbm, zv)

    def z(i, _):
        pltpu.sync_copy(zv, acc_sh.at[pl.ds(s * ROWS_W + i * ZR, ZR)])
        return 0

    lax.fori_loop(0, ROWS_W // ZR, z, 0)


def _drain_acc(acc_sh, out_hbm, zv, c, s):
    def d(i, _):
        pltpu.sync_copy(acc_sh.at[pl.ds(s * ROWS_W + i * ZR, ZR)], zv)
        pltpu.sync_copy(zv, out_hbm.at[pl.ds(c * NP + s * ROWS_W + i * ZR, ZR)])
        return 0

    lax.fori_loop(0, ROWS_W // ZR, d, 0)


def _edge_att_body(src_hbm, dst_hbm, als_hbm, ald_hbm, zeros_hbm,
                   ex_out, denom_out,
                   sidx, didx, av, bv, exl, exs, zv, denom_sh, sem_a, sem_b):
    c = lax.axis_index("c")
    s = lax.axis_index("s")
    wid = s * NC + c
    _zero_acc(denom_sh, zeros_hbm, zv, s)
    for z in range(KA // ZR):
        pltpu.sync_copy(zeros_hbm, exs.at[pl.ds(z * ZR, ZR)])
    plsc.subcore_barrier()

    base0 = wid * TA

    def batch(bi, _):
        base = base0 + bi * KA
        pltpu.sync_copy(src_hbm.at[pl.ds(base, KA)], sidx)
        pltpu.sync_copy(dst_hbm.at[pl.ds(base, KA)], didx)
        cp_a = pltpu.async_copy(als_hbm.at[sidx], av, sem_a)
        cp_b = pltpu.async_copy(ald_hbm.at[didx], bv, sem_b)
        cp_a.wait()
        cp_b.wait()

        def row(i, _):
            a = av[i, pl.ds(0, 16)] + bv[i, pl.ds(0, 16)]
            al = jnp.maximum(a, 0.2 * a)
            e = jnp.exp(al)
            exl[pl.ds(i * 16, 16)] = e
            exs[i, pl.ds(0, 16)] = e
            return 0

        lax.fori_loop(0, KA, row, 0)
        pltpu.sync_copy(exl, ex_out.at[pl.ds(base * 16, KA * 16)])
        pltpu.sync_copy(exs, denom_sh.at[didx], add=True)
        return 0

    lax.fori_loop(0, TA // KA, batch, 0)
    plsc.subcore_barrier()
    _drain_acc(denom_sh, denom_out, zv, c, s)


def _sc_edge_att(src_all, dst_all, als, ald, zeros):
    k = pl.kernel(
        _edge_att_body,
        out_type=[
            jax.ShapeDtypeStruct((EP * 16,), jnp.float32),
            jax.ShapeDtypeStruct((NC * NP, FM), jnp.float32),
        ],
        mesh=_MESH,
        scratch_types=[
            pltpu.VMEM((KA,), jnp.int32),
            pltpu.VMEM((KA,), jnp.int32),
            pltpu.VMEM((KA, FM), jnp.float32),
            pltpu.VMEM((KA, FM), jnp.float32),
            pltpu.VMEM((KA * 16,), jnp.float32),
            pltpu.VMEM((KA, FM), jnp.float32),
            pltpu.VMEM((ZR, FM), jnp.float32),
            pltpu.VMEM_SHARED((NP, FM), jnp.float32),
            pltpu.SemaphoreType.DMA,
            pltpu.SemaphoreType.DMA,
        ],
    )
    return k(src_all, dst_all, als, ald, zeros)


def _edge_agg_body(src_hbm, dst_hbm, xw_hbm, ex_hbm, dinv_hbm, zeros_hbm,
                   y_out,
                   sidx0, sidx1, didx0, didx1, xv0, xv1, exl0, exl1,
                   dv0, dv1, cv, zv, y_sh,
                   sem_x0, sem_x1, sem_d0, sem_d1, sem_e0, sem_e1):
    c = lax.axis_index("c")
    s = lax.axis_index("s")
    wid = s * NC + c
    _zero_acc(y_sh, zeros_hbm, zv, s)
    plsc.subcore_barrier()

    base0 = wid * TA
    nb = TA // KB
    bufs = ((sidx0, didx0, xv0, dv0, exl0, sem_x0, sem_d0, sem_e0),
            (sidx1, didx1, xv1, dv1, exl1, sem_x1, sem_d1, sem_e1))

    def issue(bi, b):
        si, di, xv, dv, exl, sx, sd, se = bufs[b]
        base = base0 + bi * KB
        pltpu.sync_copy(src_hbm.at[pl.ds(base, KB)], si)
        pltpu.sync_copy(dst_hbm.at[pl.ds(base, KB)], di)
        pltpu.async_copy(xw_hbm.at[si], xv, sx)
        pltpu.async_copy(dinv_hbm.at[di], dv, sd)
        pltpu.async_copy(ex_hbm.at[pl.ds(base * 16, KB * 16)], exl, se)

    def step(bi, b):
        si, di, xv, dv, exl, sx, sd, se = bufs[b]
        pltpu.make_async_copy(xw_hbm.at[si], xv, sx).wait()
        pltpu.make_async_copy(dinv_hbm.at[di], dv, sd).wait()
        pltpu.make_async_copy(ex_hbm.at[pl.ds(0, KB * 16)], exl, se).wait()

        @pl.when(bi + 1 < nb)
        def _():
            issue(bi + 1, 1 - b)

        def edge(i, _):
            wrow = exl[pl.ds(i * 16, 16)] * dv[i, pl.ds(0, 16)]
            acc = [jnp.zeros((16,), jnp.float32) for _ in range(FM // 16)]
            for h in range(H):
                w = jnp.full((16,), wrow[h])
                for jf in range(FM // 16):
                    acc[jf] = acc[jf] + w * xv[i, pl.ds(h * FM + jf * 16, 16)]
            for jf in range(FM // 16):
                cv[i, pl.ds(jf * 16, 16)] = acc[jf]
            return 0

        lax.fori_loop(0, KB, edge, 0)
        pltpu.sync_copy(cv, y_sh.at[di], add=True)

    issue(0, 0)

    def pair(g, _):
        for b in range(2):
            step(2 * g + b, b)
        return 0

    lax.fori_loop(0, nb // 2, pair, 0)
    plsc.subcore_barrier()
    _drain_acc(y_sh, y_out, zv, c, s)


def _sc_edge_agg(src_all, dst_all, xw, ex, dinv, zeros):
    k = pl.kernel(
        _edge_agg_body,
        out_type=jax.ShapeDtypeStruct((NC * NP, FM), jnp.float32),
        mesh=_MESH,
        scratch_types=[
            pltpu.VMEM((KB,), jnp.int32),
            pltpu.VMEM((KB,), jnp.int32),
            pltpu.VMEM((KB,), jnp.int32),
            pltpu.VMEM((KB,), jnp.int32),
            pltpu.VMEM((KB, H * FM), jnp.float32),
            pltpu.VMEM((KB, H * FM), jnp.float32),
            pltpu.VMEM((KB * 16,), jnp.float32),
            pltpu.VMEM((KB * 16,), jnp.float32),
            pltpu.VMEM((KB, FM), jnp.float32),
            pltpu.VMEM((KB, FM), jnp.float32),
            pltpu.VMEM((KB, FM), jnp.float32),
            pltpu.VMEM((ZR, FM), jnp.float32),
            pltpu.VMEM_SHARED((NP, FM), jnp.float32),
            pltpu.SemaphoreType.DMA,
            pltpu.SemaphoreType.DMA,
            pltpu.SemaphoreType.DMA,
            pltpu.SemaphoreType.DMA,
            pltpu.SemaphoreType.DMA,
            pltpu.SemaphoreType.DMA,
        ],
    )
    return k(src_all, dst_all, xw, ex, dinv, zeros)



def _gat_layer(src_all, dst_all, xw, als, ald, zeros):
    ex, denom = _sc_edge_att(src_all, dst_all, als, ald, zeros)
    dinv = _tc_dinv(denom)
    return _sc_edge_agg(src_all, dst_all, xw, ex, dinv, zeros)


def kernel(x, edge_index, W1, a_src1, a_dst1, b1, W2, a_src2, a_dst2, b2,
           conv_w, conv_b):
    x_pad = jnp.zeros((NP, FM), jnp.float32).at[:N].set(x)
    loops = jnp.arange(N, dtype=jnp.int32)
    dummy = jnp.full((EP - E_REAL,), N, dtype=jnp.int32)
    src_all = jnp.concatenate([edge_index[0], loops, dummy])
    dst_all = jnp.concatenate([edge_index[1], loops, dummy])
    a_src1_f = a_src1.reshape(1, H * FM)
    a_dst1_f = a_dst1.reshape(1, H * FM)
    a_src2_f = a_src2.reshape(1, H * FM)
    a_dst2_f = a_dst2.reshape(1, H * FM)
    b1_row = b1.reshape(1, FM)
    b2_row = b2.reshape(1, FM)
    c1t = conv_w[:, 0, :, 0].T
    c2t = conv_w[:, 1, :, 0].T
    conv_b_row = conv_b.reshape(1, OUT_CH)
    zeros = jnp.zeros((ZR, FM), jnp.float32)

    xw1, als1, ald1 = _tc_linear1(x_pad, W1, a_src1_f, a_dst1_f)
    y1part = _gat_layer(src_all, dst_all, xw1, als1, ald1, zeros)

    x1, xw2, als2, ald2 = _tc_linear2(y1part, b1_row, W2, a_src2_f, a_dst2_f)
    y2part = _gat_layer(src_all, dst_all, xw2, als2, ald2, zeros)

    xo = _tc_final(y2part, b2_row, x1, c1t, c2t, conv_b_row)
    circ_pad = xo[:512]
    mirna_pad = xo[N_CIRC:N_CIRC + 9600]
    scores_full = _tc_scores(circ_pad, mirna_pad)

    circ = xo[:N_CIRC]
    mirna = xo[N_CIRC:N]
    scores = scores_full[:N_CIRC, :N - N_CIRC]
    return scores, circ, mirna

# --- scband reference (transcript-rebuilt; emitter-appended) ---
"""Pipeline reference for scband-gatmodel-7705171329594 (READ-ONLY COPY).

The authoritative reference and input builder live on the scoring server;
editing this copy changes nothing except your own understanding.
"""

import jax, jax.numpy as jnp
import numpy as np

N = 10000
FM = 128
H = 8
E = 320000
OUT_CH = 128
N_CIRC = 504


def setup_inputs(seed: int = 0) -> dict:
    key = jax.random.key(seed)
    ks = jax.random.split(key, 12)
    s = 0.1
    inp = {}
    inp["x"] = jax.random.normal(ks[0], (N, FM), dtype=jnp.float32)
    inp["edge_index"] = jax.random.randint(ks[1], (2, E), 0, N, dtype=jnp.int32)
    inp["W1"] = jax.random.normal(ks[2], (FM, H * FM), dtype=jnp.float32) * s
    inp["a_src1"] = jax.random.normal(ks[3], (H, FM), dtype=jnp.float32) * s
    inp["a_dst1"] = jax.random.normal(ks[4], (H, FM), dtype=jnp.float32) * s
    inp["b1"] = jnp.zeros((FM,), dtype=jnp.float32)
    inp["W2"] = jax.random.normal(ks[5], (FM, H * FM), dtype=jnp.float32) * s
    inp["a_src2"] = jax.random.normal(ks[6], (H, FM), dtype=jnp.float32) * s
    inp["a_dst2"] = jax.random.normal(ks[7], (H, FM), dtype=jnp.float32) * s
    inp["b2"] = jnp.zeros((FM,), dtype=jnp.float32)
    inp["conv_w"] = jax.random.normal(ks[8], (OUT_CH, 2, FM, 1), dtype=jnp.float32) * s
    inp["conv_b"] = jnp.zeros((OUT_CH,), dtype=jnp.float32)
    return inp


def _gat_conv(x, src, dst, W, a_src, a_dst, b):
    # PyG GATConv(heads=8, concat=False): linear -> per-head attention logits ->
    # leaky_relu -> segment softmax over destination nodes -> weighted scatter-add -> head mean + bias
    xw = (x @ W).reshape(N, H, FM)
    al_s = (xw * a_src[None, :, :]).sum(-1)  # [N, H]
    al_d = (xw * a_dst[None, :, :]).sum(-1)  # [N, H]
    alpha = jax.nn.leaky_relu(al_s[src] + al_d[dst], negative_slope=0.2)  # [E+N, H]
    amax = jax.ops.segment_max(alpha, dst, num_segments=N)
    ex = jnp.exp(alpha - amax[dst])
    denom = jax.ops.segment_sum(ex, dst, num_segments=N)
    att = ex / (denom[dst] + 1e-16)
    out = jax.ops.segment_sum(xw[src] * att[:, :, None], dst, num_segments=N)
    return out.mean(axis=1) + b


def reference(x, edge_index, W1, a_src1, a_dst1, b1, W2, a_src2, a_dst2, b2, conv_w, conv_b):
    # add self loops (PyG default add_self_loops=True)
    loops = jnp.arange(N, dtype=edge_index.dtype)
    src = jnp.concatenate([edge_index[0], loops])
    dst = jnp.concatenate([edge_index[1], loops])
    x1 = jax.nn.relu(_gat_conv(x, src, dst, W1, a_src1, a_dst1, b1))
    x2 = jax.nn.relu(_gat_conv(x1, src, dst, W2, a_src2, a_dst2, b2))
    XM = jnp.concatenate([x1, x2], axis=1).T  # [2*FM, N]
    XM = XM.reshape(1, 2, FM, N)
    conv = jax.lax.conv_general_dilated(XM, conv_w, window_strides=(1, 1), padding='VALID', dimension_numbers=('NCHW', 'OIHW', 'NCHW'))  # [1, OUT_CH, 1, N]
    xo = (conv[0, :, 0, :] + conv_b[:, None]).T  # [N, OUT_CH]
    circ = xo[:N_CIRC]
    mirna = xo[N_CIRC:]
    return circ @ mirna.T, circ, mirna

if __name__ == "__main__":
    import jax
    _d = setup_inputs()
    print(jax.jit(kernel)(*tuple(_d.values())))

</pallas_src>

<mosaic_0001>
#map = affine_map<(d0, d1) -> (0)>
#map1 = affine_map<(d0, d1) -> (0, 0)>
module attributes {stable_mosaic.version = 14 : i64} {
  func.func @_edge_att_body(%arg0: i32, %arg1: i32, %arg2: memref<331776xi32, #tpu.memory_space<hbm>>, %arg3: memref<331776xi32, #tpu.memory_space<hbm>>, %arg4: memref<10240x128xf32, #tpu.memory_space<hbm>>, %arg5: memref<10240x128xf32, #tpu.memory_space<hbm>>, %arg6: memref<32x128xf32, #tpu.memory_space<hbm>>, %arg7: memref<5308416xf32, #tpu.memory_space<hbm>>, %arg8: memref<20480x128xf32, #tpu.memory_space<hbm>>, %arg9: memref<96xi32, #tpu.memory_space<vmem>>, %arg10: memref<96xi32, #tpu.memory_space<vmem>>, %arg11: memref<96x128xf32, #tpu.memory_space<vmem>>, %arg12: memref<96x128xf32, #tpu.memory_space<vmem>>, %arg13: memref<1536xf32, #tpu.memory_space<vmem>>, %arg14: memref<96x128xf32, #tpu.memory_space<vmem>>, %arg15: memref<32x128xf32, #tpu.memory_space<vmem>>, %arg16: memref<10240x128xf32, #tpu.memory_space<vmem_shared>>, %arg17: memref<!tpu.dma_semaphore, #tpu.memory_space<semaphore_mem>>, %arg18: memref<!tpu.dma_semaphore, #tpu.memory_space<semaphore_mem>>) attributes {dimension_semantics = [#tpu.dimension_semantics<core_parallel>, #tpu.dimension_semantics<subcore_parallel>], iteration_bounds = array<i64: 2, 16>, scalar_prefetch = 0 : i64, scratch_operands = 10 : i64, tpu.core_type = #tpu.core_type<sc_vector_subcore>, window_params = [{transform_indices = #map}, {transform_indices = #map}, {transform_indices = #map1}, {transform_indices = #map1}, {transform_indices = #map1}, {transform_indices = #map}, {transform_indices = #map1}]} {
    %mul3A = arith.constant 2 : i32
    %mul3A_0 = arith.muli %arg1, %mul3A : i32
    %add3A = arith.addi %mul3A_0, %arg0 : i32
    "tpu.region"() ({
      %run_scoped3A = tpu.sem_alloc : memref<!tpu.dma_semaphore, #tpu.memory_space<semaphore_mem>>
      tpu.enqueue_dma source(%arg6 : memref<32x128xf32, #tpu.memory_space<hbm>>) target(%arg15 : memref<32x128xf32, #tpu.memory_space<vmem>>) target_semaphore(%run_scoped3A : memref<!tpu.dma_semaphore, #tpu.memory_space<semaphore_mem>>)
      tpu.wait_dma2 semaphore(%run_scoped3A : memref<!tpu.dma_semaphore, #tpu.memory_space<semaphore_mem>>) src(%arg6 : memref<32x128xf32, #tpu.memory_space<hbm>>) dst(%arg15 : memref<32x128xf32, #tpu.memory_space<vmem>>)
      tpu.yield
    }) : () -> ()
    %scan3A = arith.constant 0 : i32
    %scan3A_1 = arith.constant 0 : i32
    %scan3A_2 = arith.constant 20 : i32
    %scan3A_3 = arith.addi %scan3A_1, %scan3A_2 : i32
    %scan3A_4 = arith.constant 1 : i32
    %scan3A_5 = scf.for %scan3A_24 = %scan3A_1 to %scan3A_3 step %scan3A_4 iter_args(%scan3A_25 = %scan3A) -> (i32)  : i32 {
      %mul3A_26 = arith.constant 640 : i32
      %mul3A_27 = arith.muli %arg1, %mul3A_26 : i32
      %mul3A_28 = arith.constant 32 : i32
      %mul3A_29 = arith.muli %scan3A_24, %mul3A_28 : i32
      %add3A_30 = arith.addi %mul3A_27, %mul3A_29 : i32
      "tpu.region"() ({
        %run_scoped3A = tpu.sem_alloc : memref<!tpu.dma_semaphore, #tpu.memory_space<semaphore_mem>>
        %dma_start3A = arith.constant 0 : i32
        %dma_start3A_32 = tpu.memref_slice %arg16[%add3A_30, %dma_start3A] : memref<10240x128xf32, #tpu.memory_space<vmem_shared>> -> memref<32x128xf32, #tpu.memory_space<vmem_shared>>
        %dma_start3A_33 = arith.constant 0 : i32
        %dma_start3A_34 = tpu.memref_slice %arg16[%add3A_30, %dma_start3A_33] : memref<10240x128xf32, #tpu.memory_space<vmem_shared>> -> memref<32x128xf32, #tpu.memory_space<vmem_shared>>
        tpu.enqueue_dma source(%arg15 : memref<32x128xf32, #tpu.memory_space<vmem>>) target(%dma_start3A_34 : memref<32x128xf32, #tpu.memory_space<vmem_shared>>) target_semaphore(%run_scoped3A : memref<!tpu.dma_semaphore, #tpu.memory_space<semaphore_mem>>)
        %dma_wait3A = arith.constant 0 : i32
        %dma_wait3A_35 = tpu.memref_slice %arg16[%add3A_30, %dma_wait3A] : memref<10240x128xf32, #tpu.memory_space<vmem_shared>> -> memref<32x128xf32, #tpu.memory_space<vmem_shared>>
        %dma_wait3A_36 = arith.constant 0 : i32
        %dma_wait3A_37 = tpu.memref_slice %arg16[%add3A_30, %dma_wait3A_36] : memref<10240x128xf32, #tpu.memory_space<vmem_shared>> -> memref<32x128xf32, #tpu.memory_space<vmem_shared>>
        tpu.wait_dma2 semaphore(%run_scoped3A : memref<!tpu.dma_semaphore, #tpu.memory_space<semaphore_mem>>) src(%arg15 : memref<32x128xf32, #tpu.memory_space<vmem>>) dst(%dma_wait3A_37 : memref<32x128xf32, #tpu.memory_space<vmem_shared>>)
        tpu.yield
      }) : () -> ()
      %scan3A_31 = arith.constant 0 : i32
      scf.yield %scan3A_31 : i32
    }
    %scan3A_6 = arith.constant 20 : i32
    "tpu.region"() ({
      %run_scoped3A = tpu.sem_alloc : memref<!tpu.dma_semaphore, #tpu.memory_space<semaphore_mem>>
      %dma_start3A = arith.constant 0 : i32
      %dma_start3A_24 = arith.constant 0 : i32
      %dma_start3A_25 = tpu.memref_slice %arg14[%dma_start3A, %dma_start3A_24] : memref<96x128xf32, #tpu.memory_space<vmem>> -> memref<32x128xf32, #tpu.memory_space<vmem>>
      %dma_start3A_26 = arith.constant 0 : i32
      %dma_start3A_27 = arith.constant 0 : i32
      %dma_start3A_28 = tpu.memref_slice %arg14[%dma_start3A_26, %dma_start3A_27] : memref<96x128xf32, #tpu.memory_space<vmem>> -> memref<32x128xf32, #tpu.memory_space<vmem>>
      tpu.enqueue_dma source(%arg6 : memref<32x128xf32, #tpu.memory_space<hbm>>) target(%dma_start3A_28 : memref<32x128xf32, #tpu.memory_space<vmem>>) target_semaphore(%run_scoped3A : memref<!tpu.dma_semaphore, #tpu.memory_space<semaphore_mem>>)
      %dma_wait3A = arith.constant 0 : i32
      %dma_wait3A_29 = arith.constant 0 : i32
      %dma_wait3A_30 = tpu.memref_slice %arg14[%dma_wait3A, %dma_wait3A_29] : memref<96x128xf32, #tpu.memory_space<vmem>> -> memref<32x128xf32, #tpu.memory_space<vmem>>
      %dma_wait3A_31 = arith.constant 0 : i32
      %dma_wait3A_32 = arith.constant 0 : i32
      %dma_wait3A_33 = tpu.memref_slice %arg14[%dma_wait3A_31, %dma_wait3A_32] : memref<96x128xf32, #tpu.memory_space<vmem>> -> memref<32x128xf32, #tpu.memory_space<vmem>>
      tpu.wait_dma2 semaphore(%run_scoped3A : memref<!tpu.dma_semaphore, #tpu.memory_space<semaphore_mem>>) src(%arg6 : memref<32x128xf32, #tpu.memory_space<hbm>>) dst(%dma_wait3A_33 : memref<32x128xf32, #tpu.memory_space<vmem>>)
      tpu.yield
    }) : () -> ()
    "tpu.region"() ({
      %run_scoped3A = tpu.sem_alloc : memref<!tpu.dma_semaphore, #tpu.memory_space<semaphore_mem>>
      %dma_start3A = arith.constant 32 : i32
      %dma_start3A_24 = arith.constant 0 : i32
      %dma_start3A_25 = tpu.memref_slice %arg14[%dma_start3A, %dma_start3A_24] : memref<96x128xf32, #tpu.memory_space<vmem>> -> memref<32x128xf32, #tpu.memory_space<vmem>>
      %dma_start3A_26 = arith.constant 32 : i32
      %dma_start3A_27 = arith.constant 0 : i32
      %dma_start3A_28 = tpu.memref_slice %arg14[%dma_start3A_26, %dma_start3A_27] : memref<96x128xf32, #tpu.memory_space<vmem>> -> memref<32x128xf32, #tpu.memory_space<vmem>>
      tpu.enqueue_dma source(%arg6 : memref<32x128xf32, #tpu.memory_space<hbm>>) target(%dma_start3A_28 : memref<32x128xf32, #tpu.memory_space<vmem>>) target_semaphore(%run_scoped3A : memref<!tpu.dma_semaphore, #tpu.memory_space<semaphore_mem>>)
      %dma_wait3A = arith.constant 32 : i32
      %dma_wait3A_29 = arith.constant 0 : i32
      %dma_wait3A_30 = tpu.memref_slice %arg14[%dma_wait3A, %dma_wait3A_29] : memref<96x128xf32, #tpu.memory_space<vmem>> -> memref<32x128xf32, #tpu.memory_space<vmem>>
      %dma_wait3A_31 = arith.constant 32 : i32
      %dma_wait3A_32 = arith.constant 0 : i32
      %dma_wait3A_33 = tpu.memref_slice %arg14[%dma_wait3A_31, %dma_wait3A_32] : memref<96x128xf32, #tpu.memory_space<vmem>> -> memref<32x128xf32, #tpu.memory_space<vmem>>
      tpu.wait_dma2 semaphore(%run_scoped3A : memref<!tpu.dma_semaphore, #tpu.memory_space<semaphore_mem>>) src(%arg6 : memref<32x128xf32, #tpu.memory_space<hbm>>) dst(%dma_wait3A_33 : memref<32x128xf32, #tpu.memory_space<vmem>>)
      tpu.yield
    }) : () -> ()
    "tpu.region"() ({
      %run_scoped3A = tpu.sem_alloc : memref<!tpu.dma_semaphore, #tpu.memory_space<semaphore_mem>>
      %dma_start3A = arith.constant 64 : i32
      %dma_start3A_24 = arith.constant 0 : i32
      %dma_start3A_25 = tpu.memref_slice %arg14[%dma_start3A, %dma_start3A_24] : memref<96x128xf32, #tpu.memory_space<vmem>> -> memref<32x128xf32, #tpu.memory_space<vmem>>
      %dma_start3A_26 = arith.constant 64 : i32
      %dma_start3A_27 = arith.constant 0 : i32
      %dma_start3A_28 = tpu.memref_slice %arg14[%dma_start3A_26, %dma_start3A_27] : memref<96x128xf32, #tpu.memory_space<vmem>> -> memref<32x128xf32, #tpu.memory_space<vmem>>
      tpu.enqueue_dma source(%arg6 : memref<32x128xf32, #tpu.memory_space<hbm>>) target(%dma_start3A_28 : memref<32x128xf32, #tpu.memory_space<vmem>>) target_semaphore(%run_scoped3A : memref<!tpu.dma_semaphore, #tpu.memory_space<semaphore_mem>>)
      %dma_wait3A = arith.constant 64 : i32
      %dma_wait3A_29 = arith.constant 0 : i32
      %dma_wait3A_30 = tpu.memref_slice %arg14[%dma_wait3A, %dma_wait3A_29] : memref<96x128xf32, #tpu.memory_space<vmem>> -> memref<32x128xf32, #tpu.memory_space<vmem>>
      %dma_wait3A_31 = arith.constant 64 : i32
      %dma_wait3A_32 = arith.constant 0 : i32
      %dma_wait3A_33 = tpu.memref_slice %arg14[%dma_wait3A_31, %dma_wait3A_32] : memref<96x128xf32, #tpu.memory_space<vmem>> -> memref<32x128xf32, #tpu.memory_space<vmem>>
      tpu.wait_dma2 semaphore(%run_scoped3A : memref<!tpu.dma_semaphore, #tpu.memory_space<semaphore_mem>>) src(%arg6 : memref<32x128xf32, #tpu.memory_space<hbm>>) dst(%dma_wait3A_33 : memref<32x128xf32, #tpu.memory_space<vmem>>)
      tpu.yield
    }) : () -> ()
    %barrier3A = arith.constant 0 : index
    tpu.barrier barrier_id(%barrier3A)
    %mul3A_7 = arith.constant 10368 : i32
    %mul3A_8 = arith.muli %add3A, %mul3A_7 : i32
    %scan3A_9 = arith.constant 0 : i32
    %scan3A_10 = arith.constant 0 : i32
    %scan3A_11 = arith.constant 108 : i32
    %scan3A_12 = arith.addi %scan3A_10, %scan3A_11 : i32
    %scan3A_13 = arith.constant 1 : i32
    %scan3A_14 = scf.for %scan3A_24 = %scan3A_10 to %scan3A_12 step %scan3A_13 iter_args(%scan3A_25 = %scan3A_9) -> (i32)  : i32 {
      %mul3A_26 = arith.constant 96 : i32
      %mul3A_27 = arith.muli %scan3A_24, %mul3A_26 : i32
      %add3A_28 = arith.addi %mul3A_8, %mul3A_27 : i32
      "tpu.region"() ({
        %run_scoped3A = tpu.sem_alloc : memref<!tpu.dma_semaphore, #tpu.memory_space<semaphore_mem>>
        %dma_start3A_49 = tpu.memref_slice %arg2[%add3A_28] : memref<331776xi32, #tpu.memory_space<hbm>> -> memref<96xi32, #tpu.memory_space<hbm>>
        %dma_start3A_50 = tpu.memref_slice %arg2[%add3A_28] : memref<331776xi32, #tpu.memory_space<hbm>> -> memref<96xi32, #tpu.memory_space<hbm>>
        tpu.enqueue_dma source(%dma_start3A_50 : memref<96xi32, #tpu.memory_space<hbm>>) target(%arg9 : memref<96xi32, #tpu.memory_space<vmem>>) target_semaphore(%run_scoped3A : memref<!tpu.dma_semaphore, #tpu.memory_space<semaphore_mem>>)
        %dma_wait3A_51 = tpu.memref_slice %arg2[%add3A_28] : memref<331776xi32, #tpu.memory_space<hbm>> -> memref<96xi32, #tpu.memory_space<hbm>>
        %dma_wait3A_52 = tpu.memref_slice %arg2[%add3A_28] : memref<331776xi32, #tpu.memory_space<hbm>> -> memref<96xi32, #tpu.memory_space<hbm>>
        tpu.wait_dma2 semaphore(%run_scoped3A : memref<!tpu.dma_semaphore, #tpu.memory_space<semaphore_mem>>) src(%dma_wait3A_52 : memref<96xi32, #tpu.memory_space<hbm>>) dst(%arg9 : memref<96xi32, #tpu.memory_space<vmem>>)
        tpu.yield
      }) : () -> ()
      "tpu.region"() ({
        %run_scoped3A = tpu.sem_alloc : memref<!tpu.dma_semaphore, #tpu.memory_space<semaphore_mem>>
        %dma_start3A_49 = tpu.memref_slice %arg3[%add3A_28] : memref<331776xi32, #tpu.memory_space<hbm>> -> memref<96xi32, #tpu.memory_space<hbm>>
        %dma_start3A_50 = tpu.memref_slice %arg3[%add3A_28] : memref<331776xi32, #tpu.memory_space<hbm>> -> memref<96xi32, #tpu.memory_space<hbm>>
        tpu.enqueue_dma source(%dma_start3A_50 : memref<96xi32, #tpu.memory_space<hbm>>) target(%arg10 : memref<96xi32, #tpu.memory_space<vmem>>) target_semaphore(%run_scoped3A : memref<!tpu.dma_semaphore, #tpu.memory_space<semaphore_mem>>)
        %dma_wait3A_51 = tpu.memref_slice %arg3[%add3A_28] : memref<331776xi32, #tpu.memory_space<hbm>> -> memref<96xi32, #tpu.memory_space<hbm>>
        %dma_wait3A_52 = tpu.memref_slice %arg3[%add3A_28] : memref<331776xi32, #tpu.memory_space<hbm>> -> memref<96xi32, #tpu.memory_space<hbm>>
        tpu.wait_dma2 semaphore(%run_scoped3A : memref<!tpu.dma_semaphore, #tpu.memory_space<semaphore_mem>>) src(%dma_wait3A_52 : memref<96xi32, #tpu.memory_space<hbm>>) dst(%arg10 : memref<96xi32, #tpu.memory_space<vmem>>)
        tpu.yield
      }) : () -> ()
      %dma_start3A = arith.constant 0 : i32
      %dma_start3A_29 = arith.constant 0 : i32
      %dma_start3A_30 = tpu.memref_slice %arg4[%dma_start3A, %dma_start3A_29] : memref<10240x128xf32, #tpu.memory_space<hbm>> -> memref<10240x128xf32, #tpu.memory_space<hbm>>
      tpu.enqueue_indirect_dma source(%dma_start3A_30 : memref<10240x128xf32, #tpu.memory_space<hbm>>) target(%arg11 : memref<96x128xf32, #tpu.memory_space<vmem>>) offsets(%arg9 : memref<96xi32, #tpu.memory_space<vmem>>) semaphore(%arg17 : memref<!tpu.dma_semaphore, #tpu.memory_space<semaphore_mem>>)
      %dma_start3A_31 = arith.constant 0 : i32
      %dma_start3A_32 = arith.constant 0 : i32
      %dma_start3A_33 = tpu.memref_slice %arg5[%dma_start3A_31, %dma_start3A_32] : memref<10240x128xf32, #tpu.memory_space<hbm>> -> memref<10240x128xf32, #tpu.memory_space<hbm>>
      tpu.enqueue_indirect_dma source(%dma_start3A_33 : memref<10240x128xf32, #tpu.memory_space<hbm>>) target(%arg12 : memref<96x128xf32, #tpu.memory_space<vmem>>) offsets(%arg10 : memref<96xi32, #tpu.memory_space<vmem>>) semaphore(%arg18 : memref<!tpu.dma_semaphore, #tpu.memory_space<semaphore_mem>>)
      %dma_wait3A = arith.constant 0 : i32
      %dma_wait3A_34 = arith.constant 0 : i32
      %dma_wait3A_35 = tpu.memref_slice %arg4[%dma_wait3A, %dma_wait3A_34] : memref<10240x128xf32, #tpu.memory_space<hbm>> -> memref<10240x128xf32, #tpu.memory_space<hbm>>
      tpu.wait_indirect_dma semaphore(%arg17 : memref<!tpu.dma_semaphore, #tpu.memory_space<semaphore_mem>>) src(%dma_wait3A_35 : memref<10240x128xf32, #tpu.memory_space<hbm>>) dst(%arg11 : memref<96x128xf32, #tpu.memory_space<vmem>>)
      %dma_wait3A_36 = arith.constant 0 : i32
      %dma_wait3A_37 = arith.constant 0 : i32
      %dma_wait3A_38 = tpu.memref_slice %arg5[%dma_wait3A_36, %dma_wait3A_37] : memref<10240x128xf32, #tpu.memory_space<hbm>> -> memref<10240x128xf32, #tpu.memory_space<hbm>>
      tpu.wait_indirect_dma semaphore(%arg18 : memref<!tpu.dma_semaphore, #tpu.memory_space<semaphore_mem>>) src(%dma_wait3A_38 : memref<10240x128xf32, #tpu.memory_space<hbm>>) dst(%arg12 : memref<96x128xf32, #tpu.memory_space<vmem>>)
      %scan3A_39 = arith.constant 0 : i32
      %scan3A_40 = arith.constant 0 : i32
      %scan3A_41 = arith.constant 96 : i32
      %scan3A_42 = arith.addi %scan3A_40, %scan3A_41 : i32
      %scan3A_43 = arith.constant 1 : i32
      %scan3A_44 = scf.for %scan3A_49 = %scan3A_40 to %scan3A_42 step %scan3A_43 iter_args(%scan3A_50 = %scan3A_39) -> (i32)  : i32 {
        %get3A = arith.index_cast %scan3A_49 : i32 to index
        %get3A_51 = arith.constant 0 : index
        %get3A_52 = tpu.vector_load %arg11[%get3A, %get3A_51] {strides = array<i32>} : memref<96x128xf32, #tpu.memory_space<vmem>>, vector<1x16xf32>,
        %get3A_53 = vector.shape_cast %get3A_52 : vector<1x16xf32> to vector<16xf32>
        %get3A_54 = arith.index_cast %scan3A_49 : i32 to index
        %get3A_55 = arith.constant 0 : index
        %get3A_56 = tpu.vector_load %arg12[%get3A_54, %get3A_55] {strides = array<i32>} : memref<96x128xf32, #tpu.memory_space<vmem>>, vector<1x16xf32>,
        %get3A_57 = vector.shape_cast %get3A_56 : vector<1x16xf32> to vector<16xf32>
        %add3A_58 = arith.addf %get3A_53, %get3A_57 : vector<16xf32>
        %mul3A_59 = arith.constant 2.000000e-01 : f32
        %mul3A_60 = vector.broadcast %mul3A_59 : f32 to vector<16xf32>
        %mul3A_61 = arith.mulf %mul3A_60, %add3A_58 : vector<16xf32>
        %max3A = arith.maximumf %add3A_58, %mul3A_61 : vector<16xf32>
        %exp3A = math.exp %max3A : vector<16xf32>
        %mul3A_62 = arith.constant 16 : i32
        %mul3A_63 = arith.muli %scan3A_49, %mul3A_62 : i32
        %swap3A = arith.index_cast %mul3A_63 : i32 to index
        %swap3A_64 = tpu.vector_load %arg13[%swap3A] {strides = array<i32>} : memref<1536xf32, #tpu.memory_space<vmem>>, vector<16xf32>,
        %swap3A_65 = vector.shape_cast %swap3A_64 : vector<16xf32> to vector<16xf32>
        %swap3A_66 = vector.shape_cast %exp3A : vector<16xf32> to vector<16xf32>
        tpu.vector_store %arg13[%swap3A], %swap3A_66 {strides = array<i32>} : memref<1536xf32, #tpu.memory_space<vmem>>, vector<16xf32>,
        %swap3A_67 = arith.index_cast %scan3A_49 : i32 to index
        %swap3A_68 = arith.constant 0 : index
        %swap3A_69 = tpu.vector_load %arg14[%swap3A_67, %swap3A_68] {strides = array<i32>} : memref<96x128xf32, #tpu.memory_space<vmem>>, vector<1x16xf32>,
        %swap3A_70 = vector.shape_cast %swap3A_69 : vector<1x16xf32> to vector<16xf32>
        %swap3A_71 = vector.shape_cast %exp3A : vector<16xf32> to vector<1x16xf32>
        tpu.vector_store %arg14[%swap3A_67, %swap3A_68], %swap3A_71 {strides = array<i32>} : memref<96x128xf32, #tpu.memory_space<vmem>>, vector<1x16xf32>,
        %scan3A_72 = arith.constant 0 : i32
        scf.yield %scan3A_72 : i32
      }
      %scan3A_45 = arith.constant 96 : i32
      %mul3A_46 = arith.constant 16 : i32
      %mul3A_47 = arith.muli %add3A_28, %mul3A_46 : i32
      "tpu.region"() ({
        %run_scoped3A = tpu.sem_alloc : memref<!tpu.dma_semaphore, #tpu.memory_space<semaphore_mem>>
        %dma_start3A_49 = tpu.memref_slice %arg7[%mul3A_47] : memref<5308416xf32, #tpu.memory_space<hbm>> -> memref<1536xf32, #tpu.memory_space<hbm>>
        %dma_start3A_50 = tpu.memref_slice %arg7[%mul3A_47] : memref<5308416xf32, #tpu.memory_space<hbm>> -> memref<1536xf32, #tpu.memory_space<hbm>>
        tpu.enqueue_dma source(%arg13 : memref<1536xf32, #tpu.memory_space<vmem>>) target(%dma_start3A_50 : memref<1536xf32, #tpu.memory_space<hbm>>) target_semaphore(%run_scoped3A : memref<!tpu.dma_semaphore, #tpu.memory_space<semaphore_mem>>)
        %dma_wait3A_51 = tpu.memref_slice %arg7[%mul3A_47] : memref<5308416xf32, #tpu.memory_space<hbm>> -> memref<1536xf32, #tpu.memory_space<hbm>>
        %dma_wait3A_52 = tpu.memref_slice %arg7[%mul3A_47] : memref<5308416xf32, #tpu.memory_space<hbm>> -> memref<1536xf32, #tpu.memory_space<hbm>>
        tpu.wait_dma2 semaphore(%run_scoped3A : memref<!tpu.dma_semaphore, #tpu.memory_space<semaphore_mem>>) src(%arg13 : memref<1536xf32, #tpu.memory_space<vmem>>) dst(%dma_wait3A_52 : memref<1536xf32, #tpu.memory_space<hbm>>)
        tpu.yield
      }) : () -> ()
      "tpu.region"() ({
        %run_scoped3A = tpu.sem_alloc : memref<!tpu.dma_semaphore, #tpu.memory_space<semaphore_mem>>
        %dma_start3A_49 = arith.constant 0 : i32
        %dma_start3A_50 = arith.constant 0 : i32
        %dma_start3A_51 = tpu.memref_slice %arg16[%dma_start3A_49, %dma_start3A_50] : memref<10240x128xf32, #tpu.memory_space<vmem_shared>> -> memref<10240x128xf32, #tpu.memory_space<vmem_shared>>
        tpu.enqueue_indirect_dma source(%arg14 : memref<96x128xf32, #tpu.memory_space<vmem>>) target(%dma_start3A_51 : memref<10240x128xf32, #tpu.memory_space<vmem_shared>>) offsets(%arg10 : memref<96xi32, #tpu.memory_space<vmem>>) semaphore(%run_scoped3A : memref<!tpu.dma_semaphore, #tpu.memory_space<semaphore_mem>>) {add = true}
        %dma_wait3A_52 = arith.constant 0 : i32
        %dma_wait3A_53 = arith.constant 0 : i32
        %dma_wait3A_54 = tpu.memref_slice %arg16[%dma_wait3A_52, %dma_wait3A_53] : memref<10240x128xf32, #tpu.memory_space<vmem_shared>> -> memref<10240x128xf32, #tpu.memory_space<vmem_shared>>
        tpu.wait_indirect_dma semaphore(%run_scoped3A : memref<!tpu.dma_semaphore, #tpu.memory_space<semaphore_mem>>) src(%arg14 : memref<96x128xf32, #tpu.memory_space<vmem>>) dst(%dma_wait3A_54 : memref<10240x128xf32, #tpu.memory_space<vmem_shared>>)
        tpu.yield
      }) : () -> ()
      %scan3A_48 = arith.constant 0 : i32
      scf.yield %scan3A_48 : i32
    }
    %scan3A_15 = arith.constant 108 : i32
    %barrier3A_16 = arith.constant 0 : index
    tpu.barrier barrier_id(%barrier3A_16)
    %scan3A_17 = arith.constant 0 : i32
    %scan3A_18 = arith.constant 0 : i32
    %scan3A_19 = arith.constant 20 : i32
    %scan3A_20 = arith.addi %scan3A_18, %scan3A_19 : i32
    %scan3A_21 = arith.constant 1 : i32
    %scan3A_22 = scf.for %scan3A_24 = %scan3A_18 to %scan3A_20 step %scan3A_21 iter_args(%scan3A_25 = %scan3A_17) -> (i32)  : i32 {
      %mul3A_26 = arith.constant 640 : i32
      %mul3A_27 = arith.muli %arg1, %mul3A_26 : i32
      %mul3A_28 = arith.constant 32 : i32
      %mul3A_29 = arith.muli %scan3A_24, %mul3A_28 : i32
      %add3A_30 = arith.addi %mul3A_27, %mul3A_29 : i32
      "tpu.region"() ({
        %run_scoped3A = tpu.sem_alloc : memref<!tpu.dma_semaphore, #tpu.memory_space<semaphore_mem>>
        %dma_start3A = arith.constant 0 : i32
        %dma_start3A_40 = tpu.memref_slice %arg16[%add3A_30, %dma_start3A] : memref<10240x128xf32, #tpu.memory_space<vmem_shared>> -> memref<32x128xf32, #tpu.memory_space<vmem_shared>>
        %dma_start3A_41 = arith.constant 0 : i32
        %dma_start3A_42 = tpu.memref_slice %arg16[%add3A_30, %dma_start3A_41] : memref<10240x128xf32, #tpu.memory_space<vmem_shared>> -> memref<32x128xf32, #tpu.memory_space<vmem_shared>>
        tpu.enqueue_dma source(%dma_start3A_42 : memref<32x128xf32, #tpu.memory_space<vmem_shared>>) target(%arg15 : memref<32x128xf32, #tpu.memory_space<vmem>>) target_semaphore(%run_scoped3A : memref<!tpu.dma_semaphore, #tpu.memory_space<semaphore_mem>>)
        %dma_wait3A = arith.constant 0 : i32
        %dma_wait3A_43 = tpu.memref_slice %arg16[%add3A_30, %dma_wait3A] : memref<10240x128xf32, #tpu.memory_space<vmem_shared>> -> memref<32x128xf32, #tpu.memory_space<vmem_shared>>
        %dma_wait3A_44 = arith.constant 0 : i32
        %dma_wait3A_45 = tpu.memref_slice %arg16[%add3A_30, %dma_wait3A_44] : memref<10240x128xf32, #tpu.memory_space<vmem_shared>> -> memref<32x128xf32, #tpu.memory_space<vmem_shared>>
        tpu.wait_dma2 semaphore(%run_scoped3A : memref<!tpu.dma_semaphore, #tpu.memory_space<semaphore_mem>>) src(%dma_wait3A_45 : memref<32x128xf32, #tpu.memory_space<vmem_shared>>) dst(%arg15 : memref<32x128xf32, #tpu.memory_space<vmem>>)
        tpu.yield
      }) : () -> ()
      %mul3A_31 = arith.constant 10240 : i32
      %mul3A_32 = arith.muli %arg0, %mul3A_31 : i32
      %mul3A_33 = arith.constant 640 : i32
      %mul3A_34 = arith.muli %arg1, %mul3A_33 : i32
      %add3A_35 = arith.addi %mul3A_32, %mul3A_34 : i32
      %mul3A_36 = arith.constant 32 : i32
      %mul3A_37 = arith.muli %scan3A_24, %mul3A_36 : i32
      %add3A_38 = arith.addi %add3A_35, %mul3A_37 : i32
      "tpu.region"() ({
        %run_scoped3A = tpu.sem_alloc : memref<!tpu.dma_semaphore, #tpu.memory_space<semaphore_mem>>
        %dma_start3A = arith.constant 0 : i32
        %dma_start3A_40 = tpu.memref_slice %arg8[%add3A_38, %dma_start3A] : memref<20480x128xf32, #tpu.memory_space<hbm>> -> memref<32x128xf32, #tpu.memory_space<hbm>>
        %dma_start3A_41 = arith.constant 0 : i32
        %dma_start3A_42 = tpu.memref_slice %arg8[%add3A_38, %dma_start3A_41] : memref<20480x128xf32, #tpu.memory_space<hbm>> -> memref<32x128xf32, #tpu.memory_space<hbm>>
        tpu.enqueue_dma source(%arg15 : memref<32x128xf32, #tpu.memory_space<vmem>>) target(%dma_start3A_42 : memref<32x128xf32, #tpu.memory_space<hbm>>) target_semaphore(%run_scoped3A : memref<!tpu.dma_semaphore, #tpu.memory_space<semaphore_mem>>)
        %dma_wait3A = arith.constant 0 : i32
        %dma_wait3A_43 = tpu.memref_slice %arg8[%add3A_38, %dma_wait3A] : memref<20480x128xf32, #tpu.memory_space<hbm>> -> memref<32x128xf32, #tpu.memory_space<hbm>>
        %dma_wait3A_44 = arith.constant 0 : i32
        %dma_wait3A_45 = tpu.memref_slice %arg8[%add3A_38, %dma_wait3A_44] : memref<20480x128xf32, #tpu.memory_space<hbm>> -> memref<32x128xf32, #tpu.memory_space<hbm>>
        tpu.wait_dma2 semaphore(%run_scoped3A : memref<!tpu.dma_semaphore, #tpu.memory_space<semaphore_mem>>) src(%arg15 : memref<32x128xf32, #tpu.memory_space<vmem>>) dst(%dma_wait3A_45 : memref<32x128xf32, #tpu.memory_space<hbm>>)
        tpu.yield
      }) : () -> ()
      %scan3A_39 = arith.constant 0 : i32
      scf.yield %scan3A_39 : i32
    }
    %scan3A_23 = arith.constant 20 : i32
    return
  }
}

#map = affine_map<(d0, d1) -> (0)>
#map1 = affine_map<(d0, d1) -> (0, 0)>
module attributes {stable_mosaic.version = 14 : i64} {
  func.func @_edge_att_body(%arg0: i32, %arg1: i32, %arg2: memref<331776xi32, #tpu.memory_space<hbm>>, %arg3: memref<331776xi32, #tpu.memory_space<hbm>>, %arg4: memref<10240x128xf32, #tpu.memory_space<hbm>>, %arg5: memref<10240x128xf32, #tpu.memory_space<hbm>>, %arg6: memref<32x128xf32, #tpu.memory_space<hbm>>, %arg7: memref<5308416xf32, #tpu.memory_space<hbm>>, %arg8: memref<20480x128xf32, #tpu.memory_space<hbm>>, %arg9: memref<96xi32, #tpu.memory_space<vmem>>, %arg10: memref<96xi32, #tpu.memory_space<vmem>>, %arg11: memref<96x128xf32, #tpu.memory_space<vmem>>, %arg12: memref<96x128xf32, #tpu.memory_space<vmem>>, %arg13: memref<1536xf32, #tpu.memory_space<vmem>>, %arg14: memref<96x128xf32, #tpu.memory_space<vmem>>, %arg15: memref<32x128xf32, #tpu.memory_space<vmem>>, %arg16: memref<10240x128xf32, #tpu.memory_space<vmem_shared>>, %arg17: memref<!tpu.dma_semaphore, #tpu.memory_space<semaphore_mem>>, %arg18: memref<!tpu.dma_semaphore, #tpu.memory_space<semaphore_mem>>) attributes {dimension_semantics = [#tpu.dimension_semantics<core_parallel>, #tpu.dimension_semantics<subcore_parallel>], iteration_bounds = array<i64: 2, 16>, scalar_prefetch = 0 : i64, scratch_operands = 10 : i64, tpu.core_type = #tpu.core_type<sc_vector_subcore>, window_params = [{transform_indices = #map}, {transform_indices = #map}, {transform_indices = #map1}, {transform_indices = #map1}, {transform_indices = #map1}, {transform_indices = #map}, {transform_indices = #map1}]} {
    %mul3A = arith.constant 2 : i32
    %mul3A_0 = arith.muli %arg1, %mul3A : i32
    %add3A = arith.addi %mul3A_0, %arg0 : i32
    "tpu.region"() ({
      %run_scoped3A = tpu.sem_alloc : memref<!tpu.dma_semaphore, #tpu.memory_space<semaphore_mem>>
      tpu.enqueue_dma source(%arg6 : memref<32x128xf32, #tpu.memory_space<hbm>>) target(%arg15 : memref<32x128xf32, #tpu.memory_space<vmem>>) target_semaphore(%run_scoped3A : memref<!tpu.dma_semaphore, #tpu.memory_space<semaphore_mem>>)
      tpu.wait_dma2 semaphore(%run_scoped3A : memref<!tpu.dma_semaphore, #tpu.memory_space<semaphore_mem>>) src(%arg6 : memref<32x128xf32, #tpu.memory_space<hbm>>) dst(%arg15 : memref<32x128xf32, #tpu.memory_space<vmem>>)
      tpu.yield
    }) : () -> ()
    %scan3A = arith.constant 0 : i32
    %scan3A_1 = arith.constant 0 : i32
    %scan3A_2 = arith.constant 20 : i32
    %scan3A_3 = arith.addi %scan3A_1, %scan3A_2 : i32
    %scan3A_4 = arith.constant 1 : i32
    %scan3A_5 = scf.for %scan3A_24 = %scan3A_1 to %scan3A_3 step %scan3A_4 iter_args(%scan3A_25 = %scan3A) -> (i32)  : i32 {
      %mul3A_26 = arith.constant 640 : i32
      %mul3A_27 = arith.muli %arg1, %mul3A_26 : i32
      %mul3A_28 = arith.constant 32 : i32
      %mul3A_29 = arith.muli %scan3A_24, %mul3A_28 : i32
      %add3A_30 = arith.addi %mul3A_27, %mul3A_29 : i32
      "tpu.region"() ({
        %run_scoped3A = tpu.sem_alloc : memref<!tpu.dma_semaphore, #tpu.memory_space<semaphore_mem>>
        %dma_start3A = arith.constant 0 : i32
        %dma_start3A_32 = tpu.memref_slice %arg16[%add3A_30, %dma_start3A] : memref<10240x128xf32, #tpu.memory_space<vmem_shared>> -> memref<32x128xf32, #tpu.memory_space<vmem_shared>>
        %dma_start3A_33 = arith.constant 0 : i32
        %dma_start3A_34 = tpu.memref_slice %arg16[%add3A_30, %dma_start3A_33] : memref<10240x128xf32, #tpu.memory_space<vmem_shared>> -> memref<32x128xf32, #tpu.memory_space<vmem_shared>>
        tpu.enqueue_dma source(%arg15 : memref<32x128xf32, #tpu.memory_space<vmem>>) target(%dma_start3A_34 : memref<32x128xf32, #tpu.memory_space<vmem_shared>>) target_semaphore(%run_scoped3A : memref<!tpu.dma_semaphore, #tpu.memory_space<semaphore_mem>>)
        %dma_wait3A = arith.constant 0 : i32
        %dma_wait3A_35 = tpu.memref_slice %arg16[%add3A_30, %dma_wait3A] : memref<10240x128xf32, #tpu.memory_space<vmem_shared>> -> memref<32x128xf32, #tpu.memory_space<vmem_shared>>
        %dma_wait3A_36 = arith.constant 0 : i32
        %dma_wait3A_37 = tpu.memref_slice %arg16[%add3A_30, %dma_wait3A_36] : memref<10240x128xf32, #tpu.memory_space<vmem_shared>> -> memref<32x128xf32, #tpu.memory_space<vmem_shared>>
        tpu.wait_dma2 semaphore(%run_scoped3A : memref<!tpu.dma_semaphore, #tpu.memory_space<semaphore_mem>>) src(%arg15 : memref<32x128xf32, #tpu.memory_space<vmem>>) dst(%dma_wait3A_37 : memref<32x128xf32, #tpu.memory_space<vmem_shared>>)
        tpu.yield
      }) : () -> ()
      %scan3A_31 = arith.constant 0 : i32
      scf.yield %scan3A_31 : i32
    }
    %scan3A_6 = arith.constant 20 : i32
    "tpu.region"() ({
      %run_scoped3A = tpu.sem_alloc : memref<!tpu.dma_semaphore, #tpu.memory_space<semaphore_mem>>
      %dma_start3A = arith.constant 0 : i32
      %dma_start3A_24 = arith.constant 0 : i32
      %dma_start3A_25 = tpu.memref_slice %arg14[%dma_start3A, %dma_start3A_24] : memref<96x128xf32, #tpu.memory_space<vmem>> -> memref<32x128xf32, #tpu.memory_space<vmem>>
      %dma_start3A_26 = arith.constant 0 : i32
      %dma_start3A_27 = arith.constant 0 : i32
      %dma_start3A_28 = tpu.memref_slice %arg14[%dma_start3A_26, %dma_start3A_27] : memref<96x128xf32, #tpu.memory_space<vmem>> -> memref<32x128xf32, #tpu.memory_space<vmem>>
      tpu.enqueue_dma source(%arg6 : memref<32x128xf32, #tpu.memory_space<hbm>>) target(%dma_start3A_28 : memref<32x128xf32, #tpu.memory_space<vmem>>) target_semaphore(%run_scoped3A : memref<!tpu.dma_semaphore, #tpu.memory_space<semaphore_mem>>)
      %dma_wait3A = arith.constant 0 : i32
      %dma_wait3A_29 = arith.constant 0 : i32
      %dma_wait3A_30 = tpu.memref_slice %arg14[%dma_wait3A, %dma_wait3A_29] : memref<96x128xf32, #tpu.memory_space<vmem>> -> memref<32x128xf32, #tpu.memory_space<vmem>>
      %dma_wait3A_31 = arith.constant 0 : i32
      %dma_wait3A_32 = arith.constant 0 : i32
      %dma_wait3A_33 = tpu.memref_slice %arg14[%dma_wait3A_31, %dma_wait3A_32] : memref<96x128xf32, #tpu.memory_space<vmem>> -> memref<32x128xf32, #tpu.memory_space<vmem>>
      tpu.wait_dma2 semaphore(%run_scoped3A : memref<!tpu.dma_semaphore, #tpu.memory_space<semaphore_mem>>) src(%arg6 : memref<32x128xf32, #tpu.memory_space<hbm>>) dst(%dma_wait3A_33 : memref<32x128xf32, #tpu.memory_space<vmem>>)
      tpu.yield
    }) : () -> ()
    "tpu.region"() ({
      %run_scoped3A = tpu.sem_alloc : memref<!tpu.dma_semaphore, #tpu.memory_space<semaphore_mem>>
      %dma_start3A = arith.constant 32 : i32
      %dma_start3A_24 = arith.constant 0 : i32
      %dma_start3A_25 = tpu.memref_slice %arg14[%dma_start3A, %dma_start3A_24] : memref<96x128xf32, #tpu.memory_space<vmem>> -> memref<32x128xf32, #tpu.memory_space<vmem>>
      %dma_start3A_26 = arith.constant 32 : i32
      %dma_start3A_27 = arith.constant 0 : i32
      %dma_start3A_28 = tpu.memref_slice %arg14[%dma_start3A_26, %dma_start3A_27] : memref<96x128xf32, #tpu.memory_space<vmem>> -> memref<32x128xf32, #tpu.memory_space<vmem>>
      tpu.enqueue_dma source(%arg6 : memref<32x128xf32, #tpu.memory_space<hbm>>) target(%dma_start3A_28 : memref<32x128xf32, #tpu.memory_space<vmem>>) target_semaphore(%run_scoped3A : memref<!tpu.dma_semaphore, #tpu.memory_space<semaphore_mem>>)
      %dma_wait3A = arith.constant 32 : i32
      %dma_wait3A_29 = arith.constant 0 : i32
      %dma_wait3A_30 = tpu.memref_slice %arg14[%dma_wait3A, %dma_wait3A_29] : memref<96x128xf32, #tpu.memory_space<vmem>> -> memref<32x128xf32, #tpu.memory_space<vmem>>
      %dma_wait3A_31 = arith.constant 32 : i32
      %dma_wait3A_32 = arith.constant 0 : i32
      %dma_wait3A_33 = tpu.memref_slice %arg14[%dma_wait3A_31, %dma_wait3A_32] : memref<96x128xf32, #tpu.memory_space<vmem>> -> memref<32x128xf32, #tpu.memory_space<vmem>>
      tpu.wait_dma2 semaphore(%run_scoped3A : memref<!tpu.dma_semaphore, #tpu.memory_space<semaphore_mem>>) src(%arg6 : memref<32x128xf32, #tpu.memory_space<hbm>>) dst(%dma_wait3A_33 : memref<32x128xf32, #tpu.memory_space<vmem>>)
      tpu.yield
    }) : () -> ()
    "tpu.region"() ({
      %run_scoped3A = tpu.sem_alloc : memref<!tpu.dma_semaphore, #tpu.memory_space<semaphore_mem>>
      %dma_start3A = arith.constant 64 : i32
      %dma_start3A_24 = arith.constant 0 : i32
      %dma_start3A_25 = tpu.memref_slice %arg14[%dma_start3A, %dma_start3A_24] : memref<96x128xf32, #tpu.memory_space<vmem>> -> memref<32x128xf32, #tpu.memory_space<vmem>>
      %dma_start3A_26 = arith.constant 64 : i32
      %dma_start3A_27 = arith.constant 0 : i32
      %dma_start3A_28 = tpu.memref_slice %arg14[%dma_start3A_26, %dma_start3A_27] : memref<96x128xf32, #tpu.memory_space<vmem>> -> memref<32x128xf32, #tpu.memory_space<vmem>>
      tpu.enqueue_dma source(%arg6 : memref<32x128xf32, #tpu.memory_space<hbm>>) target(%dma_start3A_28 : memref<32x128xf32, #tpu.memory_space<vmem>>) target_semaphore(%run_scoped3A : memref<!tpu.dma_semaphore, #tpu.memory_space<semaphore_mem>>)
      %dma_wait3A = arith.constant 64 : i32
      %dma_wait3A_29 = arith.constant 0 : i32
      %dma_wait3A_30 = tpu.memref_slice %arg14[%dma_wait3A, %dma_wait3A_29] : memref<96x128xf32, #tpu.memory_space<vmem>> -> memref<32x128xf32, #tpu.memory_space<vmem>>
      %dma_wait3A_31 = arith.constant 64 : i32
      %dma_wait3A_32 = arith.constant 0 : i32
      %dma_wait3A_33 = tpu.memref_slice %arg14[%dma_wait3A_31, %dma_wait3A_32] : memref<96x128xf32, #tpu.memory_space<vmem>> -> memref<32x128xf32, #tpu.memory_space<vmem>>
      tpu.wait_dma2 semaphore(%run_scoped3A : memref<!tpu.dma_semaphore, #tpu.memory_space<semaphore_mem>>) src(%arg6 : memref<32x128xf32, #tpu.memory_space<hbm>>) dst(%dma_wait3A_33 : memref<32x128xf32, #tpu.memory_space<vmem>>)
      tpu.yield
    }) : () -> ()
    %barrier3A = arith.constant 0 : index
    tpu.barrier barrier_id(%barrier3A)
    %mul3A_7 = arith.constant 10368 : i32
    %mul3A_8 = arith.muli %add3A, %mul3A_7 : i32
    %scan3A_9 = arith.constant 0 : i32
    %scan3A_10 = arith.constant 0 : i32
    %scan3A_11 = arith.constant 108 : i32
    %scan3A_12 = arith.addi %scan3A_10, %scan3A_11 : i32
    %scan3A_13 = arith.constant 1 : i32
    %scan3A_14 = scf.for %scan3A_24 = %scan3A_10 to %scan3A_12 step %scan3A_13 iter_args(%scan3A_25 = %scan3A_9) -> (i32)  : i32 {
      %mul3A_26 = arith.constant 96 : i32
      %mul3A_27 = arith.muli %scan3A_24, %mul3A_26 : i32
      %add3A_28 = arith.addi %mul3A_8, %mul3A_27 : i32
      "tpu.region"() ({
        %run_scoped3A = tpu.sem_alloc : memref<!tpu.dma_semaphore, #tpu.memory_space<semaphore_mem>>
        %dma_start3A_49 = tpu.memref_slice %arg2[%add3A_28] : memref<331776xi32, #tpu.memory_space<hbm>> -> memref<96xi32, #tpu.memory_space<hbm>>
        %dma_start3A_50 = tpu.memref_slice %arg2[%add3A_28] : memref<331776xi32, #tpu.memory_space<hbm>> -> memref<96xi32, #tpu.memory_space<hbm>>
        tpu.enqueue_dma source(%dma_start3A_50 : memref<96xi32, #tpu.memory_space<hbm>>) target(%arg9 : memref<96xi32, #tpu.memory_space<vmem>>) target_semaphore(%run_scoped3A : memref<!tpu.dma_semaphore, #tpu.memory_space<semaphore_mem>>)
        %dma_wait3A_51 = tpu.memref_slice %arg2[%add3A_28] : memref<331776xi32, #tpu.memory_space<hbm>> -> memref<96xi32, #tpu.memory_space<hbm>>
        %dma_wait3A_52 = tpu.memref_slice %arg2[%add3A_28] : memref<331776xi32, #tpu.memory_space<hbm>> -> memref<96xi32, #tpu.memory_space<hbm>>
        tpu.wait_dma2 semaphore(%run_scoped3A : memref<!tpu.dma_semaphore, #tpu.memory_space<semaphore_mem>>) src(%dma_wait3A_52 : memref<96xi32, #tpu.memory_space<hbm>>) dst(%arg9 : memref<96xi32, #tpu.memory_space<vmem>>)
        tpu.yield
      }) : () -> ()
      "tpu.region"() ({
        %run_scoped3A = tpu.sem_alloc : memref<!tpu.dma_semaphore, #tpu.memory_space<semaphore_mem>>
        %dma_start3A_49 = tpu.memref_slice %arg3[%add3A_28] : memref<331776xi32, #tpu.memory_space<hbm>> -> memref<96xi32, #tpu.memory_space<hbm>>
        %dma_start3A_50 = tpu.memref_slice %arg3[%add3A_28] : memref<331776xi32, #tpu.memory_space<hbm>> -> memref<96xi32, #tpu.memory_space<hbm>>
        tpu.enqueue_dma source(%dma_start3A_50 : memref<96xi32, #tpu.memory_space<hbm>>) target(%arg10 : memref<96xi32, #tpu.memory_space<vmem>>) target_semaphore(%run_scoped3A : memref<!tpu.dma_semaphore, #tpu.memory_space<semaphore_mem>>)
        %dma_wait3A_51 = tpu.memref_slice %arg3[%add3A_28] : memref<331776xi32, #tpu.memory_space<hbm>> -> memref<96xi32, #tpu.memory_space<hbm>>
        %dma_wait3A_52 = tpu.memref_slice %arg3[%add3A_28] : memref<331776xi32, #tpu.memory_space<hbm>> -> memref<96xi32, #tpu.memory_space<hbm>>
        tpu.wait_dma2 semaphore(%run_scoped3A : memref<!tpu.dma_semaphore, #tpu.memory_space<semaphore_mem>>) src(%dma_wait3A_52 : memref<96xi32, #tpu.memory_space<hbm>>) dst(%arg10 : memref<96xi32, #tpu.memory_space<vmem>>)
        tpu.yield
      }) : () -> ()
      %dma_start3A = arith.constant 0 : i32
      %dma_start3A_29 = arith.constant 0 : i32
      %dma_start3A_30 = tpu.memref_slice %arg4[%dma_start3A, %dma_start3A_29] : memref<10240x128xf32, #tpu.memory_space<hbm>> -> memref<10240x128xf32, #tpu.memory_space<hbm>>
      tpu.enqueue_indirect_dma source(%dma_start3A_30 : memref<10240x128xf32, #tpu.memory_space<hbm>>) target(%arg11 : memref<96x128xf32, #tpu.memory_space<vmem>>) offsets(%arg9 : memref<96xi32, #tpu.memory_space<vmem>>) semaphore(%arg17 : memref<!tpu.dma_semaphore, #tpu.memory_space<semaphore_mem>>)
      %dma_start3A_31 = arith.constant 0 : i32
      %dma_start3A_32 = arith.constant 0 : i32
      %dma_start3A_33 = tpu.memref_slice %arg5[%dma_start3A_31, %dma_start3A_32] : memref<10240x128xf32, #tpu.memory_space<hbm>> -> memref<10240x128xf32, #tpu.memory_space<hbm>>
      tpu.enqueue_indirect_dma source(%dma_start3A_33 : memref<10240x128xf32, #tpu.memory_space<hbm>>) target(%arg12 : memref<96x128xf32, #tpu.memory_space<vmem>>) offsets(%arg10 : memref<96xi32, #tpu.memory_space<vmem>>) semaphore(%arg18 : memref<!tpu.dma_semaphore, #tpu.memory_space<semaphore_mem>>)
      %dma_wait3A = arith.constant 0 : i32
      %dma_wait3A_34 = arith.constant 0 : i32
      %dma_wait3A_35 = tpu.memref_slice %arg4[%dma_wait3A, %dma_wait3A_34] : memref<10240x128xf32, #tpu.memory_space<hbm>> -> memref<10240x128xf32, #tpu.memory_space<hbm>>
      tpu.wait_indirect_dma semaphore(%arg17 : memref<!tpu.dma_semaphore, #tpu.memory_space<semaphore_mem>>) src(%dma_wait3A_35 : memref<10240x128xf32, #tpu.memory_space<hbm>>) dst(%arg11 : memref<96x128xf32, #tpu.memory_space<vmem>>)
      %dma_wait3A_36 = arith.constant 0 : i32
      %dma_wait3A_37 = arith.constant 0 : i32
      %dma_wait3A_38 = tpu.memref_slice %arg5[%dma_wait3A_36, %dma_wait3A_37] : memref<10240x128xf32, #tpu.memory_space<hbm>> -> memref<10240x128xf32, #tpu.memory_space<hbm>>
      tpu.wait_indirect_dma semaphore(%arg18 : memref<!tpu.dma_semaphore, #tpu.memory_space<semaphore_mem>>) src(%dma_wait3A_38 : memref<10240x128xf32, #tpu.memory_space<hbm>>) dst(%arg12 : memref<96x128xf32, #tpu.memory_space<vmem>>)
      %scan3A_39 = arith.constant 0 : i32
      %scan3A_40 = arith.constant 0 : i32
      %scan3A_41 = arith.constant 96 : i32
      %scan3A_42 = arith.addi %scan3A_40, %scan3A_41 : i32
      %scan3A_43 = arith.constant 1 : i32
      %scan3A_44 = scf.for %scan3A_49 = %scan3A_40 to %scan3A_42 step %scan3A_43 iter_args(%scan3A_50 = %scan3A_39) -> (i32)  : i32 {
        %get3A = arith.index_cast %scan3A_49 : i32 to index
        %get3A_51 = arith.constant 0 : index
        %get3A_52 = tpu.vector_load %arg11[%get3A, %get3A_51] {strides = array<i32>} : memref<96x128xf32, #tpu.memory_space<vmem>>, vector<1x16xf32>,
        %get3A_53 = vector.shape_cast %get3A_52 : vector<1x16xf32> to vector<16xf32>
        %get3A_54 = arith.index_cast %scan3A_49 : i32 to index
        %get3A_55 = arith.constant 0 : index
        %get3A_56 = tpu.vector_load %arg12[%get3A_54, %get3A_55] {strides = array<i32>} : memref<96x128xf32, #tpu.memory_space<vmem>>, vector<1x16xf32>,
        %get3A_57 = vector.shape_cast %get3A_56 : vector<1x16xf32> to vector<16xf32>
        %add3A_58 = arith.addf %get3A_53, %get3A_57 : vector<16xf32>
        %mul3A_59 = arith.constant 2.000000e-01 : f32
        %mul3A_60 = vector.broadcast %mul3A_59 : f32 to vector<16xf32>
        %mul3A_61 = arith.mulf %mul3A_60, %add3A_58 : vector<16xf32>
        %max3A = arith.maximumf %add3A_58, %mul3A_61 : vector<16xf32>
        %exp3A = math.exp %max3A : vector<16xf32>
        %mul3A_62 = arith.constant 16 : i32
        %mul3A_63 = arith.muli %scan3A_49, %mul3A_62 : i32
        %swap3A = arith.index_cast %mul3A_63 : i32 to index
        %swap3A_64 = tpu.vector_load %arg13[%swap3A] {strides = array<i32>} : memref<1536xf32, #tpu.memory_space<vmem>>, vector<16xf32>,
        %swap3A_65 = vector.shape_cast %swap3A_64 : vector<16xf32> to vector<16xf32>
        %swap3A_66 = vector.shape_cast %exp3A : vector<16xf32> to vector<16xf32>
        tpu.vector_store %arg13[%swap3A], %swap3A_66 {strides = array<i32>} : memref<1536xf32, #tpu.memory_space<vmem>>, vector<16xf32>,
        %swap3A_67 = arith.index_cast %scan3A_49 : i32 to index
        %swap3A_68 = arith.constant 0 : index
        %swap3A_69 = tpu.vector_load %arg14[%swap3A_67, %swap3A_68] {strides = array<i32>} : memref<96x128xf32, #tpu.memory_space<vmem>>, vector<1x16xf32>,
        %swap3A_70 = vector.shape_cast %swap3A_69 : vector<1x16xf32> to vector<16xf32>
        %swap3A_71 = vector.shape_cast %exp3A : vector<16xf32> to vector<1x16xf32>
        tpu.vector_store %arg14[%swap3A_67, %swap3A_68], %swap3A_71 {strides = array<i32>} : memref<96x128xf32, #tpu.memory_space<vmem>>, vector<1x16xf32>,
        %scan3A_72 = arith.constant 0 : i32
        scf.yield %scan3A_72 : i32
      }
      %scan3A_45 = arith.constant 96 : i32
      %mul3A_46 = arith.constant 16 : i32
      %mul3A_47 = arith.muli %add3A_28, %mul3A_46 : i32
      "tpu.region"() ({
        %run_scoped3A = tpu.sem_alloc : memref<!tpu.dma_semaphore, #tpu.memory_space<semaphore_mem>>
        %dma_start3A_49 = tpu.memref_slice %arg7[%mul3A_47] : memref<5308416xf32, #tpu.memory_space<hbm>> -> memref<1536xf32, #tpu.memory_space<hbm>>
        %dma_start3A_50 = tpu.memref_slice %arg7[%mul3A_47] : memref<5308416xf32, #tpu.memory_space<hbm>> -> memref<1536xf32, #tpu.memory_space<hbm>>
        tpu.enqueue_dma source(%arg13 : memref<1536xf32, #tpu.memory_space<vmem>>) target(%dma_start3A_50 : memref<1536xf32, #tpu.memory_space<hbm>>) target_semaphore(%run_scoped3A : memref<!tpu.dma_semaphore, #tpu.memory_space<semaphore_mem>>)
        %dma_wait3A_51 = tpu.memref_slice %arg7[%mul3A_47] : memref<5308416xf32, #tpu.memory_space<hbm>> -> memref<1536xf32, #tpu.memory_space<hbm>>
        %dma_wait3A_52 = tpu.memref_slice %arg7[%mul3A_47] : memref<5308416xf32, #tpu.memory_space<hbm>> -> memref<1536xf32, #tpu.memory_space<hbm>>
        tpu.wait_dma2 semaphore(%run_scoped3A : memref<!tpu.dma_semaphore, #tpu.memory_space<semaphore_mem>>) src(%arg13 : memref<1536xf32, #tpu.memory_space<vmem>>) dst(%dma_wait3A_52 : memref<1536xf32, #tpu.memory_space<hbm>>)
        tpu.yield
      }) : () -> ()
      "tpu.region"() ({
        %run_scoped3A = tpu.sem_alloc : memref<!tpu.dma_semaphore, #tpu.memory_space<semaphore_mem>>
        %dma_start3A_49 = arith.constant 0 : i32
        %dma_start3A_50 = arith.constant 0 : i32
        %dma_start3A_51 = tpu.memref_slice %arg16[%dma_start3A_49, %dma_start3A_50] : memref<10240x128xf32, #tpu.memory_space<vmem_shared>> -> memref<10240x128xf32, #tpu.memory_space<vmem_shared>>
        tpu.enqueue_indirect_dma source(%arg14 : memref<96x128xf32, #tpu.memory_space<vmem>>) target(%dma_start3A_51 : memref<10240x128xf32, #tpu.memory_space<vmem_shared>>) offsets(%arg10 : memref<96xi32, #tpu.memory_space<vmem>>) semaphore(%run_scoped3A : memref<!tpu.dma_semaphore, #tpu.memory_space<semaphore_mem>>) {add = true}
        %dma_wait3A_52 = arith.constant 0 : i32
        %dma_wait3A_53 = arith.constant 0 : i32
        %dma_wait3A_54 = tpu.memref_slice %arg16[%dma_wait3A_52, %dma_wait3A_53] : memref<10240x128xf32, #tpu.memory_space<vmem_shared>> -> memref<10240x128xf32, #tpu.memory_space<vmem_shared>>
        tpu.wait_indirect_dma semaphore(%run_scoped3A : memref<!tpu.dma_semaphore, #tpu.memory_space<semaphore_mem>>) src(%arg14 : memref<96x128xf32, #tpu.memory_space<vmem>>) dst(%dma_wait3A_54 : memref<10240x128xf32, #tpu.memory_space<vmem_shared>>)
        tpu.yield
      }) : () -> ()
      %scan3A_48 = arith.constant 0 : i32
      scf.yield %scan3A_48 : i32
    }
    %scan3A_15 = arith.constant 108 : i32
    %barrier3A_16 = arith.constant 0 : index
    tpu.barrier barrier_id(%barrier3A_16)
    %scan3A_17 = arith.constant 0 : i32
    %scan3A_18 = arith.constant 0 : i32
    %scan3A_19 = arith.constant 20 : i32
    %scan3A_20 = arith.addi %scan3A_18, %scan3A_19 : i32
    %scan3A_21 = arith.constant 1 : i32
    %scan3A_22 = scf.for %scan3A_24 = %scan3A_18 to %scan3A_20 step %scan3A_21 iter_args(%scan3A_25 = %scan3A_17) -> (i32)  : i32 {
      %mul3A_26 = arith.constant 640 : i32
      %mul3A_27 = arith.muli %arg1, %mul3A_26 : i32
      %mul3A_28 = arith.constant 32 : i32
      %mul3A_29 = arith.muli %scan3A_24, %mul3A_28 : i32
      %add3A_30 = arith.addi %mul3A_27, %mul3A_29 : i32
      "tpu.region"() ({
        %run_scoped3A = tpu.sem_alloc : memref<!tpu.dma_semaphore, #tpu.memory_space<semaphore_mem>>
        %dma_start3A = arith.constant 0 : i32
        %dma_start3A_40 = tpu.memref_slice %arg16[%add3A_30, %dma_start3A] : memref<10240x128xf32, #tpu.memory_space<vmem_shared>> -> memref<32x128xf32, #tpu.memory_space<vmem_shared>>
        %dma_start3A_41 = arith.constant 0 : i32
        %dma_start3A_42 = tpu.memref_slice %arg16[%add3A_30, %dma_start3A_41] : memref<10240x128xf32, #tpu.memory_space<vmem_shared>> -> memref<32x128xf32, #tpu.memory_space<vmem_shared>>
        tpu.enqueue_dma source(%dma_start3A_42 : memref<32x128xf32, #tpu.memory_space<vmem_shared>>) target(%arg15 : memref<32x128xf32, #tpu.memory_space<vmem>>) target_semaphore(%run_scoped3A : memref<!tpu.dma_semaphore, #tpu.memory_space<semaphore_mem>>)
        %dma_wait3A = arith.constant 0 : i32
        %dma_wait3A_43 = tpu.memref_slice %arg16[%add3A_30, %dma_wait3A] : memref<10240x128xf32, #tpu.memory_space<vmem_shared>> -> memref<32x128xf32, #tpu.memory_space<vmem_shared>>
        %dma_wait3A_44 = arith.constant 0 : i32
        %dma_wait3A_45 = tpu.memref_slice %arg16[%add3A_30, %dma_wait3A_44] : memref<10240x128xf32, #tpu.memory_space<vmem_shared>> -> memref<32x128xf32, #tpu.memory_space<vmem_shared>>
        tpu.wait_dma2 semaphore(%run_scoped3A : memref<!tpu.dma_semaphore, #tpu.memory_space<semaphore_mem>>) src(%dma_wait3A_45 : memref<32x128xf32, #tpu.memory_space<vmem_shared>>) dst(%arg15 : memref<32x128xf32, #tpu.memory_space<vmem>>)
        tpu.yield
      }) : () -> ()
      %mul3A_31 = arith.constant 10240 : i32
      %mul3A_32 = arith.muli %arg0, %mul3A_31 : i32
      %mul3A_33 = arith.constant 640 : i32
      %mul3A_34 = arith.muli %arg1, %mul3A_33 : i32
      %add3A_35 = arith.addi %mul3A_32, %mul3A_34 : i32
      %mul3A_36 = arith.constant 32 : i32
      %mul3A_37 = arith.muli %scan3A_24, %mul3A_36 : i32
      %add3A_38 = arith.addi %add3A_35, %mul3A_37 : i32
      "tpu.region"() ({
        %run_scoped3A = tpu.sem_alloc : memref<!tpu.dma_semaphore, #tpu.memory_space<semaphore_mem>>
        %dma_start3A = arith.constant 0 : i32
        %dma_start3A_40 = tpu.memref_slice %arg8[%add3A_38, %dma_start3A] : memref<20480x128xf32, #tpu.memory_space<hbm>> -> memref<32x128xf32, #tpu.memory_space<hbm>>
        %dma_start3A_41 = arith.constant 0 : i32
        %dma_start3A_42 = tpu.memref_slice %arg8[%add3A_38, %dma_start3A_41] : memref<20480x128xf32, #tpu.memory_space<hbm>> -> memref<32x128xf32, #tpu.memory_space<hbm>>
        tpu.enqueue_dma source(%arg15 : memref<32x128xf32, #tpu.memory_space<vmem>>) target(%dma_start3A_42 : memref<32x128xf32, #tpu.memory_space<hbm>>) target_semaphore(%run_scoped3A : memref<!tpu.dma_semaphore, #tpu.memory_space<semaphore_mem>>)
        %dma_wait3A = arith.constant 0 : i32
        %dma_wait3A_43 = tpu.memref_slice %arg8[%add3A_38, %dma_wait3A] : memref<20480x128xf32, #tpu.memory_space<hbm>> -> memref<32x128xf32, #tpu.memory_space<hbm>>
        %dma_wait3A_44 = arith.constant 0 : i32
        %dma_wait3A_45 = tpu.memref_slice %arg8[%add3A_38, %dma_wait3A_44] : memref<20480x128xf32, #tpu.memory_space<hbm>> -> memref<32x128xf32, #tpu.memory_space<hbm>>
        tpu.wait_dma2 semaphore(%run_scoped3A : memref<!tpu.dma_semaphore, #tpu.memory_space<semaphore_mem>>) src(%arg15 : memref<32x128xf32, #tpu.memory_space<vmem>>) dst(%dma_wait3A_45 : memref<32x128xf32, #tpu.memory_space<hbm>>)
        tpu.yield
      }) : () -> ()
      %scan3A_39 = arith.constant 0 : i32
      scf.yield %scan3A_39 : i32
    }
    %scan3A_23 = arith.constant 20 : i32
    return
  }
}

#map = affine_map<(d0, d1) -> (0)>
#map1 = affine_map<(d0, d1) -> (0, 0)>
module attributes {stable_mosaic.version = 14 : i64} {
  func.func @_edge_agg_body(%arg0: i32, %arg1: i32, %arg2: memref<331776xi32, #tpu.memory_space<hbm>>, %arg3: memref<331776xi32, #tpu.memory_space<hbm>>, %arg4: memref<10240x1024xf32, #tpu.memory_space<hbm>>, %arg5: memref<5308416xf32, #tpu.memory_space<hbm>>, %arg6: memref<10240x128xf32, #tpu.memory_space<hbm>>, %arg7: memref<32x128xf32, #tpu.memory_space<hbm>>, %arg8: memref<20480x128xf32, #tpu.memory_space<hbm>>, %arg9: memref<16xi32, #tpu.memory_space<vmem>>, %arg10: memref<16xi32, #tpu.memory_space<vmem>>, %arg11: memref<16xi32, #tpu.memory_space<vmem>>, %arg12: memref<16xi32, #tpu.memory_space<vmem>>, %arg13: memref<16x1024xf32, #tpu.memory_space<vmem>>, %arg14: memref<16x1024xf32, #tpu.memory_space<vmem>>, %arg15: memref<256xf32, #tpu.memory_space<vmem>>, %arg16: memref<256xf32, #tpu.memory_space<vmem>>, %arg17: memref<16x128xf32, #tpu.memory_space<vmem>>, %arg18: memref<16x128xf32, #tpu.memory_space<vmem>>, %arg19: memref<16x128xf32, #tpu.memory_space<vmem>>, %arg20: memref<32x128xf32, #tpu.memory_space<vmem>>, %arg21: memref<10240x128xf32, #tpu.memory_space<vmem_shared>>, %arg22: memref<!tpu.dma_semaphore, #tpu.memory_space<semaphore_mem>>, %arg23: memref<!tpu.dma_semaphore, #tpu.memory_space<semaphore_mem>>, %arg24: memref<!tpu.dma_semaphore, #tpu.memory_space<semaphore_mem>>, %arg25: memref<!tpu.dma_semaphore, #tpu.memory_space<semaphore_mem>>, %arg26: memref<!tpu.dma_semaphore, #tpu.memory_space<semaphore_mem>>, %arg27: memref<!tpu.dma_semaphore, #tpu.memory_space<semaphore_mem>>) attributes {dimension_semantics = [#tpu.dimension_semantics<core_parallel>, #tpu.dimension_semantics<subcore_parallel>], iteration_bounds = array<i64: 2, 16>, scalar_prefetch = 0 : i64, scratch_operands = 19 : i64, tpu.core_type = #tpu.core_type<sc_vector_subcore>, window_params = [{transform_indices = #map}, {transform_indices = #map}, {transform_indices = #map1}, {transform_indices = #map}, {transform_indices = #map1}, {transform_indices = #map1}, {transform_indices = #map1}]} {
    %mul3A = arith.constant 2 : i32
    %mul3A_0 = arith.muli %arg1, %mul3A : i32
    %add3A = arith.addi %mul3A_0, %arg0 : i32
    "tpu.region"() ({
      %run_scoped3A = tpu.sem_alloc : memref<!tpu.dma_semaphore, #tpu.memory_space<semaphore_mem>>
      tpu.enqueue_dma source(%arg7 : memref<32x128xf32, #tpu.memory_space<hbm>>) target(%arg20 : memref<32x128xf32, #tpu.memory_space<vmem>>) target_semaphore(%run_scoped3A : memref<!tpu.dma_semaphore, #tpu.memory_space<semaphore_mem>>)
      tpu.wait_dma2 semaphore(%run_scoped3A : memref<!tpu.dma_semaphore, #tpu.memory_space<semaphore_mem>>) src(%arg7 : memref<32x128xf32, #tpu.memory_space<hbm>>) dst(%arg20 : memref<32x128xf32, #tpu.memory_space<vmem>>)
      tpu.yield
    }) : () -> ()
    %scan3A = arith.constant 0 : i32
    %scan3A_1 = arith.constant 0 : i32
    %scan3A_2 = arith.constant 20 : i32
    %scan3A_3 = arith.addi %scan3A_1, %scan3A_2 : i32
    %scan3A_4 = arith.constant 1 : i32
    %scan3A_5 = scf.for %scan3A_35 = %scan3A_1 to %scan3A_3 step %scan3A_4 iter_args(%scan3A_36 = %scan3A) -> (i32)  : i32 {
      %mul3A_37 = arith.constant 640 : i32
      %mul3A_38 = arith.muli %arg1, %mul3A_37 : i32
      %mul3A_39 = arith.constant 32 : i32
      %mul3A_40 = arith.muli %scan3A_35, %mul3A_39 : i32
      %add3A_41 = arith.addi %mul3A_38, %mul3A_40 : i32
      "tpu.region"() ({
        %run_scoped3A = tpu.sem_alloc : memref<!tpu.dma_semaphore, #tpu.memory_space<semaphore_mem>>
        %dma_start3A_43 = arith.constant 0 : i32
        %dma_start3A_44 = tpu.memref_slice %arg21[%add3A_41, %dma_start3A_43] : memref<10240x128xf32, #tpu.memory_space<vmem_shared>> -> memref<32x128xf32, #tpu.memory_space<vmem_shared>>
        %dma_start3A_45 = arith.constant 0 : i32
        %dma_start3A_46 = tpu.memref_slice %arg21[%add3A_41, %dma_start3A_45] : memref<10240x128xf32, #tpu.memory_space<vmem_shared>> -> memref<32x128xf32, #tpu.memory_space<vmem_shared>>
        tpu.enqueue_dma source(%arg20 : memref<32x128xf32, #tpu.memory_space<vmem>>) target(%dma_start3A_46 : memref<32x128xf32, #tpu.memory_space<vmem_shared>>) target_semaphore(%run_scoped3A : memref<!tpu.dma_semaphore, #tpu.memory_space<semaphore_mem>>)
        %dma_wait3A = arith.constant 0 : i32
        %dma_wait3A_47 = tpu.memref_slice %arg21[%add3A_41, %dma_wait3A] : memref<10240x128xf32, #tpu.memory_space<vmem_shared>> -> memref<32x128xf32, #tpu.memory_space<vmem_shared>>
        %dma_wait3A_48 = arith.constant 0 : i32
        %dma_wait3A_49 = tpu.memref_slice %arg21[%add3A_41, %dma_wait3A_48] : memref<10240x128xf32, #tpu.memory_space<vmem_shared>> -> memref<32x128xf32, #tpu.memory_space<vmem_shared>>
        tpu.wait_dma2 semaphore(%run_scoped3A : memref<!tpu.dma_semaphore, #tpu.memory_space<semaphore_mem>>) src(%arg20 : memref<32x128xf32, #tpu.memory_space<vmem>>) dst(%dma_wait3A_49 : memref<32x128xf32, #tpu.memory_space<vmem_shared>>)
        tpu.yield
      }) : () -> ()
      %scan3A_42 = arith.constant 0 : i32
      scf.yield %scan3A_42 : i32
    }
    %scan3A_6 = arith.constant 20 : i32
    %barrier3A = arith.constant 0 : index
    tpu.barrier barrier_id(%barrier3A)
    %mul3A_7 = arith.constant 10368 : i32
    %mul3A_8 = arith.muli %add3A, %mul3A_7 : i32
    %add3A_9 = arith.constant 0 : i32
    %add3A_10 = arith.addi %mul3A_8, %add3A_9 : i32
    "tpu.region"() ({
      %run_scoped3A = tpu.sem_alloc : memref<!tpu.dma_semaphore, #tpu.memory_space<semaphore_mem>>
      %dma_start3A_35 = tpu.memref_slice %arg2[%add3A_10] : memref<331776xi32, #tpu.memory_space<hbm>> -> memref<16xi32, #tpu.memory_space<hbm>>
      %dma_start3A_36 = tpu.memref_slice %arg2[%add3A_10] : memref<331776xi32, #tpu.memory_space<hbm>> -> memref<16xi32, #tpu.memory_space<hbm>>
      tpu.enqueue_dma source(%dma_start3A_36 : memref<16xi32, #tpu.memory_space<hbm>>) target(%arg9 : memref<16xi32, #tpu.memory_space<vmem>>) target_semaphore(%run_scoped3A : memref<!tpu.dma_semaphore, #tpu.memory_space<semaphore_mem>>)
      %dma_wait3A = tpu.memref_slice %arg2[%add3A_10] : memref<331776xi32, #tpu.memory_space<hbm>> -> memref<16xi32, #tpu.memory_space<hbm>>
      %dma_wait3A_37 = tpu.memref_slice %arg2[%add3A_10] : memref<331776xi32, #tpu.memory_space<hbm>> -> memref<16xi32, #tpu.memory_space<hbm>>
      tpu.wait_dma2 semaphore(%run_scoped3A : memref<!tpu.dma_semaphore, #tpu.memory_space<semaphore_mem>>) src(%dma_wait3A_37 : memref<16xi32, #tpu.memory_space<hbm>>) dst(%arg9 : memref<16xi32, #tpu.memory_space<vmem>>)
      tpu.yield
    }) : () -> ()
    "tpu.region"() ({
      %run_scoped3A = tpu.sem_alloc : memref<!tpu.dma_semaphore, #tpu.memory_space<semaphore_mem>>
      %dma_start3A_35 = tpu.memref_slice %arg3[%add3A_10] : memref<331776xi32, #tpu.memory_space<hbm>> -> memref<16xi32, #tpu.memory_space<hbm>>
      %dma_start3A_36 = tpu.memref_slice %arg3[%add3A_10] : memref<331776xi32, #tpu.memory_space<hbm>> -> memref<16xi32, #tpu.memory_space<hbm>>
      tpu.enqueue_dma source(%dma_start3A_36 : memref<16xi32, #tpu.memory_space<hbm>>) target(%arg11 : memref<16xi32, #tpu.memory_space<vmem>>) target_semaphore(%run_scoped3A : memref<!tpu.dma_semaphore, #tpu.memory_space<semaphore_mem>>)
      %dma_wait3A = tpu.memref_slice %arg3[%add3A_10] : memref<331776xi32, #tpu.memory_space<hbm>> -> memref<16xi32, #tpu.memory_space<hbm>>
      %dma_wait3A_37 = tpu.memref_slice %arg3[%add3A_10] : memref<331776xi32, #tpu.memory_space<hbm>> -> memref<16xi32, #tpu.memory_space<hbm>>
      tpu.wait_dma2 semaphore(%run_scoped3A : memref<!tpu.dma_semaphore, #tpu.memory_space<semaphore_mem>>) src(%dma_wait3A_37 : memref<16xi32, #tpu.memory_space<hbm>>) dst(%arg11 : memref<16xi32, #tpu.memory_space<vmem>>)
      tpu.yield
    }) : () -> ()
    %dma_start3A = arith.constant 0 : i32
    %dma_start3A_11 = arith.constant 0 : i32
    %dma_start3A_12 = tpu.memref_slice %arg4[%dma_start3A, %dma_start3A_11] : memref<10240x1024xf32, #tpu.memory_space<hbm>> -> memref<10240x1024xf32, #tpu.memory_space<hbm>>
    tpu.enqueue_indirect_dma source(%dma_start3A_12 : memref<10240x1024xf32, #tpu.memory_space<hbm>>) target(%arg13 : memref<16x1024xf32, #tpu.memory_space<vmem>>) offsets(%arg9 : memref<16xi32, #tpu.memory_space<vmem>>) semaphore(%arg22 : memref<!tpu.dma_semaphore, #tpu.memory_space<semaphore_mem>>)
    %dma_start3A_13 = arith.constant 0 : i32
    %dma_start3A_14 = arith.constant 0 : i32
    %dma_start3A_15 = tpu.memref_slice %arg6[%dma_start3A_13, %dma_start3A_14] : memref<10240x128xf32, #tpu.memory_space<hbm>> -> memref<10240x128xf32, #tpu.memory_space<hbm>>
    tpu.enqueue_indirect_dma source(%dma_start3A_15 : memref<10240x128xf32, #tpu.memory_space<hbm>>) target(%arg17 : memref<16x128xf32, #tpu.memory_space<vmem>>) offsets(%arg11 : memref<16xi32, #tpu.memory_space<vmem>>) semaphore(%arg24 : memref<!tpu.dma_semaphore, #tpu.memory_space<semaphore_mem>>)
    %mul3A_16 = arith.constant 16 : i32
    %mul3A_17 = arith.muli %add3A_10, %mul3A_16 : i32
    %dma_start3A_18 = tpu.memref_slice %arg5[%mul3A_17] : memref<5308416xf32, #tpu.memory_space<hbm>> -> memref<256xf32, #tpu.memory_space<hbm>>
    %dma_start3A_19 = tpu.memref_slice %arg5[%mul3A_17] : memref<5308416xf32, #tpu.memory_space<hbm>> -> memref<256xf32, #tpu.memory_space<hbm>>
    tpu.enqueue_dma source(%dma_start3A_19 : memref<256xf32, #tpu.memory_space<hbm>>) target(%arg15 : memref<256xf32, #tpu.memory_space<vmem>>) target_semaphore(%arg26 : memref<!tpu.dma_semaphore, #tpu.memory_space<semaphore_mem>>)
    %scan3A_20 = arith.constant 0 : i32
    %scan3A_21 = arith.constant 0 : i32
    %scan3A_22 = arith.constant 324 : i32
    %scan3A_23 = arith.addi %scan3A_21, %scan3A_22 : i32
    %scan3A_24 = arith.constant 1 : i32
    %scan3A_25 = scf.for %scan3A_35 = %scan3A_21 to %scan3A_23 step %scan3A_24 iter_args(%scan3A_36 = %scan3A_20) -> (i32)  : i32 {
      %mul3A_37 = arith.constant 2 : i32
      %mul3A_38 = arith.muli %mul3A_37, %scan3A_35 : i32
      %add3A_39 = arith.constant 0 : i32
      %add3A_40 = arith.addi %mul3A_38, %add3A_39 : i32
      %dma_wait3A = arith.constant 0 : i32
      %dma_wait3A_41 = arith.constant 0 : i32
      %dma_wait3A_42 = tpu.memref_slice %arg4[%dma_wait3A, %dma_wait3A_41] : memref<10240x1024xf32, #tpu.memory_space<hbm>> -> memref<10240x1024xf32, #tpu.memory_space<hbm>>
      tpu.wait_indirect_dma semaphore(%arg22 : memref<!tpu.dma_semaphore, #tpu.memory_space<semaphore_mem>>) src(%dma_wait3A_42 : memref<10240x1024xf32, #tpu.memory_space<hbm>>) dst(%arg13 : memref<16x1024xf32, #tpu.memory_space<vmem>>)
      %dma_wait3A_43 = arith.constant 0 : i32
      %dma_wait3A_44 = arith.constant 0 : i32
      %dma_wait3A_45 = tpu.memref_slice %arg6[%dma_wait3A_43, %dma_wait3A_44] : memref<10240x128xf32, #tpu.memory_space<hbm>> -> memref<10240x128xf32, #tpu.memory_space<hbm>>
      tpu.wait_indirect_dma semaphore(%arg24 : memref<!tpu.dma_semaphore, #tpu.memory_space<semaphore_mem>>) src(%dma_wait3A_45 : memref<10240x128xf32, #tpu.memory_space<hbm>>) dst(%arg17 : memref<16x128xf32, #tpu.memory_space<vmem>>)
      %dma_wait3A_46 = arith.constant 0 : i32
      %dma_wait3A_47 = tpu.memref_slice %arg5[%dma_wait3A_46] : memref<5308416xf32, #tpu.memory_space<hbm>> -> memref<256xf32, #tpu.memory_space<hbm>>
      %dma_wait3A_48 = arith.constant 0 : i32
      %dma_wait3A_49 = tpu.memref_slice %arg5[%dma_wait3A_48] : memref<5308416xf32, #tpu.memory_space<hbm>> -> memref<256xf32, #tpu.memory_space<hbm>>
      tpu.wait_dma2 semaphore(%arg26 : memref<!tpu.dma_semaphore, #tpu.memory_space<semaphore_mem>>) src(%dma_wait3A_49 : memref<256xf32, #tpu.memory_space<hbm>>) dst(%arg15 : memref<256xf32, #tpu.memory_space<vmem>>)
      %add3A_50 = arith.constant 1 : i32
      %add3A_51 = arith.addi %add3A_40, %add3A_50 : i32
      %lt3A = arith.constant 648 : i32
      %lt3A_52 = arith.cmpi slt, %add3A_51, %lt3A : i32
      %convert_element_type3A = arith.extui %lt3A_52 : i1 to i32
      %cond3A = arith.constant 0 : i32
      %cond3A_53 = arith.cmpi ne, %convert_element_type3A, %cond3A : i32
      scf.if %cond3A_53 {
        %add3A_90 = arith.constant 1 : i32
        %add3A_91 = arith.addi %add3A_40, %add3A_90 : i32
        %mul3A_92 = arith.constant 16 : i32
        %mul3A_93 = arith.muli %add3A_91, %mul3A_92 : i32
        %add3A_94 = arith.addi %mul3A_8, %mul3A_93 : i32
        "tpu.region"() ({
          %run_scoped3A = tpu.sem_alloc : memref<!tpu.dma_semaphore, #tpu.memory_space<semaphore_mem>>
          %dma_start3A_105 = tpu.memref_slice %arg2[%add3A_94] : memref<331776xi32, #tpu.memory_space<hbm>> -> memref<16xi32, #tpu.memory_space<hbm>>
          %dma_start3A_106 = tpu.memref_slice %arg2[%add3A_94] : memref<331776xi32, #tpu.memory_space<hbm>> -> memref<16xi32, #tpu.memory_space<hbm>>
          tpu.enqueue_dma source(%dma_start3A_106 : memref<16xi32, #tpu.memory_space<hbm>>) target(%arg10 : memref<16xi32, #tpu.memory_space<vmem>>) target_semaphore(%run_scoped3A : memref<!tpu.dma_semaphore, #tpu.memory_space<semaphore_mem>>)
          %dma_wait3A_107 = tpu.memref_slice %arg2[%add3A_94] : memref<331776xi32, #tpu.memory_space<hbm>> -> memref<16xi32, #tpu.memory_space<hbm>>
          %dma_wait3A_108 = tpu.memref_slice %arg2[%add3A_94] : memref<331776xi32, #tpu.memory_space<hbm>> -> memref<16xi32, #tpu.memory_space<hbm>>
          tpu.wait_dma2 semaphore(%run_scoped3A : memref<!tpu.dma_semaphore, #tpu.memory_space<semaphore_mem>>) src(%dma_wait3A_108 : memref<16xi32, #tpu.memory_space<hbm>>) dst(%arg10 : memref<16xi32, #tpu.memory_space<vmem>>)
          tpu.yield
        }) : () -> ()
        "tpu.region"() ({
          %run_scoped3A = tpu.sem_alloc : memref<!tpu.dma_semaphore, #tpu.memory_space<semaphore_mem>>
          %dma_start3A_105 = tpu.memref_slice %arg3[%add3A_94] : memref<331776xi32, #tpu.memory_space<hbm>> -> memref<16xi32, #tpu.memory_space<hbm>>
          %dma_start3A_106 = tpu.memref_slice %arg3[%add3A_94] : memref<331776xi32, #tpu.memory_space<hbm>> -> memref<16xi32, #tpu.memory_space<hbm>>
          tpu.enqueue_dma source(%dma_start3A_106 : memref<16xi32, #tpu.memory_space<hbm>>) target(%arg12 : memref<16xi32, #tpu.memory_space<vmem>>) target_semaphore(%run_scoped3A : memref<!tpu.dma_semaphore, #tpu.memory_space<semaphore_mem>>)
          %dma_wait3A_107 = tpu.memref_slice %arg3[%add3A_94] : memref<331776xi32, #tpu.memory_space<hbm>> -> memref<16xi32, #tpu.memory_space<hbm>>
          %dma_wait3A_108 = tpu.memref_slice %arg3[%add3A_94] : memref<331776xi32, #tpu.memory_space<hbm>> -> memref<16xi32, #tpu.memory_space<hbm>>
          tpu.wait_dma2 semaphore(%run_scoped3A : memref<!tpu.dma_semaphore, #tpu.memory_space<semaphore_mem>>) src(%dma_wait3A_108 : memref<16xi32, #tpu.memory_space<hbm>>) dst(%arg12 : memref<16xi32, #tpu.memory_space<vmem>>)
          tpu.yield
        }) : () -> ()
        %dma_start3A_95 = arith.constant 0 : i32
        %dma_start3A_96 = arith.constant 0 : i32
        %dma_start3A_97 = tpu.memref_slice %arg4[%dma_start3A_95, %dma_start3A_96] : memref<10240x1024xf32, #tpu.memory_space<hbm>> -> memref<10240x1024xf32, #tpu.memory_space<hbm>>
        tpu.enqueue_indirect_dma source(%dma_start3A_97 : memref<10240x1024xf32, #tpu.memory_space<hbm>>) target(%arg14 : memref<16x1024xf32, #tpu.memory_space<vmem>>) offsets(%arg10 : memref<16xi32, #tpu.memory_space<vmem>>) semaphore(%arg23 : memref<!tpu.dma_semaphore, #tpu.memory_space<semaphore_mem>>)
        %dma_start3A_98 = arith.constant 0 : i32
        %dma_start3A_99 = arith.constant 0 : i32
        %dma_start3A_100 = tpu.memref_slice %arg6[%dma_start3A_98, %dma_start3A_99] : memref<10240x128xf32, #tpu.memory_space<hbm>> -> memref<10240x128xf32, #tpu.memory_space<hbm>>
        tpu.enqueue_indirect_dma source(%dma_start3A_100 : memref<10240x128xf32, #tpu.memory_space<hbm>>) target(%arg18 : memref<16x128xf32, #tpu.memory_space<vmem>>) offsets(%arg12 : memref<16xi32, #tpu.memory_space<vmem>>) semaphore(%arg25 : memref<!tpu.dma_semaphore, #tpu.memory_space<semaphore_mem>>)
        %mul3A_101 = arith.constant 16 : i32
        %mul3A_102 = arith.muli %add3A_94, %mul3A_101 : i32
        %dma_start3A_103 = tpu.memref_slice %arg5[%mul3A_102] : memref<5308416xf32, #tpu.memory_space<hbm>> -> memref<256xf32, #tpu.memory_space<hbm>>
        %dma_start3A_104 = tpu.memref_slice %arg5[%mul3A_102] : memref<5308416xf32, #tpu.memory_space<hbm>> -> memref<256xf32, #tpu.memory_space<hbm>>
        tpu.enqueue_dma source(%dma_start3A_104 : memref<256xf32, #tpu.memory_space<hbm>>) target(%arg16 : memref<256xf32, #tpu.memory_space<vmem>>) target_semaphore(%arg27 : memref<!tpu.dma_semaphore, #tpu.memory_space<semaphore_mem>>)
      } else {
      }
      %scan3A_54 = arith.constant 0 : i32
      %scan3A_55 = arith.constant 0 : i32
      %scan3A_56 = arith.constant 16 : i32
      %scan3A_57 = arith.addi %scan3A_55, %scan3A_56 : i32
      %scan3A_58 = arith.constant 1 : i32
      %scan3A_59 = scf.for %scan3A_90 = %scan3A_55 to %scan3A_57 step %scan3A_58 iter_args(%scan3A_91 = %scan3A_54) -> (i32)  : i32 {
        %mul3A_92 = arith.constant 16 : i32
        %mul3A_93 = arith.muli %scan3A_90, %mul3A_92 : i32
        %get3A = arith.index_cast %mul3A_93 : i32 to index
        %get3A_94 = tpu.vector_load %arg15[%get3A] {strides = array<i32>} : memref<256xf32, #tpu.memory_space<vmem>>, vector<16xf32>,
        %get3A_95 = vector.shape_cast %get3A_94 : vector<16xf32> to vector<16xf32>
        %get3A_96 = arith.index_cast %scan3A_90 : i32 to index
        %get3A_97 = arith.constant 0 : index
        %get3A_98 = tpu.vector_load %arg17[%get3A_96, %get3A_97] {strides = array<i32>} : memref<16x128xf32, #tpu.memory_space<vmem>>, vector<1x16xf32>,
        %get3A_99 = vector.shape_cast %get3A_98 : vector<1x16xf32> to vector<16xf32>
        %mul3A_100 = arith.mulf %get3A_95, %get3A_99 : vector<16xf32>
        %broadcast_in_dim3A = arith.constant 0.000000e+00 : f32
        %broadcast_in_dim3A_101 = vector.broadcast %broadcast_in_dim3A : f32 to vector<16xf32>
        %broadcast_in_dim3A_102 = arith.constant 0.000000e+00 : f32
        %broadcast_in_dim3A_103 = vector.broadcast %broadcast_in_dim3A_102 : f32 to vector<16xf32>
        %broadcast_in_dim3A_104 = arith.constant 0.000000e+00 : f32
        %broadcast_in_dim3A_105 = vector.broadcast %broadcast_in_dim3A_104 : f32 to vector<16xf32>
        %broadcast_in_dim3A_106 = arith.constant 0.000000e+00 : f32
        %broadcast_in_dim3A_107 = vector.broadcast %broadcast_in_dim3A_106 : f32 to vector<16xf32>
        %broadcast_in_dim3A_108 = arith.constant 0.000000e+00 : f32
        %broadcast_in_dim3A_109 = vector.broadcast %broadcast_in_dim3A_108 : f32 to vector<16xf32>
        %broadcast_in_dim3A_110 = arith.constant 0.000000e+00 : f32
        %broadcast_in_dim3A_111 = vector.broadcast %broadcast_in_dim3A_110 : f32 to vector<16xf32>
        %broadcast_in_dim3A_112 = arith.constant 0.000000e+00 : f32
        %broadcast_in_dim3A_113 = vector.broadcast %broadcast_in_dim3A_112 : f32 to vector<16xf32>
        %broadcast_in_dim3A_114 = arith.constant 0.000000e+00 : f32
        %broadcast_in_dim3A_115 = vector.broadcast %broadcast_in_dim3A_114 : f32 to vector<16xf32>
        %slice3A = vector.extract_strided_slice %mul3A_100 {offsets = [0], sizes = [1], strides = [1]} : vector<16xf32> to vector<1xf32>
        %squeeze3A = vector.extract %slice3A[0] : f32 from vector<1xf32>
        %broadcast_in_dim3A_116 = vector.broadcast %squeeze3A : f32 to vector<16xf32>
        %get3A_117 = arith.index_cast %scan3A_90 : i32 to index
        %get3A_118 = arith.constant 0 : index
        %get3A_119 = tpu.vector_load %arg13[%get3A_117, %get3A_118] {strides = array<i32>} : memref<16x1024xf32, #tpu.memory_space<vmem>>, vector<1x16xf32>,
        %get3A_120 = vector.shape_cast %get3A_119 : vector<1x16xf32> to vector<16xf32>
        %mul3A_121 = arith.mulf %broadcast_in_dim3A_116, %get3A_120 : vector<16xf32>
        %add3A_122 = arith.addf %broadcast_in_dim3A_101, %mul3A_121 : vector<16xf32>
        %get3A_123 = arith.index_cast %scan3A_90 : i32 to index
        %get3A_124 = arith.constant 16 : index
        %get3A_125 = tpu.vector_load %arg13[%get3A_123, %get3A_124] {strides = array<i32>} : memref<16x1024xf32, #tpu.memory_space<vmem>>, vector<1x16xf32>,
        %get3A_126 = vector.shape_cast %get3A_125 : vector<1x16xf32> to vector<16xf32>
        %mul3A_127 = arith.mulf %broadcast_in_dim3A_116, %get3A_126 : vector<16xf32>
        %add3A_128 = arith.addf %broadcast_in_dim3A_103, %mul3A_127 : vector<16xf32>
        %get3A_129 = arith.index_cast %scan3A_90 : i32 to index
        %get3A_130 = arith.constant 32 : index
        %get3A_131 = tpu.vector_load %arg13[%get3A_129, %get3A_130] {strides = array<i32>} : memref<16x1024xf32, #tpu.memory_space<vmem>>, vector<1x16xf32>,
        %get3A_132 = vector.shape_cast %get3A_131 : vector<1x16xf32> to vector<16xf32>
        %mul3A_133 = arith.mulf %broadcast_in_dim3A_116, %get3A_132 : vector<16xf32>
        %add3A_134 = arith.addf %broadcast_in_dim3A_105, %mul3A_133 : vector<16xf32>
        %get3A_135 = arith.index_cast %scan3A_90 : i32 to index
        %get3A_136 = arith.constant 48 : index
        %get3A_137 = tpu.vector_load %arg13[%get3A_135, %get3A_136] {strides = array<i32>} : memref<16x1024xf32, #tpu.memory_space<vmem>>, vector<1x16xf32>,
        %get3A_138 = vector.shape_cast %get3A_137 : vector<1x16xf32> to vector<16xf32>
        %mul3A_139 = arith.mulf %broadcast_in_dim3A_116, %get3A_138 : vector<16xf32>
        %add3A_140 = arith.addf %broadcast_in_dim3A_107, %mul3A_139 : vector<16xf32>
        %get3A_141 = arith.index_cast %scan3A_90 : i32 to index
        %get3A_142 = arith.constant 64 : index
        %get3A_143 = tpu.vector_load %arg13[%get3A_141, %get3A_142] {strides = array<i32>} : memref<16x1024xf32, #tpu.memory_space<vmem>>, vector<1x16xf32>,
        %get3A_144 = vector.shape_cast %get3A_143 : vector<1x16xf32> to vector<16xf32>
        %mul3A_145 = arith.mulf %broadcast_in_dim3A_116, %get3A_144 : vector<16xf32>
        %add3A_146 = arith.addf %broadcast_in_dim3A_109, %mul3A_145 : vector<16xf32>
        %get3A_147 = arith.index_cast %scan3A_90 : i32 to index
        %get3A_148 = arith.constant 80 : index
        %get3A_149 = tpu.vector_load %arg13[%get3A_147, %get3A_148] {strides = array<i32>} : memref<16x1024xf32, #tpu.memory_space<vmem>>, vector<1x16xf32>,
        %get3A_150 = vector.shape_cast %get3A_149 : vector<1x16xf32> to vector<16xf32>
        %mul3A_151 = arith.mulf %broadcast_in_dim3A_116, %get3A_150 : vector<16xf32>
        %add3A_152 = arith.addf %broadcast_in_dim3A_111, %mul3A_151 : vector<16xf32>
        %get3A_153 = arith.index_cast %scan3A_90 : i32 to index
        %get3A_154 = arith.constant 96 : index
        %get3A_155 = tpu.vector_load %arg13[%get3A_153, %get3A_154] {strides = array<i32>} : memref<16x1024xf32, #tpu.memory_space<vmem>>, vector<1x16xf32>,
        %get3A_156 = vector.shape_cast %get3A_155 : vector<1x16xf32> to vector<16xf32>
        %mul3A_157 = arith.mulf %broadcast_in_dim3A_116, %get3A_156 : vector<16xf32>
        %add3A_158 = arith.addf %broadcast_in_dim3A_113, %mul3A_157 : vector<16xf32>
        %get3A_159 = arith.index_cast %scan3A_90 : i32 to index
        %get3A_160 = arith.constant 112 : index
        %get3A_161 = tpu.vector_load %arg13[%get3A_159, %get3A_160] {strides = array<i32>} : memref<16x1024xf32, #tpu.memory_space<vmem>>, vector<1x16xf32>,
        %get3A_162 = vector.shape_cast %get3A_161 : vector<1x16xf32> to vector<16xf32>
        %mul3A_163 = arith.mulf %broadcast_in_dim3A_116, %get3A_162 : vector<16xf32>
        %add3A_164 = arith.addf %broadcast_in_dim3A_115, %mul3A_163 : vector<16xf32>
        %slice3A_165 = vector.extract_strided_slice %mul3A_100 {offsets = [1], sizes = [1], strides = [1]} : vector<16xf32> to vector<1xf32>
        %squeeze3A_166 = vector.extract %slice3A_165[0] : f32 from vector<1xf32>
        %broadcast_in_dim3A_167 = vector.broadcast %squeeze3A_166 : f32 to vector<16xf32>
        %get3A_168 = arith.index_cast %scan3A_90 : i32 to index
        %get3A_169 = arith.constant 128 : index
        %get3A_170 = tpu.vector_load %arg13[%get3A_168, %get3A_169] {strides = array<i32>} : memref<16x1024xf32, #tpu.memory_space<vmem>>, vector<1x16xf32>,
        %get3A_171 = vector.shape_cast %get3A_170 : vector<1x16xf32> to vector<16xf32>
        %mul3A_172 = arith.mulf %broadcast_in_dim3A_167, %get3A_171 : vector<16xf32>
        %add3A_173 = arith.addf %add3A_122, %mul3A_172 : vector<16xf32>
        %get3A_174 = arith.index_cast %scan3A_90 : i32 to index
        %get3A_175 = arith.constant 144 : index
        %get3A_176 = tpu.vector_load %arg13[%get3A_174, %get3A_175] {strides = array<i32>} : memref<16x1024xf32, #tpu.memory_space<vmem>>, vector<1x16xf32>,
        %get3A_177 = vector.shape_cast %get3A_176 : vector<1x16xf32> to vector<16xf32>
        %mul3A_178 = arith.mulf %broadcast_in_dim3A_167, %get3A_177 : vector<16xf32>
        %add3A_179 = arith.addf %add3A_128, %mul3A_178 : vector<16xf32>
        %get3A_180 = arith.index_cast %scan3A_90 : i32 to index
        %get3A_181 = arith.constant 160 : index
        %get3A_182 = tpu.vector_load %arg13[%get3A_180, %get3A_181] {strides = array<i32>} : memref<16x1024xf32, #tpu.memory_space<vmem>>, vector<1x16xf32>,
        %get3A_183 = vector.shape_cast %get3A_182 : vector<1x16xf32> to vector<16xf32>
        %mul3A_184 = arith.mulf %broadcast_in_dim3A_167, %get3A_183 : vector<16xf32>
        %add3A_185 = arith.addf %add3A_134, %mul3A_184 : vector<16xf32>
        %get3A_186 = arith.index_cast %scan3A_90 : i32 to index
        %get3A_187 = arith.constant 176 : index
        %get3A_188 = tpu.vector_load %arg13[%get3A_186, %get3A_187] {strides = array<i32>} : memref<16x1024xf32, #tpu.memory_space<vmem>>, vector<1x16xf32>,
        %get3A_189 = vector.shape_cast %get3A_188 : vector<1x16xf32> to vector<16xf32>
        %mul3A_190 = arith.mulf %broadcast_in_dim3A_167, %get3A_189 : vector<16xf32>
        %add3A_191 = arith.addf %add3A_140, %mul3A_190 : vector<16xf32>
        %get3A_192 = arith.index_cast %scan3A_90 : i32 to index
        %get3A_193 = arith.constant 192 : index
        %get3A_194 = tpu.vector_load %arg13[%get3A_192, %get3A_193] {strides = array<i32>} : memref<16x1024xf32, #tpu.memory_space<vmem>>, vector<1x16xf32>,
        %get3A_195 = vector.shape_cast %get3A_194 : vector<1x16xf32> to vector<16xf32>
        %mul3A_196 = arith.mulf %broadcast_in_dim3A_167, %get3A_195 : vector<16xf32>
        %add3A_197 = arith.addf %add3A_146, %mul3A_196 : vector<16xf32>
        %get3A_198 = arith.index_cast %scan3A_90 : i32 to index
        %get3A_199 = arith.constant 208 : index
        %get3A_200 = tpu.vector_load %arg13[%get3A_198, %get3A_199] {strides = array<i32>} : memref<16x1024xf32, #tpu.memory_space<vmem>>, vector<1x16xf32>,
        %get3A_201 = vector.shape_cast %get3A_200 : vector<1x16xf32> to vector<16xf32>
        %mul3A_202 = arith.mulf %broadcast_in_dim3A_167, %get3A_201 : vector<16xf32>
        %add3A_203 = arith.addf %add3A_152, %mul3A_202 : vector<16xf32>
        %get3A_204 = arith.index_cast %scan3A_90 : i32 to index
        %get3A_205 = arith.constant 224 : index
        %get3A_206 = tpu.vector_load %arg13[%get3A_204, %get3A_205] {strides = array<i32>} : memref<16x1024xf32, #tpu.memory_space<vmem>>, vector<1x16xf32>,
        %get3A_207 = vector.shape_cast %get3A_206 : vector<1x16xf32> to vector<16xf32>
        %mul3A_208 = arith.mulf %broadcast_in_dim3A_167, %get3A_207 : vector<16xf32>
        %add3A_209 = arith.addf %add3A_158, %mul3A_208 : vector<16xf32>
        %get3A_210 = arith.index_cast %scan3A_90 : i32 to index
        %get3A_211 = arith.constant 240 : index
        %get3A_212 = tpu.vector_load %arg13[%get3A_210, %get3A_211] {strides = array<i32>} : memref<16x1024xf32, #tpu.memory_space<vmem>>, vector<1x16xf32>,
        %get3A_213 = vector.shape_cast %get3A_212 : vector<1x16xf32> to vector<16xf32>
        %mul3A_214 = arith.mulf %broadcast_in_dim3A_167, %get3A_213 : vector<16xf32>
        %add3A_215 = arith.addf %add3A_164, %mul3A_214 : vector<16xf32>
        %slice3A_216 = vector.extract_strided_slice %mul3A_100 {offsets = [2], sizes = [1], strides = [1]} : vector<16xf32> to vector<1xf32>
        %squeeze3A_217 = vector.extract %slice3A_216[0] : f32 from vector<1xf32>
        %broadcast_in_dim3A_218 = vector.broadcast %squeeze3A_217 : f32 to vector<16xf32>
        %get3A_219 = arith.index_cast %scan3A_90 : i32 to index
        %get3A_220 = arith.constant 256 : index
        %get3A_221 = tpu.vector_load %arg13[%get3A_219, %get3A_220] {strides = array<i32>} : memref<16x1024xf32, #tpu.memory_space<vmem>>, vector<1x16xf32>,
        %get3A_222 = vector.shape_cast %get3A_221 : vector<1x16xf32> to vector<16xf32>
        %mul3A_223 = arith.mulf %broadcast_in_dim3A_218, %get3A_222 : vector<16xf32>
        %add3A_224 = arith.addf %add3A_173, %mul3A_223 : vector<16xf32>
        %get3A_225 = arith.index_cast %scan3A_90 : i32 to index
        %get3A_226 = arith.constant 272 : index
        %get3A_227 = tpu.vector_load %arg13[%get3A_225, %get3A_226] {strides = array<i32>} : memref<16x1024xf32, #tpu.memory_space<vmem>>, vector<1x16xf32>,
        %get3A_228 = vector.shape_cast %get3A_227 : vector<1x16xf32> to vector<16xf32>
        %mul3A_229 = arith.mulf %broadcast_in_dim3A_218, %get3A_228 : vector<16xf32>
        %add3A_230 = arith.addf %add3A_179, %mul3A_229 : vector<16xf32>
        %get3A_231 = arith.index_cast %scan3A_90 : i32 to index
        %get3A_232 = arith.constant 288 : index
        %get3A_233 = tpu.vector_load %arg13[%get3A_231, %get3A_232] {strides = array<i32>} : memref<16x1024xf32, #tpu.memory_space<vmem>>, vector<1x16xf32>,
        %get3A_234 = vector.shape_cast %get3A_233 : vector<1x16xf32> to vector<16xf32>
        %mul3A_235 = arith.mulf %broadcast_in_dim3A_218, %get3A_234 : vector<16xf32>
        %add3A_236 = arith.addf %add3A_185, %mul3A_235 : vector<16xf32>
        %get3A_237 = arith.index_cast %scan3A_90 : i32 to index
        %get3A_238 = arith.constant 304 : index
        %get3A_239 = tpu.vector_load %arg13[%get3A_237, %get3A_238] {strides = array<i32>} : memref<16x1024xf32, #tpu.memory_space<vmem>>, vector<1x16xf32>,
        %get3A_240 = vector.shape_cast %get3A_239 : vector<1x16xf32> to vector<16xf32>
        %mul3A_241 = arith.mulf %broadcast_in_dim3A_218, %get3A_240 : vector<16xf32>
        %add3A_242 = arith.addf %add3A_191, %mul3A_241 : vector<16xf32>
        %get3A_243 = arith.index_cast %scan3A_90 : i32 to index
        %get3A_244 = arith.constant 320 : index
        %get3A_245 = tpu.vector_load %arg13[%get3A_243, %get3A_244] {strides = array<i32>} : memref<16x1024xf32, #tpu.memory_space<vmem>>, vector<1x16xf32>,
        %get3A_246 = vector.shape_cast %get3A_245 : vector<1x16xf32> to vector<16xf32>
        %mul3A_247 = arith.mulf %broadcast_in_dim3A_218, %get3A_246 : vector<16xf32>
        %add3A_248 = arith.addf %add3A_197, %mul3A_247 : vector<16xf32>
        %get3A_249 = arith.index_cast %scan3A_90 : i32 to index
        %get3A_250 = arith.constant 336 : index
        %get3A_251 = tpu.vector_load %arg13[%get3A_249, %get3A_250] {strides = array<i32>} : memref<16x1024xf32, #tpu.memory_space<vmem>>, vector<1x16xf32>,
        %get3A_252 = vector.shape_cast %get3A_251 : vector<1x16xf32> to vector<16xf32>
        %mul3A_253 = arith.mulf %broadcast_in_dim3A_218, %get3A_252 : vector<16xf32>
        %add3A_254 = arith.addf %add3A_203, %mul3A_253 : vector<16xf32>
        %get3A_255 = arith.index_cast %scan3A_90 : i32 to index
        %get3A_256 = arith.constant 352 : index
        %get3A_257 = tpu.vector_load %arg13[%get3A_255, %get3A_256] {strides = array<i32>} : memref<16x1024xf32, #tpu.memory_space<vmem>>, vector<1x16xf32>,
        %get3A_258 = vector.shape_cast %get3A_257 : vector<1x16xf32> to vector<16xf32>
        %mul3A_259 = arith.mulf %broadcast_in_dim3A_218, %get3A_258 : vector<16xf32>
        %add3A_260 = arith.addf %add3A_209, %mul3A_259 : vector<16xf32>
        %get3A_261 = arith.index_cast %scan3A_90 : i32 to index
        %get3A_262 = arith.constant 368 : index
        %get3A_263 = tpu.vector_load %arg13[%get3A_261, %get3A_262] {strides = array<i32>} : memref<16x1024xf32, #tpu.memory_space<vmem>>, vector<1x16xf32>,
        %get3A_264 = vector.shape_cast %get3A_263 : vector<1x16xf32> to vector<16xf32>
        %mul3A_265 = arith.mulf %broadcast_in_dim3A_218, %get3A_264 : vector<16xf32>
        %add3A_266 = arith.addf %add3A_215, %mul3A_265 : vector<16xf32>
        %slice3A_267 = vector.extract_strided_slice %mul3A_100 {offsets = [3], sizes = [1], strides = [1]} : vector<16xf32> to vector<1xf32>
        %squeeze3A_268 = vector.extract %slice3A_267[0] : f32 from vector<1xf32>
        %broadcast_in_dim3A_269 = vector.broadcast %squeeze3A_268 : f32 to vector<16xf32>
        %get3A_270 = arith.index_cast %scan3A_90 : i32 to index
        %get3A_271 = arith.constant 384 : index
        %get3A_272 = tpu.vector_load %arg13[%get3A_270, %get3A_271] {strides = array<i32>} : memref<16x1024xf32, #tpu.memory_space<vmem>>, vector<1x16xf32>,
        %get3A_273 = vector.shape_cast %get3A_272 : vector<1x16xf32> to vector<16xf32>
        %mul3A_274 = arith.mulf %broadcast_in_dim3A_269, %get3A_273 : vector<16xf32>
        %add3A_275 = arith.addf %add3A_224, %mul3A_274 : vector<16xf32>
        %get3A_276 = arith.index_cast %scan3A_90 : i32 to index
        %get3A_277 = arith.constant 400 : index
        %get3A_278 = tpu.vector_load %arg13[%get3A_276, %get3A_277] {strides = array<i32>} : memref<16x1024xf32, #tpu.memory_space<vmem>>, vector<1x16xf32>,
        %get3A_279 = vector.shape_cast %get3A_278 : vector<1x16xf32> to vector<16xf32>
        %mul3A_280 = arith.mulf %broadcast_in_dim3A_269, %get3A_279 : vector<16xf32>
        %add3A_281 = arith.addf %add3A_230, %mul3A_280 : vector<16xf32>
        %get3A_282 = arith.index_cast %scan3A_90 : i32 to index
        %get3A_283 = arith.constant 416 : index
        %get3A_284 = tpu.vector_load %arg13[%get3A_282, %get3A_283] {strides = array<i32>} : memref<16x1024xf32, #tpu.memory_space<vmem>>, vector<1x16xf32>,
        %get3A_285 = vector.shape_cast %get3A_284 : vector<1x16xf32> to vector<16xf32>
        %mul3A_286 = arith.mulf %broadcast_in_dim3A_269, %get3A_285 : vector<16xf32>
        %add3A_287 = arith.addf %add3A_236, %mul3A_286 : vector<16xf32>
        %get3A_288 = arith.index_cast %scan3A_90 : i32 to index
        %get3A_289 = arith.constant 432 : index
        %get3A_290 = tpu.vector_load %arg13[%get3A_288, %get3A_289] {strides = array<i32>} : memref<16x1024xf32, #tpu.memory_space<vmem>>, vector<1x16xf32>,
        %get3A_291 = vector.shape_cast %get3A_290 : vector<1x16xf32> to vector<16xf32>
        %mul3A_292 = arith.mulf %broadcast_in_dim3A_269, %get3A_291 : vector<16xf32>
        %add3A_293 = arith.addf %add3A_242, %mul3A_292 : vector<16xf32>
        %get3A_294 = arith.index_cast %scan3A_90 : i32 to index
        %get3A_295 = arith.constant 448 : index
        %get3A_296 = tpu.vector_load %arg13[%get3A_294, %get3A_295] {strides = array<i32>} : memref<16x1024xf32, #tpu.memory_space<vmem>>, vector<1x16xf32>,
        %get3A_297 = vector.shape_cast %get3A_296 : vector<1x16xf32> to vector<16xf32>
        %mul3A_298 = arith.mulf %broadcast_in_dim3A_269, %get3A_297 : vector<16xf32>
        %add3A_299 = arith.addf %add3A_248, %mul3A_298 : vector<16xf32>
        %get3A_300 = arith.index_cast %scan3A_90 : i32 to index
        %get3A_301 = arith.constant 464 : index
        %get3A_302 = tpu.vector_load %arg13[%get3A_300, %get3A_301] {strides = array<i32>} : memref<16x1024xf32, #tpu.memory_space<vmem>>, vector<1x16xf32>,
        %get3A_303 = vector.shape_cast %get3A_302 : vector<1x16xf32> to vector<16xf32>
        %mul3A_304 = arith.mulf %broadcast_in_dim3A_269, %get3A_303 : vector<16xf32>
        %add3A_305 = arith.addf %add3A_254, %mul3A_304 : vector<16xf32>
        %get3A_306 = arith.index_cast %scan3A_90 : i32 to index
        %get3A_307 = arith.constant 480 : index
        %get3A_308 = tpu.vector_load %arg13[%get3A_306, %get3A_307] {strides = array<i32>} : memref<16x1024xf32, #tpu.memory_space<vmem>>, vector<1x16xf32>,
        %get3A_309 = vector.shape_cast %get3A_308 : vector<1x16xf32> to vector<16xf32>
        %mul3A_310 = arith.mulf %broadcast_in_dim3A_269, %get3A_309 : vector<16xf32>
        %add3A_311 = arith.addf %add3A_260, %mul3A_310 : vector<16xf32>
        %get3A_312 = arith.index_cast %scan3A_90 : i32 to index
        %get3A_313 = arith.constant 496 : index
        %get3A_314 = tpu.vector_load %arg13[%get3A_312, %get3A_313] {strides = array<i32>} : memref<16x1024xf32, #tpu.memory_space<vmem>>, vector<1x16xf32>,
        %get3A_315 = vector.shape_cast %get3A_314 : vector<1x16xf32> to vector<16xf32>
        %mul3A_316 = arith.mulf %broadcast_in_dim3A_269, %get3A_315 : vector<16xf32>
        %add3A_317 = arith.addf %add3A_266, %mul3A_316 : vector<16xf32>
        %slice3A_318 = vector.extract_strided_slice %mul3A_100 {offsets = [4], sizes = [1], strides = [1]} : vector<16xf32> to vector<1xf32>
        %squeeze3A_319 = vector.extract %slice3A_318[0] : f32 from vector<1xf32>
        %broadcast_in_dim3A_320 = vector.broadcast %squeeze3A_319 : f32 to vector<16xf32>
        %get3A_321 = arith.index_cast %scan3A_90 : i32 to index
        %get3A_322 = arith.constant 512 : index
        %get3A_323 = tpu.vector_load %arg13[%get3A_321, %get3A_322] {strides = array<i32>} : memref<16x1024xf32, #tpu.memory_space<vmem>>, vector<1x16xf32>,
        %get3A_324 = vector.shape_cast %get3A_323 : vector<1x16xf32> to vector<16xf32>
        %mul3A_325 = arith.mulf %broadcast_in_dim3A_320, %get3A_324 : vector<16xf32>
        %add3A_326 = arith.addf %add3A_275, %mul3A_325 : vector<16xf32>
        %get3A_327 = arith.index_cast %scan3A_90 : i32 to index
        %get3A_328 = arith.constant 528 : index
        %get3A_329 = tpu.vector_load %arg13[%get3A_327, %get3A_328] {strides = array<i32>} : memref<16x1024xf32, #tpu.memory_space<vmem>>, vector<1x16xf32>,
        %get3A_330 = vector.shape_cast %get3A_329 : vector<1x16xf32> to vector<16xf32>
        %mul3A_331 = arith.mulf %broadcast_in_dim3A_320, %get3A_330 : vector<16xf32>
        %add3A_332 = arith.addf %add3A_281, %mul3A_331 : vector<16xf32>
        %get3A_333 = arith.index_cast %scan3A_90 : i32 to index
        %get3A_334 = arith.constant 544 : index
        %get3A_335 = tpu.vector_load %arg13[%get3A_333, %get3A_334] {strides = array<i32>} : memref<16x1024xf32, #tpu.memory_space<vmem>>, vector<1x16xf32>,
        %get3A_336 = vector.shape_cast %get3A_335 : vector<1x16xf32> to vector<16xf32>
        %mul3A_337 = arith.mulf %broadcast_in_dim3A_320, %get3A_336 : vector<16xf32>
        %add3A_338 = arith.addf %add3A_287, %mul3A_337 : vector<16xf32>
        %get3A_339 = arith.index_cast %scan3A_90 : i32 to index
        %get3A_340 = arith.constant 560 : index
        %get3A_341 = tpu.vector_load %arg13[%get3A_339, %get3A_340] {strides = array<i32>} : memref<16x1024xf32, #tpu.memory_space<vmem>>, vector<1x16xf32>,
        %get3A_342 = vector.shape_cast %get3A_341 : vector<1x16xf32> to vector<16xf32>
        %mul3A_343 = arith.mulf %broadcast_in_dim3A_320, %get3A_342 : vector<16xf32>
        %add3A_344 = arith.addf %add3A_293, %mul3A_343 : vector<16xf32>
        %get3A_345 = arith.index_cast %scan3A_90 : i32 to index
        %get3A_346 = arith.constant 576 : index
        %get3A_347 = tpu.vector_load %arg13[%get3A_345, %get3A_346] {strides = array<i32>} : memref<16x1024xf32, #tpu.memory_space<vmem>>, vector<1x16xf32>,
        %get3A_348 = vector.shape_cast %get3A_347 : vector<1x16xf32> to vector<16xf32>
        %mul3A_349 = arith.mulf %broadcast_in_dim3A_320, %get3A_348 : vector<16xf32>
        %add3A_350 = arith.addf %add3A_299, %mul3A_349 : vector<16xf32>
        %get3A_351 = arith.index_cast %scan3A_90 : i32 to index
        %get3A_352 = arith.constant 592 : index
        %get3A_353 = tpu.vector_load %arg13[%get3A_351, %get3A_352] {strides = array<i32>} : memref<16x1024xf32, #tpu.memory_space<vmem>>, vector<1x16xf32>,
        %get3A_354 = vector.shape_cast %get3A_353 : vector<1x16xf32> to vector<16xf32>
        %mul3A_355 = arith.mulf %broadcast_in_dim3A_320, %get3A_354 : vector<16xf32>
        %add3A_356 = arith.addf %add3A_305, %mul3A_355 : vector<16xf32>
        %get3A_357 = arith.index_cast %scan3A_90 : i32 to index
        %get3A_358 = arith.constant 608 : index
        %get3A_359 = tpu.vector_load %arg13[%get3A_357, %get3A_358] {strides = array<i32>} : memref<16x1024xf32, #tpu.memory_space<vmem>>, vector<1x16xf32>,
        %get3A_360 = vector.shape_cast %get3A_359 : vector<1x16xf32> to vector<16xf32>
        %mul3A_361 = arith.mulf %broadcast_in_dim3A_320, %get3A_360 : vector<16xf32>
        %add3A_362 = arith.addf %add3A_311, %mul3A_361 : vector<16xf32>
        %get3A_363 = arith.index_cast %scan3A_90 : i32 to index
        %get3A_364 = arith.constant 624 : index
        %get3A_365 = tpu.vector_load %arg13[%get3A_363, %get3A_364] {strides = array<i32>} : memref<16x1024xf32, #tpu.memory_space<vmem>>, vector<1x16xf32>,
        %get3A_366 = vector.shape_cast %get3A_365 : vector<1x16xf32> to vector<16xf32>
        %mul3A_367 = arith.mulf %broadcast_in_dim3A_320, %get3A_366 : vector<16xf32>
        %add3A_368 = arith.addf %add3A_317, %mul3A_367 : vector<16xf32>
        %slice3A_369 = vector.extract_strided_slice %mul3A_100 {offsets = [5], sizes = [1], strides = [1]} : vector<16xf32> to vector<1xf32>
        %squeeze3A_370 = vector.extract %slice3A_369[0] : f32 from vector<1xf32>
        %broadcast_in_dim3A_371 = vector.broadcast %squeeze3A_370 : f32 to vector<16xf32>
        %get3A_372 = arith.index_cast %scan3A_90 : i32 to index
        %get3A_373 = arith.constant 640 : index
        %get3A_374 = tpu.vector_load %arg13[%get3A_372, %get3A_373] {strides = array<i32>} : memref<16x1024xf32, #tpu.memory_space<vmem>>, vector<1x16xf32>,
        %get3A_375 = vector.shape_cast %get3A_374 : vector<1x16xf32> to vector<16xf32>
        %mul3A_376 = arith.mulf %broadcast_in_dim3A_371, %get3A_375 : vector<16xf32>
        %add3A_377 = arith.addf %add3A_326, %mul3A_376 : vector<16xf32>
        %get3A_378 = arith.index_cast %scan3A_90 : i32 to index
        %get3A_379 = arith.constant 656 : index
        %get3A_380 = tpu.vector_load %arg13[%get3A_378, %get3A_379] {strides = array<i32>} : memref<16x1024xf32, #tpu.memory_space<vmem>>, vector<1x16xf32>,
        %get3A_381 = vector.shape_cast %get3A_380 : vector<1x16xf32> to vector<16xf32>
        %mul3A_382 = arith.mulf %broadcast_in_dim3A_371, %get3A_381 : vector<16xf32>
        %add3A_383 = arith.addf %add3A_332, %mul3A_382 : vector<16xf32>
        %get3A_384 = arith.index_cast %scan3A_90 : i32 to index
        %get3A_385 = arith.constant 672 : index
        %get3A_386 = tpu.vector_load %arg13[%get3A_384, %get3A_385] {strides = array<i32>} : memref<16x1024xf32, #tpu.memory_space<vmem>>, vector<1x16xf32>,
        %get3A_387 = vector.shape_cast %get3A_386 : vector<1x16xf32> to vector<16xf32>
        %mul3A_388 = arith.mulf %broadcast_in_dim3A_371, %get3A_387 : vector<16xf32>
        %add3A_389 = arith.addf %add3A_338, %mul3A_388 : vector<16xf32>
        %get3A_390 = arith.index_cast %scan3A_90 : i32 to index
        %get3A_391 = arith.constant 688 : index
        %get3A_392 = tpu.vector_load %arg13[%get3A_390, %get3A_391] {strides = array<i32>} : memref<16x1024xf32, #tpu.memory_space<vmem>>, vector<1x16xf32>,
        %get3A_393 = vector.shape_cast %get3A_392 : vector<1x16xf32> to vector<16xf32>
        %mul3A_394 = arith.mulf %broadcast_in_dim3A_371, %get3A_393 : vector<16xf32>
        %add3A_395 = arith.addf %add3A_344, %mul3A_394 : vector<16xf32>
        %get3A_396 = arith.index_cast %scan3A_90 : i32 to index
        %get3A_397 = arith.constant 704 : index
        %get3A_398 = tpu.vector_load %arg13[%get3A_396, %get3A_397] {strides = array<i32>} : memref<16x1024xf32, #tpu.memory_space<vmem>>, vector<1x16xf32>,
        %get3A_399 = vector.shape_cast %get3A_398 : vector<1x16xf32> to vector<16xf32>
        %mul3A_400 = arith.mulf %broadcast_in_dim3A_371, %get3A_399 : vector<16xf32>
        %add3A_401 = arith.addf %add3A_350, %mul3A_400 : vector<16xf32>
        %get3A_402 = arith.index_cast %scan3A_90 : i32 to index
        %get3A_403 = arith.constant 720 : index
        %get3A_404 = tpu.vector_load %arg13[%get3A_402, %get3A_403] {strides = array<i32>} : memref<16x1024xf32, #tpu.memory_space<vmem>>, vector<1x16xf32>,
        %get3A_405 = vector.shape_cast %get3A_404 : vector<1x16xf32> to vector<16xf32>
        %mul3A_406 = arith.mulf %broadcast_in_dim3A_371, %get3A_405 : vector<16xf32>
        %add3A_407 = arith.addf %add3A_356, %mul3A_406 : vector<16xf32>
        %get3A_408 = arith.index_cast %scan3A_90 : i32 to index
        %get3A_409 = arith.constant 736 : index
        %get3A_410 = tpu.vector_load %arg13[%get3A_408, %get3A_409] {strides = array<i32>} : memref<16x1024xf32, #tpu.memory_space<vmem>>, vector<1x16xf32>,
        %get3A_411 = vector.shape_cast %get3A_410 : vector<1x16xf32> to vector<16xf32>
        %mul3A_412 = arith.mulf %broadcast_in_dim3A_371, %get3A_411 : vector<16xf32>
        %add3A_413 = arith.addf %add3A_362, %mul3A_412 : vector<16xf32>
        %get3A_414 = arith.index_cast %scan3A_90 : i32 to index
        %get3A_415 = arith.constant 752 : index
        %get3A_416 = tpu.vector_load %arg13[%get3A_414, %get3A_415] {strides = array<i32>} : memref<16x1024xf32, #tpu.memory_space<vmem>>, vector<1x16xf32>,
        %get3A_417 = vector.shape_cast %get3A_416 : vector<1x16xf32> to vector<16xf32>
        %mul3A_418 = arith.mulf %broadcast_in_dim3A_371, %get3A_417 : vector<16xf32>
        %add3A_419 = arith.addf %add3A_368, %mul3A_418 : vector<16xf32>
        %slice3A_420 = vector.extract_strided_slice %mul3A_100 {offsets = [6], sizes = [1], strides = [1]} : vector<16xf32> to vector<1xf32>
        %squeeze3A_421 = vector.extract %slice3A_420[0] : f32 from vector<1xf32>
        %broadcast_in_dim3A_422 = vector.broadcast %squeeze3A_421 : f32 to vector<16xf32>
        %get3A_423 = arith.index_cast %scan3A_90 : i32 to index
        %get3A_424 = arith.constant 768 : index
        %get3A_425 = tpu.vector_load %arg13[%get3A_423, %get3A_424] {strides = array<i32>} : memref<16x1024xf32, #tpu.memory_space<vmem>>, vector<1x16xf32>,
        %get3A_426 = vector.shape_cast %get3A_425 : vector<1x16xf32> to vector<16xf32>
        %mul3A_427 = arith.mulf %broadcast_in_dim3A_422, %get3A_426 : vector<16xf32>
        %add3A_428 = arith.addf %add3A_377, %mul3A_427 : vector<16xf32>
        %get3A_429 = arith.index_cast %scan3A_90 : i32 to index
        %get3A_430 = arith.constant 784 : index
        %get3A_431 = tpu.vector_load %arg13[%get3A_429, %get3A_430] {strides = array<i32>} : memref<16x1024xf32, #tpu.memory_space<vmem>>, vector<1x16xf32>,
        %get3A_432 = vector.shape_cast %get3A_431 : vector<1x16xf32> to vector<16xf32>
        %mul3A_433 = arith.mulf %broadcast_in_dim3A_422, %get3A_432 : vector<16xf32>
        %add3A_434 = arith.addf %add3A_383, %mul3A_433 : vector<16xf32>
        %get3A_435 = arith.index_cast %scan3A_90 : i32 to index
        %get3A_436 = arith.constant 800 : index
        %get3A_437 = tpu.vector_load %arg13[%get3A_435, %get3A_436] {strides = array<i32>} : memref<16x1024xf32, #tpu.memory_space<vmem>>, vector<1x16xf32>,
        %get3A_438 = vector.shape_cast %get3A_437 : vector<1x16xf32> to vector<16xf32>
        %mul3A_439 = arith.mulf %broadcast_in_dim3A_422, %get3A_438 : vector<16xf32>
        %add3A_440 = arith.addf %add3A_389, %mul3A_439 : vector<16xf32>
        %get3A_441 = arith.index_cast %scan3A_90 : i32 to index
        %get3A_442 = arith.constant 816 : index
        %get3A_443 = tpu.vector_load %arg13[%get3A_441, %get3A_442] {strides = array<i32>} : memref<16x1024xf32, #tpu.memory_space<vmem>>, vector<1x16xf32>,
        %get3A_444 = vector.shape_cast %get3A_443 : vector<1x16xf32> to vector<16xf32>
        %mul3A_445 = arith.mulf %broadcast_in_dim3A_422, %get3A_444 : vector<16xf32>
        %add3A_446 = arith.addf %add3A_395, %mul3A_445 : vector<16xf32>
        %get3A_447 = arith.index_cast %scan3A_90 : i32 to index
        %get3A_448 = arith.constant 832 : index
        %get3A_449 = tpu.vector_load %arg13[%get3A_447, %get3A_448] {strides = array<i32>} : memref<16x1024xf32, #tpu.memory_space<vmem>>, vector<1x16xf32>,
        %get3A_450 = vector.shape_cast %get3A_449 : vector<1x16xf32> to vector<16xf32>
        %mul3A_451 = arith.mulf %broadcast_in_dim3A_422, %get3A_450 : vector<16xf32>
        %add3A_452 = arith.addf %add3A_401, %mul3A_451 : vector<16xf32>
        %get3A_453 = arith.index_cast %scan3A_90 : i32 to index
        %get3A_454 = arith.constant 848 : index
        %get3A_455 = tpu.vector_load %arg13[%get3A_453, %get3A_454] {strides = array<i32>} : memref<16x1024xf32, #tpu.memory_space<vmem>>, vector<1x16xf32>,
        %get3A_456 = vector.shape_cast %get3A_455 : vector<1x16xf32> to vector<16xf32>
        %mul3A_457 = arith.mulf %broadcast_in_dim3A_422, %get3A_456 : vector<16xf32>
        %add3A_458 = arith.addf %add3A_407, %mul3A_457 : vector<16xf32>
        %get3A_459 = arith.index_cast %scan3A_90 : i32 to index
        %get3A_460 = arith.constant 864 : index
        %get3A_461 = tpu.vector_load %arg13[%get3A_459, %get3A_460] {strides = array<i32>} : memref<16x1024xf32, #tpu.memory_space<vmem>>, vector<1x16xf32>,
        %get3A_462 = vector.shape_cast %get3A_461 : vector<1x16xf32> to vector<16xf32>
        %mul3A_463 = arith.mulf %broadcast_in_dim3A_422, %get3A_462 : vector<16xf32>
        %add3A_464 = arith.addf %add3A_413, %mul3A_463 : vector<16xf32>
        %get3A_465 = arith.index_cast %scan3A_90 : i32 to index
        %get3A_466 = arith.constant 880 : index
        %get3A_467 = tpu.vector_load %arg13[%get3A_465, %get3A_466] {strides = array<i32>} : memref<16x1024xf32, #tpu.memory_space<vmem>>, vector<1x16xf32>,
        %get3A_468 = vector.shape_cast %get3A_467 : vector<1x16xf32> to vector<16xf32>
        %mul3A_469 = arith.mulf %broadcast_in_dim3A_422, %get3A_468 : vector<16xf32>
        %add3A_470 = arith.addf %add3A_419, %mul3A_469 : vector<16xf32>
        %slice3A_471 = vector.extract_strided_slice %mul3A_100 {offsets = [7], sizes = [1], strides = [1]} : vector<16xf32> to vector<1xf32>
        %squeeze3A_472 = vector.extract %slice3A_471[0] : f32 from vector<1xf32>
        %broadcast_in_dim3A_473 = vector.broadcast %squeeze3A_472 : f32 to vector<16xf32>
        %get3A_474 = arith.index_cast %scan3A_90 : i32 to index
        %get3A_475 = arith.constant 896 : index
        %get3A_476 = tpu.vector_load %arg13[%get3A_474, %get3A_475] {strides = array<i32>} : memref<16x1024xf32, #tpu.memory_space<vmem>>, vector<1x16xf32>,
        %get3A_477 = vector.shape_cast %get3A_476 : vector<1x16xf32> to vector<16xf32>
        %mul3A_478 = arith.mulf %broadcast_in_dim3A_473, %get3A_477 : vector<16xf32>
        %add3A_479 = arith.addf %add3A_428, %mul3A_478 : vector<16xf32>
        %get3A_480 = arith.index_cast %scan3A_90 : i32 to index
        %get3A_481 = arith.constant 912 : index
        %get3A_482 = tpu.vector_load %arg13[%get3A_480, %get3A_481] {strides = array<i32>} : memref<16x1024xf32, #tpu.memory_space<vmem>>, vector<1x16xf32>,
        %get3A_483 = vector.shape_cast %get3A_482 : vector<1x16xf32> to vector<16xf32>
        %mul3A_484 = arith.mulf %broadcast_in_dim3A_473, %get3A_483 : vector<16xf32>
        %add3A_485 = arith.addf %add3A_434, %mul3A_484 : vector<16xf32>
        %get3A_486 = arith.index_cast %scan3A_90 : i32 to index
        %get3A_487 = arith.constant 928 : index
        %get3A_488 = tpu.vector_load %arg13[%get3A_486, %get3A_487] {strides = array<i32>} : memref<16x1024xf32, #tpu.memory_space<vmem>>, vector<1x16xf32>,
        %get3A_489 = vector.shape_cast %get3A_488 : vector<1x16xf32> to vector<16xf32>
        %mul3A_490 = arith.mulf %broadcast_in_dim3A_473, %get3A_489 : vector<16xf32>
        %add3A_491 = arith.addf %add3A_440, %mul3A_490 : vector<16xf32>
        %get3A_492 = arith.index_cast %scan3A_90 : i32 to index
        %get3A_493 = arith.constant 944 : index
        %get3A_494 = tpu.vector_load %arg13[%get3A_492, %get3A_493] {strides = array<i32>} : memref<16x1024xf32, #tpu.memory_space<vmem>>, vector<1x16xf32>,
        %get3A_495 = vector.shape_cast %get3A_494 : vector<1x16xf32> to vector<16xf32>
        %mul3A_496 = arith.mulf %broadcast_in_dim3A_473, %get3A_495 : vector<16xf32>
        %add3A_497 = arith.addf %add3A_446, %mul3A_496 : vector<16xf32>
        %get3A_498 = arith.index_cast %scan3A_90 : i32 to index
        %get3A_499 = arith.constant 960 : index
        %get3A_500 = tpu.vector_load %arg13[%get3A_498, %get3A_499] {strides = array<i32>} : memref<16x1024xf32, #tpu.memory_space<vmem>>, vector<1x16xf32>,
        %get3A_501 = vector.shape_cast %get3A_500 : vector<1x16xf32> to vector<16xf32>
        %mul3A_502 = arith.mulf %broadcast_in_dim3A_473, %get3A_501 : vector<16xf32>
        %add3A_503 = arith.addf %add3A_452, %mul3A_502 : vector<16xf32>
        %get3A_504 = arith.index_cast %scan3A_90 : i32 to index
        %get3A_505 = arith.constant 976 : index
        %get3A_506 = tpu.vector_load %arg13[%get3A_504, %get3A_505] {strides = array<i32>} : memref<16x1024xf32, #tpu.memory_space<vmem>>, vector<1x16xf32>,
        %get3A_507 = vector.shape_cast %get3A_506 : vector<1x16xf32> to vector<16xf32>
        %mul3A_508 = arith.mulf %broadcast_in_dim3A_473, %get3A_507 : vector<16xf32>
        %add3A_509 = arith.addf %add3A_458, %mul3A_508 : vector<16xf32>
        %get3A_510 = arith.index_cast %scan3A_90 : i32 to index
        %get3A_511 = arith.constant 992 : index
        %get3A_512 = tpu.vector_load %arg13[%get3A_510, %get3A_511] {strides = array<i32>} : memref<16x1024xf32, #tpu.memory_space<vmem>>, vector<1x16xf32>,
        %get3A_513 = vector.shape_cast %get3A_512 : vector<1x16xf32> to vector<16xf32>
        %mul3A_514 = arith.mulf %broadcast_in_dim3A_473, %get3A_513 : vector<16xf32>
        %add3A_515 = arith.addf %add3A_464, %mul3A_514 : vector<16xf32>
        %get3A_516 = arith.index_cast %scan3A_90 : i32 to index
        %get3A_517 = arith.constant 1008 : index
        %get3A_518 = tpu.vector_load %arg13[%get3A_516, %get3A_517] {strides = array<i32>} : memref<16x1024xf32, #tpu.memory_space<vmem>>, vector<1x16xf32>,
        %get3A_519 = vector.shape_cast %get3A_518 : vector<1x16xf32> to vector<16xf32>
        %mul3A_520 = arith.mulf %broadcast_in_dim3A_473, %get3A_519 : vector<16xf32>
        %add3A_521 = arith.addf %add3A_470, %mul3A_520 : vector<16xf32>
        %swap3A = arith.index_cast %scan3A_90 : i32 to index
        %swap3A_522 = arith.constant 0 : index
        %swap3A_523 = tpu.vector_load %arg19[%swap3A, %swap3A_522] {strides = array<i32>} : memref<16x128xf32, #tpu.memory_space<vmem>>, vector<1x16xf32>,
        %swap3A_524 = vector.shape_cast %swap3A_523 : vector<1x16xf32> to vector<16xf32>
        %swap3A_525 = vector.shape_cast %add3A_479 : vector<16xf32> to vector<1x16xf32>
        tpu.vector_store %arg19[%swap3A, %swap3A_522], %swap3A_525 {strides = array<i32>} : memref<16x128xf32, #tpu.memory_space<vmem>>, vector<1x16xf32>,
        %swap3A_526 = arith.index_cast %scan3A_90 : i32 to index
        %swap3A_527 = arith.constant 16 : index
        %swap3A_528 = tpu.vector_load %arg19[%swap3A_526, %swap3A_527] {strides = array<i32>} : memref<16x128xf32, #tpu.memory_space<vmem>>, vector<1x16xf32>,
        %swap3A_529 = vector.shape_cast %swap3A_528 : vector<1x16xf32> to vector<16xf32>
        %swap3A_530 = vector.shape_cast %add3A_485 : vector<16xf32> to vector<1x16xf32>
        tpu.vector_store %arg19[%swap3A_526, %swap3A_527], %swap3A_530 {strides = array<i32>} : memref<16x128xf32, #tpu.memory_space<vmem>>, vector<1x16xf32>,
        %swap3A_531 = arith.index_cast %scan3A_90 : i32 to index
        %swap3A_532 = arith.constant 32 : index
        %swap3A_533 = tpu.vector_load %arg19[%swap3A_531, %swap3A_532] {strides = array<i32>} : memref<16x128xf32, #tpu.memory_space<vmem>>, vector<1x16xf32>,
        %swap3A_534 = vector.shape_cast %swap3A_533 : vector<1x16xf32> to vector<16xf32>
        %swap3A_535 = vector.shape_cast %add3A_491 : vector<16xf32> to vector<1x16xf32>
        tpu.vector_store %arg19[%swap3A_531, %swap3A_532], %swap3A_535 {strides = array<i32>} : memref<16x128xf32, #tpu.memory_space<vmem>>, vector<1x16xf32>,
        %swap3A_536 = arith.index_cast %scan3A_90 : i32 to index
        %swap3A_537 = arith.constant 48 : index
        %swap3A_538 = tpu.vector_load %arg19[%swap3A_536, %swap3A_537] {strides = array<i32>} : memref<16x128xf32, #tpu.memory_space<vmem>>, vector<1x16xf32>,
        %swap3A_539 = vector.shape_cast %swap3A_538 : vector<1x16xf32> to vector<16xf32>
        %swap3A_540 = vector.shape_cast %add3A_497 : vector<16xf32> to vector<1x16xf32>
        tpu.vector_store %arg19[%swap3A_536, %swap3A_537], %swap3A_540 {strides = array<i32>} : memref<16x128xf32, #tpu.memory_space<vmem>>, vector<1x16xf32>,
        %swap3A_541 = arith.index_cast %scan3A_90 : i32 to index
        %swap3A_542 = arith.constant 64 : index
        %swap3A_543 = tpu.vector_load %arg19[%swap3A_541, %swap3A_542] {strides = array<i32>} : memref<16x128xf32, #tpu.memory_space<vmem>>, vector<1x16xf32>,
        %swap3A_544 = vector.shape_cast %swap3A_543 : vector<1x16xf32> to vector<16xf32>
        %swap3A_545 = vector.shape_cast %add3A_503 : vector<16xf32> to vector<1x16xf32>
        tpu.vector_store %arg19[%swap3A_541, %swap3A_542], %swap3A_545 {strides = array<i32>} : memref<16x128xf32, #tpu.memory_space<vmem>>, vector<1x16xf32>,
        %swap3A_546 = arith.index_cast %scan3A_90 : i32 to index
        %swap3A_547 = arith.constant 80 : index
        %swap3A_548 = tpu.vector_load %arg19[%swap3A_546, %swap3A_547] {strides = array<i32>} : memref<16x128xf32, #tpu.memory_space<vmem>>, vector<1x16xf32>,
        %swap3A_549 = vector.shape_cast %swap3A_548 : vector<1x16xf32> to vector<16xf32>
        %swap3A_550 = vector.shape_cast %add3A_509 : vector<16xf32> to vector<1x16xf32>
        tpu.vector_store %arg19[%swap3A_546, %swap3A_547], %swap3A_550 {strides = array<i32>} : memref<16x128xf32, #tpu.memory_space<vmem>>, vector<1x16xf32>,
        %swap3A_551 = arith.index_cast %scan3A_90 : i32 to index
        %swap3A_552 = arith.constant 96 : index
        %swap3A_553 = tpu.vector_load %arg19[%swap3A_551, %swap3A_552] {strides = array<i32>} : memref<16x128xf32, #tpu.memory_space<vmem>>, vector<1x16xf32>,
        %swap3A_554 = vector.shape_cast %swap3A_553 : vector<1x16xf32> to vector<16xf32>
        %swap3A_555 = vector.shape_cast %add3A_515 : vector<16xf32> to vector<1x16xf32>
        tpu.vector_store %arg19[%swap3A_551, %swap3A_552], %swap3A_555 {strides = array<i32>} : memref<16x128xf32, #tpu.memory_space<vmem>>, vector<1x16xf32>,
        %swap3A_556 = arith.index_cast %scan3A_90 : i32 to index
        %swap3A_557 = arith.constant 112 : index
        %swap3A_558 = tpu.vector_load %arg19[%swap3A_556, %swap3A_557] {strides = array<i32>} : memref<16x128xf32, #tpu.memory_space<vmem>>, vector<1x16xf32>,
        %swap3A_559 = vector.shape_cast %swap3A_558 : vector<1x16xf32> to vector<16xf32>
        %swap3A_560 = vector.shape_cast %add3A_521 : vector<16xf32> to vector<1x16xf32>
        tpu.vector_store %arg19[%swap3A_556, %swap3A_557], %swap3A_560 {strides = array<i32>} : memref<16x128xf32, #tpu.memory_space<vmem>>, vector<1x16xf32>,
        %scan3A_561 = arith.constant 0 : i32
        scf.yield %scan3A_561 : i32
      }
      %scan3A_60 = arith.constant 16 : i32
      "tpu.region"() ({
        %run_scoped3A = tpu.sem_alloc : memref<!tpu.dma_semaphore, #tpu.memory_space<semaphore_mem>>
        %dma_start3A_90 = arith.constant 0 : i32
        %dma_start3A_91 = arith.constant 0 : i32
        %dma_start3A_92 = tpu.memref_slice %arg21[%dma_start3A_90, %dma_start3A_91] : memref<10240x128xf32, #tpu.memory_space<vmem_shared>> -> memref<10240x128xf32, #tpu.memory_space<vmem_shared>>
        tpu.enqueue_indirect_dma source(%arg19 : memref<16x128xf32, #tpu.memory_space<vmem>>) target(%dma_start3A_92 : memref<10240x128xf32, #tpu.memory_space<vmem_shared>>) offsets(%arg11 : memref<16xi32, #tpu.memory_space<vmem>>) semaphore(%run_scoped3A : memref<!tpu.dma_semaphore, #tpu.memory_space<semaphore_mem>>) {add = true}
        %dma_wait3A_93 = arith.constant 0 : i32
        %dma_wait3A_94 = arith.constant 0 : i32
        %dma_wait3A_95 = tpu.memref_slice %arg21[%dma_wait3A_93, %dma_wait3A_94] : memref<10240x128xf32, #tpu.memory_space<vmem_shared>> -> memref<10240x128xf32, #tpu.memory_space<vmem_shared>>
        tpu.wait_indirect_dma semaphore(%run_scoped3A : memref<!tpu.dma_semaphore, #tpu.memory_space<semaphore_mem>>) src(%arg19 : memref<16x128xf32, #tpu.memory_space<vmem>>) dst(%dma_wait3A_95 : memref<10240x128xf32, #tpu.memory_space<vmem_shared>>)
        tpu.yield
      }) : () -> ()
      %mul3A_61 = arith.constant 2 : i32
      %mul3A_62 = arith.muli %mul3A_61, %scan3A_35 : i32
      %add3A_63 = arith.constant 1 : i32
      %add3A_64 = arith.addi %mul3A_62, %add3A_63 : i32
      %dma_wait3A_65 = arith.constant 0 : i32
      %dma_wait3A_66 = arith.constant 0 : i32
      %dma_wait3A_67 = tpu.memref_slice %arg4[%dma_wait3A_65, %dma_wait3A_66] : memref<10240x1024xf32, #tpu.memory_space<hbm>> -> memref<10240x1024xf32, #tpu.memory_space<hbm>>
      tpu.wait_indirect_dma semaphore(%arg23 : memref<!tpu.dma_semaphore, #tpu.memory_space<semaphore_mem>>) src(%dma_wait3A_67 : memref<10240x1024xf32, #tpu.memory_space<hbm>>) dst(%arg14 : memref<16x1024xf32, #tpu.memory_space<vmem>>)
      %dma_wait3A_68 = arith.constant 0 : i32
      %dma_wait3A_69 = arith.constant 0 : i32
      %dma_wait3A_70 = tpu.memref_slice %arg6[%dma_wait3A_68, %dma_wait3A_69] : memref<10240x128xf32, #tpu.memory_space<hbm>> -> memref<10240x128xf32, #tpu.memory_space<hbm>>
      tpu.wait_indirect_dma semaphore(%arg25 : memref<!tpu.dma_semaphore, #tpu.memory_space<semaphore_mem>>) src(%dma_wait3A_70 : memref<10240x128xf32, #tpu.memory_space<hbm>>) dst(%arg18 : memref<16x128xf32, #tpu.memory_space<vmem>>)
      %dma_wait3A_71 = arith.constant 0 : i32
      %dma_wait3A_72 = tpu.memref_slice %arg5[%dma_wait3A_71] : memref<5308416xf32, #tpu.memory_space<hbm>> -> memref<256xf32, #tpu.memory_space<hbm>>
      %dma_wait3A_73 = arith.constant 0 : i32
      %dma_wait3A_74 = tpu.memref_slice %arg5[%dma_wait3A_73] : memref<5308416xf32, #tpu.memory_space<hbm>> -> memref<256xf32, #tpu.memory_space<hbm>>
      tpu.wait_dma2 semaphore(%arg27 : memref<!tpu.dma_semaphore, #tpu.memory_space<semaphore_mem>>) src(%dma_wait3A_74 : memref<256xf32, #tpu.memory_space<hbm>>) dst(%arg16 : memref<256xf32, #tpu.memory_space<vmem>>)
      %add3A_75 = arith.constant 1 : i32
      %add3A_76 = arith.addi %add3A_64, %add3A_75 : i32
      %lt3A_77 = arith.constant 648 : i32
      %lt3A_78 = arith.cmpi slt, %add3A_76, %lt3A_77 : i32
      %convert_element_type3A_79 = arith.extui %lt3A_78 : i1 to i32
      %cond3A_80 = arith.constant 0 : i32
      %cond3A_81 = arith.cmpi ne, %convert_element_type3A_79, %cond3A_80 : i32
      scf.if %cond3A_81 {
        %add3A_90 = arith.constant 1 : i32
        %add3A_91 = arith.addi %add3A_64, %add3A_90 : i32
        %mul3A_92 = arith.constant 16 : i32
        %mul3A_93 = arith.muli %add3A_91, %mul3A_92 : i32
        %add3A_94 = arith.addi %mul3A_8, %mul3A_93 : i32
        "tpu.region"() ({
          %run_scoped3A = tpu.sem_alloc : memref<!tpu.dma_semaphore, #tpu.memory_space<semaphore_mem>>
          %dma_start3A_105 = tpu.memref_slice %arg2[%add3A_94] : memref<331776xi32, #tpu.memory_space<hbm>> -> memref<16xi32, #tpu.memory_space<hbm>>
          %dma_start3A_106 = tpu.memref_slice %arg2[%add3A_94] : memref<331776xi32, #tpu.memory_space<hbm>> -> memref<16xi32, #tpu.memory_space<hbm>>
          tpu.enqueue_dma source(%dma_start3A_106 : memref<16xi32, #tpu.memory_space<hbm>>) target(%arg9 : memref<16xi32, #tpu.memory_space<vmem>>) target_semaphore(%run_scoped3A : memref<!tpu.dma_semaphore, #tpu.memory_space<semaphore_mem>>)
          %dma_wait3A_107 = tpu.memref_slice %arg2[%add3A_94] : memref<331776xi32, #tpu.memory_space<hbm>> -> memref<16xi32, #tpu.memory_space<hbm>>
          %dma_wait3A_108 = tpu.memref_slice %arg2[%add3A_94] : memref<331776xi32, #tpu.memory_space<hbm>> -> memref<16xi32, #tpu.memory_space<hbm>>
          tpu.wait_dma2 semaphore(%run_scoped3A : memref<!tpu.dma_semaphore, #tpu.memory_space<semaphore_mem>>) src(%dma_wait3A_108 : memref<16xi32, #tpu.memory_space<hbm>>) dst(%arg9 : memref<16xi32, #tpu.memory_space<vmem>>)
          tpu.yield
        }) : () -> ()
        "tpu.region"() ({
          %run_scoped3A = tpu.sem_alloc : memref<!tpu.dma_semaphore, #tpu.memory_space<semaphore_mem>>
          %dma_start3A_105 = tpu.memref_slice %arg3[%add3A_94] : memref<331776xi32, #tpu.memory_space<hbm>> -> memref<16xi32, #tpu.memory_space<hbm>>
          %dma_start3A_106 = tpu.memref_slice %arg3[%add3A_94] : memref<331776xi32, #tpu.memory_space<hbm>> -> memref<16xi32, #tpu.memory_space<hbm>>
          tpu.enqueue_dma source(%dma_start3A_106 : memref<16xi32, #tpu.memory_space<hbm>>) target(%arg11 : memref<16xi32, #tpu.memory_space<vmem>>) target_semaphore(%run_scoped3A : memref<!tpu.dma_semaphore, #tpu.memory_space<semaphore_mem>>)
          %dma_wait3A_107 = tpu.memref_slice %arg3[%add3A_94] : memref<331776xi32, #tpu.memory_space<hbm>> -> memref<16xi32, #tpu.memory_space<hbm>>
          %dma_wait3A_108 = tpu.memref_slice %arg3[%add3A_94] : memref<331776xi32, #tpu.memory_space<hbm>> -> memref<16xi32, #tpu.memory_space<hbm>>
          tpu.wait_dma2 semaphore(%run_scoped3A : memref<!tpu.dma_semaphore, #tpu.memory_space<semaphore_mem>>) src(%dma_wait3A_108 : memref<16xi32, #tpu.memory_space<hbm>>) dst(%arg11 : memref<16xi32, #tpu.memory_space<vmem>>)
          tpu.yield
        }) : () -> ()
        %dma_start3A_95 = arith.constant 0 : i32
        %dma_start3A_96 = arith.constant 0 : i32
        %dma_start3A_97 = tpu.memref_slice %arg4[%dma_start3A_95, %dma_start3A_96] : memref<10240x1024xf32, #tpu.memory_space<hbm>> -> memref<10240x1024xf32, #tpu.memory_space<hbm>>
        tpu.enqueue_indirect_dma source(%dma_start3A_97 : memref<10240x1024xf32, #tpu.memory_space<hbm>>) target(%arg13 : memref<16x1024xf32, #tpu.memory_space<vmem>>) offsets(%arg9 : memref<16xi32, #tpu.memory_space<vmem>>) semaphore(%arg22 : memref<!tpu.dma_semaphore, #tpu.memory_space<semaphore_mem>>)
        %dma_start3A_98 = arith.constant 0 : i32
        %dma_start3A_99 = arith.constant 0 : i32
        %dma_start3A_100 = tpu.memref_slice %arg6[%dma_start3A_98, %dma_start3A_99] : memref<10240x128xf32, #tpu.memory_space<hbm>> -> memref<10240x128xf32, #tpu.memory_space<hbm>>
        tpu.enqueue_indirect_dma source(%dma_start3A_100 : memref<10240x128xf32, #tpu.memory_space<hbm>>) target(%arg17 : memref<16x128xf32, #tpu.memory_space<vmem>>) offsets(%arg11 : memref<16xi32, #tpu.memory_space<vmem>>) semaphore(%arg24 : memref<!tpu.dma_semaphore, #tpu.memory_space<semaphore_mem>>)
        %mul3A_101 = arith.constant 16 : i32
        %mul3A_102 = arith.muli %add3A_94, %mul3A_101 : i32
        %dma_start3A_103 = tpu.memref_slice %arg5[%mul3A_102] : memref<5308416xf32, #tpu.memory_space<hbm>> -> memref<256xf32, #tpu.memory_space<hbm>>
        %dma_start3A_104 = tpu.memref_slice %arg5[%mul3A_102] : memref<5308416xf32, #tpu.memory_space<hbm>> -> memref<256xf32, #tpu.memory_space<hbm>>
        tpu.enqueue_dma source(%dma_start3A_104 : memref<256xf32, #tpu.memory_space<hbm>>) target(%arg15 : memref<256xf32, #tpu.memory_space<vmem>>) target_semaphore(%arg26 : memref<!tpu.dma_semaphore, #tpu.memory_space<semaphore_mem>>)
      } else {
      }
      %scan3A_82 = arith.constant 0 : i32
      %scan3A_83 = arith.constant 0 : i32
      %scan3A_84 = arith.constant 16 : i32
      %scan3A_85 = arith.addi %scan3A_83, %scan3A_84 : i32
      %scan3A_86 = arith.constant 1 : i32
      %scan3A_87 = scf.for %scan3A_90 = %scan3A_83 to %scan3A_85 step %scan3A_86 iter_args(%scan3A_91 = %scan3A_82) -> (i32)  : i32 {
        %mul3A_92 = arith.constant 16 : i32
        %mul3A_93 = arith.muli %scan3A_90, %mul3A_92 : i32
        %get3A = arith.index_cast %mul3A_93 : i32 to index
        %get3A_94 = tpu.vector_load %arg16[%get3A] {strides = array<i32>} : memref<256xf32, #tpu.memory_space<vmem>>, vector<16xf32>,
        %get3A_95 = vector.shape_cast %get3A_94 : vector<16xf32> to vector<16xf32>
        %get3A_96 = arith.index_cast %scan3A_90 : i32 to index
        %get3A_97 = arith.constant 0 : index
        %get3A_98 = tpu.vector_load %arg18[%get3A_96, %get3A_97] {strides = array<i32>} : memref<16x128xf32, #tpu.memory_space<vmem>>, vector<1x16xf32>,
        %get3A_99 = vector.shape_cast %get3A_98 : vector<1x16xf32> to vector<16xf32>
        %mul3A_100 = arith.mulf %get3A_95, %get3A_99 : vector<16xf32>
        %broadcast_in_dim3A = arith.constant 0.000000e+00 : f32
        %broadcast_in_dim3A_101 = vector.broadcast %broadcast_in_dim3A : f32 to vector<16xf32>
        %broadcast_in_dim3A_102 = arith.constant 0.000000e+00 : f32
        %broadcast_in_dim3A_103 = vector.broadcast %broadcast_in_dim3A_102 : f32 to vector<16xf32>
        %broadcast_in_dim3A_104 = arith.constant 0.000000e+00 : f32
        %broadcast_in_dim3A_105 = vector.broadcast %broadcast_in_dim3A_104 : f32 to vector<16xf32>
        %broadcast_in_dim3A_106 = arith.constant 0.000000e+00 : f32
        %broadcast_in_dim3A_107 = vector.broadcast %broadcast_in_dim3A_106 : f32 to vector<16xf32>
        %broadcast_in_dim3A_108 = arith.constant 0.000000e+00 : f32
        %broadcast_in_dim3A_109 = vector.broadcast %broadcast_in_dim3A_108 : f32 to vector<16xf32>
        %broadcast_in_dim3A_110 = arith.constant 0.000000e+00 : f32
        %broadcast_in_dim3A_111 = vector.broadcast %broadcast_in_dim3A_110 : f32 to vector<16xf32>
        %broadcast_in_dim3A_112 = arith.constant 0.000000e+00 : f32
        %broadcast_in_dim3A_113 = vector.broadcast %broadcast_in_dim3A_112 : f32 to vector<16xf32>
        %broadcast_in_dim3A_114 = arith.constant 0.000000e+00 : f32
        %broadcast_in_dim3A_115 = vector.broadcast %broadcast_in_dim3A_114 : f32 to vector<16xf32>
        %slice3A = vector.extract_strided_slice %mul3A_100 {offsets = [0], sizes = [1], strides = [1]} : vector<16xf32> to vector<1xf32>
        %squeeze3A = vector.extract %slice3A[0] : f32 from vector<1xf32>
        %broadcast_in_dim3A_116 = vector.broadcast %squeeze3A : f32 to vector<16xf32>
        %get3A_117 = arith.index_cast %scan3A_90 : i32 to index
        %get3A_118 = arith.constant 0 : index
        %get3A_119 = tpu.vector_load %arg14[%get3A_117, %get3A_118] {strides = array<i32>} : memref<16x1024xf32, #tpu.memory_space<vmem>>, vector<1x16xf32>,
        %get3A_120 = vector.shape_cast %get3A_119 : vector<1x16xf32> to vector<16xf32>
        %mul3A_121 = arith.mulf %broadcast_in_dim3A_116, %get3A_120 : vector<16xf32>
        %add3A_122 = arith.addf %broadcast_in_dim3A_101, %mul3A_121 : vector<16xf32>
        %get3A_123 = arith.index_cast %scan3A_90 : i32 to index
        %get3A_124 = arith.constant 16 : index
        %get3A_125 = tpu.vector_load %arg14[%get3A_123, %get3A_124] {strides = array<i32>} : memref<16x1024xf32, #tpu.memory_space<vmem>>, vector<1x16xf32>,
        %get3A_126 = vector.shape_cast %get3A_125 : vector<1x16xf32> to vector<16xf32>
        %mul3A_127 = arith.mulf %broadcast_in_dim3A_116, %get3A_126 : vector<16xf32>
        %add3A_128 = arith.addf %broadcast_in_dim3A_103, %mul3A_127 : vector<16xf32>
        %get3A_129 = arith.index_cast %scan3A_90 : i32 to index
        %get3A_130 = arith.constant 32 : index
        %get3A_131 = tpu.vector_load %arg14[%get3A_129, %get3A_130] {strides = array<i32>} : memref<16x1024xf32, #tpu.memory_space<vmem>>, vector<1x16xf32>,
        %get3A_132 = vector.shape_cast %get3A_131 : vector<1x16xf32> to vector<16xf32>
        %mul3A_133 = arith.mulf %broadcast_in_dim3A_116, %get3A_132 : vector<16xf32>
        %add3A_134 = arith.addf %broadcast_in_dim3A_105, %mul3A_133 : vector<16xf32>
        %get3A_135 = arith.index_cast %scan3A_90 : i32 to index
        %get3A_136 = arith.constant 48 : index
        %get3A_137 = tpu.vector_load %arg14[%get3A_135, %get3A_136] {strides = array<i32>} : memref<16x1024xf32, #tpu.memory_space<vmem>>, vector<1x16xf32>,
        %get3A_138 = vector.shape_cast %get3A_137 : vector<1x16xf32> to vector<16xf32>
        %mul3A_139 = arith.mulf %broadcast_in_dim3A_116, %get3A_138 : vector<16xf32>
        %add3A_140 = arith.addf %broadcast_in_dim3A_107, %mul3A_139 : vector<16xf32>
        %get3A_141 = arith.index_cast %scan3A_90 : i32 to index
        %get3A_142 = arith.constant 64 : index
        %get3A_143 = tpu.vector_load %arg14[%get3A_141, %get3A_142] {strides = array<i32>} : memref<16x1024xf32, #tpu.memory_space<vmem>>, vector<1x16xf32>,
        %get3A_144 = vector.shape_cast %get3A_143 : vector<1x16xf32> to vector<16xf32>
        %mul3A_145 = arith.mulf %broadcast_in_dim3A_116, %get3A_144 : vector<16xf32>
        %add3A_146 = arith.addf %broadcast_in_dim3A_109, %mul3A_145 : vector<16xf32>
        %get3A_147 = arith.index_cast %scan3A_90 : i32 to index
        %get3A_148 = arith.constant 80 : index
        %get3A_149 = tpu.vector_load %arg14[%get3A_147, %get3A_148] {strides = array<i32>} : memref<16x1024xf32, #tpu.memory_space<vmem>>, vector<1x16xf32>,
        %get3A_150 = vector.shape_cast %get3A_149 : vector<1x16xf32> to vector<16xf32>
        %mul3A_151 = arith.mulf %broadcast_in_dim3A_116, %get3A_150 : vector<16xf32>
        %add3A_152 = arith.addf %broadcast_in_dim3A_111, %mul3A_151 : vector<16xf32>
        %get3A_153 = arith.index_cast %scan3A_90 : i32 to index
        %get3A_154 = arith.constant 96 : index
        %get3A_155 = tpu.vector_load %arg14[%get3A_153, %get3A_154] {strides = array<i32>} : memref<16x1024xf32, #tpu.memory_space<vmem>>, vector<1x16xf32>,
        %get3A_156 = vector.shape_cast %get3A_155 : vector<1x16xf32> to vector<16xf32>
        %mul3A_157 = arith.mulf %broadcast_in_dim3A_116, %get3A_156 : vector<16xf32>
        %add3A_158 = arith.addf %broadcast_in_dim3A_113, %mul3A_157 : vector<16xf32>
        %get3A_159 = arith.index_cast %scan3A_90 : i32 to index
        %get3A_160 = arith.constant 112 : index
        %get3A_161 = tpu.vector_load %arg14[%get3A_159, %get3A_160] {strides = array<i32>} : memref<16x1024xf32, #tpu.memory_space<vmem>>, vector<1x16xf32>,
        %get3A_162 = vector.shape_cast %get3A_161 : vector<1x16xf32> to vector<16xf32>
        %mul3A_163 = arith.mulf %broadcast_in_dim3A_116, %get3A_162 : vector<16xf32>
        %add3A_164 = arith.addf %broadcast_in_dim3A_115, %mul3A_163 : vector<16xf32>
        %slice3A_165 = vector.extract_strided_slice %mul3A_100 {offsets = [1], sizes = [1], strides = [1]} : vector<16xf32> to vector<1xf32>
        %squeeze3A_166 = vector.extract %slice3A_165[0] : f32 from vector<1xf32>
        %broadcast_in_dim3A_167 = vector.broadcast %squeeze3A_166 : f32 to vector<16xf32>
        %get3A_168 = arith.index_cast %scan3A_90 : i32 to index
        %get3A_169 = arith.constant 128 : index
        %get3A_170 = tpu.vector_load %arg14[%get3A_168, %get3A_169] {strides = array<i32>} : memref<16x1024xf32, #tpu.memory_space<vmem>>, vector<1x16xf32>,
        %get3A_171 = vector.shape_cast %get3A_170 : vector<1x16xf32> to vector<16xf32>
        %mul3A_172 = arith.mulf %broadcast_in_dim3A_167, %get3A_171 : vector<16xf32>
        %add3A_173 = arith.addf %add3A_122, %mul3A_172 : vector<16xf32>
        %get3A_174 = arith.index_cast %scan3A_90 : i32 to index
        %get3A_175 = arith.constant 144 : index
        %get3A_176 = tpu.vector_load %arg14[%get3A_174, %get3A_175] {strides = array<i32>} : memref<16x1024xf32, #tpu.memory_space<vmem>>, vector<1x16xf32>,
        %get3A_177 = vector.shape_cast %get3A_176 : vector<1x16xf32> to vector<16xf32>
        %mul3A_178 = arith.mulf %broadcast_in_dim3A_167, %get3A_177 : vector<16xf32>
        %add3A_179 = arith.addf %add3A_128, %mul3A_178 : vector<16xf32>
        %get3A_180 = arith.index_cast %scan3A_90 : i32 to index
        %get3A_181 = arith.constant 160 : index
        %get3A_182 = tpu.vector_load %arg14[%get3A_180, %get3A_181] {strides = array<i32>} : memref<16x1024xf32, #tpu.memory_space<vmem>>, vector<1x16xf32>,
        %get3A_183 = vector.shape_cast %get3A_182 : vector<1x16xf32> to vector<16xf32>
        %mul3A_184 = arith.mulf %broadcast_in_dim3A_167, %get3A_183 : vector<16xf32>
        %add3A_185 = arith.addf %add3A_134, %mul3A_184 : vector<16xf32>
        %get3A_186 = arith.index_cast %scan3A_90 : i32 to index
        %get3A_187 = arith.constant 176 : index
        %get3A_188 = tpu.vector_load %arg14[%get3A_186, %get3A_187] {strides = array<i32>} : memref<16x1024xf32, #tpu.memory_space<vmem>>, vector<1x16xf32>,
        %get3A_189 = vector.shape_cast %get3A_188 : vector<1x16xf32> to vector<16xf32>
        %mul3A_190 = arith.mulf %broadcast_in_dim3A_167, %get3A_189 : vector<16xf32>
        %add3A_191 = arith.addf %add3A_140, %mul3A_190 : vector<16xf32>
        %get3A_192 = arith.index_cast %scan3A_90 : i32 to index
        %get3A_193 = arith.constant 192 : index
        %get3A_194 = tpu.vector_load %arg14[%get3A_192, %get3A_193] {strides = array<i32>} : memref<16x1024xf32, #tpu.memory_space<vmem>>, vector<1x16xf32>,
        %get3A_195 = vector.shape_cast %get3A_194 : vector<1x16xf32> to vector<16xf32>
        %mul3A_196 = arith.mulf %broadcast_in_dim3A_167, %get3A_195 : vector<16xf32>
        %add3A_197 = arith.addf %add3A_146, %mul3A_196 : vector<16xf32>
        %get3A_198 = arith.index_cast %scan3A_90 : i32 to index
        %get3A_199 = arith.constant 208 : index
        %get3A_200 = tpu.vector_load %arg14[%get3A_198, %get3A_199] {strides = array<i32>} : memref<16x1024xf32, #tpu.memory_space<vmem>>, vector<1x16xf32>,
        %get3A_201 = vector.shape_cast %get3A_200 : vector<1x16xf32> to vector<16xf32>
        %mul3A_202 = arith.mulf %broadcast_in_dim3A_167, %get3A_201 : vector<16xf32>
        %add3A_203 = arith.addf %add3A_152, %mul3A_202 : vector<16xf32>
        %get3A_204 = arith.index_cast %scan3A_90 : i32 to index
        %get3A_205 = arith.constant 224 : index
        %get3A_206 = tpu.vector_load %arg14[%get3A_204, %get3A_205] {strides = array<i32>} : memref<16x1024xf32, #tpu.memory_space<vmem>>, vector<1x16xf32>,
        %get3A_207 = vector.shape_cast %get3A_206 : vector<1x16xf32> to vector<16xf32>
        %mul3A_208 = arith.mulf %broadcast_in_dim3A_167, %get3A_207 : vector<16xf32>
        %add3A_209 = arith.addf %add3A_158, %mul3A_208 : vector<16xf32>
        %get3A_210 = arith.index_cast %scan3A_90 : i32 to index
        %get3A_211 = arith.constant 240 : index
        %get3A_212 = tpu.vector_load %arg14[%get3A_210, %get3A_211] {strides = array<i32>} : memref<16x1024xf32, #tpu.memory_space<vmem>>, vector<1x16xf32>,
        %get3A_213 = vector.shape_cast %get3A_212 : vector<1x16xf32> to vector<16xf32>
        %mul3A_214 = arith.mulf %broadcast_in_dim3A_167, %get3A_213 : vector<16xf32>
        %add3A_215 = arith.addf %add3A_164, %mul3A_214 : vector<16xf32>
        %slice3A_216 = vector.extract_strided_slice %mul3A_100 {offsets = [2], sizes = [1], strides = [1]} : vector<16xf32> to vector<1xf32>
        %squeeze3A_217 = vector.extract %slice3A_216[0] : f32 from vector<1xf32>
        %broadcast_in_dim3A_218 = vector.broadcast %squeeze3A_217 : f32 to vector<16xf32>
        %get3A_219 = arith.index_cast %scan3A_90 : i32 to index
        %get3A_220 = arith.constant 256 : index
        %get3A_221 = tpu.vector_load %arg14[%get3A_219, %get3A_220] {strides = array<i32>} : memref<16x1024xf32, #tpu.memory_space<vmem>>, vector<1x16xf32>,
        %get3A_222 = vector.shape_cast %get3A_221 : vector<1x16xf32> to vector<16xf32>
        %mul3A_223 = arith.mulf %broadcast_in_dim3A_218, %get3A_222 : vector<16xf32>
        %add3A_224 = arith.addf %add3A_173, %mul3A_223 : vector<16xf32>
        %get3A_225 = arith.index_cast %scan3A_90 : i32 to index
        %get3A_226 = arith.constant 272 : index
        %get3A_227 = tpu.vector_load %arg14[%get3A_225, %get3A_226] {strides = array<i32>} : memref<16x1024xf32, #tpu.memory_space<vmem>>, vector<1x16xf32>,
        %get3A_228 = vector.shape_cast %get3A_227 : vector<1x16xf32> to vector<16xf32>
        %mul3A_229 = arith.mulf %broadcast_in_dim3A_218, %get3A_228 : vector<16xf32>
        %add3A_230 = arith.addf %add3A_179, %mul3A_229 : vector<16xf32>
        %get3A_231 = arith.index_cast %scan3A_90 : i32 to index
        %get3A_232 = arith.constant 288 : index
        %get3A_233 = tpu.vector_load %arg14[%get3A_231, %get3A_232] {strides = array<i32>} : memref<16x1024xf32, #tpu.memory_space<vmem>>, vector<1x16xf32>,
        %get3A_234 = vector.shape_cast %get3A_233 : vector<1x16xf32> to vector<16xf32>
        %mul3A_235 = arith.mulf %broadcast_in_dim3A_218, %get3A_234 : vector<16xf32>
        %add3A_236 = arith.addf %add3A_185, %mul3A_235 : vector<16xf32>
        %get3A_237 = arith.index_cast %scan3A_90 : i32 to index
        %get3A_238 = arith.constant 304 : index
        %get3A_239 = tpu.vector_load %arg14[%get3A_237, %get3A_238] {strides = array<i32>} : memref<16x1024xf32, #tpu.memory_space<vmem>>, vector<1x16xf32>,
        %get3A_240 = vector.shape_cast %get3A_239 : vector<1x16xf32> to vector<16xf32>
        %mul3A_241 = arith.mulf %broadcast_in_dim3A_218, %get3A_240 : vector<16xf32>
        %add3A_242 = arith.addf %add3A_191, %mul3A_241 : vector<16xf32>
        %get3A_243 = arith.index_cast %scan3A_90 : i32 to index
        %get3A_244 = arith.constant 320 : index
        %get3A_245 = tpu.vector_load %arg14[%get3A_243, %get3A_244] {strides = array<i32>} : memref<16x1024xf32, #tpu.memory_space<vmem>>, vector<1x16xf32>,
        %get3A_246 = vector.shape_cast %get3A_245 : vector<1x16xf32> to vector<16xf32>
        %mul3A_247 = arith.mulf %broadcast_in_dim3A_218, %get3A_246 : vector<16xf32>
        %add3A_248 = arith.addf %add3A_197, %mul3A_247 : vector<16xf32>
        %get3A_249 = arith.index_cast %scan3A_90 : i32 to index
        %get3A_250 = arith.constant 336 : index
        %get3A_251 = tpu.vector_load %arg14[%get3A_249, %get3A_250] {strides = array<i32>} : memref<16x1024xf32, #tpu.memory_space<vmem>>, vector<1x16xf32>,
        %get3A_252 = vector.shape_cast %get3A_251 : vector<1x16xf32> to vector<16xf32>
        %mul3A_253 = arith.mulf %broadcast_in_dim3A_218, %get3A_252 : vector<16xf32>
        %add3A_254 = arith.addf %add3A_203, %mul3A_253 : vector<16xf32>
        %get3A_255 = arith.index_cast %scan3A_90 : i32 to index
        %get3A_256 = arith.constant 352 : index
        %get3A_257 = tpu.vector_load %arg14[%get3A_255, %get3A_256] {strides = array<i32>} : memref<16x1024xf32, #tpu.memory_space<vmem>>, vector<1x16xf32>,
        %get3A_258 = vector.shape_cast %get3A_257 : vector<1x16xf32> to vector<16xf32>
        %mul3A_259 = arith.mulf %broadcast_in_dim3A_218, %get3A_258 : vector<16xf32>
        %add3A_260 = arith.addf %add3A_209, %mul3A_259 : vector<16xf32>
        %get3A_261 = arith.index_cast %scan3A_90 : i32 to index
        %get3A_262 = arith.constant 368 : index
        %get3A_263 = tpu.vector_load %arg14[%get3A_261, %get3A_262] {strides = array<i32>} : memref<16x1024xf32, #tpu.memory_space<vmem>>, vector<1x16xf32>,
        %get3A_264 = vector.shape_cast %get3A_263 : vector<1x16xf32> to vector<16xf32>
        %mul3A_265 = arith.mulf %broadcast_in_dim3A_218, %get3A_264 : vector<16xf32>
        %add3A_266 = arith.addf %add3A_215, %mul3A_265 : vector<16xf32>
        %slice3A_267 = vector.extract_strided_slice %mul3A_100 {offsets = [3], sizes = [1], strides = [1]} : vector<16xf32> to vector<1xf32>
        %squeeze3A_268 = vector.extract %slice3A_267[0] : f32 from vector<1xf32>
        %broadcast_in_dim3A_269 = vector.broadcast %squeeze3A_268 : f32 to vector<16xf32>
        %get3A_270 = arith.index_cast %scan3A_90 : i32 to index
        %get3A_271 = arith.constant 384 : index
        %get3A_272 = tpu.vector_load %arg14[%get3A_270, %get3A_271] {strides = array<i32>} : memref<16x1024xf32, #tpu.memory_space<vmem>>, vector<1x16xf32>,
        %get3A_273 = vector.shape_cast %get3A_272 : vector<1x16xf32> to vector<16xf32>
        %mul3A_274 = arith.mulf %broadcast_in_dim3A_269, %get3A_273 : vector<16xf32>
        %add3A_275 = arith.addf %add3A_224, %mul3A_274 : vector<16xf32>
        %get3A_276 = arith.index_cast %scan3A_90 : i32 to index
        %get3A_277 = arith.constant 400 : index
        %get3A_278 = tpu.vector_load %arg14[%get3A_276, %get3A_277] {strides = array<i32>} : memref<16x1024xf32, #tpu.memory_space<vmem>>, vector<1x16xf32>,
        %get3A_279 = vector.shape_cast %get3A_278 : vector<1x16xf32> to vector<16xf32>
        %mul3A_280 = arith.mulf %broadcast_in_dim3A_269, %get3A_279 : vector<16xf32>
        %add3A_281 = arith.addf %add3A_230, %mul3A_280 : vector<16xf32>
        %get3A_282 = arith.index_cast %scan3A_90 : i32 to index
        %get3A_283 = arith.constant 416 : index
        %get3A_284 = tpu.vector_load %arg14[%get3A_282, %get3A_283] {strides = array<i32>} : memref<16x1024xf32, #tpu.memory_space<vmem>>, vector<1x16xf32>,
        %get3A_285 = vector.shape_cast %get3A_284 : vector<1x16xf32> to vector<16xf32>
        %mul3A_286 = arith.mulf %broadcast_in_dim3A_269, %get3A_285 : vector<16xf32>
        %add3A_287 = arith.addf %add3A_236, %mul3A_286 : vector<16xf32>
        %get3A_288 = arith.index_cast %scan3A_90 : i32 to index
        %get3A_289 = arith.constant 432 : index
        %get3A_290 = tpu.vector_load %arg14[%get3A_288, %get3A_289] {strides = array<i32>} : memref<16x1024xf32, #tpu.memory_space<vmem>>, vector<1x16xf32>,
        %get3A_291 = vector.shape_cast %get3A_290 : vector<1x16xf32> to vector<16xf32>
        %mul3A_292 = arith.mulf %broadcast_in_dim3A_269, %get3A_291 : vector<16xf32>
        %add3A_293 = arith.addf %add3A_242, %mul3A_292 : vector<16xf32>
        %get3A_294 = arith.index_cast %scan3A_90 : i32 to index
        %get3A_295 = arith.constant 448 : index
        %get3A_296 = tpu.vector_load %arg14[%get3A_294, %get3A_295] {strides = array<i32>} : memref<16x1024xf32, #tpu.memory_space<vmem>>, vector<1x16xf32>,
        %get3A_297 = vector.shape_cast %get3A_296 : vector<1x16xf32> to vector<16xf32>
        %mul3A_298 = arith.mulf %broadcast_in_dim3A_269, %get3A_297 : vector<16xf32>
        %add3A_299 = arith.addf %add3A_248, %mul3A_298 : vector<16xf32>
        %get3A_300 = arith.index_cast %scan3A_90 : i32 to index
        %get3A_301 = arith.constant 464 : index
        %get3A_302 = tpu.vector_load %arg14[%get3A_300, %get3A_301] {strides = array<i32>} : memref<16x1024xf32, #tpu.memory_space<vmem>>, vector<1x16xf32>,
        %get3A_303 = vector.shape_cast %get3A_302 : vector<1x16xf32> to vector<16xf32>
        %mul3A_304 = arith.mulf %broadcast_in_dim3A_269, %get3A_303 : vector<16xf32>
        %add3A_305 = arith.addf %add3A_254, %mul3A_304 : vector<16xf32>
        %get3A_306 = arith.index_cast %scan3A_90 : i32 to index
        %get3A_307 = arith.constant 480 : index
        %get3A_308 = tpu.vector_load %arg14[%get3A_306, %get3A_307] {strides = array<i32>} : memref<16x1024xf32, #tpu.memory_space<vmem>>, vector<1x16xf32>,
        %get3A_309 = vector.shape_cast %get3A_308 : vector<1x16xf32> to vector<16xf32>
        %mul3A_310 = arith.mulf %broadcast_in_dim3A_269, %get3A_309 : vector<16xf32>
        %add3A_311 = arith.addf %add3A_260, %mul3A_310 : vector<16xf32>
        %get3A_312 = arith.index_cast %scan3A_90 : i32 to index
        %get3A_313 = arith.constant 496 : index
        %get3A_314 = tpu.vector_load %arg14[%get3A_312, %get3A_313] {strides = array<i32>} : memref<16x1024xf32, #tpu.memory_space<vmem>>, vector<1x16xf32>,
        %get3A_315 = vector.shape_cast %get3A_314 : vector<1x16xf32> to vector<16xf32>
        %mul3A_316 = arith.mulf %broadcast_in_dim3A_269, %get3A_315 : vector<16xf32>
        %add3A_317 = arith.addf %add3A_266, %mul3A_316 : vector<16xf32>
        %slice3A_318 = vector.extract_strided_slice %mul3A_100 {offsets = [4], sizes = [1], strides = [1]} : vector<16xf32> to vector<1xf32>
        %squeeze3A_319 = vector.extract %slice3A_318[0] : f32 from vector<1xf32>
        %broadcast_in_dim3A_320 = vector.broadcast %squeeze3A_319 : f32 to vector<16xf32>
        %get3A_321 = arith.index_cast %scan3A_90 : i32 to index
        %get3A_322 = arith.constant 512 : index
        %get3A_323 = tpu.vector_load %arg14[%get3A_321, %get3A_322] {strides = array<i32>} : memref<16x1024xf32, #tpu.memory_space<vmem>>, vector<1x16xf32>,
        %get3A_324 = vector.shape_cast %get3A_323 : vector<1x16xf32> to vector<16xf32>
        %mul3A_325 = arith.mulf %broadcast_in_dim3A_320, %get3A_324 : vector<16xf32>
        %add3A_326 = arith.addf %add3A_275, %mul3A_325 : vector<16xf32>
        %get3A_327 = arith.index_cast %scan3A_90 : i32 to index
        %get3A_328 = arith.constant 528 : index
        %get3A_329 = tpu.vector_load %arg14[%get3A_327, %get3A_328] {strides = array<i32>} : memref<16x1024xf32, #tpu.memory_space<vmem>>, vector<1x16xf32>,
        %get3A_330 = vector.shape_cast %get3A_329 : vector<1x16xf32> to vector<16xf32>
        %mul3A_331 = arith.mulf %broadcast_in_dim3A_320, %get3A_330 : vector<16xf32>
        %add3A_332 = arith.addf %add3A_281, %mul3A_331 : vector<16xf32>
        %get3A_333 = arith.index_cast %scan3A_90 : i32 to index
        %get3A_334 = arith.constant 544 : index
        %get3A_335 = tpu.vector_load %arg14[%get3A_333, %get3A_334] {strides = array<i32>} : memref<16x1024xf32, #tpu.memory_space<vmem>>, vector<1x16xf32>,
        %get3A_336 = vector.shape_cast %get3A_335 : vector<1x16xf32> to vector<16xf32>
        %mul3A_337 = arith.mulf %broadcast_in_dim3A_320, %get3A_336 : vector<16xf32>
        %add3A_338 = arith.addf %add3A_287, %mul3A_337 : vector<16xf32>
        %get3A_339 = arith.index_cast %scan3A_90 : i32 to index
        %get3A_340 = arith.constant 560 : index
        %get3A_341 = tpu.vector_load %arg14[%get3A_339, %get3A_340] {strides = array<i32>} : memref<16x1024xf32, #tpu.memory_space<vmem>>, vector<1x16xf32>,
        %get3A_342 = vector.shape_cast %get3A_341 : vector<1x16xf32> to vector<16xf32>
        %mul3A_343 = arith.mulf %broadcast_in_dim3A_320, %get3A_342 : vector<16xf32>
        %add3A_344 = arith.addf %add3A_293, %mul3A_343 : vector<16xf32>
        %get3A_345 = arith.index_cast %scan3A_90 : i32 to index
        %get3A_346 = arith.constant 576 : index
        %get3A_347 = tpu.vector_load %arg14[%get3A_345, %get3A_346] {strides = array<i32>} : memref<16x1024xf32, #tpu.memory_space<vmem>>, vector<1x16xf32>,
        %get3A_348 = vector.shape_cast %get3A_347 : vector<1x16xf32> to vector<16xf32>
        %mul3A_349 = arith.mulf %broadcast_in_dim3A_320, %get3A_348 : vector<16xf32>
        %add3A_350 = arith.addf %add3A_299, %mul3A_349 : vector<16xf32>
        %get3A_351 = arith.index_cast %scan3A_90 : i32 to index
        %get3A_352 = arith.constant 592 : index
        %get3A_353 = tpu.vector_load %arg14[%get3A_351, %get3A_352] {strides = array<i32>} : memref<16x1024xf32, #tpu.memory_space<vmem>>, vector<1x16xf32>,
        %get3A_354 = vector.shape_cast %get3A_353 : vector<1x16xf32> to vector<16xf32>
        %mul3A_355 = arith.mulf %broadcast_in_dim3A_320, %get3A_354 : vector<16xf32>
        %add3A_356 = arith.addf %add3A_305, %mul3A_355 : vector<16xf32>
        %get3A_357 = arith.index_cast %scan3A_90 : i32 to index
        %get3A_358 = arith.constant 608 : index
        %get3A_359 = tpu.vector_load %arg14[%get3A_357, %get3A_358] {strides = array<i32>} : memref<16x1024xf32, #tpu.memory_space<vmem>>, vector<1x16xf32>,
        %get3A_360 = vector.shape_cast %get3A_359 : vector<1x16xf32> to vector<16xf32>
        %mul3A_361 = arith.mulf %broadcast_in_dim3A_320, %get3A_360 : vector<16xf32>
        %add3A_362 = arith.addf %add3A_311, %mul3A_361 : vector<16xf32>
        %get3A_363 = arith.index_cast %scan3A_90 : i32 to index
        %get3A_364 = arith.constant 624 : index
        %get3A_365 = tpu.vector_load %arg14[%get3A_363, %get3A_364] {strides = array<i32>} : memref<16x1024xf32, #tpu.memory_space<vmem>>, vector<1x16xf32>,
        %get3A_366 = vector.shape_cast %get3A_365 : vector<1x16xf32> to vector<16xf32>
        %mul3A_367 = arith.mulf %broadcast_in_dim3A_320, %get3A_366 : vector<16xf32>
        %add3A_368 = arith.addf %add3A_317, %mul3A_367 : vector<16xf32>
        %slice3A_369 = vector.extract_strided_slice %mul3A_100 {offsets = [5], sizes = [1], strides = [1]} : vector<16xf32> to vector<1xf32>
        %squeeze3A_370 = vector.extract %slice3A_369[0] : f32 from vector<1xf32>
        %broadcast_in_dim3A_371 = vector.broadcast %squeeze3A_370 : f32 to vector<16xf32>
        %get3A_372 = arith.index_cast %scan3A_90 : i32 to index
        %get3A_373 = arith.constant 640 : index
        %get3A_374 = tpu.vector_load %arg14[%get3A_372, %get3A_373] {strides = array<i32>} : memref<16x1024xf32, #tpu.memory_space<vmem>>, vector<1x16xf32>,
        %get3A_375 = vector.shape_cast %get3A_374 : vector<1x16xf32> to vector<16xf32>
        %mul3A_376 = arith.mulf %broadcast_in_dim3A_371, %get3A_375 : vector<16xf32>
        %add3A_377 = arith.addf %add3A_326, %mul3A_376 : vector<16xf32>
        %get3A_378 = arith.index_cast %scan3A_90 : i32 to index
        %get3A_379 = arith.constant 656 : index
        %get3A_380 = tpu.vector_load %arg14[%get3A_378, %get3A_379] {strides = array<i32>} : memref<16x1024xf32, #tpu.memory_space<vmem>>, vector<1x16xf32>,
        %get3A_381 = vector.shape_cast %get3A_380 : vector<1x16xf32> to vector<16xf32>
        %mul3A_382 = arith.mulf %broadcast_in_dim3A_371, %get3A_381 : vector<16xf32>
        %add3A_383 = arith.addf %add3A_332, %mul3A_382 : vector<16xf32>
        %get3A_384 = arith.index_cast %scan3A_90 : i32 to index
        %get3A_385 = arith.constant 672 : index
        %get3A_386 = tpu.vector_load %arg14[%get3A_384, %get3A_385] {strides = array<i32>} : memref<16x1024xf32, #tpu.memory_space<vmem>>, vector<1x16xf32>,
        %get3A_387 = vector.shape_cast %get3A_386 : vector<1x16xf32> to vector<16xf32>
        %mul3A_388 = arith.mulf %broadcast_in_dim3A_371, %get3A_387 : vector<16xf32>
        %add3A_389 = arith.addf %add3A_338, %mul3A_388 : vector<16xf32>
        %get3A_390 = arith.index_cast %scan3A_90 : i32 to index
        %get3A_391 = arith.constant 688 : index
        %get3A_392 = tpu.vector_load %arg14[%get3A_390, %get3A_391] {strides = array<i32>} : memref<16x1024xf32, #tpu.memory_space<vmem>>, vector<1x16xf32>,
        %get3A_393 = vector.shape_cast %get3A_392 : vector<1x16xf32> to vector<16xf32>
        %mul3A_394 = arith.mulf %broadcast_in_dim3A_371, %get3A_393 : vector<16xf32>
        %add3A_395 = arith.addf %add3A_344, %mul3A_394 : vector<16xf32>
        %get3A_396 = arith.index_cast %scan3A_90 : i32 to index
        %get3A_397 = arith.constant 704 : index
        %get3A_398 = tpu.vector_load %arg14[%get3A_396, %get3A_397] {strides = array<i32>} : memref<16x1024xf32, #tpu.memory_space<vmem>>, vector<1x16xf32>,
        %get3A_399 = vector.shape_cast %get3A_398 : vector<1x16xf32> to vector<16xf32>
        %mul3A_400 = arith.mulf %broadcast_in_dim3A_371, %get3A_399 : vector<16xf32>
        %add3A_401 = arith.addf %add3A_350, %mul3A_400 : vector<16xf32>
        %get3A_402 = arith.index_cast %scan3A_90 : i32 to index
        %get3A_403 = arith.constant 720 : index
        %get3A_404 = tpu.vector_load %arg14[%get3A_402, %get3A_403] {strides = array<i32>} : memref<16x1024xf32, #tpu.memory_space<vmem>>, vector<1x16xf32>,
        %get3A_405 = vector.shape_cast %get3A_404 : vector<1x16xf32> to vector<16xf32>
        %mul3A_406 = arith.mulf %broadcast_in_dim3A_371, %get3A_405 : vector<16xf32>
        %add3A_407 = arith.addf %add3A_356, %mul3A_406 : vector<16xf32>
        %get3A_408 = arith.index_cast %scan3A_90 : i32 to index
        %get3A_409 = arith.constant 736 : index
        %get3A_410 = tpu.vector_load %arg14[%get3A_408, %get3A_409] {strides = array<i32>} : memref<16x1024xf32, #tpu.memory_space<vmem>>, vector<1x16xf32>,
        %get3A_411 = vector.shape_cast %get3A_410 : vector<1x16xf32> to vector<16xf32>
        %mul3A_412 = arith.mulf %broadcast_in_dim3A_371, %get3A_411 : vector<16xf32>
        %add3A_413 = arith.addf %add3A_362, %mul3A_412 : vector<16xf32>
        %get3A_414 = arith.index_cast %scan3A_90 : i32 to index
        %get3A_415 = arith.constant 752 : index
        %get3A_416 = tpu.vector_load %arg14[%get3A_414, %get3A_415] {strides = array<i32>} : memref<16x1024xf32, #tpu.memory_space<vmem>>, vector<1x16xf32>,
        %get3A_417 = vector.shape_cast %get3A_416 : vector<1x16xf32> to vector<16xf32>
        %mul3A_418 = arith.mulf %broadcast_in_dim3A_371, %get3A_417 : vector<16xf32>
        %add3A_419 = arith.addf %add3A_368, %mul3A_418 : vector<16xf32>
        %slice3A_420 = vector.extract_strided_slice %mul3A_100 {offsets = [6], sizes = [1], strides = [1]} : vector<16xf32> to vector<1xf32>
        %squeeze3A_421 = vector.extract %slice3A_420[0] : f32 from vector<1xf32>
        %broadcast_in_dim3A_422 = vector.broadcast %squeeze3A_421 : f32 to vector<16xf32>
        %get3A_423 = arith.index_cast %scan3A_90 : i32 to index
        %get3A_424 = arith.constant 768 : index
        %get3A_425 = tpu.vector_load %arg14[%get3A_423, %get3A_424] {strides = array<i32>} : memref<16x1024xf32, #tpu.memory_space<vmem>>, vector<1x16xf32>,
        %get3A_426 = vector.shape_cast %get3A_425 : vector<1x16xf32> to vector<16xf32>
        %mul3A_427 = arith.mulf %broadcast_in_dim3A_422, %get3A_426 : vector<16xf32>
        %add3A_428 = arith.addf %add3A_377, %mul3A_427 : vector<16xf32>
        %get3A_429 = arith.index_cast %scan3A_90 : i32 to index
        %get3A_430 = arith.constant 784 : index
        %get3A_431 = tpu.vector_load %arg14[%get3A_429, %get3A_430] {strides = array<i32>} : memref<16x1024xf32, #tpu.memory_space<vmem>>, vector<1x16xf32>,
        %get3A_432 = vector.shape_cast %get3A_431 : vector<1x16xf32> to vector<16xf32>
        %mul3A_433 = arith.mulf %broadcast_in_dim3A_422, %get3A_432 : vector<16xf32>
        %add3A_434 = arith.addf %add3A_383, %mul3A_433 : vector<16xf32>
        %get3A_435 = arith.index_cast %scan3A_90 : i32 to index
        %get3A_436 = arith.constant 800 : index
        %get3A_437 = tpu.vector_load %arg14[%get3A_435, %get3A_436] {strides = array<i32>} : memref<16x1024xf32, #tpu.memory_space<vmem>>, vector<1x16xf32>,
        %get3A_438 = vector.shape_cast %get3A_437 : vector<1x16xf32> to vector<16xf32>
        %mul3A_439 = arith.mulf %broadcast_in_dim3A_422, %get3A_438 : vector<16xf32>
        %add3A_440 = arith.addf %add3A_389, %mul3A_439 : vector<16xf32>
        %get3A_441 = arith.index_cast %scan3A_90 : i32 to index
        %get3A_442 = arith.constant 816 : index
        %get3A_443 = tpu.vector_load %arg14[%get3A_441, %get3A_442] {strides = array<i32>} : memref<16x1024xf32, #tpu.memory_space<vmem>>, vector<1x16xf32>,
        %get3A_444 = vector.shape_cast %get3A_443 : vector<1x16xf32> to vector<16xf32>
        %mul3A_445 = arith.mulf %broadcast_in_dim3A_422, %get3A_444 : vector<16xf32>
        %add3A_446 = arith.addf %add3A_395, %mul3A_445 : vector<16xf32>
        %get3A_447 = arith.index_cast %scan3A_90 : i32 to index
        %get3A_448 = arith.constant 832 : index
        %get3A_449 = tpu.vector_load %arg14[%get3A_447, %get3A_448] {strides = array<i32>} : memref<16x1024xf32, #tpu.memory_space<vmem>>, vector<1x16xf32>,
        %get3A_450 = vector.shape_cast %get3A_449 : vector<1x16xf32> to vector<16xf32>
        %mul3A_451 = arith.mulf %broadcast_in_dim3A_422, %get3A_450 : vector<16xf32>
        %add3A_452 = arith.addf %add3A_401, %mul3A_451 : vector<16xf32>
        %get3A_453 = arith.index_cast %scan3A_90 : i32 to index
        %get3A_454 = arith.constant 848 : index
        %get3A_455 = tpu.vector_load %arg14[%get3A_453, %get3A_454] {strides = array<i32>} : memref<16x1024xf32, #tpu.memory_space<vmem>>, vector<1x16xf32>,
        %get3A_456 = vector.shape_cast %get3A_455 : vector<1x16xf32> to vector<16xf32>
        %mul3A_457 = arith.mulf %broadcast_in_dim3A_422, %get3A_456 : vector<16xf32>
        %add3A_458 = arith.addf %add3A_407, %mul3A_457 : vector<16xf32>
        %get3A_459 = arith.index_cast %scan3A_90 : i32 to index
        %get3A_460 = arith.constant 864 : index
        %get3A_461 = tpu.vector_load %arg14[%get3A_459, %get3A_460] {strides = array<i32>} : memref<16x1024xf32, #tpu.memory_space<vmem>>, vector<1x16xf32>,
        %get3A_462 = vector.shape_cast %get3A_461 : vector<1x16xf32> to vector<16xf32>
        %mul3A_463 = arith.mulf %broadcast_in_dim3A_422, %get3A_462 : vector<16xf32>
        %add3A_464 = arith.addf %add3A_413, %mul3A_463 : vector<16xf32>
        %get3A_465 = arith.index_cast %scan3A_90 : i32 to index
        %get3A_466 = arith.constant 880 : index
        %get3A_467 = tpu.vector_load %arg14[%get3A_465, %get3A_466] {strides = array<i32>} : memref<16x1024xf32, #tpu.memory_space<vmem>>, vector<1x16xf32>,
        %get3A_468 = vector.shape_cast %get3A_467 : vector<1x16xf32> to vector<16xf32>
        %mul3A_469 = arith.mulf %broadcast_in_dim3A_422, %get3A_468 : vector<16xf32>
        %add3A_470 = arith.addf %add3A_419, %mul3A_469 : vector<16xf32>
        %slice3A_471 = vector.extract_strided_slice %mul3A_100 {offsets = [7], sizes = [1], strides = [1]} : vector<16xf32> to vector<1xf32>
        %squeeze3A_472 = vector.extract %slice3A_471[0] : f32 from vector<1xf32>
        %broadcast_in_dim3A_473 = vector.broadcast %squeeze3A_472 : f32 to vector<16xf32>
        %get3A_474 = arith.index_cast %scan3A_90 : i32 to index
        %get3A_475 = arith.constant 896 : index
        %get3A_476 = tpu.vector_load %arg14[%get3A_474, %get3A_475] {strides = array<i32>} : memref<16x1024xf32, #tpu.memory_space<vmem>>, vector<1x16xf32>,
        %get3A_477 = vector.shape_cast %get3A_476 : vector<1x16xf32> to vector<16xf32>
        %mul3A_478 = arith.mulf %broadcast_in_dim3A_473, %get3A_477 : vector<16xf32>
        %add3A_479 = arith.addf %add3A_428, %mul3A_478 : vector<16xf32>
        %get3A_480 = arith.index_cast %scan3A_90 : i32 to index
        %get3A_481 = arith.constant 912 : index
        %get3A_482 = tpu.vector_load %arg14[%get3A_480, %get3A_481] {strides = array<i32>} : memref<16x1024xf32, #tpu.memory_space<vmem>>, vector<1x16xf32>,
        %get3A_483 = vector.shape_cast %get3A_482 : vector<1x16xf32> to vector<16xf32>
        %mul3A_484 = arith.mulf %broadcast_in_dim3A_473, %get3A_483 : vector<16xf32>
        %add3A_485 = arith.addf %add3A_434, %mul3A_484 : vector<16xf32>
        %get3A_486 = arith.index_cast %scan3A_90 : i32 to index
        %get3A_487 = arith.constant 928 : index
        %get3A_488 = tpu.vector_load %arg14[%get3A_486, %get3A_487] {strides = array<i32>} : memref<16x1024xf32, #tpu.memory_space<vmem>>, vector<1x16xf32>,
        %get3A_489 = vector.shape_cast %get3A_488 : vector<1x16xf32> to vector<16xf32>
        %mul3A_490 = arith.mulf %broadcast_in_dim3A_473, %get3A_489 : vector<16xf32>
        %add3A_491 = arith.addf %add3A_440, %mul3A_490 : vector<16xf32>
        %get3A_492 = arith.index_cast %scan3A_90 : i32 to index
        %get3A_493 = arith.constant 944 : index
        %get3A_494 = tpu.vector_load %arg14[%get3A_492, %get3A_493] {strides = array<i32>} : memref<16x1024xf32, #tpu.memory_space<vmem>>, vector<1x16xf32>,
        %get3A_495 = vector.shape_cast %get3A_494 : vector<1x16xf32> to vector<16xf32>
        %mul3A_496 = arith.mulf %broadcast_in_dim3A_473, %get3A_495 : vector<16xf32>
        %add3A_497 = arith.addf %add3A_446, %mul3A_496 : vector<16xf32>
        %get3A_498 = arith.index_cast %scan3A_90 : i32 to index
        %get3A_499 = arith.constant 960 : index
        %get3A_500 = tpu.vector_load %arg14[%get3A_498, %get3A_499] {strides = array<i32>} : memref<16x1024xf32, #tpu.memory_space<vmem>>, vector<1x16xf32>,
        %get3A_501 = vector.shape_cast %get3A_500 : vector<1x16xf32> to vector<16xf32>
        %mul3A_502 = arith.mulf %broadcast_in_dim3A_473, %get3A_501 : vector<16xf32>
        %add3A_503 = arith.addf %add3A_452, %mul3A_502 : vector<16xf32>
        %get3A_504 = arith.index_cast %scan3A_90 : i32 to index
        %get3A_505 = arith.constant 976 : index
        %get3A_506 = tpu.vector_load %arg14[%get3A_504, %get3A_505] {strides = array<i32>} : memref<16x1024xf32, #tpu.memory_space<vmem>>, vector<1x16xf32>,
        %get3A_507 = vector.shape_cast %get3A_506 : vector<1x16xf32> to vector<16xf32>
        %mul3A_508 = arith.mulf %broadcast_in_dim3A_473, %get3A_507 : vector<16xf32>
        %add3A_509 = arith.addf %add3A_458, %mul3A_508 : vector<16xf32>
        %get3A_510 = arith.index_cast %scan3A_90 : i32 to index
        %get3A_511 = arith.constant 992 : index
        %get3A_512 = tpu.vector_load %arg14[%get3A_510, %get3A_511] {strides = array<i32>} : memref<16x1024xf32, #tpu.memory_space<vmem>>, vector<1x16xf32>,
        %get3A_513 = vector.shape_cast %get3A_512 : vector<1x16xf32> to vector<16xf32>
        %mul3A_514 = arith.mulf %broadcast_in_dim3A_473, %get3A_513 : vector<16xf32>
        %add3A_515 = arith.addf %add3A_464, %mul3A_514 : vector<16xf32>
        %get3A_516 = arith.index_cast %scan3A_90 : i32 to index
        %get3A_517 = arith.constant 1008 : index
        %get3A_518 = tpu.vector_load %arg14[%get3A_516, %get3A_517] {strides = array<i32>} : memref<16x1024xf32, #tpu.memory_space<vmem>>, vector<1x16xf32>,
        %get3A_519 = vector.shape_cast %get3A_518 : vector<1x16xf32> to vector<16xf32>
        %mul3A_520 = arith.mulf %broadcast_in_dim3A_473, %get3A_519 : vector<16xf32>
        %add3A_521 = arith.addf %add3A_470, %mul3A_520 : vector<16xf32>
        %swap3A = arith.index_cast %scan3A_90 : i32 to index
        %swap3A_522 = arith.constant 0 : index
        %swap3A_523 = tpu.vector_load %arg19[%swap3A, %swap3A_522] {strides = array<i32>} : memref<16x128xf32, #tpu.memory_space<vmem>>, vector<1x16xf32>,
        %swap3A_524 = vector.shape_cast %swap3A_523 : vector<1x16xf32> to vector<16xf32>
        %swap3A_525 = vector.shape_cast %add3A_479 : vector<16xf32> to vector<1x16xf32>
        tpu.vector_store %arg19[%swap3A, %swap3A_522], %swap3A_525 {strides = array<i32>} : memref<16x128xf32, #tpu.memory_space<vmem>>, vector<1x16xf32>,
        %swap3A_526 = arith.index_cast %scan3A_90 : i32 to index
        %swap3A_527 = arith.constant 16 : index
        %swap3A_528 = tpu.vector_load %arg19[%swap3A_526, %swap3A_527] {strides = array<i32>} : memref<16x128xf32, #tpu.memory_space<vmem>>, vector<1x16xf32>,
        %swap3A_529 = vector.shape_cast %swap3A_528 : vector<1x16xf32> to vector<16xf32>
        %swap3A_530 = vector.shape_cast %add3A_485 : vector<16xf32> to vector<1x16xf32>
        tpu.vector_store %arg19[%swap3A_526, %swap3A_527], %swap3A_530 {strides = array<i32>} : memref<16x128xf32, #tpu.memory_space<vmem>>, vector<1x16xf32>,
        %swap3A_531 = arith.index_cast %scan3A_90 : i32 to index
        %swap3A_532 = arith.constant 32 : index
        %swap3A_533 = tpu.vector_load %arg19[%swap3A_531, %swap3A_532] {strides = array<i32>} : memref<16x128xf32, #tpu.memory_space<vmem>>, vector<1x16xf32>,
        %swap3A_534 = vector.shape_cast %swap3A_533 : vector<1x16xf32> to vector<16xf32>
        %swap3A_535 = vector.shape_cast %add3A_491 : vector<16xf32> to vector<1x16xf32>
        tpu.vector_store %arg19[%swap3A_531, %swap3A_532], %swap3A_535 {strides = array<i32>} : memref<16x128xf32, #tpu.memory_space<vmem>>, vector<1x16xf32>,
        %swap3A_536 = arith.index_cast %scan3A_90 : i32 to index
        %swap3A_537 = arith.constant 48 : index
        %swap3A_538 = tpu.vector_load %arg19[%swap3A_536, %swap3A_537] {strides = array<i32>} : memref<16x128xf32, #tpu.memory_space<vmem>>, vector<1x16xf32>,
        %swap3A_539 = vector.shape_cast %swap3A_538 : vector<1x16xf32> to vector<16xf32>
        %swap3A_540 = vector.shape_cast %add3A_497 : vector<16xf32> to vector<1x16xf32>
        tpu.vector_store %arg19[%swap3A_536, %swap3A_537], %swap3A_540 {strides = array<i32>} : memref<16x128xf32, #tpu.memory_space<vmem>>, vector<1x16xf32>,
        %swap3A_541 = arith.index_cast %scan3A_90 : i32 to index
        %swap3A_542 = arith.constant 64 : index
        %swap3A_543 = tpu.vector_load %arg19[%swap3A_541, %swap3A_542] {strides = array<i32>} : memref<16x128xf32, #tpu.memory_space<vmem>>, vector<1x16xf32>,
        %swap3A_544 = vector.shape_cast %swap3A_543 : vector<1x16xf32> to vector<16xf32>
        %swap3A_545 = vector.shape_cast %add3A_503 : vector<16xf32> to vector<1x16xf32>
        tpu.vector_store %arg19[%swap3A_541, %swap3A_542], %swap3A_545 {strides = array<i32>} : memref<16x128xf32, #tpu.memory_space<vmem>>, vector<1x16xf32>,
        %swap3A_546 = arith.index_cast %scan3A_90 : i32 to index
        %swap3A_547 = arith.constant 80 : index
        %swap3A_548 = tpu.vector_load %arg19[%swap3A_546, %swap3A_547] {strides = array<i32>} : memref<16x128xf32, #tpu.memory_space<vmem>>, vector<1x16xf32>,
        %swap3A_549 = vector.shape_cast %swap3A_548 : vector<1x16xf32> to vector<16xf32>
        %swap3A_550 = vector.shape_cast %add3A_509 : vector<16xf32> to vector<1x16xf32>
        tpu.vector_store %arg19[%swap3A_546, %swap3A_547], %swap3A_550 {strides = array<i32>} : memref<16x128xf32, #tpu.memory_space<vmem>>, vector<1x16xf32>,
        %swap3A_551 = arith.index_cast %scan3A_90 : i32 to index
        %swap3A_552 = arith.constant 96 : index
        %swap3A_553 = tpu.vector_load %arg19[%swap3A_551, %swap3A_552] {strides = array<i32>} : memref<16x128xf32, #tpu.memory_space<vmem>>, vector<1x16xf32>,
        %swap3A_554 = vector.shape_cast %swap3A_553 : vector<1x16xf32> to vector<16xf32>
        %swap3A_555 = vector.shape_cast %add3A_515 : vector<16xf32> to vector<1x16xf32>
        tpu.vector_store %arg19[%swap3A_551, %swap3A_552], %swap3A_555 {strides = array<i32>} : memref<16x128xf32, #tpu.memory_space<vmem>>, vector<1x16xf32>,
        %swap3A_556 = arith.index_cast %scan3A_90 : i32 to index
        %swap3A_557 = arith.constant 112 : index
        %swap3A_558 = tpu.vector_load %arg19[%swap3A_556, %swap3A_557] {strides = array<i32>} : memref<16x128xf32, #tpu.memory_space<vmem>>, vector<1x16xf32>,
        %swap3A_559 = vector.shape_cast %swap3A_558 : vector<1x16xf32> to vector<16xf32>
        %swap3A_560 = vector.shape_cast %add3A_521 : vector<16xf32> to vector<1x16xf32>
        tpu.vector_store %arg19[%swap3A_556, %swap3A_557], %swap3A_560 {strides = array<i32>} : memref<16x128xf32, #tpu.memory_space<vmem>>, vector<1x16xf32>,
        %scan3A_561 = arith.constant 0 : i32
        scf.yield %scan3A_561 : i32
      }
      %scan3A_88 = arith.constant 16 : i32
      "tpu.region"() ({
        %run_scoped3A = tpu.sem_alloc : memref<!tpu.dma_semaphore, #tpu.memory_space<semaphore_mem>>
        %dma_start3A_90 = arith.constant 0 : i32
        %dma_start3A_91 = arith.constant 0 : i32
        %dma_start3A_92 = tpu.memref_slice %arg21[%dma_start3A_90, %dma_start3A_91] : memref<10240x128xf32, #tpu.memory_space<vmem_shared>> -> memref<10240x128xf32, #tpu.memory_space<vmem_shared>>
        tpu.enqueue_indirect_dma source(%arg19 : memref<16x128xf32, #tpu.memory_space<vmem>>) target(%dma_start3A_92 : memref<10240x128xf32, #tpu.memory_space<vmem_shared>>) offsets(%arg12 : memref<16xi32, #tpu.memory_space<vmem>>) semaphore(%run_scoped3A : memref<!tpu.dma_semaphore, #tpu.memory_space<semaphore_mem>>) {add = true}
        %dma_wait3A_93 = arith.constant 0 : i32
        %dma_wait3A_94 = arith.constant 0 : i32
        %dma_wait3A_95 = tpu.memref_slice %arg21[%dma_wait3A_93, %dma_wait3A_94] : memref<10240x128xf32, #tpu.memory_space<vmem_shared>> -> memref<10240x128xf32, #tpu.memory_space<vmem_shared>>
        tpu.wait_indirect_dma semaphore(%run_scoped3A : memref<!tpu.dma_semaphore, #tpu.memory_space<semaphore_mem>>) src(%arg19 : memref<16x128xf32, #tpu.memory_space<vmem>>) dst(%dma_wait3A_95 : memref<10240x128xf32, #tpu.memory_space<vmem_shared>>)
        tpu.yield
      }) : () -> ()
      %scan3A_89 = arith.constant 0 : i32
      scf.yield %scan3A_89 : i32
    }
    %scan3A_26 = arith.constant 324 : i32
    %barrier3A_27 = arith.constant 0 : index
    tpu.barrier barrier_id(%barrier3A_27)
    %scan3A_28 = arith.constant 0 : i32
    %scan3A_29 = arith.constant 0 : i32
    %scan3A_30 = arith.constant 20 : i32
    %scan3A_31 = arith.addi %scan3A_29, %scan3A_30 : i32
    %scan3A_32 = arith.constant 1 : i32
    %scan3A_33 = scf.for %scan3A_35 = %scan3A_29 to %scan3A_31 step %scan3A_32 iter_args(%scan3A_36 = %scan3A_28) -> (i32)  : i32 {
      %mul3A_37 = arith.constant 640 : i32
      %mul3A_38 = arith.muli %arg1, %mul3A_37 : i32
      %mul3A_39 = arith.constant 32 : i32
      %mul3A_40 = arith.muli %scan3A_35, %mul3A_39 : i32
      %add3A_41 = arith.addi %mul3A_38, %mul3A_40 : i32
      "tpu.region"() ({
        %run_scoped3A = tpu.sem_alloc : memref<!tpu.dma_semaphore, #tpu.memory_space<semaphore_mem>>
        %dma_start3A_51 = arith.constant 0 : i32
        %dma_start3A_52 = tpu.memref_slice %arg21[%add3A_41, %dma_start3A_51] : memref<10240x128xf32, #tpu.memory_space<vmem_shared>> -> memref<32x128xf32, #tpu.memory_space<vmem_shared>>
        %dma_start3A_53 = arith.constant 0 : i32
        %dma_start3A_54 = tpu.memref_slice %arg21[%add3A_41, %dma_start3A_53] : memref<10240x128xf32, #tpu.memory_space<vmem_shared>> -> memref<32x128xf32, #tpu.memory_space<vmem_shared>>
        tpu.enqueue_dma source(%dma_start3A_54 : memref<32x128xf32, #tpu.memory_space<vmem_shared>>) target(%arg20 : memref<32x128xf32, #tpu.memory_space<vmem>>) target_semaphore(%run_scoped3A : memref<!tpu.dma_semaphore, #tpu.memory_space<semaphore_mem>>)
        %dma_wait3A = arith.constant 0 : i32
        %dma_wait3A_55 = tpu.memref_slice %arg21[%add3A_41, %dma_wait3A] : memref<10240x128xf32, #tpu.memory_space<vmem_shared>> -> memref<32x128xf32, #tpu.memory_space<vmem_shared>>
        %dma_wait3A_56 = arith.constant 0 : i32
        %dma_wait3A_57 = tpu.memref_slice %arg21[%add3A_41, %dma_wait3A_56] : memref<10240x128xf32, #tpu.memory_space<vmem_shared>> -> memref<32x128xf32, #tpu.memory_space<vmem_shared>>
        tpu.wait_dma2 semaphore(%run_scoped3A : memref<!tpu.dma_semaphore, #tpu.memory_space<semaphore_mem>>) src(%dma_wait3A_57 : memref<32x128xf32, #tpu.memory_space<vmem_shared>>) dst(%arg20 : memref<32x128xf32, #tpu.memory_space<vmem>>)
        tpu.yield
      }) : () -> ()
      %mul3A_42 = arith.constant 10240 : i32
      %mul3A_43 = arith.muli %arg0, %mul3A_42 : i32
      %mul3A_44 = arith.constant 640 : i32
      %mul3A_45 = arith.muli %arg1, %mul3A_44 : i32
      %add3A_46 = arith.addi %mul3A_43, %mul3A_45 : i32
      %mul3A_47 = arith.constant 32 : i32
      %mul3A_48 = arith.muli %scan3A_35, %mul3A_47 : i32
      %add3A_49 = arith.addi %add3A_46, %mul3A_48 : i32
      "tpu.region"() ({
        %run_scoped3A = tpu.sem_alloc : memref<!tpu.dma_semaphore, #tpu.memory_space<semaphore_mem>>
        %dma_start3A_51 = arith.constant 0 : i32
        %dma_start3A_52 = tpu.memref_slice %arg8[%add3A_49, %dma_start3A_51] : memref<20480x128xf32, #tpu.memory_space<hbm>> -> memref<32x128xf32, #tpu.memory_space<hbm>>
        %dma_start3A_53 = arith.constant 0 : i32
        %dma_start3A_54 = tpu.memref_slice %arg8[%add3A_49, %dma_start3A_53] : memref<20480x128xf32, #tpu.memory_space<hbm>> -> memref<32x128xf32, #tpu.memory_space<hbm>>
        tpu.enqueue_dma source(%arg20 : memref<32x128xf32, #tpu.memory_space<vmem>>) target(%dma_start3A_54 : memref<32x128xf32, #tpu.memory_space<hbm>>) target_semaphore(%run_scoped3A : memref<!tpu.dma_semaphore, #tpu.memory_space<semaphore_mem>>)
        %dma_wait3A = arith.constant 0 : i32
        %dma_wait3A_55 = tpu.memref_slice %arg8[%add3A_49, %dma_wait3A] : memref<20480x128xf32, #tpu.memory_space<hbm>> -> memref<32x128xf32, #tpu.memory_space<hbm>>
        %dma_wait3A_56 = arith.constant 0 : i32
        %dma_wait3A_57 = tpu.memref_slice %arg8[%add3A_49, %dma_wait3A_56] : memref<20480x128xf32, #tpu.memory_space<hbm>> -> memref<32x128xf32, #tpu.memory_space<hbm>>
        tpu.wait_dma2 semaphore(%run_scoped3A : memref<!tpu.dma_semaphore, #tpu.memory_space<semaphore_mem>>) src(%arg20 : memref<32x128xf32, #tpu.memory_space<vmem>>) dst(%dma_wait3A_57 : memref<32x128xf32, #tpu.memory_space<hbm>>)
        tpu.yield
      }) : () -> ()
      %scan3A_50 = arith.constant 0 : i32
      scf.yield %scan3A_50 : i32
    }
    %scan3A_34 = arith.constant 20 : i32
    return
  }
}

#map = affine_map<(d0, d1) -> (0)>
#map1 = affine_map<(d0, d1) -> (0, 0)>
module attributes {stable_mosaic.version = 14 : i64} {
  func.func @_edge_agg_body(%arg0: i32, %arg1: i32, %arg2: memref<331776xi32, #tpu.memory_space<hbm>>, %arg3: memref<331776xi32, #tpu.memory_space<hbm>>, %arg4: memref<10240x1024xf32, #tpu.memory_space<hbm>>, %arg5: memref<5308416xf32, #tpu.memory_space<hbm>>, %arg6: memref<10240x128xf32, #tpu.memory_space<hbm>>, %arg7: memref<32x128xf32, #tpu.memory_space<hbm>>, %arg8: memref<20480x128xf32, #tpu.memory_space<hbm>>, %arg9: memref<16xi32, #tpu.memory_space<vmem>>, %arg10: memref<16xi32, #tpu.memory_space<vmem>>, %arg11: memref<16xi32, #tpu.memory_space<vmem>>, %arg12: memref<16xi32, #tpu.memory_space<vmem>>, %arg13: memref<16x1024xf32, #tpu.memory_space<vmem>>, %arg14: memref<16x1024xf32, #tpu.memory_space<vmem>>, %arg15: memref<256xf32, #tpu.memory_space<vmem>>, %arg16: memref<256xf32, #tpu.memory_space<vmem>>, %arg17: memref<16x128xf32, #tpu.memory_space<vmem>>, %arg18: memref<16x128xf32, #tpu.memory_space<vmem>>, %arg19: memref<16x128xf32, #tpu.memory_space<vmem>>, %arg20: memref<32x128xf32, #tpu.memory_space<vmem>>, %arg21: memref<10240x128xf32, #tpu.memory_space<vmem_shared>>, %arg22: memref<!tpu.dma_semaphore, #tpu.memory_space<semaphore_mem>>, %arg23: memref<!tpu.dma_semaphore, #tpu.memory_space<semaphore_mem>>, %arg24: memref<!tpu.dma_semaphore, #tpu.memory_space<semaphore_mem>>, %arg25: memref<!tpu.dma_semaphore, #tpu.memory_space<semaphore_mem>>, %arg26: memref<!tpu.dma_semaphore, #tpu.memory_space<semaphore_mem>>, %arg27: memref<!tpu.dma_semaphore, #tpu.memory_space<semaphore_mem>>) attributes {dimension_semantics = [#tpu.dimension_semantics<core_parallel>, #tpu.dimension_semantics<subcore_parallel>], iteration_bounds = array<i64: 2, 16>, scalar_prefetch = 0 : i64, scratch_operands = 19 : i64, tpu.core_type = #tpu.core_type<sc_vector_subcore>, window_params = [{transform_indices = #map}, {transform_indices = #map}, {transform_indices = #map1}, {transform_indices = #map}, {transform_indices = #map1}, {transform_indices = #map1}, {transform_indices = #map1}]} {
    %mul3A = arith.constant 2 : i32
    %mul3A_0 = arith.muli %arg1, %mul3A : i32
    %add3A = arith.addi %mul3A_0, %arg0 : i32
    "tpu.region"() ({
      %run_scoped3A = tpu.sem_alloc : memref<!tpu.dma_semaphore, #tpu.memory_space<semaphore_mem>>
      tpu.enqueue_dma source(%arg7 : memref<32x128xf32, #tpu.memory_space<hbm>>) target(%arg20 : memref<32x128xf32, #tpu.memory_space<vmem>>) target_semaphore(%run_scoped3A : memref<!tpu.dma_semaphore, #tpu.memory_space<semaphore_mem>>)
      tpu.wait_dma2 semaphore(%run_scoped3A : memref<!tpu.dma_semaphore, #tpu.memory_space<semaphore_mem>>) src(%arg7 : memref<32x128xf32, #tpu.memory_space<hbm>>) dst(%arg20 : memref<32x128xf32, #tpu.memory_space<vmem>>)
      tpu.yield
    }) : () -> ()
    %scan3A = arith.constant 0 : i32
    %scan3A_1 = arith.constant 0 : i32
    %scan3A_2 = arith.constant 20 : i32
    %scan3A_3 = arith.addi %scan3A_1, %scan3A_2 : i32
    %scan3A_4 = arith.constant 1 : i32
    %scan3A_5 = scf.for %scan3A_35 = %scan3A_1 to %scan3A_3 step %scan3A_4 iter_args(%scan3A_36 = %scan3A) -> (i32)  : i32 {
      %mul3A_37 = arith.constant 640 : i32
      %mul3A_38 = arith.muli %arg1, %mul3A_37 : i32
      %mul3A_39 = arith.constant 32 : i32
      %mul3A_40 = arith.muli %scan3A_35, %mul3A_39 : i32
      %add3A_41 = arith.addi %mul3A_38, %mul3A_40 : i32
      "tpu.region"() ({
        %run_scoped3A = tpu.sem_alloc : memref<!tpu.dma_semaphore, #tpu.memory_space<semaphore_mem>>
        %dma_start3A_43 = arith.constant 0 : i32
        %dma_start3A_44 = tpu.memref_slice %arg21[%add3A_41, %dma_start3A_43] : memref<10240x128xf32, #tpu.memory_space<vmem_shared>> -> memref<32x128xf32, #tpu.memory_space<vmem_shared>>
        %dma_start3A_45 = arith.constant 0 : i32
        %dma_start3A_46 = tpu.memref_slice %arg21[%add3A_41, %dma_start3A_45] : memref<10240x128xf32, #tpu.memory_space<vmem_shared>> -> memref<32x128xf32, #tpu.memory_space<vmem_shared>>
        tpu.enqueue_dma source(%arg20 : memref<32x128xf32, #tpu.memory_space<vmem>>) target(%dma_start3A_46 : memref<32x128xf32, #tpu.memory_space<vmem_shared>>) target_semaphore(%run_scoped3A : memref<!tpu.dma_semaphore, #tpu.memory_space<semaphore_mem>>)
        %dma_wait3A = arith.constant 0 : i32
        %dma_wait3A_47 = tpu.memref_slice %arg21[%add3A_41, %dma_wait3A] : memref<10240x128xf32, #tpu.memory_space<vmem_shared>> -> memref<32x128xf32, #tpu.memory_space<vmem_shared>>
        %dma_wait3A_48 = arith.constant 0 : i32
        %dma_wait3A_49 = tpu.memref_slice %arg21[%add3A_41, %dma_wait3A_48] : memref<10240x128xf32, #tpu.memory_space<vmem_shared>> -> memref<32x128xf32, #tpu.memory_space<vmem_shared>>
        tpu.wait_dma2 semaphore(%run_scoped3A : memref<!tpu.dma_semaphore, #tpu.memory_space<semaphore_mem>>) src(%arg20 : memref<32x128xf32, #tpu.memory_space<vmem>>) dst(%dma_wait3A_49 : memref<32x128xf32, #tpu.memory_space<vmem_shared>>)
        tpu.yield
      }) : () -> ()
      %scan3A_42 = arith.constant 0 : i32
      scf.yield %scan3A_42 : i32
    }
    %scan3A_6 = arith.constant 20 : i32
    %barrier3A = arith.constant 0 : index
    tpu.barrier barrier_id(%barrier3A)
    %mul3A_7 = arith.constant 10368 : i32
    %mul3A_8 = arith.muli %add3A, %mul3A_7 : i32
    %add3A_9 = arith.constant 0 : i32
    %add3A_10 = arith.addi %mul3A_8, %add3A_9 : i32
    "tpu.region"() ({
      %run_scoped3A = tpu.sem_alloc : memref<!tpu.dma_semaphore, #tpu.memory_space<semaphore_mem>>
      %dma_start3A_35 = tpu.memref_slice %arg2[%add3A_10] : memref<331776xi32, #tpu.memory_space<hbm>> -> memref<16xi32, #tpu.memory_space<hbm>>
      %dma_start3A_36 = tpu.memref_slice %arg2[%add3A_10] : memref<331776xi32, #tpu.memory_space<hbm>> -> memref<16xi32, #tpu.memory_space<hbm>>
      tpu.enqueue_dma source(%dma_start3A_36 : memref<16xi32, #tpu.memory_space<hbm>>) target(%arg9 : memref<16xi32, #tpu.memory_space<vmem>>) target_semaphore(%run_scoped3A : memref<!tpu.dma_semaphore, #tpu.memory_space<semaphore_mem>>)
      %dma_wait3A = tpu.memref_slice %arg2[%add3A_10] : memref<331776xi32, #tpu.memory_space<hbm>> -> memref<16xi32, #tpu.memory_space<hbm>>
      %dma_wait3A_37 = tpu.memref_slice %arg2[%add3A_10] : memref<331776xi32, #tpu.memory_space<hbm>> -> memref<16xi32, #tpu.memory_space<hbm>>
      tpu.wait_dma2 semaphore(%run_scoped3A : memref<!tpu.dma_semaphore, #tpu.memory_space<semaphore_mem>>) src(%dma_wait3A_37 : memref<16xi32, #tpu.memory_space<hbm>>) dst(%arg9 : memref<16xi32, #tpu.memory_space<vmem>>)
      tpu.yield
    }) : () -> ()
    "tpu.region"() ({
      %run_scoped3A = tpu.sem_alloc : memref<!tpu.dma_semaphore, #tpu.memory_space<semaphore_mem>>
      %dma_start3A_35 = tpu.memref_slice %arg3[%add3A_10] : memref<331776xi32, #tpu.memory_space<hbm>> -> memref<16xi32, #tpu.memory_space<hbm>>
      %dma_start3A_36 = tpu.memref_slice %arg3[%add3A_10] : memref<331776xi32, #tpu.memory_space<hbm>> -> memref<16xi32, #tpu.memory_space<hbm>>
      tpu.enqueue_dma source(%dma_start3A_36 : memref<16xi32, #tpu.memory_space<hbm>>) target(%arg11 : memref<16xi32, #tpu.memory_space<vmem>>) target_semaphore(%run_scoped3A : memref<!tpu.dma_semaphore, #tpu.memory_space<semaphore_mem>>)
      %dma_wait3A = tpu.memref_slice %arg3[%add3A_10] : memref<331776xi32, #tpu.memory_space<hbm>> -> memref<16xi32, #tpu.memory_space<hbm>>
      %dma_wait3A_37 = tpu.memref_slice %arg3[%add3A_10] : memref<331776xi32, #tpu.memory_space<hbm>> -> memref<16xi32, #tpu.memory_space<hbm>>
      tpu.wait_dma2 semaphore(%run_scoped3A : memref<!tpu.dma_semaphore, #tpu.memory_space<semaphore_mem>>) src(%dma_wait3A_37 : memref<16xi32, #tpu.memory_space<hbm>>) dst(%arg11 : memref<16xi32, #tpu.memory_space<vmem>>)
      tpu.yield
    }) : () -> ()
    %dma_start3A = arith.constant 0 : i32
    %dma_start3A_11 = arith.constant 0 : i32
    %dma_start3A_12 = tpu.memref_slice %arg4[%dma_start3A, %dma_start3A_11] : memref<10240x1024xf32, #tpu.memory_space<hbm>> -> memref<10240x1024xf32, #tpu.memory_space<hbm>>
    tpu.enqueue_indirect_dma source(%dma_start3A_12 : memref<10240x1024xf32, #tpu.memory_space<hbm>>) target(%arg13 : memref<16x1024xf32, #tpu.memory_space<vmem>>) offsets(%arg9 : memref<16xi32, #tpu.memory_space<vmem>>) semaphore(%arg22 : memref<!tpu.dma_semaphore, #tpu.memory_space<semaphore_mem>>)
    %dma_start3A_13 = arith.constant 0 : i32
    %dma_start3A_14 = arith.constant 0 : i32
    %dma_start3A_15 = tpu.memref_slice %arg6[%dma_start3A_13, %dma_start3A_14] : memref<10240x128xf32, #tpu.memory_space<hbm>> -> memref<10240x128xf32, #tpu.memory_space<hbm>>
    tpu.enqueue_indirect_dma source(%dma_start3A_15 : memref<10240x128xf32, #tpu.memory_space<hbm>>) target(%arg17 : memref<16x128xf32, #tpu.memory_space<vmem>>) offsets(%arg11 : memref<16xi32, #tpu.memory_space<vmem>>) semaphore(%arg24 : memref<!tpu.dma_semaphore, #tpu.memory_space<semaphore_mem>>)
    %mul3A_16 = arith.constant 16 : i32
    %mul3A_17 = arith.muli %add3A_10, %mul3A_16 : i32
    %dma_start3A_18 = tpu.memref_slice %arg5[%mul3A_17] : memref<5308416xf32, #tpu.memory_space<hbm>> -> memref<256xf32, #tpu.memory_space<hbm>>
    %dma_start3A_19 = tpu.memref_slice %arg5[%mul3A_17] : memref<5308416xf32, #tpu.memory_space<hbm>> -> memref<256xf32, #tpu.memory_space<hbm>>
    tpu.enqueue_dma source(%dma_start3A_19 : memref<256xf32, #tpu.memory_space<hbm>>) target(%arg15 : memref<256xf32, #tpu.memory_space<vmem>>) target_semaphore(%arg26 : memref<!tpu.dma_semaphore, #tpu.memory_space<semaphore_mem>>)
    %scan3A_20 = arith.constant 0 : i32
    %scan3A_21 = arith.constant 0 : i32
    %scan3A_22 = arith.constant 324 : i32
    %scan3A_23 = arith.addi %scan3A_21, %scan3A_22 : i32
    %scan3A_24 = arith.constant 1 : i32
    %scan3A_25 = scf.for %scan3A_35 = %scan3A_21 to %scan3A_23 step %scan3A_24 iter_args(%scan3A_36 = %scan3A_20) -> (i32)  : i32 {
      %mul3A_37 = arith.constant 2 : i32
      %mul3A_38 = arith.muli %mul3A_37, %scan3A_35 : i32
      %add3A_39 = arith.constant 0 : i32
      %add3A_40 = arith.addi %mul3A_38, %add3A_39 : i32
      %dma_wait3A = arith.constant 0 : i32
      %dma_wait3A_41 = arith.constant 0 : i32
      %dma_wait3A_42 = tpu.memref_slice %arg4[%dma_wait3A, %dma_wait3A_41] : memref<10240x1024xf32, #tpu.memory_space<hbm>> -> memref<10240x1024xf32, #tpu.memory_space<hbm>>
      tpu.wait_indirect_dma semaphore(%arg22 : memref<!tpu.dma_semaphore, #tpu.memory_space<semaphore_mem>>) src(%dma_wait3A_42 : memref<10240x1024xf32, #tpu.memory_space<hbm>>) dst(%arg13 : memref<16x1024xf32, #tpu.memory_space<vmem>>)
      %dma_wait3A_43 = arith.constant 0 : i32
      %dma_wait3A_44 = arith.constant 0 : i32
      %dma_wait3A_45 = tpu.memref_slice %arg6[%dma_wait3A_43, %dma_wait3A_44] : memref<10240x128xf32, #tpu.memory_space<hbm>> -> memref<10240x128xf32, #tpu.memory_space<hbm>>
      tpu.wait_indirect_dma semaphore(%arg24 : memref<!tpu.dma_semaphore, #tpu.memory_space<semaphore_mem>>) src(%dma_wait3A_45 : memref<10240x128xf32, #tpu.memory_space<hbm>>) dst(%arg17 : memref<16x128xf32, #tpu.memory_space<vmem>>)
      %dma_wait3A_46 = arith.constant 0 : i32
      %dma_wait3A_47 = tpu.memref_slice %arg5[%dma_wait3A_46] : memref<5308416xf32, #tpu.memory_space<hbm>> -> memref<256xf32, #tpu.memory_space<hbm>>
      %dma_wait3A_48 = arith.constant 0 : i32
      %dma_wait3A_49 = tpu.memref_slice %arg5[%dma_wait3A_48] : memref<5308416xf32, #tpu.memory_space<hbm>> -> memref<256xf32, #tpu.memory_space<hbm>>
      tpu.wait_dma2 semaphore(%arg26 : memref<!tpu.dma_semaphore, #tpu.memory_space<semaphore_mem>>) src(%dma_wait3A_49 : memref<256xf32, #tpu.memory_space<hbm>>) dst(%arg15 : memref<256xf32, #tpu.memory_space<vmem>>)
      %add3A_50 = arith.constant 1 : i32
      %add3A_51 = arith.addi %add3A_40, %add3A_50 : i32
      %lt3A = arith.constant 648 : i32
      %lt3A_52 = arith.cmpi slt, %add3A_51, %lt3A : i32
      %convert_element_type3A = arith.extui %lt3A_52 : i1 to i32
      %cond3A = arith.constant 0 : i32
      %cond3A_53 = arith.cmpi ne, %convert_element_type3A, %cond3A : i32
      scf.if %cond3A_53 {
        %add3A_90 = arith.constant 1 : i32
        %add3A_91 = arith.addi %add3A_40, %add3A_90 : i32
        %mul3A_92 = arith.constant 16 : i32
        %mul3A_93 = arith.muli %add3A_91, %mul3A_92 : i32
        %add3A_94 = arith.addi %mul3A_8, %mul3A_93 : i32
        "tpu.region"() ({
          %run_scoped3A = tpu.sem_alloc : memref<!tpu.dma_semaphore, #tpu.memory_space<semaphore_mem>>
          %dma_start3A_105 = tpu.memref_slice %arg2[%add3A_94] : memref<331776xi32, #tpu.memory_space<hbm>> -> memref<16xi32, #tpu.memory_space<hbm>>
          %dma_start3A_106 = tpu.memref_slice %arg2[%add3A_94] : memref<331776xi32, #tpu.memory_space<hbm>> -> memref<16xi32, #tpu.memory_space<hbm>>
          tpu.enqueue_dma source(%dma_start3A_106 : memref<16xi32, #tpu.memory_space<hbm>>) target(%arg10 : memref<16xi32, #tpu.memory_space<vmem>>) target_semaphore(%run_scoped3A : memref<!tpu.dma_semaphore, #tpu.memory_space<semaphore_mem>>)
          %dma_wait3A_107 = tpu.memref_slice %arg2[%add3A_94] : memref<331776xi32, #tpu.memory_space<hbm>> -> memref<16xi32, #tpu.memory_space<hbm>>
          %dma_wait3A_108 = tpu.memref_slice %arg2[%add3A_94] : memref<331776xi32, #tpu.memory_space<hbm>> -> memref<16xi32, #tpu.memory_space<hbm>>
          tpu.wait_dma2 semaphore(%run_scoped3A : memref<!tpu.dma_semaphore, #tpu.memory_space<semaphore_mem>>) src(%dma_wait3A_108 : memref<16xi32, #tpu.memory_space<hbm>>) dst(%arg10 : memref<16xi32, #tpu.memory_space<vmem>>)
          tpu.yield
        }) : () -> ()
        "tpu.region"() ({
          %run_scoped3A = tpu.sem_alloc : memref<!tpu.dma_semaphore, #tpu.memory_space<semaphore_mem>>
          %dma_start3A_105 = tpu.memref_slice %arg3[%add3A_94] : memref<331776xi32, #tpu.memory_space<hbm>> -> memref<16xi32, #tpu.memory_space<hbm>>
          %dma_start3A_106 = tpu.memref_slice %arg3[%add3A_94] : memref<331776xi32, #tpu.memory_space<hbm>> -> memref<16xi32, #tpu.memory_space<hbm>>
          tpu.enqueue_dma source(%dma_start3A_106 : memref<16xi32, #tpu.memory_space<hbm>>) target(%arg12 : memref<16xi32, #tpu.memory_space<vmem>>) target_semaphore(%run_scoped3A : memref<!tpu.dma_semaphore, #tpu.memory_space<semaphore_mem>>)
          %dma_wait3A_107 = tpu.memref_slice %arg3[%add3A_94] : memref<331776xi32, #tpu.memory_space<hbm>> -> memref<16xi32, #tpu.memory_space<hbm>>
          %dma_wait3A_108 = tpu.memref_slice %arg3[%add3A_94] : memref<331776xi32, #tpu.memory_space<hbm>> -> memref<16xi32, #tpu.memory_space<hbm>>
          tpu.wait_dma2 semaphore(%run_scoped3A : memref<!tpu.dma_semaphore, #tpu.memory_space<semaphore_mem>>) src(%dma_wait3A_108 : memref<16xi32, #tpu.memory_space<hbm>>) dst(%arg12 : memref<16xi32, #tpu.memory_space<vmem>>)
          tpu.yield
        }) : () -> ()
        %dma_start3A_95 = arith.constant 0 : i32
        %dma_start3A_96 = arith.constant 0 : i32
        %dma_start3A_97 = tpu.memref_slice %arg4[%dma_start3A_95, %dma_start3A_96] : memref<10240x1024xf32, #tpu.memory_space<hbm>> -> memref<10240x1024xf32, #tpu.memory_space<hbm>>
        tpu.enqueue_indirect_dma source(%dma_start3A_97 : memref<10240x1024xf32, #tpu.memory_space<hbm>>) target(%arg14 : memref<16x1024xf32, #tpu.memory_space<vmem>>) offsets(%arg10 : memref<16xi32, #tpu.memory_space<vmem>>) semaphore(%arg23 : memref<!tpu.dma_semaphore, #tpu.memory_space<semaphore_mem>>)
        %dma_start3A_98 = arith.constant 0 : i32
        %dma_start3A_99 = arith.constant 0 : i32
        %dma_start3A_100 = tpu.memref_slice %arg6[%dma_start3A_98, %dma_start3A_99] : memref<10240x128xf32, #tpu.memory_space<hbm>> -> memref<10240x128xf32, #tpu.memory_space<hbm>>
        tpu.enqueue_indirect_dma source(%dma_start3A_100 : memref<10240x128xf32, #tpu.memory_space<hbm>>) target(%arg18 : memref<16x128xf32, #tpu.memory_space<vmem>>) offsets(%arg12 : memref<16xi32, #tpu.memory_space<vmem>>) semaphore(%arg25 : memref<!tpu.dma_semaphore, #tpu.memory_space<semaphore_mem>>)
        %mul3A_101 = arith.constant 16 : i32
        %mul3A_102 = arith.muli %add3A_94, %mul3A_101 : i32
        %dma_start3A_103 = tpu.memref_slice %arg5[%mul3A_102] : memref<5308416xf32, #tpu.memory_space<hbm>> -> memref<256xf32, #tpu.memory_space<hbm>>
        %dma_start3A_104 = tpu.memref_slice %arg5[%mul3A_102] : memref<5308416xf32, #tpu.memory_space<hbm>> -> memref<256xf32, #tpu.memory_space<hbm>>
        tpu.enqueue_dma source(%dma_start3A_104 : memref<256xf32, #tpu.memory_space<hbm>>) target(%arg16 : memref<256xf32, #tpu.memory_space<vmem>>) target_semaphore(%arg27 : memref<!tpu.dma_semaphore, #tpu.memory_space<semaphore_mem>>)
      } else {
      }
      %scan3A_54 = arith.constant 0 : i32
      %scan3A_55 = arith.constant 0 : i32
      %scan3A_56 = arith.constant 16 : i32
      %scan3A_57 = arith.addi %scan3A_55, %scan3A_56 : i32
      %scan3A_58 = arith.constant 1 : i32
      %scan3A_59 = scf.for %scan3A_90 = %scan3A_55 to %scan3A_57 step %scan3A_58 iter_args(%scan3A_91 = %scan3A_54) -> (i32)  : i32 {
        %mul3A_92 = arith.constant 16 : i32
        %mul3A_93 = arith.muli %scan3A_90, %mul3A_92 : i32
        %get3A = arith.index_cast %mul3A_93 : i32 to index
        %get3A_94 = tpu.vector_load %arg15[%get3A] {strides = array<i32>} : memref<256xf32, #tpu.memory_space<vmem>>, vector<16xf32>,
        %get3A_95 = vector.shape_cast %get3A_94 : vector<16xf32> to vector<16xf32>
        %get3A_96 = arith.index_cast %scan3A_90 : i32 to index
        %get3A_97 = arith.constant 0 : index
        %get3A_98 = tpu.vector_load %arg17[%get3A_96, %get3A_97] {strides = array<i32>} : memref<16x128xf32, #tpu.memory_space<vmem>>, vector<1x16xf32>,
        %get3A_99 = vector.shape_cast %get3A_98 : vector<1x16xf32> to vector<16xf32>
        %mul3A_100 = arith.mulf %get3A_95, %get3A_99 : vector<16xf32>
        %broadcast_in_dim3A = arith.constant 0.000000e+00 : f32
        %broadcast_in_dim3A_101 = vector.broadcast %broadcast_in_dim3A : f32 to vector<16xf32>
        %broadcast_in_dim3A_102 = arith.constant 0.000000e+00 : f32
        %broadcast_in_dim3A_103 = vector.broadcast %broadcast_in_dim3A_102 : f32 to vector<16xf32>
        %broadcast_in_dim3A_104 = arith.constant 0.000000e+00 : f32
        %broadcast_in_dim3A_105 = vector.broadcast %broadcast_in_dim3A_104 : f32 to vector<16xf32>
        %broadcast_in_dim3A_106 = arith.constant 0.000000e+00 : f32
        %broadcast_in_dim3A_107 = vector.broadcast %broadcast_in_dim3A_106 : f32 to vector<16xf32>
        %broadcast_in_dim3A_108 = arith.constant 0.000000e+00 : f32
        %broadcast_in_dim3A_109 = vector.broadcast %broadcast_in_dim3A_108 : f32 to vector<16xf32>
        %broadcast_in_dim3A_110 = arith.constant 0.000000e+00 : f32
        %broadcast_in_dim3A_111 = vector.broadcast %broadcast_in_dim3A_110 : f32 to vector<16xf32>
        %broadcast_in_dim3A_112 = arith.constant 0.000000e+00 : f32
        %broadcast_in_dim3A_113 = vector.broadcast %broadcast_in_dim3A_112 : f32 to vector<16xf32>
        %broadcast_in_dim3A_114 = arith.constant 0.000000e+00 : f32
        %broadcast_in_dim3A_115 = vector.broadcast %broadcast_in_dim3A_114 : f32 to vector<16xf32>
        %slice3A = vector.extract_strided_slice %mul3A_100 {offsets = [0], sizes = [1], strides = [1]} : vector<16xf32> to vector<1xf32>
        %squeeze3A = vector.extract %slice3A[0] : f32 from vector<1xf32>
        %broadcast_in_dim3A_116 = vector.broadcast %squeeze3A : f32 to vector<16xf32>
        %get3A_117 = arith.index_cast %scan3A_90 : i32 to index
        %get3A_118 = arith.constant 0 : index
        %get3A_119 = tpu.vector_load %arg13[%get3A_117, %get3A_118] {strides = array<i32>} : memref<16x1024xf32, #tpu.memory_space<vmem>>, vector<1x16xf32>,
        %get3A_120 = vector.shape_cast %get3A_119 : vector<1x16xf32> to vector<16xf32>
        %mul3A_121 = arith.mulf %broadcast_in_dim3A_116, %get3A_120 : vector<16xf32>
        %add3A_122 = arith.addf %broadcast_in_dim3A_101, %mul3A_121 : vector<16xf32>
        %get3A_123 = arith.index_cast %scan3A_90 : i32 to index
        %get3A_124 = arith.constant 16 : index
        %get3A_125 = tpu.vector_load %arg13[%get3A_123, %get3A_124] {strides = array<i32>} : memref<16x1024xf32, #tpu.memory_space<vmem>>, vector<1x16xf32>,
        %get3A_126 = vector.shape_cast %get3A_125 : vector<1x16xf32> to vector<16xf32>
        %mul3A_127 = arith.mulf %broadcast_in_dim3A_116, %get3A_126 : vector<16xf32>
        %add3A_128 = arith.addf %broadcast_in_dim3A_103, %mul3A_127 : vector<16xf32>
        %get3A_129 = arith.index_cast %scan3A_90 : i32 to index
        %get3A_130 = arith.constant 32 : index
        %get3A_131 = tpu.vector_load %arg13[%get3A_129, %get3A_130] {strides = array<i32>} : memref<16x1024xf32, #tpu.memory_space<vmem>>, vector<1x16xf32>,
        %get3A_132 = vector.shape_cast %get3A_131 : vector<1x16xf32> to vector<16xf32>
        %mul3A_133 = arith.mulf %broadcast_in_dim3A_116, %get3A_132 : vector<16xf32>
        %add3A_134 = arith.addf %broadcast_in_dim3A_105, %mul3A_133 : vector<16xf32>
        %get3A_135 = arith.index_cast %scan3A_90 : i32 to index
        %get3A_136 = arith.constant 48 : index
        %get3A_137 = tpu.vector_load %arg13[%get3A_135, %get3A_136] {strides = array<i32>} : memref<16x1024xf32, #tpu.memory_space<vmem>>, vector<1x16xf32>,
        %get3A_138 = vector.shape_cast %get3A_137 : vector<1x16xf32> to vector<16xf32>
        %mul3A_139 = arith.mulf %broadcast_in_dim3A_116, %get3A_138 : vector<16xf32>
        %add3A_140 = arith.addf %broadcast_in_dim3A_107, %mul3A_139 : vector<16xf32>
        %get3A_141 = arith.index_cast %scan3A_90 : i32 to index
        %get3A_142 = arith.constant 64 : index
        %get3A_143 = tpu.vector_load %arg13[%get3A_141, %get3A_142] {strides = array<i32>} : memref<16x1024xf32, #tpu.memory_space<vmem>>, vector<1x16xf32>,
        %get3A_144 = vector.shape_cast %get3A_143 : vector<1x16xf32> to vector<16xf32>
        %mul3A_145 = arith.mulf %broadcast_in_dim3A_116, %get3A_144 : vector<16xf32>
        %add3A_146 = arith.addf %broadcast_in_dim3A_109, %mul3A_145 : vector<16xf32>
        %get3A_147 = arith.index_cast %scan3A_90 : i32 to index
        %get3A_148 = arith.constant 80 : index
        %get3A_149 = tpu.vector_load %arg13[%get3A_147, %get3A_148] {strides = array<i32>} : memref<16x1024xf32, #tpu.memory_space<vmem>>, vector<1x16xf32>,
        %get3A_150 = vector.shape_cast %get3A_149 : vector<1x16xf32> to vector<16xf32>
        %mul3A_151 = arith.mulf %broadcast_in_dim3A_116, %get3A_150 : vector<16xf32>
        %add3A_152 = arith.addf %broadcast_in_dim3A_111, %mul3A_151 : vector<16xf32>
        %get3A_153 = arith.index_cast %scan3A_90 : i32 to index
        %get3A_154 = arith.constant 96 : index
        %get3A_155 = tpu.vector_load %arg13[%get3A_153, %get3A_154] {strides = array<i32>} : memref<16x1024xf32, #tpu.memory_space<vmem>>, vector<1x16xf32>,
        %get3A_156 = vector.shape_cast %get3A_155 : vector<1x16xf32> to vector<16xf32>
        %mul3A_157 = arith.mulf %broadcast_in_dim3A_116, %get3A_156 : vector<16xf32>
        %add3A_158 = arith.addf %broadcast_in_dim3A_113, %mul3A_157 : vector<16xf32>
        %get3A_159 = arith.index_cast %scan3A_90 : i32 to index
        %get3A_160 = arith.constant 112 : index
        %get3A_161 = tpu.vector_load %arg13[%get3A_159, %get3A_160] {strides = array<i32>} : memref<16x1024xf32, #tpu.memory_space<vmem>>, vector<1x16xf32>,
        %get3A_162 = vector.shape_cast %get3A_161 : vector<1x16xf32> to vector<16xf32>
        %mul3A_163 = arith.mulf %broadcast_in_dim3A_116, %get3A_162 : vector<16xf32>
        %add3A_164 = arith.addf %broadcast_in_dim3A_115, %mul3A_163 : vector<16xf32>
        %slice3A_165 = vector.extract_strided_slice %mul3A_100 {offsets = [1], sizes = [1], strides = [1]} : vector<16xf32> to vector<1xf32>
        %squeeze3A_166 = vector.extract %slice3A_165[0] : f32 from vector<1xf32>
        %broadcast_in_dim3A_167 = vector.broadcast %squeeze3A_166 : f32 to vector<16xf32>
        %get3A_168 = arith.index_cast %scan3A_90 : i32 to index
        %get3A_169 = arith.constant 128 : index
        %get3A_170 = tpu.vector_load %arg13[%get3A_168, %get3A_169] {strides = array<i32>} : memref<16x1024xf32, #tpu.memory_space<vmem>>, vector<1x16xf32>,
        %get3A_171 = vector.shape_cast %get3A_170 : vector<1x16xf32> to vector<16xf32>
        %mul3A_172 = arith.mulf %broadcast_in_dim3A_167, %get3A_171 : vector<16xf32>
        %add3A_173 = arith.addf %add3A_122, %mul3A_172 : vector<16xf32>
        %get3A_174 = arith.index_cast %scan3A_90 : i32 to index
        %get3A_175 = arith.constant 144 : index
        %get3A_176 = tpu.vector_load %arg13[%get3A_174, %get3A_175] {strides = array<i32>} : memref<16x1024xf32, #tpu.memory_space<vmem>>, vector<1x16xf32>,
        %get3A_177 = vector.shape_cast %get3A_176 : vector<1x16xf32> to vector<16xf32>
        %mul3A_178 = arith.mulf %broadcast_in_dim3A_167, %get3A_177 : vector<16xf32>
        %add3A_179 = arith.addf %add3A_128, %mul3A_178 : vector<16xf32>
        %get3A_180 = arith.index_cast %scan3A_90 : i32 to index
        %get3A_181 = arith.constant 160 : index
        %get3A_182 = tpu.vector_load %arg13[%get3A_180, %get3A_181] {strides = array<i32>} : memref<16x1024xf32, #tpu.memory_space<vmem>>, vector<1x16xf32>,
        %get3A_183 = vector.shape_cast %get3A_182 : vector<1x16xf32> to vector<16xf32>
        %mul3A_184 = arith.mulf %broadcast_in_dim3A_167, %get3A_183 : vector<16xf32>
        %add3A_185 = arith.addf %add3A_134, %mul3A_184 : vector<16xf32>
        %get3A_186 = arith.index_cast %scan3A_90 : i32 to index
        %get3A_187 = arith.constant 176 : index
        %get3A_188 = tpu.vector_load %arg13[%get3A_186, %get3A_187] {strides = array<i32>} : memref<16x1024xf32, #tpu.memory_space<vmem>>, vector<1x16xf32>,
        %get3A_189 = vector.shape_cast %get3A_188 : vector<1x16xf32> to vector<16xf32>
        %mul3A_190 = arith.mulf %broadcast_in_dim3A_167, %get3A_189 : vector<16xf32>
        %add3A_191 = arith.addf %add3A_140, %mul3A_190 : vector<16xf32>
        %get3A_192 = arith.index_cast %scan3A_90 : i32 to index
        %get3A_193 = arith.constant 192 : index
        %get3A_194 = tpu.vector_load %arg13[%get3A_192, %get3A_193] {strides = array<i32>} : memref<16x1024xf32, #tpu.memory_space<vmem>>, vector<1x16xf32>,
        %get3A_195 = vector.shape_cast %get3A_194 : vector<1x16xf32> to vector<16xf32>
        %mul3A_196 = arith.mulf %broadcast_in_dim3A_167, %get3A_195 : vector<16xf32>
        %add3A_197 = arith.addf %add3A_146, %mul3A_196 : vector<16xf32>
        %get3A_198 = arith.index_cast %scan3A_90 : i32 to index
        %get3A_199 = arith.constant 208 : index
        %get3A_200 = tpu.vector_load %arg13[%get3A_198, %get3A_199] {strides = array<i32>} : memref<16x1024xf32, #tpu.memory_space<vmem>>, vector<1x16xf32>,
        %get3A_201 = vector.shape_cast %get3A_200 : vector<1x16xf32> to vector<16xf32>
        %mul3A_202 = arith.mulf %broadcast_in_dim3A_167, %get3A_201 : vector<16xf32>
        %add3A_203 = arith.addf %add3A_152, %mul3A_202 : vector<16xf32>
        %get3A_204 = arith.index_cast %scan3A_90 : i32 to index
        %get3A_205 = arith.constant 224 : index
        %get3A_206 = tpu.vector_load %arg13[%get3A_204, %get3A_205] {strides = array<i32>} : memref<16x1024xf32, #tpu.memory_space<vmem>>, vector<1x16xf32>,
        %get3A_207 = vector.shape_cast %get3A_206 : vector<1x16xf32> to vector<16xf32>
        %mul3A_208 = arith.mulf %broadcast_in_dim3A_167, %get3A_207 : vector<16xf32>
        %add3A_209 = arith.addf %add3A_158, %mul3A_208 : vector<16xf32>
        %get3A_210 = arith.index_cast %scan3A_90 : i32 to index
        %get3A_211 = arith.constant 240 : index
        %get3A_212 = tpu.vector_load %arg13[%get3A_210, %get3A_211] {strides = array<i32>} : memref<16x1024xf32, #tpu.memory_space<vmem>>, vector<1x16xf32>,
        %get3A_213 = vector.shape_cast %get3A_212 : vector<1x16xf32> to vector<16xf32>
        %mul3A_214 = arith.mulf %broadcast_in_dim3A_167, %get3A_213 : vector<16xf32>
        %add3A_215 = arith.addf %add3A_164, %mul3A_214 : vector<16xf32>
        %slice3A_216 = vector.extract_strided_slice %mul3A_100 {offsets = [2], sizes = [1], strides = [1]} : vector<16xf32> to vector<1xf32>
        %squeeze3A_217 = vector.extract %slice3A_216[0] : f32 from vector<1xf32>
        %broadcast_in_dim3A_218 = vector.broadcast %squeeze3A_217 : f32 to vector<16xf32>
        %get3A_219 = arith.index_cast %scan3A_90 : i32 to index
        %get3A_220 = arith.constant 256 : index
        %get3A_221 = tpu.vector_load %arg13[%get3A_219, %get3A_220] {strides = array<i32>} : memref<16x1024xf32, #tpu.memory_space<vmem>>, vector<1x16xf32>,
        %get3A_222 = vector.shape_cast %get3A_221 : vector<1x16xf32> to vector<16xf32>
        %mul3A_223 = arith.mulf %broadcast_in_dim3A_218, %get3A_222 : vector<16xf32>
        %add3A_224 = arith.addf %add3A_173, %mul3A_223 : vector<16xf32>
        %get3A_225 = arith.index_cast %scan3A_90 : i32 to index
        %get3A_226 = arith.constant 272 : index
        %get3A_227 = tpu.vector_load %arg13[%get3A_225, %get3A_226] {strides = array<i32>} : memref<16x1024xf32, #tpu.memory_space<vmem>>, vector<1x16xf32>,
        %get3A_228 = vector.shape_cast %get3A_227 : vector<1x16xf32> to vector<16xf32>
        %mul3A_229 = arith.mulf %broadcast_in_dim3A_218, %get3A_228 : vector<16xf32>
        %add3A_230 = arith.addf %add3A_179, %mul3A_229 : vector<16xf32>
        %get3A_231 = arith.index_cast %scan3A_90 : i32 to index
        %get3A_232 = arith.constant 288 : index
        %get3A_233 = tpu.vector_load %arg13[%get3A_231, %get3A_232] {strides = array<i32>} : memref<16x1024xf32, #tpu.memory_space<vmem>>, vector<1x16xf32>,
        %get3A_234 = vector.shape_cast %get3A_233 : vector<1x16xf32> to vector<16xf32>
        %mul3A_235 = arith.mulf %broadcast_in_dim3A_218, %get3A_234 : vector<16xf32>
        %add3A_236 = arith.addf %add3A_185, %mul3A_235 : vector<16xf32>
        %get3A_237 = arith.index_cast %scan3A_90 : i32 to index
        %get3A_238 = arith.constant 304 : index
        %get3A_239 = tpu.vector_load %arg13[%get3A_237, %get3A_238] {strides = array<i32>} : memref<16x1024xf32, #tpu.memory_space<vmem>>, vector<1x16xf32>,
        %get3A_240 = vector.shape_cast %get3A_239 : vector<1x16xf32> to vector<16xf32>
        %mul3A_241 = arith.mulf %broadcast_in_dim3A_218, %get3A_240 : vector<16xf32>
        %add3A_242 = arith.addf %add3A_191, %mul3A_241 : vector<16xf32>
        %get3A_243 = arith.index_cast %scan3A_90 : i32 to index
        %get3A_244 = arith.constant 320 : index
        %get3A_245 = tpu.vector_load %arg13[%get3A_243, %get3A_244] {strides = array<i32>} : memref<16x1024xf32, #tpu.memory_space<vmem>>, vector<1x16xf32>,
        %get3A_246 = vector.shape_cast %get3A_245 : vector<1x16xf32> to vector<16xf32>
        %mul3A_247 = arith.mulf %broadcast_in_dim3A_218, %get3A_246 : vector<16xf32>
        %add3A_248 = arith.addf %add3A_197, %mul3A_247 : vector<16xf32>
        %get3A_249 = arith.index_cast %scan3A_90 : i32 to index
        %get3A_250 = arith.constant 336 : index
        %get3A_251 = tpu.vector_load %arg13[%get3A_249, %get3A_250] {strides = array<i32>} : memref<16x1024xf32, #tpu.memory_space<vmem>>, vector<1x16xf32>,
        %get3A_252 = vector.shape_cast %get3A_251 : vector<1x16xf32> to vector<16xf32>
        %mul3A_253 = arith.mulf %broadcast_in_dim3A_218, %get3A_252 : vector<16xf32>
        %add3A_254 = arith.addf %add3A_203, %mul3A_253 : vector<16xf32>
        %get3A_255 = arith.index_cast %scan3A_90 : i32 to index
        %get3A_256 = arith.constant 352 : index
        %get3A_257 = tpu.vector_load %arg13[%get3A_255, %get3A_256] {strides = array<i32>} : memref<16x1024xf32, #tpu.memory_space<vmem>>, vector<1x16xf32>,
        %get3A_258 = vector.shape_cast %get3A_257 : vector<1x16xf32> to vector<16xf32>
        %mul3A_259 = arith.mulf %broadcast_in_dim3A_218, %get3A_258 : vector<16xf32>
        %add3A_260 = arith.addf %add3A_209, %mul3A_259 : vector<16xf32>
        %get3A_261 = arith.index_cast %scan3A_90 : i32 to index
        %get3A_262 = arith.constant 368 : index
        %get3A_263 = tpu.vector_load %arg13[%get3A_261, %get3A_262] {strides = array<i32>} : memref<16x1024xf32, #tpu.memory_space<vmem>>, vector<1x16xf32>,
        %get3A_264 = vector.shape_cast %get3A_263 : vector<1x16xf32> to vector<16xf32>
        %mul3A_265 = arith.mulf %broadcast_in_dim3A_218, %get3A_264 : vector<16xf32>
        %add3A_266 = arith.addf %add3A_215, %mul3A_265 : vector<16xf32>
        %slice3A_267 = vector.extract_strided_slice %mul3A_100 {offsets = [3], sizes = [1], strides = [1]} : vector<16xf32> to vector<1xf32>
        %squeeze3A_268 = vector.extract %slice3A_267[0] : f32 from vector<1xf32>
        %broadcast_in_dim3A_269 = vector.broadcast %squeeze3A_268 : f32 to vector<16xf32>
        %get3A_270 = arith.index_cast %scan3A_90 : i32 to index
        %get3A_271 = arith.constant 384 : index
        %get3A_272 = tpu.vector_load %arg13[%get3A_270, %get3A_271] {strides = array<i32>} : memref<16x1024xf32, #tpu.memory_space<vmem>>, vector<1x16xf32>,
        %get3A_273 = vector.shape_cast %get3A_272 : vector<1x16xf32> to vector<16xf32>
        %mul3A_274 = arith.mulf %broadcast_in_dim3A_269, %get3A_273 : vector<16xf32>
        %add3A_275 = arith.addf %add3A_224, %mul3A_274 : vector<16xf32>
        %get3A_276 = arith.index_cast %scan3A_90 : i32 to index
        %get3A_277 = arith.constant 400 : index
        %get3A_278 = tpu.vector_load %arg13[%get3A_276, %get3A_277] {strides = array<i32>} : memref<16x1024xf32, #tpu.memory_space<vmem>>, vector<1x16xf32>,
        %get3A_279 = vector.shape_cast %get3A_278 : vector<1x16xf32> to vector<16xf32>
        %mul3A_280 = arith.mulf %broadcast_in_dim3A_269, %get3A_279 : vector<16xf32>
        %add3A_281 = arith.addf %add3A_230, %mul3A_280 : vector<16xf32>
        %get3A_282 = arith.index_cast %scan3A_90 : i32 to index
        %get3A_283 = arith.constant 416 : index
        %get3A_284 = tpu.vector_load %arg13[%get3A_282, %get3A_283] {strides = array<i32>} : memref<16x1024xf32, #tpu.memory_space<vmem>>, vector<1x16xf32>,
        %get3A_285 = vector.shape_cast %get3A_284 : vector<1x16xf32> to vector<16xf32>
        %mul3A_286 = arith.mulf %broadcast_in_dim3A_269, %get3A_285 : vector<16xf32>
        %add3A_287 = arith.addf %add3A_236, %mul3A_286 : vector<16xf32>
        %get3A_288 = arith.index_cast %scan3A_90 : i32 to index
        %get3A_289 = arith.constant 432 : index
        %get3A_290 = tpu.vector_load %arg13[%get3A_288, %get3A_289] {strides = array<i32>} : memref<16x1024xf32, #tpu.memory_space<vmem>>, vector<1x16xf32>,
        %get3A_291 = vector.shape_cast %get3A_290 : vector<1x16xf32> to vector<16xf32>
        %mul3A_292 = arith.mulf %broadcast_in_dim3A_269, %get3A_291 : vector<16xf32>
        %add3A_293 = arith.addf %add3A_242, %mul3A_292 : vector<16xf32>
        %get3A_294 = arith.index_cast %scan3A_90 : i32 to index
        %get3A_295 = arith.constant 448 : index
        %get3A_296 = tpu.vector_load %arg13[%get3A_294, %get3A_295] {strides = array<i32>} : memref<16x1024xf32, #tpu.memory_space<vmem>>, vector<1x16xf32>,
        %get3A_297 = vector.shape_cast %get3A_296 : vector<1x16xf32> to vector<16xf32>
        %mul3A_298 = arith.mulf %broadcast_in_dim3A_269, %get3A_297 : vector<16xf32>
        %add3A_299 = arith.addf %add3A_248, %mul3A_298 : vector<16xf32>
        %get3A_300 = arith.index_cast %scan3A_90 : i32 to index
        %get3A_301 = arith.constant 464 : index
        %get3A_302 = tpu.vector_load %arg13[%get3A_300, %get3A_301] {strides = array<i32>} : memref<16x1024xf32, #tpu.memory_space<vmem>>, vector<1x16xf32>,
        %get3A_303 = vector.shape_cast %get3A_302 : vector<1x16xf32> to vector<16xf32>
        %mul3A_304 = arith.mulf %broadcast_in_dim3A_269, %get3A_303 : vector<16xf32>
        %add3A_305 = arith.addf %add3A_254, %mul3A_304 : vector<16xf32>
        %get3A_306 = arith.index_cast %scan3A_90 : i32 to index
        %get3A_307 = arith.constant 480 : index
        %get3A_308 = tpu.vector_load %arg13[%get3A_306, %get3A_307] {strides = array<i32>} : memref<16x1024xf32, #tpu.memory_space<vmem>>, vector<1x16xf32>,
        %get3A_309 = vector.shape_cast %get3A_308 : vector<1x16xf32> to vector<16xf32>
        %mul3A_310 = arith.mulf %broadcast_in_dim3A_269, %get3A_309 : vector<16xf32>
        %add3A_311 = arith.addf %add3A_260, %mul3A_310 : vector<16xf32>
        %get3A_312 = arith.index_cast %scan3A_90 : i32 to index
        %get3A_313 = arith.constant 496 : index
        %get3A_314 = tpu.vector_load %arg13[%get3A_312, %get3A_313] {strides = array<i32>} : memref<16x1024xf32, #tpu.memory_space<vmem>>, vector<1x16xf32>,
        %get3A_315 = vector.shape_cast %get3A_314 : vector<1x16xf32> to vector<16xf32>
        %mul3A_316 = arith.mulf %broadcast_in_dim3A_269, %get3A_315 : vector<16xf32>
        %add3A_317 = arith.addf %add3A_266, %mul3A_316 : vector<16xf32>
        %slice3A_318 = vector.extract_strided_slice %mul3A_100 {offsets = [4], sizes = [1], strides = [1]} : vector<16xf32> to vector<1xf32>
        %squeeze3A_319 = vector.extract %slice3A_318[0] : f32 from vector<1xf32>
        %broadcast_in_dim3A_320 = vector.broadcast %squeeze3A_319 : f32 to vector<16xf32>
        %get3A_321 = arith.index_cast %scan3A_90 : i32 to index
        %get3A_322 = arith.constant 512 : index
        %get3A_323 = tpu.vector_load %arg13[%get3A_321, %get3A_322] {strides = array<i32>} : memref<16x1024xf32, #tpu.memory_space<vmem>>, vector<1x16xf32>,
        %get3A_324 = vector.shape_cast %get3A_323 : vector<1x16xf32> to vector<16xf32>
        %mul3A_325 = arith.mulf %broadcast_in_dim3A_320, %get3A_324 : vector<16xf32>
        %add3A_326 = arith.addf %add3A_275, %mul3A_325 : vector<16xf32>
        %get3A_327 = arith.index_cast %scan3A_90 : i32 to index
        %get3A_328 = arith.constant 528 : index
        %get3A_329 = tpu.vector_load %arg13[%get3A_327, %get3A_328] {strides = array<i32>} : memref<16x1024xf32, #tpu.memory_space<vmem>>, vector<1x16xf32>,
        %get3A_330 = vector.shape_cast %get3A_329 : vector<1x16xf32> to vector<16xf32>
        %mul3A_331 = arith.mulf %broadcast_in_dim3A_320, %get3A_330 : vector<16xf32>
        %add3A_332 = arith.addf %add3A_281, %mul3A_331 : vector<16xf32>
        %get3A_333 = arith.index_cast %scan3A_90 : i32 to index
        %get3A_334 = arith.constant 544 : index
        %get3A_335 = tpu.vector_load %arg13[%get3A_333, %get3A_334] {strides = array<i32>} : memref<16x1024xf32, #tpu.memory_space<vmem>>, vector<1x16xf32>,
        %get3A_336 = vector.shape_cast %get3A_335 : vector<1x16xf32> to vector<16xf32>
        %mul3A_337 = arith.mulf %broadcast_in_dim3A_320, %get3A_336 : vector<16xf32>
        %add3A_338 = arith.addf %add3A_287, %mul3A_337 : vector<16xf32>
        %get3A_339 = arith.index_cast %scan3A_90 : i32 to index
        %get3A_340 = arith.constant 560 : index
        %get3A_341 = tpu.vector_load %arg13[%get3A_339, %get3A_340] {strides = array<i32>} : memref<16x1024xf32, #tpu.memory_space<vmem>>, vector<1x16xf32>,
        %get3A_342 = vector.shape_cast %get3A_341 : vector<1x16xf32> to vector<16xf32>
        %mul3A_343 = arith.mulf %broadcast_in_dim3A_320, %get3A_342 : vector<16xf32>
        %add3A_344 = arith.addf %add3A_293, %mul3A_343 : vector<16xf32>
        %get3A_345 = arith.index_cast %scan3A_90 : i32 to index
        %get3A_346 = arith.constant 576 : index
        %get3A_347 = tpu.vector_load %arg13[%get3A_345, %get3A_346] {strides = array<i32>} : memref<16x1024xf32, #tpu.memory_space<vmem>>, vector<1x16xf32>,
        %get3A_348 = vector.shape_cast %get3A_347 : vector<1x16xf32> to vector<16xf32>
        %mul3A_349 = arith.mulf %broadcast_in_dim3A_320, %get3A_348 : vector<16xf32>
        %add3A_350 = arith.addf %add3A_299, %mul3A_349 : vector<16xf32>
        %get3A_351 = arith.index_cast %scan3A_90 : i32 to index
        %get3A_352 = arith.constant 592 : index
        %get3A_353 = tpu.vector_load %arg13[%get3A_351, %get3A_352] {strides = array<i32>} : memref<16x1024xf32, #tpu.memory_space<vmem>>, vector<1x16xf32>,
        %get3A_354 = vector.shape_cast %get3A_353 : vector<1x16xf32> to vector<16xf32>
        %mul3A_355 = arith.mulf %broadcast_in_dim3A_320, %get3A_354 : vector<16xf32>
        %add3A_356 = arith.addf %add3A_305, %mul3A_355 : vector<16xf32>
        %get3A_357 = arith.index_cast %scan3A_90 : i32 to index
        %get3A_358 = arith.constant 608 : index
        %get3A_359 = tpu.vector_load %arg13[%get3A_357, %get3A_358] {strides = array<i32>} : memref<16x1024xf32, #tpu.memory_space<vmem>>, vector<1x16xf32>,
        %get3A_360 = vector.shape_cast %get3A_359 : vector<1x16xf32> to vector<16xf32>
        %mul3A_361 = arith.mulf %broadcast_in_dim3A_320, %get3A_360 : vector<16xf32>
        %add3A_362 = arith.addf %add3A_311, %mul3A_361 : vector<16xf32>
        %get3A_363 = arith.index_cast %scan3A_90 : i32 to index
        %get3A_364 = arith.constant 624 : index
        %get3A_365 = tpu.vector_load %arg13[%get3A_363, %get3A_364] {strides = array<i32>} : memref<16x1024xf32, #tpu.memory_space<vmem>>, vector<1x16xf32>,
        %get3A_366 = vector.shape_cast %get3A_365 : vector<1x16xf32> to vector<16xf32>
        %mul3A_367 = arith.mulf %broadcast_in_dim3A_320, %get3A_366 : vector<16xf32>
        %add3A_368 = arith.addf %add3A_317, %mul3A_367 : vector<16xf32>
        %slice3A_369 = vector.extract_strided_slice %mul3A_100 {offsets = [5], sizes = [1], strides = [1]} : vector<16xf32> to vector<1xf32>
        %squeeze3A_370 = vector.extract %slice3A_369[0] : f32 from vector<1xf32>
        %broadcast_in_dim3A_371 = vector.broadcast %squeeze3A_370 : f32 to vector<16xf32>
        %get3A_372 = arith.index_cast %scan3A_90 : i32 to index
        %get3A_373 = arith.constant 640 : index
        %get3A_374 = tpu.vector_load %arg13[%get3A_372, %get3A_373] {strides = array<i32>} : memref<16x1024xf32, #tpu.memory_space<vmem>>, vector<1x16xf32>,
        %get3A_375 = vector.shape_cast %get3A_374 : vector<1x16xf32> to vector<16xf32>
        %mul3A_376 = arith.mulf %broadcast_in_dim3A_371, %get3A_375 : vector<16xf32>
        %add3A_377 = arith.addf %add3A_326, %mul3A_376 : vector<16xf32>
        %get3A_378 = arith.index_cast %scan3A_90 : i32 to index
        %get3A_379 = arith.constant 656 : index
        %get3A_380 = tpu.vector_load %arg13[%get3A_378, %get3A_379] {strides = array<i32>} : memref<16x1024xf32, #tpu.memory_space<vmem>>, vector<1x16xf32>,
        %get3A_381 = vector.shape_cast %get3A_380 : vector<1x16xf32> to vector<16xf32>
        %mul3A_382 = arith.mulf %broadcast_in_dim3A_371, %get3A_381 : vector<16xf32>
        %add3A_383 = arith.addf %add3A_332, %mul3A_382 : vector<16xf32>
        %get3A_384 = arith.index_cast %scan3A_90 : i32 to index
        %get3A_385 = arith.constant 672 : index
        %get3A_386 = tpu.vector_load %arg13[%get3A_384, %get3A_385] {strides = array<i32>} : memref<16x1024xf32, #tpu.memory_space<vmem>>, vector<1x16xf32>,
        %get3A_387 = vector.shape_cast %get3A_386 : vector<1x16xf32> to vector<16xf32>
        %mul3A_388 = arith.mulf %broadcast_in_dim3A_371, %get3A_387 : vector<16xf32>
        %add3A_389 = arith.addf %add3A_338, %mul3A_388 : vector<16xf32>
        %get3A_390 = arith.index_cast %scan3A_90 : i32 to index
        %get3A_391 = arith.constant 688 : index
        %get3A_392 = tpu.vector_load %arg13[%get3A_390, %get3A_391] {strides = array<i32>} : memref<16x1024xf32, #tpu.memory_space<vmem>>, vector<1x16xf32>,
        %get3A_393 = vector.shape_cast %get3A_392 : vector<1x16xf32> to vector<16xf32>
        %mul3A_394 = arith.mulf %broadcast_in_dim3A_371, %get3A_393 : vector<16xf32>
        %add3A_395 = arith.addf %add3A_344, %mul3A_394 : vector<16xf32>
        %get3A_396 = arith.index_cast %scan3A_90 : i32 to index
        %get3A_397 = arith.constant 704 : index
        %get3A_398 = tpu.vector_load %arg13[%get3A_396, %get3A_397] {strides = array<i32>} : memref<16x1024xf32, #tpu.memory_space<vmem>>, vector<1x16xf32>,
        %get3A_399 = vector.shape_cast %get3A_398 : vector<1x16xf32> to vector<16xf32>
        %mul3A_400 = arith.mulf %broadcast_in_dim3A_371, %get3A_399 : vector<16xf32>
        %add3A_401 = arith.addf %add3A_350, %mul3A_400 : vector<16xf32>
        %get3A_402 = arith.index_cast %scan3A_90 : i32 to index
        %get3A_403 = arith.constant 720 : index
        %get3A_404 = tpu.vector_load %arg13[%get3A_402, %get3A_403] {strides = array<i32>} : memref<16x1024xf32, #tpu.memory_space<vmem>>, vector<1x16xf32>,
        %get3A_405 = vector.shape_cast %get3A_404 : vector<1x16xf32> to vector<16xf32>
        %mul3A_406 = arith.mulf %broadcast_in_dim3A_371, %get3A_405 : vector<16xf32>
        %add3A_407 = arith.addf %add3A_356, %mul3A_406 : vector<16xf32>
        %get3A_408 = arith.index_cast %scan3A_90 : i32 to index
        %get3A_409 = arith.constant 736 : index
        %get3A_410 = tpu.vector_load %arg13[%get3A_408, %get3A_409] {strides = array<i32>} : memref<16x1024xf32, #tpu.memory_space<vmem>>, vector<1x16xf32>,
        %get3A_411 = vector.shape_cast %get3A_410 : vector<1x16xf32> to vector<16xf32>
        %mul3A_412 = arith.mulf %broadcast_in_dim3A_371, %get3A_411 : vector<16xf32>
        %add3A_413 = arith.addf %add3A_362, %mul3A_412 : vector<16xf32>
        %get3A_414 = arith.index_cast %scan3A_90 : i32 to index
        %get3A_415 = arith.constant 752 : index
        %get3A_416 = tpu.vector_load %arg13[%get3A_414, %get3A_415] {strides = array<i32>} : memref<16x1024xf32, #tpu.memory_space<vmem>>, vector<1x16xf32>,
        %get3A_417 = vector.shape_cast %get3A_416 : vector<1x16xf32> to vector<16xf32>
        %mul3A_418 = arith.mulf %broadcast_in_dim3A_371, %get3A_417 : vector<16xf32>
        %add3A_419 = arith.addf %add3A_368, %mul3A_418 : vector<16xf32>
        %slice3A_420 = vector.extract_strided_slice %mul3A_100 {offsets = [6], sizes = [1], strides = [1]} : vector<16xf32> to vector<1xf32>
        %squeeze3A_421 = vector.extract %slice3A_420[0] : f32 from vector<1xf32>
        %broadcast_in_dim3A_422 = vector.broadcast %squeeze3A_421 : f32 to vector<16xf32>
        %get3A_423 = arith.index_cast %scan3A_90 : i32 to index
        %get3A_424 = arith.constant 768 : index
        %get3A_425 = tpu.vector_load %arg13[%get3A_423, %get3A_424] {strides = array<i32>} : memref<16x1024xf32, #tpu.memory_space<vmem>>, vector<1x16xf32>,
        %get3A_426 = vector.shape_cast %get3A_425 : vector<1x16xf32> to vector<16xf32>
        %mul3A_427 = arith.mulf %broadcast_in_dim3A_422, %get3A_426 : vector<16xf32>
        %add3A_428 = arith.addf %add3A_377, %mul3A_427 : vector<16xf32>
        %get3A_429 = arith.index_cast %scan3A_90 : i32 to index
        %get3A_430 = arith.constant 784 : index
        %get3A_431 = tpu.vector_load %arg13[%get3A_429, %get3A_430] {strides = array<i32>} : memref<16x1024xf32, #tpu.memory_space<vmem>>, vector<1x16xf32>,
        %get3A_432 = vector.shape_cast %get3A_431 : vector<1x16xf32> to vector<16xf32>
        %mul3A_433 = arith.mulf %broadcast_in_dim3A_422, %get3A_432 : vector<16xf32>
        %add3A_434 = arith.addf %add3A_383, %mul3A_433 : vector<16xf32>
        %get3A_435 = arith.index_cast %scan3A_90 : i32 to index
        %get3A_436 = arith.constant 800 : index
        %get3A_437 = tpu.vector_load %arg13[%get3A_435, %get3A_436] {strides = array<i32>} : memref<16x1024xf32, #tpu.memory_space<vmem>>, vector<1x16xf32>,
        %get3A_438 = vector.shape_cast %get3A_437 : vector<1x16xf32> to vector<16xf32>
        %mul3A_439 = arith.mulf %broadcast_in_dim3A_422, %get3A_438 : vector<16xf32>
        %add3A_440 = arith.addf %add3A_389, %mul3A_439 : vector<16xf32>
        %get3A_441 = arith.index_cast %scan3A_90 : i32 to index
        %get3A_442 = arith.constant 816 : index
        %get3A_443 = tpu.vector_load %arg13[%get3A_441, %get3A_442] {strides = array<i32>} : memref<16x1024xf32, #tpu.memory_space<vmem>>, vector<1x16xf32>,
        %get3A_444 = vector.shape_cast %get3A_443 : vector<1x16xf32> to vector<16xf32>
        %mul3A_445 = arith.mulf %broadcast_in_dim3A_422, %get3A_444 : vector<16xf32>
        %add3A_446 = arith.addf %add3A_395, %mul3A_445 : vector<16xf32>
        %get3A_447 = arith.index_cast %scan3A_90 : i32 to index
        %get3A_448 = arith.constant 832 : index
        %get3A_449 = tpu.vector_load %arg13[%get3A_447, %get3A_448] {strides = array<i32>} : memref<16x1024xf32, #tpu.memory_space<vmem>>, vector<1x16xf32>,
        %get3A_450 = vector.shape_cast %get3A_449 : vector<1x16xf32> to vector<16xf32>
        %mul3A_451 = arith.mulf %broadcast_in_dim3A_422, %get3A_450 : vector<16xf32>
        %add3A_452 = arith.addf %add3A_401, %mul3A_451 : vector<16xf32>
        %get3A_453 = arith.index_cast %scan3A_90 : i32 to index
        %get3A_454 = arith.constant 848 : index
        %get3A_455 = tpu.vector_load %arg13[%get3A_453, %get3A_454] {strides = array<i32>} : memref<16x1024xf32, #tpu.memory_space<vmem>>, vector<1x16xf32>,
        %get3A_456 = vector.shape_cast %get3A_455 : vector<1x16xf32> to vector<16xf32>
        %mul3A_457 = arith.mulf %broadcast_in_dim3A_422, %get3A_456 : vector<16xf32>
        %add3A_458 = arith.addf %add3A_407, %mul3A_457 : vector<16xf32>
        %get3A_459 = arith.index_cast %scan3A_90 : i32 to index
        %get3A_460 = arith.constant 864 : index
        %get3A_461 = tpu.vector_load %arg13[%get3A_459, %get3A_460] {strides = array<i32>} : memref<16x1024xf32, #tpu.memory_space<vmem>>, vector<1x16xf32>,
        %get3A_462 = vector.shape_cast %get3A_461 : vector<1x16xf32> to vector<16xf32>
        %mul3A_463 = arith.mulf %broadcast_in_dim3A_422, %get3A_462 : vector<16xf32>
        %add3A_464 = arith.addf %add3A_413, %mul3A_463 : vector<16xf32>
        %get3A_465 = arith.index_cast %scan3A_90 : i32 to index
        %get3A_466 = arith.constant 880 : index
        %get3A_467 = tpu.vector_load %arg13[%get3A_465, %get3A_466] {strides = array<i32>} : memref<16x1024xf32, #tpu.memory_space<vmem>>, vector<1x16xf32>,
        %get3A_468 = vector.shape_cast %get3A_467 : vector<1x16xf32> to vector<16xf32>
        %mul3A_469 = arith.mulf %broadcast_in_dim3A_422, %get3A_468 : vector<16xf32>
        %add3A_470 = arith.addf %add3A_419, %mul3A_469 : vector<16xf32>
        %slice3A_471 = vector.extract_strided_slice %mul3A_100 {offsets = [7], sizes = [1], strides = [1]} : vector<16xf32> to vector<1xf32>
        %squeeze3A_472 = vector.extract %slice3A_471[0] : f32 from vector<1xf32>
        %broadcast_in_dim3A_473 = vector.broadcast %squeeze3A_472 : f32 to vector<16xf32>
        %get3A_474 = arith.index_cast %scan3A_90 : i32 to index
        %get3A_475 = arith.constant 896 : index
        %get3A_476 = tpu.vector_load %arg13[%get3A_474, %get3A_475] {strides = array<i32>} : memref<16x1024xf32, #tpu.memory_space<vmem>>, vector<1x16xf32>,
        %get3A_477 = vector.shape_cast %get3A_476 : vector<1x16xf32> to vector<16xf32>
        %mul3A_478 = arith.mulf %broadcast_in_dim3A_473, %get3A_477 : vector<16xf32>
        %add3A_479 = arith.addf %add3A_428, %mul3A_478 : vector<16xf32>
        %get3A_480 = arith.index_cast %scan3A_90 : i32 to index
        %get3A_481 = arith.constant 912 : index
        %get3A_482 = tpu.vector_load %arg13[%get3A_480, %get3A_481] {strides = array<i32>} : memref<16x1024xf32, #tpu.memory_space<vmem>>, vector<1x16xf32>,
        %get3A_483 = vector.shape_cast %get3A_482 : vector<1x16xf32> to vector<16xf32>
        %mul3A_484 = arith.mulf %broadcast_in_dim3A_473, %get3A_483 : vector<16xf32>
        %add3A_485 = arith.addf %add3A_434, %mul3A_484 : vector<16xf32>
        %get3A_486 = arith.index_cast %scan3A_90 : i32 to index
        %get3A_487 = arith.constant 928 : index
        %get3A_488 = tpu.vector_load %arg13[%get3A_486, %get3A_487] {strides = array<i32>} : memref<16x1024xf32, #tpu.memory_space<vmem>>, vector<1x16xf32>,
        %get3A_489 = vector.shape_cast %get3A_488 : vector<1x16xf32> to vector<16xf32>
        %mul3A_490 = arith.mulf %broadcast_in_dim3A_473, %get3A_489 : vector<16xf32>
        %add3A_491 = arith.addf %add3A_440, %mul3A_490 : vector<16xf32>
        %get3A_492 = arith.index_cast %scan3A_90 : i32 to index
        %get3A_493 = arith.constant 944 : index
        %get3A_494 = tpu.vector_load %arg13[%get3A_492, %get3A_493] {strides = array<i32>} : memref<16x1024xf32, #tpu.memory_space<vmem>>, vector<1x16xf32>,
        %get3A_495 = vector.shape_cast %get3A_494 : vector<1x16xf32> to vector<16xf32>
        %mul3A_496 = arith.mulf %broadcast_in_dim3A_473, %get3A_495 : vector<16xf32>
        %add3A_497 = arith.addf %add3A_446, %mul3A_496 : vector<16xf32>
        %get3A_498 = arith.index_cast %scan3A_90 : i32 to index
        %get3A_499 = arith.constant 960 : index
        %get3A_500 = tpu.vector_load %arg13[%get3A_498, %get3A_499] {strides = array<i32>} : memref<16x1024xf32, #tpu.memory_space<vmem>>, vector<1x16xf32>,
        %get3A_501 = vector.shape_cast %get3A_500 : vector<1x16xf32> to vector<16xf32>
        %mul3A_502 = arith.mulf %broadcast_in_dim3A_473, %get3A_501 : vector<16xf32>
        %add3A_503 = arith.addf %add3A_452, %mul3A_502 : vector<16xf32>
        %get3A_504 = arith.index_cast %scan3A_90 : i32 to index
        %get3A_505 = arith.constant 976 : index
        %get3A_506 = tpu.vector_load %arg13[%get3A_504, %get3A_505] {strides = array<i32>} : memref<16x1024xf32, #tpu.memory_space<vmem>>, vector<1x16xf32>,
        %get3A_507 = vector.shape_cast %get3A_506 : vector<1x16xf32> to vector<16xf32>
        %mul3A_508 = arith.mulf %broadcast_in_dim3A_473, %get3A_507 : vector<16xf32>
        %add3A_509 = arith.addf %add3A_458, %mul3A_508 : vector<16xf32>
        %get3A_510 = arith.index_cast %scan3A_90 : i32 to index
        %get3A_511 = arith.constant 992 : index
        %get3A_512 = tpu.vector_load %arg13[%get3A_510, %get3A_511] {strides = array<i32>} : memref<16x1024xf32, #tpu.memory_space<vmem>>, vector<1x16xf32>,
        %get3A_513 = vector.shape_cast %get3A_512 : vector<1x16xf32> to vector<16xf32>
        %mul3A_514 = arith.mulf %broadcast_in_dim3A_473, %get3A_513 : vector<16xf32>
        %add3A_515 = arith.addf %add3A_464, %mul3A_514 : vector<16xf32>
        %get3A_516 = arith.index_cast %scan3A_90 : i32 to index
        %get3A_517 = arith.constant 1008 : index
        %get3A_518 = tpu.vector_load %arg13[%get3A_516, %get3A_517] {strides = array<i32>} : memref<16x1024xf32, #tpu.memory_space<vmem>>, vector<1x16xf32>,
        %get3A_519 = vector.shape_cast %get3A_518 : vector<1x16xf32> to vector<16xf32>
        %mul3A_520 = arith.mulf %broadcast_in_dim3A_473, %get3A_519 : vector<16xf32>
        %add3A_521 = arith.addf %add3A_470, %mul3A_520 : vector<16xf32>
        %swap3A = arith.index_cast %scan3A_90 : i32 to index
        %swap3A_522 = arith.constant 0 : index
        %swap3A_523 = tpu.vector_load %arg19[%swap3A, %swap3A_522] {strides = array<i32>} : memref<16x128xf32, #tpu.memory_space<vmem>>, vector<1x16xf32>,
        %swap3A_524 = vector.shape_cast %swap3A_523 : vector<1x16xf32> to vector<16xf32>
        %swap3A_525 = vector.shape_cast %add3A_479 : vector<16xf32> to vector<1x16xf32>
        tpu.vector_store %arg19[%swap3A, %swap3A_522], %swap3A_525 {strides = array<i32>} : memref<16x128xf32, #tpu.memory_space<vmem>>, vector<1x16xf32>,
        %swap3A_526 = arith.index_cast %scan3A_90 : i32 to index
        %swap3A_527 = arith.constant 16 : index
        %swap3A_528 = tpu.vector_load %arg19[%swap3A_526, %swap3A_527] {strides = array<i32>} : memref<16x128xf32, #tpu.memory_space<vmem>>, vector<1x16xf32>,
        %swap3A_529 = vector.shape_cast %swap3A_528 : vector<1x16xf32> to vector<16xf32>
        %swap3A_530 = vector.shape_cast %add3A_485 : vector<16xf32> to vector<1x16xf32>
        tpu.vector_store %arg19[%swap3A_526, %swap3A_527], %swap3A_530 {strides = array<i32>} : memref<16x128xf32, #tpu.memory_space<vmem>>, vector<1x16xf32>,
        %swap3A_531 = arith.index_cast %scan3A_90 : i32 to index
        %swap3A_532 = arith.constant 32 : index
        %swap3A_533 = tpu.vector_load %arg19[%swap3A_531, %swap3A_532] {strides = array<i32>} : memref<16x128xf32, #tpu.memory_space<vmem>>, vector<1x16xf32>,
        %swap3A_534 = vector.shape_cast %swap3A_533 : vector<1x16xf32> to vector<16xf32>
        %swap3A_535 = vector.shape_cast %add3A_491 : vector<16xf32> to vector<1x16xf32>
        tpu.vector_store %arg19[%swap3A_531, %swap3A_532], %swap3A_535 {strides = array<i32>} : memref<16x128xf32, #tpu.memory_space<vmem>>, vector<1x16xf32>,
        %swap3A_536 = arith.index_cast %scan3A_90 : i32 to index
        %swap3A_537 = arith.constant 48 : index
        %swap3A_538 = tpu.vector_load %arg19[%swap3A_536, %swap3A_537] {strides = array<i32>} : memref<16x128xf32, #tpu.memory_space<vmem>>, vector<1x16xf32>,
        %swap3A_539 = vector.shape_cast %swap3A_538 : vector<1x16xf32> to vector<16xf32>
        %swap3A_540 = vector.shape_cast %add3A_497 : vector<16xf32> to vector<1x16xf32>
        tpu.vector_store %arg19[%swap3A_536, %swap3A_537], %swap3A_540 {strides = array<i32>} : memref<16x128xf32, #tpu.memory_space<vmem>>, vector<1x16xf32>,
        %swap3A_541 = arith.index_cast %scan3A_90 : i32 to index
        %swap3A_542 = arith.constant 64 : index
        %swap3A_543 = tpu.vector_load %arg19[%swap3A_541, %swap3A_542] {strides = array<i32>} : memref<16x128xf32, #tpu.memory_space<vmem>>, vector<1x16xf32>,
        %swap3A_544 = vector.shape_cast %swap3A_543 : vector<1x16xf32> to vector<16xf32>
        %swap3A_545 = vector.shape_cast %add3A_503 : vector<16xf32> to vector<1x16xf32>
        tpu.vector_store %arg19[%swap3A_541, %swap3A_542], %swap3A_545 {strides = array<i32>} : memref<16x128xf32, #tpu.memory_space<vmem>>, vector<1x16xf32>,
        %swap3A_546 = arith.index_cast %scan3A_90 : i32 to index
        %swap3A_547 = arith.constant 80 : index
        %swap3A_548 = tpu.vector_load %arg19[%swap3A_546, %swap3A_547] {strides = array<i32>} : memref<16x128xf32, #tpu.memory_space<vmem>>, vector<1x16xf32>,
        %swap3A_549 = vector.shape_cast %swap3A_548 : vector<1x16xf32> to vector<16xf32>
        %swap3A_550 = vector.shape_cast %add3A_509 : vector<16xf32> to vector<1x16xf32>
        tpu.vector_store %arg19[%swap3A_546, %swap3A_547], %swap3A_550 {strides = array<i32>} : memref<16x128xf32, #tpu.memory_space<vmem>>, vector<1x16xf32>,
        %swap3A_551 = arith.index_cast %scan3A_90 : i32 to index
        %swap3A_552 = arith.constant 96 : index
        %swap3A_553 = tpu.vector_load %arg19[%swap3A_551, %swap3A_552] {strides = array<i32>} : memref<16x128xf32, #tpu.memory_space<vmem>>, vector<1x16xf32>,
        %swap3A_554 = vector.shape_cast %swap3A_553 : vector<1x16xf32> to vector<16xf32>
        %swap3A_555 = vector.shape_cast %add3A_515 : vector<16xf32> to vector<1x16xf32>
        tpu.vector_store %arg19[%swap3A_551, %swap3A_552], %swap3A_555 {strides = array<i32>} : memref<16x128xf32, #tpu.memory_space<vmem>>, vector<1x16xf32>,
        %swap3A_556 = arith.index_cast %scan3A_90 : i32 to index
        %swap3A_557 = arith.constant 112 : index
        %swap3A_558 = tpu.vector_load %arg19[%swap3A_556, %swap3A_557] {strides = array<i32>} : memref<16x128xf32, #tpu.memory_space<vmem>>, vector<1x16xf32>,
        %swap3A_559 = vector.shape_cast %swap3A_558 : vector<1x16xf32> to vector<16xf32>
        %swap3A_560 = vector.shape_cast %add3A_521 : vector<16xf32> to vector<1x16xf32>
        tpu.vector_store %arg19[%swap3A_556, %swap3A_557], %swap3A_560 {strides = array<i32>} : memref<16x128xf32, #tpu.memory_space<vmem>>, vector<1x16xf32>,
        %scan3A_561 = arith.constant 0 : i32
        scf.yield %scan3A_561 : i32
      }
      %scan3A_60 = arith.constant 16 : i32
      "tpu.region"() ({
        %run_scoped3A = tpu.sem_alloc : memref<!tpu.dma_semaphore, #tpu.memory_space<semaphore_mem>>
        %dma_start3A_90 = arith.constant 0 : i32
        %dma_start3A_91 = arith.constant 0 : i32
        %dma_start3A_92 = tpu.memref_slice %arg21[%dma_start3A_90, %dma_start3A_91] : memref<10240x128xf32, #tpu.memory_space<vmem_shared>> -> memref<10240x128xf32, #tpu.memory_space<vmem_shared>>
        tpu.enqueue_indirect_dma source(%arg19 : memref<16x128xf32, #tpu.memory_space<vmem>>) target(%dma_start3A_92 : memref<10240x128xf32, #tpu.memory_space<vmem_shared>>) offsets(%arg11 : memref<16xi32, #tpu.memory_space<vmem>>) semaphore(%run_scoped3A : memref<!tpu.dma_semaphore, #tpu.memory_space<semaphore_mem>>) {add = true}
        %dma_wait3A_93 = arith.constant 0 : i32
        %dma_wait3A_94 = arith.constant 0 : i32
        %dma_wait3A_95 = tpu.memref_slice %arg21[%dma_wait3A_93, %dma_wait3A_94] : memref<10240x128xf32, #tpu.memory_space<vmem_shared>> -> memref<10240x128xf32, #tpu.memory_space<vmem_shared>>
        tpu.wait_indirect_dma semaphore(%run_scoped3A : memref<!tpu.dma_semaphore, #tpu.memory_space<semaphore_mem>>) src(%arg19 : memref<16x128xf32, #tpu.memory_space<vmem>>) dst(%dma_wait3A_95 : memref<10240x128xf32, #tpu.memory_space<vmem_shared>>)
        tpu.yield
      }) : () -> ()
      %mul3A_61 = arith.constant 2 : i32
      %mul3A_62 = arith.muli %mul3A_61, %scan3A_35 : i32
      %add3A_63 = arith.constant 1 : i32
      %add3A_64 = arith.addi %mul3A_62, %add3A_63 : i32
      %dma_wait3A_65 = arith.constant 0 : i32
      %dma_wait3A_66 = arith.constant 0 : i32
      %dma_wait3A_67 = tpu.memref_slice %arg4[%dma_wait3A_65, %dma_wait3A_66] : memref<10240x1024xf32, #tpu.memory_space<hbm>> -> memref<10240x1024xf32, #tpu.memory_space<hbm>>
      tpu.wait_indirect_dma semaphore(%arg23 : memref<!tpu.dma_semaphore, #tpu.memory_space<semaphore_mem>>) src(%dma_wait3A_67 : memref<10240x1024xf32, #tpu.memory_space<hbm>>) dst(%arg14 : memref<16x1024xf32, #tpu.memory_space<vmem>>)
      %dma_wait3A_68 = arith.constant 0 : i32
      %dma_wait3A_69 = arith.constant 0 : i32
      %dma_wait3A_70 = tpu.memref_slice %arg6[%dma_wait3A_68, %dma_wait3A_69] : memref<10240x128xf32, #tpu.memory_space<hbm>> -> memref<10240x128xf32, #tpu.memory_space<hbm>>
      tpu.wait_indirect_dma semaphore(%arg25 : memref<!tpu.dma_semaphore, #tpu.memory_space<semaphore_mem>>) src(%dma_wait3A_70 : memref<10240x128xf32, #tpu.memory_space<hbm>>) dst(%arg18 : memref<16x128xf32, #tpu.memory_space<vmem>>)
      %dma_wait3A_71 = arith.constant 0 : i32
      %dma_wait3A_72 = tpu.memref_slice %arg5[%dma_wait3A_71] : memref<5308416xf32, #tpu.memory_space<hbm>> -> memref<256xf32, #tpu.memory_space<hbm>>
      %dma_wait3A_73 = arith.constant 0 : i32
      %dma_wait3A_74 = tpu.memref_slice %arg5[%dma_wait3A_73] : memref<5308416xf32, #tpu.memory_space<hbm>> -> memref<256xf32, #tpu.memory_space<hbm>>
      tpu.wait_dma2 semaphore(%arg27 : memref<!tpu.dma_semaphore, #tpu.memory_space<semaphore_mem>>) src(%dma_wait3A_74 : memref<256xf32, #tpu.memory_space<hbm>>) dst(%arg16 : memref<256xf32, #tpu.memory_space<vmem>>)
      %add3A_75 = arith.constant 1 : i32
      %add3A_76 = arith.addi %add3A_64, %add3A_75 : i32
      %lt3A_77 = arith.constant 648 : i32
      %lt3A_78 = arith.cmpi slt, %add3A_76, %lt3A_77 : i32
      %convert_element_type3A_79 = arith.extui %lt3A_78 : i1 to i32
      %cond3A_80 = arith.constant 0 : i32
      %cond3A_81 = arith.cmpi ne, %convert_element_type3A_79, %cond3A_80 : i32
      scf.if %cond3A_81 {
        %add3A_90 = arith.constant 1 : i32
        %add3A_91 = arith.addi %add3A_64, %add3A_90 : i32
        %mul3A_92 = arith.constant 16 : i32
        %mul3A_93 = arith.muli %add3A_91, %mul3A_92 : i32
        %add3A_94 = arith.addi %mul3A_8, %mul3A_93 : i32
        "tpu.region"() ({
          %run_scoped3A = tpu.sem_alloc : memref<!tpu.dma_semaphore, #tpu.memory_space<semaphore_mem>>
          %dma_start3A_105 = tpu.memref_slice %arg2[%add3A_94] : memref<331776xi32, #tpu.memory_space<hbm>> -> memref<16xi32, #tpu.memory_space<hbm>>
          %dma_start3A_106 = tpu.memref_slice %arg2[%add3A_94] : memref<331776xi32, #tpu.memory_space<hbm>> -> memref<16xi32, #tpu.memory_space<hbm>>
          tpu.enqueue_dma source(%dma_start3A_106 : memref<16xi32, #tpu.memory_space<hbm>>) target(%arg9 : memref<16xi32, #tpu.memory_space<vmem>>) target_semaphore(%run_scoped3A : memref<!tpu.dma_semaphore, #tpu.memory_space<semaphore_mem>>)
          %dma_wait3A_107 = tpu.memref_slice %arg2[%add3A_94] : memref<331776xi32, #tpu.memory_space<hbm>> -> memref<16xi32, #tpu.memory_space<hbm>>
          %dma_wait3A_108 = tpu.memref_slice %arg2[%add3A_94] : memref<331776xi32, #tpu.memory_space<hbm>> -> memref<16xi32, #tpu.memory_space<hbm>>
          tpu.wait_dma2 semaphore(%run_scoped3A : memref<!tpu.dma_semaphore, #tpu.memory_space<semaphore_mem>>) src(%dma_wait3A_108 : memref<16xi32, #tpu.memory_space<hbm>>) dst(%arg9 : memref<16xi32, #tpu.memory_space<vmem>>)
          tpu.yield
        }) : () -> ()
        "tpu.region"() ({
          %run_scoped3A = tpu.sem_alloc : memref<!tpu.dma_semaphore, #tpu.memory_space<semaphore_mem>>
          %dma_start3A_105 = tpu.memref_slice %arg3[%add3A_94] : memref<331776xi32, #tpu.memory_space<hbm>> -> memref<16xi32, #tpu.memory_space<hbm>>
          %dma_start3A_106 = tpu.memref_slice %arg3[%add3A_94] : memref<331776xi32, #tpu.memory_space<hbm>> -> memref<16xi32, #tpu.memory_space<hbm>>
          tpu.enqueue_dma source(%dma_start3A_106 : memref<16xi32, #tpu.memory_space<hbm>>) target(%arg11 : memref<16xi32, #tpu.memory_space<vmem>>) target_semaphore(%run_scoped3A : memref<!tpu.dma_semaphore, #tpu.memory_space<semaphore_mem>>)
          %dma_wait3A_107 = tpu.memref_slice %arg3[%add3A_94] : memref<331776xi32, #tpu.memory_space<hbm>> -> memref<16xi32, #tpu.memory_space<hbm>>
          %dma_wait3A_108 = tpu.memref_slice %arg3[%add3A_94] : memref<331776xi32, #tpu.memory_space<hbm>> -> memref<16xi32, #tpu.memory_space<hbm>>
          tpu.wait_dma2 semaphore(%run_scoped3A : memref<!tpu.dma_semaphore, #tpu.memory_space<semaphore_mem>>) src(%dma_wait3A_108 : memref<16xi32, #tpu.memory_space<hbm>>) dst(%arg11 : memref<16xi32, #tpu.memory_space<vmem>>)
          tpu.yield
        }) : () -> ()
        %dma_start3A_95 = arith.constant 0 : i32
        %dma_start3A_96 = arith.constant 0 : i32
        %dma_start3A_97 = tpu.memref_slice %arg4[%dma_start3A_95, %dma_start3A_96] : memref<10240x1024xf32, #tpu.memory_space<hbm>> -> memref<10240x1024xf32, #tpu.memory_space<hbm>>
        tpu.enqueue_indirect_dma source(%dma_start3A_97 : memref<10240x1024xf32, #tpu.memory_space<hbm>>) target(%arg13 : memref<16x1024xf32, #tpu.memory_space<vmem>>) offsets(%arg9 : memref<16xi32, #tpu.memory_space<vmem>>) semaphore(%arg22 : memref<!tpu.dma_semaphore, #tpu.memory_space<semaphore_mem>>)
        %dma_start3A_98 = arith.constant 0 : i32
        %dma_start3A_99 = arith.constant 0 : i32
        %dma_start3A_100 = tpu.memref_slice %arg6[%dma_start3A_98, %dma_start3A_99] : memref<10240x128xf32, #tpu.memory_space<hbm>> -> memref<10240x128xf32, #tpu.memory_space<hbm>>
        tpu.enqueue_indirect_dma source(%dma_start3A_100 : memref<10240x128xf32, #tpu.memory_space<hbm>>) target(%arg17 : memref<16x128xf32, #tpu.memory_space<vmem>>) offsets(%arg11 : memref<16xi32, #tpu.memory_space<vmem>>) semaphore(%arg24 : memref<!tpu.dma_semaphore, #tpu.memory_space<semaphore_mem>>)
        %mul3A_101 = arith.constant 16 : i32
        %mul3A_102 = arith.muli %add3A_94, %mul3A_101 : i32
        %dma_start3A_103 = tpu.memref_slice %arg5[%mul3A_102] : memref<5308416xf32, #tpu.memory_space<hbm>> -> memref<256xf32, #tpu.memory_space<hbm>>
        %dma_start3A_104 = tpu.memref_slice %arg5[%mul3A_102] : memref<5308416xf32, #tpu.memory_space<hbm>> -> memref<256xf32, #tpu.memory_space<hbm>>
        tpu.enqueue_dma source(%dma_start3A_104 : memref<256xf32, #tpu.memory_space<hbm>>) target(%arg15 : memref<256xf32, #tpu.memory_space<vmem>>) target_semaphore(%arg26 : memref<!tpu.dma_semaphore, #tpu.memory_space<semaphore_mem>>)
      } else {
      }
      %scan3A_82 = arith.constant 0 : i32
      %scan3A_83 = arith.constant 0 : i32
      %scan3A_84 = arith.constant 16 : i32
      %scan3A_85 = arith.addi %scan3A_83, %scan3A_84 : i32
      %scan3A_86 = arith.constant 1 : i32
      %scan3A_87 = scf.for %scan3A_90 = %scan3A_83 to %scan3A_85 step %scan3A_86 iter_args(%scan3A_91 = %scan3A_82) -> (i32)  : i32 {
        %mul3A_92 = arith.constant 16 : i32
        %mul3A_93 = arith.muli %scan3A_90, %mul3A_92 : i32
        %get3A = arith.index_cast %mul3A_93 : i32 to index
        %get3A_94 = tpu.vector_load %arg16[%get3A] {strides = array<i32>} : memref<256xf32, #tpu.memory_space<vmem>>, vector<16xf32>,
        %get3A_95 = vector.shape_cast %get3A_94 : vector<16xf32> to vector<16xf32>
        %get3A_96 = arith.index_cast %scan3A_90 : i32 to index
        %get3A_97 = arith.constant 0 : index
        %get3A_98 = tpu.vector_load %arg18[%get3A_96, %get3A_97] {strides = array<i32>} : memref<16x128xf32, #tpu.memory_space<vmem>>, vector<1x16xf32>,
        %get3A_99 = vector.shape_cast %get3A_98 : vector<1x16xf32> to vector<16xf32>
        %mul3A_100 = arith.mulf %get3A_95, %get3A_99 : vector<16xf32>
        %broadcast_in_dim3A = arith.constant 0.000000e+00 : f32
        %broadcast_in_dim3A_101 = vector.broadcast %broadcast_in_dim3A : f32 to vector<16xf32>
        %broadcast_in_dim3A_102 = arith.constant 0.000000e+00 : f32
        %broadcast_in_dim3A_103 = vector.broadcast %broadcast_in_dim3A_102 : f32 to vector<16xf32>
        %broadcast_in_dim3A_104 = arith.constant 0.000000e+00 : f32
        %broadcast_in_dim3A_105 = vector.broadcast %broadcast_in_dim3A_104 : f32 to vector<16xf32>
        %broadcast_in_dim3A_106 = arith.constant 0.000000e+00 : f32
        %broadcast_in_dim3A_107 = vector.broadcast %broadcast_in_dim3A_106 : f32 to vector<16xf32>
        %broadcast_in_dim3A_108 = arith.constant 0.000000e+00 : f32
        %broadcast_in_dim3A_109 = vector.broadcast %broadcast_in_dim3A_108 : f32 to vector<16xf32>
        %broadcast_in_dim3A_110 = arith.constant 0.000000e+00 : f32
        %broadcast_in_dim3A_111 = vector.broadcast %broadcast_in_dim3A_110 : f32 to vector<16xf32>
        %broadcast_in_dim3A_112 = arith.constant 0.000000e+00 : f32
        %broadcast_in_dim3A_113 = vector.broadcast %broadcast_in_dim3A_112 : f32 to vector<16xf32>
        %broadcast_in_dim3A_114 = arith.constant 0.000000e+00 : f32
        %broadcast_in_dim3A_115 = vector.broadcast %broadcast_in_dim3A_114 : f32 to vector<16xf32>
        %slice3A = vector.extract_strided_slice %mul3A_100 {offsets = [0], sizes = [1], strides = [1]} : vector<16xf32> to vector<1xf32>
        %squeeze3A = vector.extract %slice3A[0] : f32 from vector<1xf32>
        %broadcast_in_dim3A_116 = vector.broadcast %squeeze3A : f32 to vector<16xf32>
        %get3A_117 = arith.index_cast %scan3A_90 : i32 to index
        %get3A_118 = arith.constant 0 : index
        %get3A_119 = tpu.vector_load %arg14[%get3A_117, %get3A_118] {strides = array<i32>} : memref<16x1024xf32, #tpu.memory_space<vmem>>, vector<1x16xf32>,
        %get3A_120 = vector.shape_cast %get3A_119 : vector<1x16xf32> to vector<16xf32>
        %mul3A_121 = arith.mulf %broadcast_in_dim3A_116, %get3A_120 : vector<16xf32>
        %add3A_122 = arith.addf %broadcast_in_dim3A_101, %mul3A_121 : vector<16xf32>
        %get3A_123 = arith.index_cast %scan3A_90 : i32 to index
        %get3A_124 = arith.constant 16 : index
        %get3A_125 = tpu.vector_load %arg14[%get3A_123, %get3A_124] {strides = array<i32>} : memref<16x1024xf32, #tpu.memory_space<vmem>>, vector<1x16xf32>,
        %get3A_126 = vector.shape_cast %get3A_125 : vector<1x16xf32> to vector<16xf32>
        %mul3A_127 = arith.mulf %broadcast_in_dim3A_116, %get3A_126 : vector<16xf32>
        %add3A_128 = arith.addf %broadcast_in_dim3A_103, %mul3A_127 : vector<16xf32>
        %get3A_129 = arith.index_cast %scan3A_90 : i32 to index
        %get3A_130 = arith.constant 32 : index
        %get3A_131 = tpu.vector_load %arg14[%get3A_129, %get3A_130] {strides = array<i32>} : memref<16x1024xf32, #tpu.memory_space<vmem>>, vector<1x16xf32>,
        %get3A_132 = vector.shape_cast %get3A_131 : vector<1x16xf32> to vector<16xf32>
        %mul3A_133 = arith.mulf %broadcast_in_dim3A_116, %get3A_132 : vector<16xf32>
        %add3A_134 = arith.addf %broadcast_in_dim3A_105, %mul3A_133 : vector<16xf32>
        %get3A_135 = arith.index_cast %scan3A_90 : i32 to index
        %get3A_136 = arith.constant 48 : index
        %get3A_137 = tpu.vector_load %arg14[%get3A_135, %get3A_136] {strides = array<i32>} : memref<16x1024xf32, #tpu.memory_space<vmem>>, vector<1x16xf32>,
        %get3A_138 = vector.shape_cast %get3A_137 : vector<1x16xf32> to vector<16xf32>
        %mul3A_139 = arith.mulf %broadcast_in_dim3A_116, %get3A_138 : vector<16xf32>
        %add3A_140 = arith.addf %broadcast_in_dim3A_107, %mul3A_139 : vector<16xf32>
        %get3A_141 = arith.index_cast %scan3A_90 : i32 to index
        %get3A_142 = arith.constant 64 : index
        %get3A_143 = tpu.vector_load %arg14[%get3A_141, %get3A_142] {strides = array<i32>} : memref<16x1024xf32, #tpu.memory_space<vmem>>, vector<1x16xf32>,
        %get3A_144 = vector.shape_cast %get3A_143 : vector<1x16xf32> to vector<16xf32>
        %mul3A_145 = arith.mulf %broadcast_in_dim3A_116, %get3A_144 : vector<16xf32>
        %add3A_146 = arith.addf %broadcast_in_dim3A_109, %mul3A_145 : vector<16xf32>
        %get3A_147 = arith.index_cast %scan3A_90 : i32 to index
        %get3A_148 = arith.constant 80 : index
        %get3A_149 = tpu.vector_load %arg14[%get3A_147, %get3A_148] {strides = array<i32>} : memref<16x1024xf32, #tpu.memory_space<vmem>>, vector<1x16xf32>,
        %get3A_150 = vector.shape_cast %get3A_149 : vector<1x16xf32> to vector<16xf32>
        %mul3A_151 = arith.mulf %broadcast_in_dim3A_116, %get3A_150 : vector<16xf32>
        %add3A_152 = arith.addf %broadcast_in_dim3A_111, %mul3A_151 : vector<16xf32>
        %get3A_153 = arith.index_cast %scan3A_90 : i32 to index
        %get3A_154 = arith.constant 96 : index
        %get3A_155 = tpu.vector_load %arg14[%get3A_153, %get3A_154] {strides = array<i32>} : memref<16x1024xf32, #tpu.memory_space<vmem>>, vector<1x16xf32>,
        %get3A_156 = vector.shape_cast %get3A_155 : vector<1x16xf32> to vector<16xf32>
        %mul3A_157 = arith.mulf %broadcast_in_dim3A_116, %get3A_156 : vector<16xf32>
        %add3A_158 = arith.addf %broadcast_in_dim3A_113, %mul3A_157 : vector<16xf32>
        %get3A_159 = arith.index_cast %scan3A_90 : i32 to index
        %get3A_160 = arith.constant 112 : index
        %get3A_161 = tpu.vector_load %arg14[%get3A_159, %get3A_160] {strides = array<i32>} : memref<16x1024xf32, #tpu.memory_space<vmem>>, vector<1x16xf32>,
        %get3A_162 = vector.shape_cast %get3A_161 : vector<1x16xf32> to vector<16xf32>
        %mul3A_163 = arith.mulf %broadcast_in_dim3A_116, %get3A_162 : vector<16xf32>
        %add3A_164 = arith.addf %broadcast_in_dim3A_115, %mul3A_163 : vector<16xf32>
        %slice3A_165 = vector.extract_strided_slice %mul3A_100 {offsets = [1], sizes = [1], strides = [1]} : vector<16xf32> to vector<1xf32>
        %squeeze3A_166 = vector.extract %slice3A_165[0] : f32 from vector<1xf32>
        %broadcast_in_dim3A_167 = vector.broadcast %squeeze3A_166 : f32 to vector<16xf32>
        %get3A_168 = arith.index_cast %scan3A_90 : i32 to index
        %get3A_169 = arith.constant 128 : index
        %get3A_170 = tpu.vector_load %arg14[%get3A_168, %get3A_169] {strides = array<i32>} : memref<16x1024xf32, #tpu.memory_space<vmem>>, vector<1x16xf32>,
        %get3A_171 = vector.shape_cast %get3A_170 : vector<1x16xf32> to vector<16xf32>
        %mul3A_172 = arith.mulf %broadcast_in_dim3A_167, %get3A_171 : vector<16xf32>
        %add3A_173 = arith.addf %add3A_122, %mul3A_172 : vector<16xf32>
        %get3A_174 = arith.index_cast %scan3A_90 : i32 to index
        %get3A_175 = arith.constant 144 : index
        %get3A_176 = tpu.vector_load %arg14[%get3A_174, %get3A_175] {strides = array<i32>} : memref<16x1024xf32, #tpu.memory_space<vmem>>, vector<1x16xf32>,
        %get3A_177 = vector.shape_cast %get3A_176 : vector<1x16xf32> to vector<16xf32>
        %mul3A_178 = arith.mulf %broadcast_in_dim3A_167, %get3A_177 : vector<16xf32>
        %add3A_179 = arith.addf %add3A_128, %mul3A_178 : vector<16xf32>
        %get3A_180 = arith.index_cast %scan3A_90 : i32 to index
        %get3A_181 = arith.constant 160 : index
        %get3A_182 = tpu.vector_load %arg14[%get3A_180, %get3A_181] {strides = array<i32>} : memref<16x1024xf32, #tpu.memory_space<vmem>>, vector<1x16xf32>,
        %get3A_183 = vector.shape_cast %get3A_182 : vector<1x16xf32> to vector<16xf32>
        %mul3A_184 = arith.mulf %broadcast_in_dim3A_167, %get3A_183 : vector<16xf32>
        %add3A_185 = arith.addf %add3A_134, %mul3A_184 : vector<16xf32>
        %get3A_186 = arith.index_cast %scan3A_90 : i32 to index
        %get3A_187 = arith.constant 176 : index
        %get3A_188 = tpu.vector_load %arg14[%get3A_186, %get3A_187] {strides = array<i32>} : memref<16x1024xf32, #tpu.memory_space<vmem>>, vector<1x16xf32>,
        %get3A_189 = vector.shape_cast %get3A_188 : vector<1x16xf32> to vector<16xf32>
        %mul3A_190 = arith.mulf %broadcast_in_dim3A_167, %get3A_189 : vector<16xf32>
        %add3A_191 = arith.addf %add3A_140, %mul3A_190 : vector<16xf32>
        %get3A_192 = arith.index_cast %scan3A_90 : i32 to index
        %get3A_193 = arith.constant 192 : index
        %get3A_194 = tpu.vector_load %arg14[%get3A_192, %get3A_193] {strides = array<i32>} : memref<16x1024xf32, #tpu.memory_space<vmem>>, vector<1x16xf32>,
        %get3A_195 = vector.shape_cast %get3A_194 : vector<1x16xf32> to vector<16xf32>
        %mul3A_196 = arith.mulf %broadcast_in_dim3A_167, %get3A_195 : vector<16xf32>
        %add3A_197 = arith.addf %add3A_146, %mul3A_196 : vector<16xf32>
        %get3A_198 = arith.index_cast %scan3A_90 : i32 to index
        %get3A_199 = arith.constant 208 : index
        %get3A_200 = tpu.vector_load %arg14[%get3A_198, %get3A_199] {strides = array<i32>} : memref<16x1024xf32, #tpu.memory_space<vmem>>, vector<1x16xf32>,
        %get3A_201 = vector.shape_cast %get3A_200 : vector<1x16xf32> to vector<16xf32>
        %mul3A_202 = arith.mulf %broadcast_in_dim3A_167, %get3A_201 : vector<16xf32>
        %add3A_203 = arith.addf %add3A_152, %mul3A_202 : vector<16xf32>
        %get3A_204 = arith.index_cast %scan3A_90 : i32 to index
        %get3A_205 = arith.constant 224 : index
        %get3A_206 = tpu.vector_load %arg14[%get3A_204, %get3A_205] {strides = array<i32>} : memref<16x1024xf32, #tpu.memory_space<vmem>>, vector<1x16xf32>,
        %get3A_207 = vector.shape_cast %get3A_206 : vector<1x16xf32> to vector<16xf32>
        %mul3A_208 = arith.mulf %broadcast_in_dim3A_167, %get3A_207 : vector<16xf32>
        %add3A_209 = arith.addf %add3A_158, %mul3A_208 : vector<16xf32>
        %get3A_210 = arith.index_cast %scan3A_90 : i32 to index
        %get3A_211 = arith.constant 240 : index
        %get3A_212 = tpu.vector_load %arg14[%get3A_210, %get3A_211] {strides = array<i32>} : memref<16x1024xf32, #tpu.memory_space<vmem>>, vector<1x16xf32>,
        %get3A_213 = vector.shape_cast %get3A_212 : vector<1x16xf32> to vector<16xf32>
        %mul3A_214 = arith.mulf %broadcast_in_dim3A_167, %get3A_213 : vector<16xf32>
        %add3A_215 = arith.addf %add3A_164, %mul3A_214 : vector<16xf32>
        %slice3A_216 = vector.extract_strided_slice %mul3A_100 {offsets = [2], sizes = [1], strides = [1]} : vector<16xf32> to vector<1xf32>
        %squeeze3A_217 = vector.extract %slice3A_216[0] : f32 from vector<1xf32>
        %broadcast_in_dim3A_218 = vector.broadcast %squeeze3A_217 : f32 to vector<16xf32>
        %get3A_219 = arith.index_cast %scan3A_90 : i32 to index
        %get3A_220 = arith.constant 256 : index
        %get3A_221 = tpu.vector_load %arg14[%get3A_219, %get3A_220] {strides = array<i32>} : memref<16x1024xf32, #tpu.memory_space<vmem>>, vector<1x16xf32>,
        %get3A_222 = vector.shape_cast %get3A_221 : vector<1x16xf32> to vector<16xf32>
        %mul3A_223 = arith.mulf %broadcast_in_dim3A_218, %get3A_222 : vector<16xf32>
        %add3A_224 = arith.addf %add3A_173, %mul3A_223 : vector<16xf32>
        %get3A_225 = arith.index_cast %scan3A_90 : i32 to index
        %get3A_226 = arith.constant 272 : index
        %get3A_227 = tpu.vector_load %arg14[%get3A_225, %get3A_226] {strides = array<i32>} : memref<16x1024xf32, #tpu.memory_space<vmem>>, vector<1x16xf32>,
        %get3A_228 = vector.shape_cast %get3A_227 : vector<1x16xf32> to vector<16xf32>
        %mul3A_229 = arith.mulf %broadcast_in_dim3A_218, %get3A_228 : vector<16xf32>
        %add3A_230 = arith.addf %add3A_179, %mul3A_229 : vector<16xf32>
        %get3A_231 = arith.index_cast %scan3A_90 : i32 to index
        %get3A_232 = arith.constant 288 : index
        %get3A_233 = tpu.vector_load %arg14[%get3A_231, %get3A_232] {strides = array<i32>} : memref<16x1024xf32, #tpu.memory_space<vmem>>, vector<1x16xf32>,
        %get3A_234 = vector.shape_cast %get3A_233 : vector<1x16xf32> to vector<16xf32>
        %mul3A_235 = arith.mulf %broadcast_in_dim3A_218, %get3A_234 : vector<16xf32>
        %add3A_236 = arith.addf %add3A_185, %mul3A_235 : vector<16xf32>
        %get3A_237 = arith.index_cast %scan3A_90 : i32 to index
        %get3A_238 = arith.constant 304 : index
        %get3A_239 = tpu.vector_load %arg14[%get3A_237, %get3A_238] {strides = array<i32>} : memref<16x1024xf32, #tpu.memory_space<vmem>>, vector<1x16xf32>,
        %get3A_240 = vector.shape_cast %get3A_239 : vector<1x16xf32> to vector<16xf32>
        %mul3A_241 = arith.mulf %broadcast_in_dim3A_218, %get3A_240 : vector<16xf32>
        %add3A_242 = arith.addf %add3A_191, %mul3A_241 : vector<16xf32>
        %get3A_243 = arith.index_cast %scan3A_90 : i32 to index
        %get3A_244 = arith.constant 320 : index
        %get3A_245 = tpu.vector_load %arg14[%get3A_243, %get3A_244] {strides = array<i32>} : memref<16x1024xf32, #tpu.memory_space<vmem>>, vector<1x16xf32>,
        %get3A_246 = vector.shape_cast %get3A_245 : vector<1x16xf32> to vector<16xf32>
        %mul3A_247 = arith.mulf %broadcast_in_dim3A_218, %get3A_246 : vector<16xf32>
        %add3A_248 = arith.addf %add3A_197, %mul3A_247 : vector<16xf32>
        %get3A_249 = arith.index_cast %scan3A_90 : i32 to index
        %get3A_250 = arith.constant 336 : index
        %get3A_251 = tpu.vector_load %arg14[%get3A_249, %get3A_250] {strides = array<i32>} : memref<16x1024xf32, #tpu.memory_space<vmem>>, vector<1x16xf32>,
        %get3A_252 = vector.shape_cast %get3A_251 : vector<1x16xf32> to vector<16xf32>
        %mul3A_253 = arith.mulf %broadcast_in_dim3A_218, %get3A_252 : vector<16xf32>
        %add3A_254 = arith.addf %add3A_203, %mul3A_253 : vector<16xf32>
        %get3A_255 = arith.index_cast %scan3A_90 : i32 to index
        %get3A_256 = arith.constant 352 : index
        %get3A_257 = tpu.vector_load %arg14[%get3A_255, %get3A_256] {strides = array<i32>} : memref<16x1024xf32, #tpu.memory_space<vmem>>, vector<1x16xf32>,
        %get3A_258 = vector.shape_cast %get3A_257 : vector<1x16xf32> to vector<16xf32>
        %mul3A_259 = arith.mulf %broadcast_in_dim3A_218, %get3A_258 : vector<16xf32>
        %add3A_260 = arith.addf %add3A_209, %mul3A_259 : vector<16xf32>
        %get3A_261 = arith.index_cast %scan3A_90 : i32 to index
        %get3A_262 = arith.constant 368 : index
        %get3A_263 = tpu.vector_load %arg14[%get3A_261, %get3A_262] {strides = array<i32>} : memref<16x1024xf32, #tpu.memory_space<vmem>>, vector<1x16xf32>,
        %get3A_264 = vector.shape_cast %get3A_263 : vector<1x16xf32> to vector<16xf32>
        %mul3A_265 = arith.mulf %broadcast_in_dim3A_218, %get3A_264 : vector<16xf32>
        %add3A_266 = arith.addf %add3A_215, %mul3A_265 : vector<16xf32>
        %slice3A_267 = vector.extract_strided_slice %mul3A_100 {offsets = [3], sizes = [1], strides = [1]} : vector<16xf32> to vector<1xf32>
        %squeeze3A_268 = vector.extract %slice3A_267[0] : f32 from vector<1xf32>
        %broadcast_in_dim3A_269 = vector.broadcast %squeeze3A_268 : f32 to vector<16xf32>
        %get3A_270 = arith.index_cast %scan3A_90 : i32 to index
        %get3A_271 = arith.constant 384 : index
        %get3A_272 = tpu.vector_load %arg14[%get3A_270, %get3A_271] {strides = array<i32>} : memref<16x1024xf32, #tpu.memory_space<vmem>>, vector<1x16xf32>,
        %get3A_273 = vector.shape_cast %get3A_272 : vector<1x16xf32> to vector<16xf32>
        %mul3A_274 = arith.mulf %broadcast_in_dim3A_269, %get3A_273 : vector<16xf32>
        %add3A_275 = arith.addf %add3A_224, %mul3A_274 : vector<16xf32>
        %get3A_276 = arith.index_cast %scan3A_90 : i32 to index
        %get3A_277 = arith.constant 400 : index
        %get3A_278 = tpu.vector_load %arg14[%get3A_276, %get3A_277] {strides = array<i32>} : memref<16x1024xf32, #tpu.memory_space<vmem>>, vector<1x16xf32>,
        %get3A_279 = vector.shape_cast %get3A_278 : vector<1x16xf32> to vector<16xf32>
        %mul3A_280 = arith.mulf %broadcast_in_dim3A_269, %get3A_279 : vector<16xf32>
        %add3A_281 = arith.addf %add3A_230, %mul3A_280 : vector<16xf32>
        %get3A_282 = arith.index_cast %scan3A_90 : i32 to index
        %get3A_283 = arith.constant 416 : index
        %get3A_284 = tpu.vector_load %arg14[%get3A_282, %get3A_283] {strides = array<i32>} : memref<16x1024xf32, #tpu.memory_space<vmem>>, vector<1x16xf32>,
        %get3A_285 = vector.shape_cast %get3A_284 : vector<1x16xf32> to vector<16xf32>
        %mul3A_286 = arith.mulf %broadcast_in_dim3A_269, %get3A_285 : vector<16xf32>
        %add3A_287 = arith.addf %add3A_236, %mul3A_286 : vector<16xf32>
        %get3A_288 = arith.index_cast %scan3A_90 : i32 to index
        %get3A_289 = arith.constant 432 : index
        %get3A_290 = tpu.vector_load %arg14[%get3A_288, %get3A_289] {strides = array<i32>} : memref<16x1024xf32, #tpu.memory_space<vmem>>, vector<1x16xf32>,
        %get3A_291 = vector.shape_cast %get3A_290 : vector<1x16xf32> to vector<16xf32>
        %mul3A_292 = arith.mulf %broadcast_in_dim3A_269, %get3A_291 : vector<16xf32>
        %add3A_293 = arith.addf %add3A_242, %mul3A_292 : vector<16xf32>
        %get3A_294 = arith.index_cast %scan3A_90 : i32 to index
        %get3A_295 = arith.constant 448 : index
        %get3A_296 = tpu.vector_load %arg14[%get3A_294, %get3A_295] {strides = array<i32>} : memref<16x1024xf32, #tpu.memory_space<vmem>>, vector<1x16xf32>,
        %get3A_297 = vector.shape_cast %get3A_296 : vector<1x16xf32> to vector<16xf32>
        %mul3A_298 = arith.mulf %broadcast_in_dim3A_269, %get3A_297 : vector<16xf32>
        %add3A_299 = arith.addf %add3A_248, %mul3A_298 : vector<16xf32>
        %get3A_300 = arith.index_cast %scan3A_90 : i32 to index
        %get3A_301 = arith.constant 464 : index
        %get3A_302 = tpu.vector_load %arg14[%get3A_300, %get3A_301] {strides = array<i32>} : memref<16x1024xf32, #tpu.memory_space<vmem>>, vector<1x16xf32>,
        %get3A_303 = vector.shape_cast %get3A_302 : vector<1x16xf32> to vector<16xf32>
        %mul3A_304 = arith.mulf %broadcast_in_dim3A_269, %get3A_303 : vector<16xf32>
        %add3A_305 = arith.addf %add3A_254, %mul3A_304 : vector<16xf32>
        %get3A_306 = arith.index_cast %scan3A_90 : i32 to index
        %get3A_307 = arith.constant 480 : index
        %get3A_308 = tpu.vector_load %arg14[%get3A_306, %get3A_307] {strides = array<i32>} : memref<16x1024xf32, #tpu.memory_space<vmem>>, vector<1x16xf32>,
        %get3A_309 = vector.shape_cast %get3A_308 : vector<1x16xf32> to vector<16xf32>
        %mul3A_310 = arith.mulf %broadcast_in_dim3A_269, %get3A_309 : vector<16xf32>
        %add3A_311 = arith.addf %add3A_260, %mul3A_310 : vector<16xf32>
        %get3A_312 = arith.index_cast %scan3A_90 : i32 to index
        %get3A_313 = arith.constant 496 : index
        %get3A_314 = tpu.vector_load %arg14[%get3A_312, %get3A_313] {strides = array<i32>} : memref<16x1024xf32, #tpu.memory_space<vmem>>, vector<1x16xf32>,
        %get3A_315 = vector.shape_cast %get3A_314 : vector<1x16xf32> to vector<16xf32>
        %mul3A_316 = arith.mulf %broadcast_in_dim3A_269, %get3A_315 : vector<16xf32>
        %add3A_317 = arith.addf %add3A_266, %mul3A_316 : vector<16xf32>
        %slice3A_318 = vector.extract_strided_slice %mul3A_100 {offsets = [4], sizes = [1], strides = [1]} : vector<16xf32> to vector<1xf32>
        %squeeze3A_319 = vector.extract %slice3A_318[0] : f32 from vector<1xf32>
        %broadcast_in_dim3A_320 = vector.broadcast %squeeze3A_319 : f32 to vector<16xf32>
        %get3A_321 = arith.index_cast %scan3A_90 : i32 to index
        %get3A_322 = arith.constant 512 : index
        %get3A_323 = tpu.vector_load %arg14[%get3A_321, %get3A_322] {strides = array<i32>} : memref<16x1024xf32, #tpu.memory_space<vmem>>, vector<1x16xf32>,
        %get3A_324 = vector.shape_cast %get3A_323 : vector<1x16xf32> to vector<16xf32>
        %mul3A_325 = arith.mulf %broadcast_in_dim3A_320, %get3A_324 : vector<16xf32>
        %add3A_326 = arith.addf %add3A_275, %mul3A_325 : vector<16xf32>
        %get3A_327 = arith.index_cast %scan3A_90 : i32 to index
        %get3A_328 = arith.constant 528 : index
        %get3A_329 = tpu.vector_load %arg14[%get3A_327, %get3A_328] {strides = array<i32>} : memref<16x1024xf32, #tpu.memory_space<vmem>>, vector<1x16xf32>,
        %get3A_330 = vector.shape_cast %get3A_329 : vector<1x16xf32> to vector<16xf32>
        %mul3A_331 = arith.mulf %broadcast_in_dim3A_320, %get3A_330 : vector<16xf32>
        %add3A_332 = arith.addf %add3A_281, %mul3A_331 : vector<16xf32>
        %get3A_333 = arith.index_cast %scan3A_90 : i32 to index
        %get3A_334 = arith.constant 544 : index
        %get3A_335 = tpu.vector_load %arg14[%get3A_333, %get3A_334] {strides = array<i32>} : memref<16x1024xf32, #tpu.memory_space<vmem>>, vector<1x16xf32>,
        %get3A_336 = vector.shape_cast %get3A_335 : vector<1x16xf32> to vector<16xf32>
        %mul3A_337 = arith.mulf %broadcast_in_dim3A_320, %get3A_336 : vector<16xf32>
        %add3A_338 = arith.addf %add3A_287, %mul3A_337 : vector<16xf32>
        %get3A_339 = arith.index_cast %scan3A_90 : i32 to index
        %get3A_340 = arith.constant 560 : index
        %get3A_341 = tpu.vector_load %arg14[%get3A_339, %get3A_340] {strides = array<i32>} : memref<16x1024xf32, #tpu.memory_space<vmem>>, vector<1x16xf32>,
        %get3A_342 = vector.shape_cast %get3A_341 : vector<1x16xf32> to vector<16xf32>
        %mul3A_343 = arith.mulf %broadcast_in_dim3A_320, %get3A_342 : vector<16xf32>
        %add3A_344 = arith.addf %add3A_293, %mul3A_343 : vector<16xf32>
        %get3A_345 = arith.index_cast %scan3A_90 : i32 to index
        %get3A_346 = arith.constant 576 : index
        %get3A_347 = tpu.vector_load %arg14[%get3A_345, %get3A_346] {strides = array<i32>} : memref<16x1024xf32, #tpu.memory_space<vmem>>, vector<1x16xf32>,
        %get3A_348 = vector.shape_cast %get3A_347 : vector<1x16xf32> to vector<16xf32>
        %mul3A_349 = arith.mulf %broadcast_in_dim3A_320, %get3A_348 : vector<16xf32>
        %add3A_350 = arith.addf %add3A_299, %mul3A_349 : vector<16xf32>
        %get3A_351 = arith.index_cast %scan3A_90 : i32 to index
        %get3A_352 = arith.constant 592 : index
        %get3A_353 = tpu.vector_load %arg14[%get3A_351, %get3A_352] {strides = array<i32>} : memref<16x1024xf32, #tpu.memory_space<vmem>>, vector<1x16xf32>,
        %get3A_354 = vector.shape_cast %get3A_353 : vector<1x16xf32> to vector<16xf32>
        %mul3A_355 = arith.mulf %broadcast_in_dim3A_320, %get3A_354 : vector<16xf32>
        %add3A_356 = arith.addf %add3A_305, %mul3A_355 : vector<16xf32>
        %get3A_357 = arith.index_cast %scan3A_90 : i32 to index
        %get3A_358 = arith.constant 608 : index
        %get3A_359 = tpu.vector_load %arg14[%get3A_357, %get3A_358] {strides = array<i32>} : memref<16x1024xf32, #tpu.memory_space<vmem>>, vector<1x16xf32>,
        %get3A_360 = vector.shape_cast %get3A_359 : vector<1x16xf32> to vector<16xf32>
        %mul3A_361 = arith.mulf %broadcast_in_dim3A_320, %get3A_360 : vector<16xf32>
        %add3A_362 = arith.addf %add3A_311, %mul3A_361 : vector<16xf32>
        %get3A_363 = arith.index_cast %scan3A_90 : i32 to index
        %get3A_364 = arith.constant 624 : index
        %get3A_365 = tpu.vector_load %arg14[%get3A_363, %get3A_364] {strides = array<i32>} : memref<16x1024xf32, #tpu.memory_space<vmem>>, vector<1x16xf32>,
        %get3A_366 = vector.shape_cast %get3A_365 : vector<1x16xf32> to vector<16xf32>
        %mul3A_367 = arith.mulf %broadcast_in_dim3A_320, %get3A_366 : vector<16xf32>
        %add3A_368 = arith.addf %add3A_317, %mul3A_367 : vector<16xf32>
        %slice3A_369 = vector.extract_strided_slice %mul3A_100 {offsets = [5], sizes = [1], strides = [1]} : vector<16xf32> to vector<1xf32>
        %squeeze3A_370 = vector.extract %slice3A_369[0] : f32 from vector<1xf32>
        %broadcast_in_dim3A_371 = vector.broadcast %squeeze3A_370 : f32 to vector<16xf32>
        %get3A_372 = arith.index_cast %scan3A_90 : i32 to index
        %get3A_373 = arith.constant 640 : index
        %get3A_374 = tpu.vector_load %arg14[%get3A_372, %get3A_373] {strides = array<i32>} : memref<16x1024xf32, #tpu.memory_space<vmem>>, vector<1x16xf32>,
        %get3A_375 = vector.shape_cast %get3A_374 : vector<1x16xf32> to vector<16xf32>
        %mul3A_376 = arith.mulf %broadcast_in_dim3A_371, %get3A_375 : vector<16xf32>
        %add3A_377 = arith.addf %add3A_326, %mul3A_376 : vector<16xf32>
        %get3A_378 = arith.index_cast %scan3A_90 : i32 to index
        %get3A_379 = arith.constant 656 : index
        %get3A_380 = tpu.vector_load %arg14[%get3A_378, %get3A_379] {strides = array<i32>} : memref<16x1024xf32, #tpu.memory_space<vmem>>, vector<1x16xf32>,
        %get3A_381 = vector.shape_cast %get3A_380 : vector<1x16xf32> to vector<16xf32>
        %mul3A_382 = arith.mulf %broadcast_in_dim3A_371, %get3A_381 : vector<16xf32>
        %add3A_383 = arith.addf %add3A_332, %mul3A_382 : vector<16xf32>
        %get3A_384 = arith.index_cast %scan3A_90 : i32 to index
        %get3A_385 = arith.constant 672 : index
        %get3A_386 = tpu.vector_load %arg14[%get3A_384, %get3A_385] {strides = array<i32>} : memref<16x1024xf32, #tpu.memory_space<vmem>>, vector<1x16xf32>,
        %get3A_387 = vector.shape_cast %get3A_386 : vector<1x16xf32> to vector<16xf32>
        %mul3A_388 = arith.mulf %broadcast_in_dim3A_371, %get3A_387 : vector<16xf32>
        %add3A_389 = arith.addf %add3A_338, %mul3A_388 : vector<16xf32>
        %get3A_390 = arith.index_cast %scan3A_90 : i32 to index
        %get3A_391 = arith.constant 688 : index
        %get3A_392 = tpu.vector_load %arg14[%get3A_390, %get3A_391] {strides = array<i32>} : memref<16x1024xf32, #tpu.memory_space<vmem>>, vector<1x16xf32>,
        %get3A_393 = vector.shape_cast %get3A_392 : vector<1x16xf32> to vector<16xf32>
        %mul3A_394 = arith.mulf %broadcast_in_dim3A_371, %get3A_393 : vector<16xf32>
        %add3A_395 = arith.addf %add3A_344, %mul3A_394 : vector<16xf32>
        %get3A_396 = arith.index_cast %scan3A_90 : i32 to index
        %get3A_397 = arith.constant 704 : index
        %get3A_398 = tpu.vector_load %arg14[%get3A_396, %get3A_397] {strides = array<i32>} : memref<16x1024xf32, #tpu.memory_space<vmem>>, vector<1x16xf32>,
        %get3A_399 = vector.shape_cast %get3A_398 : vector<1x16xf32> to vector<16xf32>
        %mul3A_400 = arith.mulf %broadcast_in_dim3A_371, %get3A_399 : vector<16xf32>
        %add3A_401 = arith.addf %add3A_350, %mul3A_400 : vector<16xf32>
        %get3A_402 = arith.index_cast %scan3A_90 : i32 to index
        %get3A_403 = arith.constant 720 : index
        %get3A_404 = tpu.vector_load %arg14[%get3A_402, %get3A_403] {strides = array<i32>} : memref<16x1024xf32, #tpu.memory_space<vmem>>, vector<1x16xf32>,
        %get3A_405 = vector.shape_cast %get3A_404 : vector<1x16xf32> to vector<16xf32>
        %mul3A_406 = arith.mulf %broadcast_in_dim3A_371, %get3A_405 : vector<16xf32>
        %add3A_407 = arith.addf %add3A_356, %mul3A_406 : vector<16xf32>
        %get3A_408 = arith.index_cast %scan3A_90 : i32 to index
        %get3A_409 = arith.constant 736 : index
        %get3A_410 = tpu.vector_load %arg14[%get3A_408, %get3A_409] {strides = array<i32>} : memref<16x1024xf32, #tpu.memory_space<vmem>>, vector<1x16xf32>,
        %get3A_411 = vector.shape_cast %get3A_410 : vector<1x16xf32> to vector<16xf32>
        %mul3A_412 = arith.mulf %broadcast_in_dim3A_371, %get3A_411 : vector<16xf32>
        %add3A_413 = arith.addf %add3A_362, %mul3A_412 : vector<16xf32>
        %get3A_414 = arith.index_cast %scan3A_90 : i32 to index
        %get3A_415 = arith.constant 752 : index
        %get3A_416 = tpu.vector_load %arg14[%get3A_414, %get3A_415] {strides = array<i32>} : memref<16x1024xf32, #tpu.memory_space<vmem>>, vector<1x16xf32>,
        %get3A_417 = vector.shape_cast %get3A_416 : vector<1x16xf32> to vector<16xf32>
        %mul3A_418 = arith.mulf %broadcast_in_dim3A_371, %get3A_417 : vector<16xf32>
        %add3A_419 = arith.addf %add3A_368, %mul3A_418 : vector<16xf32>
        %slice3A_420 = vector.extract_strided_slice %mul3A_100 {offsets = [6], sizes = [1], strides = [1]} : vector<16xf32> to vector<1xf32>
        %squeeze3A_421 = vector.extract %slice3A_420[0] : f32 from vector<1xf32>
        %broadcast_in_dim3A_422 = vector.broadcast %squeeze3A_421 : f32 to vector<16xf32>
        %get3A_423 = arith.index_cast %scan3A_90 : i32 to index
        %get3A_424 = arith.constant 768 : index
        %get3A_425 = tpu.vector_load %arg14[%get3A_423, %get3A_424] {strides = array<i32>} : memref<16x1024xf32, #tpu.memory_space<vmem>>, vector<1x16xf32>,
        %get3A_426 = vector.shape_cast %get3A_425 : vector<1x16xf32> to vector<16xf32>
        %mul3A_427 = arith.mulf %broadcast_in_dim3A_422, %get3A_426 : vector<16xf32>
        %add3A_428 = arith.addf %add3A_377, %mul3A_427 : vector<16xf32>
        %get3A_429 = arith.index_cast %scan3A_90 : i32 to index
        %get3A_430 = arith.constant 784 : index
        %get3A_431 = tpu.vector_load %arg14[%get3A_429, %get3A_430] {strides = array<i32>} : memref<16x1024xf32, #tpu.memory_space<vmem>>, vector<1x16xf32>,
        %get3A_432 = vector.shape_cast %get3A_431 : vector<1x16xf32> to vector<16xf32>
        %mul3A_433 = arith.mulf %broadcast_in_dim3A_422, %get3A_432 : vector<16xf32>
        %add3A_434 = arith.addf %add3A_383, %mul3A_433 : vector<16xf32>
        %get3A_435 = arith.index_cast %scan3A_90 : i32 to index
        %get3A_436 = arith.constant 800 : index
        %get3A_437 = tpu.vector_load %arg14[%get3A_435, %get3A_436] {strides = array<i32>} : memref<16x1024xf32, #tpu.memory_space<vmem>>, vector<1x16xf32>,
        %get3A_438 = vector.shape_cast %get3A_437 : vector<1x16xf32> to vector<16xf32>
        %mul3A_439 = arith.mulf %broadcast_in_dim3A_422, %get3A_438 : vector<16xf32>
        %add3A_440 = arith.addf %add3A_389, %mul3A_439 : vector<16xf32>
        %get3A_441 = arith.index_cast %scan3A_90 : i32 to index
        %get3A_442 = arith.constant 816 : index
        %get3A_443 = tpu.vector_load %arg14[%get3A_441, %get3A_442] {strides = array<i32>} : memref<16x1024xf32, #tpu.memory_space<vmem>>, vector<1x16xf32>,
        %get3A_444 = vector.shape_cast %get3A_443 : vector<1x16xf32> to vector<16xf32>
        %mul3A_445 = arith.mulf %broadcast_in_dim3A_422, %get3A_444 : vector<16xf32>
        %add3A_446 = arith.addf %add3A_395, %mul3A_445 : vector<16xf32>
        %get3A_447 = arith.index_cast %scan3A_90 : i32 to index
        %get3A_448 = arith.constant 832 : index
        %get3A_449 = tpu.vector_load %arg14[%get3A_447, %get3A_448] {strides = array<i32>} : memref<16x1024xf32, #tpu.memory_space<vmem>>, vector<1x16xf32>,
        %get3A_450 = vector.shape_cast %get3A_449 : vector<1x16xf32> to vector<16xf32>
        %mul3A_451 = arith.mulf %broadcast_in_dim3A_422, %get3A_450 : vector<16xf32>
        %add3A_452 = arith.addf %add3A_401, %mul3A_451 : vector<16xf32>
        %get3A_453 = arith.index_cast %scan3A_90 : i32 to index
        %get3A_454 = arith.constant 848 : index
        %get3A_455 = tpu.vector_load %arg14[%get3A_453, %get3A_454] {strides = array<i32>} : memref<16x1024xf32, #tpu.memory_space<vmem>>, vector<1x16xf32>,
        %get3A_456 = vector.shape_cast %get3A_455 : vector<1x16xf32> to vector<16xf32>
        %mul3A_457 = arith.mulf %broadcast_in_dim3A_422, %get3A_456 : vector<16xf32>
        %add3A_458 = arith.addf %add3A_407, %mul3A_457 : vector<16xf32>
        %get3A_459 = arith.index_cast %scan3A_90 : i32 to index
        %get3A_460 = arith.constant 864 : index
        %get3A_461 = tpu.vector_load %arg14[%get3A_459, %get3A_460] {strides = array<i32>} : memref<16x1024xf32, #tpu.memory_space<vmem>>, vector<1x16xf32>,
        %get3A_462 = vector.shape_cast %get3A_461 : vector<1x16xf32> to vector<16xf32>
        %mul3A_463 = arith.mulf %broadcast_in_dim3A_422, %get3A_462 : vector<16xf32>
        %add3A_464 = arith.addf %add3A_413, %mul3A_463 : vector<16xf32>
        %get3A_465 = arith.index_cast %scan3A_90 : i32 to index
        %get3A_466 = arith.constant 880 : index
        %get3A_467 = tpu.vector_load %arg14[%get3A_465, %get3A_466] {strides = array<i32>} : memref<16x1024xf32, #tpu.memory_space<vmem>>, vector<1x16xf32>,
        %get3A_468 = vector.shape_cast %get3A_467 : vector<1x16xf32> to vector<16xf32>
        %mul3A_469 = arith.mulf %broadcast_in_dim3A_422, %get3A_468 : vector<16xf32>
        %add3A_470 = arith.addf %add3A_419, %mul3A_469 : vector<16xf32>
        %slice3A_471 = vector.extract_strided_slice %mul3A_100 {offsets = [7], sizes = [1], strides = [1]} : vector<16xf32> to vector<1xf32>
        %squeeze3A_472 = vector.extract %slice3A_471[0] : f32 from vector<1xf32>
        %broadcast_in_dim3A_473 = vector.broadcast %squeeze3A_472 : f32 to vector<16xf32>
        %get3A_474 = arith.index_cast %scan3A_90 : i32 to index
        %get3A_475 = arith.constant 896 : index
        %get3A_476 = tpu.vector_load %arg14[%get3A_474, %get3A_475] {strides = array<i32>} : memref<16x1024xf32, #tpu.memory_space<vmem>>, vector<1x16xf32>,
        %get3A_477 = vector.shape_cast %get3A_476 : vector<1x16xf32> to vector<16xf32>
        %mul3A_478 = arith.mulf %broadcast_in_dim3A_473, %get3A_477 : vector<16xf32>
        %add3A_479 = arith.addf %add3A_428, %mul3A_478 : vector<16xf32>
        %get3A_480 = arith.index_cast %scan3A_90 : i32 to index
        %get3A_481 = arith.constant 912 : index
        %get3A_482 = tpu.vector_load %arg14[%get3A_480, %get3A_481] {strides = array<i32>} : memref<16x1024xf32, #tpu.memory_space<vmem>>, vector<1x16xf32>,
        %get3A_483 = vector.shape_cast %get3A_482 : vector<1x16xf32> to vector<16xf32>
        %mul3A_484 = arith.mulf %broadcast_in_dim3A_473, %get3A_483 : vector<16xf32>
        %add3A_485 = arith.addf %add3A_434, %mul3A_484 : vector<16xf32>
        %get3A_486 = arith.index_cast %scan3A_90 : i32 to index
        %get3A_487 = arith.constant 928 : index
        %get3A_488 = tpu.vector_load %arg14[%get3A_486, %get3A_487] {strides = array<i32>} : memref<16x1024xf32, #tpu.memory_space<vmem>>, vector<1x16xf32>,
        %get3A_489 = vector.shape_cast %get3A_488 : vector<1x16xf32> to vector<16xf32>
        %mul3A_490 = arith.mulf %broadcast_in_dim3A_473, %get3A_489 : vector<16xf32>
        %add3A_491 = arith.addf %add3A_440, %mul3A_490 : vector<16xf32>
        %get3A_492 = arith.index_cast %scan3A_90 : i32 to index
        %get3A_493 = arith.constant 944 : index
        %get3A_494 = tpu.vector_load %arg14[%get3A_492, %get3A_493] {strides = array<i32>} : memref<16x1024xf32, #tpu.memory_space<vmem>>, vector<1x16xf32>,
        %get3A_495 = vector.shape_cast %get3A_494 : vector<1x16xf32> to vector<16xf32>
        %mul3A_496 = arith.mulf %broadcast_in_dim3A_473, %get3A_495 : vector<16xf32>
        %add3A_497 = arith.addf %add3A_446, %mul3A_496 : vector<16xf32>
        %get3A_498 = arith.index_cast %scan3A_90 : i32 to index
        %get3A_499 = arith.constant 960 : index
        %get3A_500 = tpu.vector_load %arg14[%get3A_498, %get3A_499] {strides = array<i32>} : memref<16x1024xf32, #tpu.memory_space<vmem>>, vector<1x16xf32>,
        %get3A_501 = vector.shape_cast %get3A_500 : vector<1x16xf32> to vector<16xf32>
        %mul3A_502 = arith.mulf %broadcast_in_dim3A_473, %get3A_501 : vector<16xf32>
        %add3A_503 = arith.addf %add3A_452, %mul3A_502 : vector<16xf32>
        %get3A_504 = arith.index_cast %scan3A_90 : i32 to index
        %get3A_505 = arith.constant 976 : index
        %get3A_506 = tpu.vector_load %arg14[%get3A_504, %get3A_505] {strides = array<i32>} : memref<16x1024xf32, #tpu.memory_space<vmem>>, vector<1x16xf32>,
        %get3A_507 = vector.shape_cast %get3A_506 : vector<1x16xf32> to vector<16xf32>
        %mul3A_508 = arith.mulf %broadcast_in_dim3A_473, %get3A_507 : vector<16xf32>
        %add3A_509 = arith.addf %add3A_458, %mul3A_508 : vector<16xf32>
        %get3A_510 = arith.index_cast %scan3A_90 : i32 to index
        %get3A_511 = arith.constant 992 : index
        %get3A_512 = tpu.vector_load %arg14[%get3A_510, %get3A_511] {strides = array<i32>} : memref<16x1024xf32, #tpu.memory_space<vmem>>, vector<1x16xf32>,
        %get3A_513 = vector.shape_cast %get3A_512 : vector<1x16xf32> to vector<16xf32>
        %mul3A_514 = arith.mulf %broadcast_in_dim3A_473, %get3A_513 : vector<16xf32>
        %add3A_515 = arith.addf %add3A_464, %mul3A_514 : vector<16xf32>
        %get3A_516 = arith.index_cast %scan3A_90 : i32 to index
        %get3A_517 = arith.constant 1008 : index
        %get3A_518 = tpu.vector_load %arg14[%get3A_516, %get3A_517] {strides = array<i32>} : memref<16x1024xf32, #tpu.memory_space<vmem>>, vector<1x16xf32>,
        %get3A_519 = vector.shape_cast %get3A_518 : vector<1x16xf32> to vector<16xf32>
        %mul3A_520 = arith.mulf %broadcast_in_dim3A_473, %get3A_519 : vector<16xf32>
        %add3A_521 = arith.addf %add3A_470, %mul3A_520 : vector<16xf32>
        %swap3A = arith.index_cast %scan3A_90 : i32 to index
        %swap3A_522 = arith.constant 0 : index
        %swap3A_523 = tpu.vector_load %arg19[%swap3A, %swap3A_522] {strides = array<i32>} : memref<16x128xf32, #tpu.memory_space<vmem>>, vector<1x16xf32>,
        %swap3A_524 = vector.shape_cast %swap3A_523 : vector<1x16xf32> to vector<16xf32>
        %swap3A_525 = vector.shape_cast %add3A_479 : vector<16xf32> to vector<1x16xf32>
        tpu.vector_store %arg19[%swap3A, %swap3A_522], %swap3A_525 {strides = array<i32>} : memref<16x128xf32, #tpu.memory_space<vmem>>, vector<1x16xf32>,
        %swap3A_526 = arith.index_cast %scan3A_90 : i32 to index
        %swap3A_527 = arith.constant 16 : index
        %swap3A_528 = tpu.vector_load %arg19[%swap3A_526, %swap3A_527] {strides = array<i32>} : memref<16x128xf32, #tpu.memory_space<vmem>>, vector<1x16xf32>,
        %swap3A_529 = vector.shape_cast %swap3A_528 : vector<1x16xf32> to vector<16xf32>
        %swap3A_530 = vector.shape_cast %add3A_485 : vector<16xf32> to vector<1x16xf32>
        tpu.vector_store %arg19[%swap3A_526, %swap3A_527], %swap3A_530 {strides = array<i32>} : memref<16x128xf32, #tpu.memory_space<vmem>>, vector<1x16xf32>,
        %swap3A_531 = arith.index_cast %scan3A_90 : i32 to index
        %swap3A_532 = arith.constant 32 : index
        %swap3A_533 = tpu.vector_load %arg19[%swap3A_531, %swap3A_532] {strides = array<i32>} : memref<16x128xf32, #tpu.memory_space<vmem>>, vector<1x16xf32>,
        %swap3A_534 = vector.shape_cast %swap3A_533 : vector<1x16xf32> to vector<16xf32>
        %swap3A_535 = vector.shape_cast %add3A_491 : vector<16xf32> to vector<1x16xf32>
        tpu.vector_store %arg19[%swap3A_531, %swap3A_532], %swap3A_535 {strides = array<i32>} : memref<16x128xf32, #tpu.memory_space<vmem>>, vector<1x16xf32>,
        %swap3A_536 = arith.index_cast %scan3A_90 : i32 to index
        %swap3A_537 = arith.constant 48 : index
        %swap3A_538 = tpu.vector_load %arg19[%swap3A_536, %swap3A_537] {strides = array<i32>} : memref<16x128xf32, #tpu.memory_space<vmem>>, vector<1x16xf32>,
        %swap3A_539 = vector.shape_cast %swap3A_538 : vector<1x16xf32> to vector<16xf32>
        %swap3A_540 = vector.shape_cast %add3A_497 : vector<16xf32> to vector<1x16xf32>
        tpu.vector_store %arg19[%swap3A_536, %swap3A_537], %swap3A_540 {strides = array<i32>} : memref<16x128xf32, #tpu.memory_space<vmem>>, vector<1x16xf32>,
        %swap3A_541 = arith.index_cast %scan3A_90 : i32 to index
        %swap3A_542 = arith.constant 64 : index
        %swap3A_543 = tpu.vector_load %arg19[%swap3A_541, %swap3A_542] {strides = array<i32>} : memref<16x128xf32, #tpu.memory_space<vmem>>, vector<1x16xf32>,
        %swap3A_544 = vector.shape_cast %swap3A_543 : vector<1x16xf32> to vector<16xf32>
        %swap3A_545 = vector.shape_cast %add3A_503 : vector<16xf32> to vector<1x16xf32>
        tpu.vector_store %arg19[%swap3A_541, %swap3A_542], %swap3A_545 {strides = array<i32>} : memref<16x128xf32, #tpu.memory_space<vmem>>, vector<1x16xf32>,
        %swap3A_546 = arith.index_cast %scan3A_90 : i32 to index
        %swap3A_547 = arith.constant 80 : index
        %swap3A_548 = tpu.vector_load %arg19[%swap3A_546, %swap3A_547] {strides = array<i32>} : memref<16x128xf32, #tpu.memory_space<vmem>>, vector<1x16xf32>,
        %swap3A_549 = vector.shape_cast %swap3A_548 : vector<1x16xf32> to vector<16xf32>
        %swap3A_550 = vector.shape_cast %add3A_509 : vector<16xf32> to vector<1x16xf32>
        tpu.vector_store %arg19[%swap3A_546, %swap3A_547], %swap3A_550 {strides = array<i32>} : memref<16x128xf32, #tpu.memory_space<vmem>>, vector<1x16xf32>,
        %swap3A_551 = arith.index_cast %scan3A_90 : i32 to index
        %swap3A_552 = arith.constant 96 : index
        %swap3A_553 = tpu.vector_load %arg19[%swap3A_551, %swap3A_552] {strides = array<i32>} : memref<16x128xf32, #tpu.memory_space<vmem>>, vector<1x16xf32>,
        %swap3A_554 = vector.shape_cast %swap3A_553 : vector<1x16xf32> to vector<16xf32>
        %swap3A_555 = vector.shape_cast %add3A_515 : vector<16xf32> to vector<1x16xf32>
        tpu.vector_store %arg19[%swap3A_551, %swap3A_552], %swap3A_555 {strides = array<i32>} : memref<16x128xf32, #tpu.memory_space<vmem>>, vector<1x16xf32>,
        %swap3A_556 = arith.index_cast %scan3A_90 : i32 to index
        %swap3A_557 = arith.constant 112 : index
        %swap3A_558 = tpu.vector_load %arg19[%swap3A_556, %swap3A_557] {strides = array<i32>} : memref<16x128xf32, #tpu.memory_space<vmem>>, vector<1x16xf32>,
        %swap3A_559 = vector.shape_cast %swap3A_558 : vector<1x16xf32> to vector<16xf32>
        %swap3A_560 = vector.shape_cast %add3A_521 : vector<16xf32> to vector<1x16xf32>
        tpu.vector_store %arg19[%swap3A_556, %swap3A_557], %swap3A_560 {strides = array<i32>} : memref<16x128xf32, #tpu.memory_space<vmem>>, vector<1x16xf32>,
        %scan3A_561 = arith.constant 0 : i32
        scf.yield %scan3A_561 : i32
      }
      %scan3A_88 = arith.constant 16 : i32
      "tpu.region"() ({
        %run_scoped3A = tpu.sem_alloc : memref<!tpu.dma_semaphore, #tpu.memory_space<semaphore_mem>>
        %dma_start3A_90 = arith.constant 0 : i32
        %dma_start3A_91 = arith.constant 0 : i32
        %dma_start3A_92 = tpu.memref_slice %arg21[%dma_start3A_90, %dma_start3A_91] : memref<10240x128xf32, #tpu.memory_space<vmem_shared>> -> memref<10240x128xf32, #tpu.memory_space<vmem_shared>>
        tpu.enqueue_indirect_dma source(%arg19 : memref<16x128xf32, #tpu.memory_space<vmem>>) target(%dma_start3A_92 : memref<10240x128xf32, #tpu.memory_space<vmem_shared>>) offsets(%arg12 : memref<16xi32, #tpu.memory_space<vmem>>) semaphore(%run_scoped3A : memref<!tpu.dma_semaphore, #tpu.memory_space<semaphore_mem>>) {add = true}
        %dma_wait3A_93 = arith.constant 0 : i32
        %dma_wait3A_94 = arith.constant 0 : i32
        %dma_wait3A_95 = tpu.memref_slice %arg21[%dma_wait3A_93, %dma_wait3A_94] : memref<10240x128xf32, #tpu.memory_space<vmem_shared>> -> memref<10240x128xf32, #tpu.memory_space<vmem_shared>>
        tpu.wait_indirect_dma semaphore(%run_scoped3A : memref<!tpu.dma_semaphore, #tpu.memory_space<semaphore_mem>>) src(%arg19 : memref<16x128xf32, #tpu.memory_space<vmem>>) dst(%dma_wait3A_95 : memref<10240x128xf32, #tpu.memory_space<vmem_shared>>)
        tpu.yield
      }) : () -> ()
      %scan3A_89 = arith.constant 0 : i32
      scf.yield %scan3A_89 : i32
    }
    %scan3A_26 = arith.constant 324 : i32
    %barrier3A_27 = arith.constant 0 : index
    tpu.barrier barrier_id(%barrier3A_27)
    %scan3A_28 = arith.constant 0 : i32
    %scan3A_29 = arith.constant 0 : i32
    %scan3A_30 = arith.constant 20 : i32
    %scan3A_31 = arith.addi %scan3A_29, %scan3A_30 : i32
    %scan3A_32 = arith.constant 1 : i32
    %scan3A_33 = scf.for %scan3A_35 = %scan3A_29 to %scan3A_31 step %scan3A_32 iter_args(%scan3A_36 = %scan3A_28) -> (i32)  : i32 {
      %mul3A_37 = arith.constant 640 : i32
      %mul3A_38 = arith.muli %arg1, %mul3A_37 : i32
      %mul3A_39 = arith.constant 32 : i32
      %mul3A_40 = arith.muli %scan3A_35, %mul3A_39 : i32
      %add3A_41 = arith.addi %mul3A_38, %mul3A_40 : i32
      "tpu.region"() ({
        %run_scoped3A = tpu.sem_alloc : memref<!tpu.dma_semaphore, #tpu.memory_space<semaphore_mem>>
        %dma_start3A_51 = arith.constant 0 : i32
        %dma_start3A_52 = tpu.memref_slice %arg21[%add3A_41, %dma_start3A_51] : memref<10240x128xf32, #tpu.memory_space<vmem_shared>> -> memref<32x128xf32, #tpu.memory_space<vmem_shared>>
        %dma_start3A_53 = arith.constant 0 : i32
        %dma_start3A_54 = tpu.memref_slice %arg21[%add3A_41, %dma_start3A_53] : memref<10240x128xf32, #tpu.memory_space<vmem_shared>> -> memref<32x128xf32, #tpu.memory_space<vmem_shared>>
        tpu.enqueue_dma source(%dma_start3A_54 : memref<32x128xf32, #tpu.memory_space<vmem_shared>>) target(%arg20 : memref<32x128xf32, #tpu.memory_space<vmem>>) target_semaphore(%run_scoped3A : memref<!tpu.dma_semaphore, #tpu.memory_space<semaphore_mem>>)
        %dma_wait3A = arith.constant 0 : i32
        %dma_wait3A_55 = tpu.memref_slice %arg21[%add3A_41, %dma_wait3A] : memref<10240x128xf32, #tpu.memory_space<vmem_shared>> -> memref<32x128xf32, #tpu.memory_space<vmem_shared>>
        %dma_wait3A_56 = arith.constant 0 : i32
        %dma_wait3A_57 = tpu.memref_slice %arg21[%add3A_41, %dma_wait3A_56] : memref<10240x128xf32, #tpu.memory_space<vmem_shared>> -> memref<32x128xf32, #tpu.memory_space<vmem_shared>>
        tpu.wait_dma2 semaphore(%run_scoped3A : memref<!tpu.dma_semaphore, #tpu.memory_space<semaphore_mem>>) src(%dma_wait3A_57 : memref<32x128xf32, #tpu.memory_space<vmem_shared>>) dst(%arg20 : memref<32x128xf32, #tpu.memory_space<vmem>>)
        tpu.yield
      }) : () -> ()
      %mul3A_42 = arith.constant 10240 : i32
      %mul3A_43 = arith.muli %arg0, %mul3A_42 : i32
      %mul3A_44 = arith.constant 640 : i32
      %mul3A_45 = arith.muli %arg1, %mul3A_44 : i32
      %add3A_46 = arith.addi %mul3A_43, %mul3A_45 : i32
      %mul3A_47 = arith.constant 32 : i32
      %mul3A_48 = arith.muli %scan3A_35, %mul3A_47 : i32
      %add3A_49 = arith.addi %add3A_46, %mul3A_48 : i32
      "tpu.region"() ({
        %run_scoped3A = tpu.sem_alloc : memref<!tpu.dma_semaphore, #tpu.memory_space<semaphore_mem>>
        %dma_start3A_51 = arith.constant 0 : i32
        %dma_start3A_52 = tpu.memref_slice %arg8[%add3A_49, %dma_start3A_51] : memref<20480x128xf32, #tpu.memory_space<hbm>> -> memref<32x128xf32, #tpu.memory_space<hbm>>
        %dma_start3A_53 = arith.constant 0 : i32
        %dma_start3A_54 = tpu.memref_slice %arg8[%add3A_49, %dma_start3A_53] : memref<20480x128xf32, #tpu.memory_space<hbm>> -> memref<32x128xf32, #tpu.memory_space<hbm>>
        tpu.enqueue_dma source(%arg20 : memref<32x128xf32, #tpu.memory_space<vmem>>) target(%dma_start3A_54 : memref<32x128xf32, #tpu.memory_space<hbm>>) target_semaphore(%run_scoped3A : memref<!tpu.dma_semaphore, #tpu.memory_space<semaphore_mem>>)
        %dma_wait3A = arith.constant 0 : i32
        %dma_wait3A_55 = tpu.memref_slice %arg8[%add3A_49, %dma_wait3A] : memref<20480x128xf32, #tpu.memory_space<hbm>> -> memref<32x128xf32, #tpu.memory_space<hbm>>
        %dma_wait3A_56 = arith.constant 0 : i32
        %dma_wait3A_57 = tpu.memref_slice %arg8[%add3A_49, %dma_wait3A_56] : memref<20480x128xf32, #tpu.memory_space<hbm>> -> memref<32x128xf32, #tpu.memory_space<hbm>>
        tpu.wait_dma2 semaphore(%run_scoped3A : memref<!tpu.dma_semaphore, #tpu.memory_space<semaphore_mem>>) src(%arg20 : memref<32x128xf32, #tpu.memory_space<vmem>>) dst(%dma_wait3A_57 : memref<32x128xf32, #tpu.memory_space<hbm>>)
        tpu.yield
      }) : () -> ()
      %scan3A_50 = arith.constant 0 : i32
      scf.yield %scan3A_50 : i32
    }
    %scan3A_34 = arith.constant 20 : i32
    return
  }
}

module attributes {stable_mosaic.version = 14 : i64} {
  func.func @_dinv_kernel(%arg0: i32, %arg1: memref<1024x128xf32, #tpu.memory_space<vmem>>, %arg2: memref<1024x128xf32, #tpu.memory_space<vmem>>, %arg3: memref<1024x128xf32, #tpu.memory_space<vmem>>) attributes {dimension_semantics = [#tpu.dimension_semantics<arbitrary>], iteration_bounds = array<i64: 10>, scalar_prefetch = 0 : i64, scratch_operands = 0 : i64, tpu.core_type = #tpu.core_type<tc>, window_params = [{transform_indices = @transform_0, window_bounds = array<i64: 1024, 128>}, {transform_indices = @transform_1, window_bounds = array<i64: 1024, 128>}, {transform_indices = @transform_2, window_bounds = array<i64: 1024, 128>}]} {
    %get3A = arith.constant 0 : index
    %get3A_0 = arith.constant 0 : index
    %get3A_1 = vector.load %arg1[%get3A, %get3A_0] : memref<1024x128xf32, #tpu.memory_space<vmem>>, vector<1024x128xf32>
    %get3A_2 = arith.constant 0 : index
    %get3A_3 = arith.constant 0 : index
    %get3A_4 = vector.load %arg2[%get3A_2, %get3A_3] : memref<1024x128xf32, #tpu.memory_space<vmem>>, vector<1024x128xf32>
    %add3A = arith.addf %get3A_1, %get3A_4 : vector<1024x128xf32>
    %mul3A = arith.constant 8.000000e+00 : f32
    %mul3A_5 = vector.broadcast %mul3A : f32 to vector<1024x128xf32>
    %mul3A_6 = arith.mulf %mul3A_5, %add3A : vector<1024x128xf32>
    %add3A_7 = arith.constant 8.000000e-16 : f32
    %add3A_8 = vector.broadcast %add3A_7 : f32 to vector<1024x128xf32>
    %add3A_9 = arith.addf %mul3A_6, %add3A_8 : vector<1024x128xf32>
    %div3A = arith.constant 1.000000e+00 : f32
    %div3A_10 = vector.broadcast %div3A : f32 to vector<1024x128xf32>
    %div3A_11 = arith.divf %div3A_10, %add3A_9 : vector<1024x128xf32>
    %swap3A = arith.constant 0 : index
    %swap3A_12 = arith.constant 0 : index
    %swap3A_13 = vector.load %arg3[%swap3A, %swap3A_12] : memref<1024x128xf32, #tpu.memory_space<vmem>>, vector<1024x128xf32>
    tpu.vector_store %arg3[%swap3A, %swap3A_12], %div3A_11 {strides = array<i32>} : memref<1024x128xf32, #tpu.memory_space<vmem>>, vector<1024x128xf32>,
    return
  }
  func.func @transform_0(%arg0: i32) -> (i32, i32) {
    %c0_i32 = arith.constant 0 : i32
    %c0_i32_0 = arith.constant 0 : i32
    return %arg0, %c0_i32 : i32, i32
  }
  func.func @transform_1(%arg0: i32) -> (i32, i32) {
    %add3A = arith.constant 10 : i32
    %add3A_0 = arith.addi %arg0, %add3A : i32
    %c0_i32 = arith.constant 0 : i32
    %c0_i32_1 = arith.constant 0 : i32
    return %add3A_0, %c0_i32 : i32, i32
  }
  func.func @transform_2(%arg0: i32) -> (i32, i32) {
    %c0_i32 = arith.constant 0 : i32
    %c0_i32_0 = arith.constant 0 : i32
    return %arg0, %c0_i32 : i32, i32
  }
}

module attributes {stable_mosaic.version = 14 : i64} {
  func.func @_linear1_kernel(%arg0: i32, %arg1: memref<512x128xf32, #tpu.memory_space<vmem>>, %arg2: memref<128x1024xf32, #tpu.memory_space<vmem>>, %arg3: memref<1x1024xf32, #tpu.memory_space<vmem>>, %arg4: memref<1x1024xf32, #tpu.memory_space<vmem>>, %arg5: memref<512x1024xf32, #tpu.memory_space<vmem>>, %arg6: memref<512x128xf32, #tpu.memory_space<vmem>>, %arg7: memref<512x128xf32, #tpu.memory_space<vmem>>) attributes {dimension_semantics = [#tpu.dimension_semantics<arbitrary>], iteration_bounds = array<i64: 20>, scalar_prefetch = 0 : i64, scratch_operands = 0 : i64, tpu.core_type = #tpu.core_type<tc>, window_params = [{transform_indices = @transform_0, window_bounds = array<i64: 512, 128>}, {pipeline_mode = #tpu.pipeline_mode<synchronous>, transform_indices = @transform_1, window_bounds = array<i64: 128, 1024>}, {pipeline_mode = #tpu.pipeline_mode<synchronous>, transform_indices = @transform_2, window_bounds = array<i64: 1, 1024>}, {pipeline_mode = #tpu.pipeline_mode<synchronous>, transform_indices = @transform_3, window_bounds = array<i64: 1, 1024>}, {transform_indices = @transform_4, window_bounds = array<i64: 512, 1024>}, {transform_indices = @transform_5, window_bounds = array<i64: 512, 128>}, {transform_indices = @transform_6, window_bounds = array<i64: 512, 128>}]} {
    %get3A = arith.constant 0 : index
    %get3A_0 = arith.constant 0 : index
    %get3A_1 = vector.load %arg1[%get3A, %get3A_0] : memref<512x128xf32, #tpu.memory_space<vmem>>, vector<512x128xf32>
    %get3A_2 = arith.constant 0 : index
    %get3A_3 = arith.constant 0 : index
    %get3A_4 = vector.load %arg2[%get3A_2, %get3A_3] : memref<128x1024xf32, #tpu.memory_space<vmem>>, vector<128x1024xf32>
    %dot_general3A = arith.constant dense<0.000000e+00> : vector<512x1024xf32>
    %dot_general3A_5 = tpu.matmul %get3A_1, %get3A_4, %dot_general3A {dimension_numbers = #tpu.dot_dimension_numbers<[1], [0], [0], [1], [0, 0, 1, 1], [], []>, transpose_lhs_hint = false} : vector<512x128xf32>, vector<128x1024xf32>, vector<512x1024xf32> -> vector<512x1024xf32>
    %swap3A = arith.constant 0 : index
    %swap3A_6 = arith.constant 0 : index
    %swap3A_7 = vector.load %arg5[%swap3A, %swap3A_6] : memref<512x1024xf32, #tpu.memory_space<vmem>>, vector<512x1024xf32>
    tpu.vector_store %arg5[%swap3A, %swap3A_6], %dot_general3A_5 {strides = array<i32>} : memref<512x1024xf32, #tpu.memory_space<vmem>>, vector<512x1024xf32>,
    %iota3A = tpu.iota {dimensions = array<i32: 0>} : vector<1024x128xi32>
    %jit3A = arith.constant 128 : i32
    %div3A = vector.broadcast %jit3A : i32 to vector<1024x128xi32>
    %div3A_8 = arith.divsi %iota3A, %div3A : vector<1024x128xi32>
    %sign3A = arith.constant 0 : i32
    %sign3A_9 = vector.broadcast %sign3A : i32 to vector<1024x128xi32>
    %sign3A_10 = arith.cmpi sgt, %iota3A, %sign3A_9 : vector<1024x128xi32>
    %sign3A_11 = arith.extui %sign3A_10 : vector<1024x128xi1> to vector<1024x128xi32>
    %sign3A_12 = arith.constant 0 : i32
    %sign3A_13 = vector.broadcast %sign3A_12 : i32 to vector<1024x128xi32>
    %sign3A_14 = arith.cmpi slt, %iota3A, %sign3A_13 : vector<1024x128xi32>
    %sign3A_15 = arith.extui %sign3A_14 : vector<1024x128xi1> to vector<1024x128xi32>
    %sign3A_16 = arith.subi %sign3A_11, %sign3A_15 : vector<1024x128xi32>
    %sign3A_17 = arith.constant 0 : i32
    %sign3A_18 = arith.cmpi sgt, %jit3A, %sign3A_17 : i32
    %sign3A_19 = arith.extui %sign3A_18 : i1 to i32
    %sign3A_20 = arith.constant 0 : i32
    %sign3A_21 = arith.cmpi slt, %jit3A, %sign3A_20 : i32
    %sign3A_22 = arith.extui %sign3A_21 : i1 to i32
    %sign3A_23 = arith.subi %sign3A_19, %sign3A_22 : i32
    %ne3A = vector.broadcast %sign3A_23 : i32 to vector<1024x128xi32>
    %ne3A_24 = arith.cmpi ne, %sign3A_16, %ne3A : vector<1024x128xi32>
    %rem3A = vector.broadcast %jit3A : i32 to vector<1024x128xi32>
    %rem3A_25 = arith.remsi %iota3A, %rem3A : vector<1024x128xi32>
    %ne3A_26 = arith.constant 0 : i32
    %ne3A_27 = vector.broadcast %ne3A_26 : i32 to vector<1024x128xi32>
    %ne3A_28 = arith.cmpi ne, %rem3A_25, %ne3A_27 : vector<1024x128xi32>
    %and3A = arith.andi %ne3A_24, %ne3A_28 : vector<1024x128xi1>
    %sub3A = arith.constant 1 : i32
    %sub3A_29 = vector.broadcast %sub3A : i32 to vector<1024x128xi32>
    %sub3A_30 = arith.subi %div3A_8, %sub3A_29 : vector<1024x128xi32>
    %select_n3A = arith.select %and3A, %sub3A_30, %div3A_8 : vector<1024x128xi1>, vector<1024x128xi32>
    %iota3A_31 = tpu.iota {dimensions = array<i32: 1>} : vector<1024x128xi32>
    %eq3A = arith.cmpi eq, %select_n3A, %iota3A_31 : vector<1024x128xi32>
    %convert_element_type3A = arith.extui %eq3A : vector<1024x128xi1> to vector<1024x128xi32>
    %convert_element_type3A_32 = arith.sitofp %convert_element_type3A : vector<1024x128xi32> to vector<1024x128xf32>
    %get3A_33 = arith.constant 0 : index
    %get3A_34 = arith.constant 0 : index
    %get3A_35 = vector.load %arg3[%get3A_33, %get3A_34] : memref<1x1024xf32, #tpu.memory_space<vmem>>, vector<1x1024xf32>
    %reshape3A = vector.shape_cast %get3A_35 : vector<1x1024xf32> to vector<1024x1xf32>
    %mul3A = vector.broadcast %reshape3A : vector<1024x1xf32> to vector<1024x128xf32>
    %mul3A_36 = arith.mulf %mul3A, %convert_element_type3A_32 : vector<1024x128xf32>
    %get3A_37 = arith.constant 0 : index
    %get3A_38 = arith.constant 0 : index
    %get3A_39 = vector.load %arg4[%get3A_37, %get3A_38] : memref<1x1024xf32, #tpu.memory_space<vmem>>, vector<1x1024xf32>
    %reshape3A_40 = vector.shape_cast %get3A_39 : vector<1x1024xf32> to vector<1024x1xf32>
    %mul3A_41 = vector.broadcast %reshape3A_40 : vector<1024x1xf32> to vector<1024x128xf32>
    %mul3A_42 = arith.mulf %mul3A_41, %convert_element_type3A_32 : vector<1024x128xf32>
    %dot_general3A_43 = arith.constant dense<0.000000e+00> : vector<512x128xf32>
    %dot_general3A_44 = tpu.matmul %dot_general3A_5, %mul3A_36, %dot_general3A_43 {dimension_numbers = #tpu.dot_dimension_numbers<[1], [0], [0], [1], [0, 0, 1, 1], [], []>, transpose_lhs_hint = false} : vector<512x1024xf32>, vector<1024x128xf32>, vector<512x128xf32> -> vector<512x128xf32>
    %swap3A_45 = arith.constant 0 : index
    %swap3A_46 = arith.constant 0 : index
    %swap3A_47 = vector.load %arg6[%swap3A_45, %swap3A_46] : memref<512x128xf32, #tpu.memory_space<vmem>>, vector<512x128xf32>
    tpu.vector_store %arg6[%swap3A_45, %swap3A_46], %dot_general3A_44 {strides = array<i32>} : memref<512x128xf32, #tpu.memory_space<vmem>>, vector<512x128xf32>,
    %dot_general3A_48 = arith.constant dense<0.000000e+00> : vector<512x128xf32>
    %dot_general3A_49 = tpu.matmul %dot_general3A_5, %mul3A_42, %dot_general3A_48 {dimension_numbers = #tpu.dot_dimension_numbers<[1], [0], [0], [1], [0, 0, 1, 1], [], []>, transpose_lhs_hint = false} : vector<512x1024xf32>, vector<1024x128xf32>, vector<512x128xf32> -> vector<512x128xf32>
    %swap3A_50 = arith.constant 0 : index
    %swap3A_51 = arith.constant 0 : index
    %swap3A_52 = vector.load %arg7[%swap3A_50, %swap3A_51] : memref<512x128xf32, #tpu.memory_space<vmem>>, vector<512x128xf32>
    tpu.vector_store %arg7[%swap3A_50, %swap3A_51], %dot_general3A_49 {strides = array<i32>} : memref<512x128xf32, #tpu.memory_space<vmem>>, vector<512x128xf32>,
    return
  }
  func.func @transform_0(%arg0: i32) -> (i32, i32) {
    %c0_i32 = arith.constant 0 : i32
    %c0_i32_0 = arith.constant 0 : i32
    return %arg0, %c0_i32 : i32, i32
  }
  func.func @transform_1(%arg0: i32) -> (i32, i32) {
    %c0_i32 = arith.constant 0 : i32
    %c0_i32_0 = arith.constant 0 : i32
    %c0_i32_1 = arith.constant 0 : i32
    return %c0_i32, %c0_i32_0 : i32, i32
  }
  func.func @transform_2(%arg0: i32) -> (i32, i32) {
    %c0_i32 = arith.constant 0 : i32
    %c0_i32_0 = arith.constant 0 : i32
    %c0_i32_1 = arith.constant 0 : i32
    return %c0_i32, %c0_i32_0 : i32, i32
  }
  func.func @transform_3(%arg0: i32) -> (i32, i32) {
    %c0_i32 = arith.constant 0 : i32
    %c0_i32_0 = arith.constant 0 : i32
    %c0_i32_1 = arith.constant 0 : i32
    return %c0_i32, %c0_i32_0 : i32, i32
  }
  func.func @transform_4(%arg0: i32) -> (i32, i32) {
    %c0_i32 = arith.constant 0 : i32
    %c0_i32_0 = arith.constant 0 : i32
    return %arg0, %c0_i32 : i32, i32
  }
  func.func @transform_5(%arg0: i32) -> (i32, i32) {
    %c0_i32 = arith.constant 0 : i32
    %c0_i32_0 = arith.constant 0 : i32
    return %arg0, %c0_i32 : i32, i32
  }
  func.func @transform_6(%arg0: i32) -> (i32, i32) {
    %c0_i32 = arith.constant 0 : i32
    %c0_i32_0 = arith.constant 0 : i32
    return %arg0, %c0_i32 : i32, i32
  }
}

module attributes {stable_mosaic.version = 14 : i64} {
  func.func @_linear2_kernel(%arg0: i32, %arg1: memref<512x128xf32, #tpu.memory_space<vmem>>, %arg2: memref<512x128xf32, #tpu.memory_space<vmem>>, %arg3: memref<1x128xf32, #tpu.memory_space<vmem>>, %arg4: memref<128x1024xf32, #tpu.memory_space<vmem>>, %arg5: memref<1x1024xf32, #tpu.memory_space<vmem>>, %arg6: memref<1x1024xf32, #tpu.memory_space<vmem>>, %arg7: memref<512x128xf32, #tpu.memory_space<vmem>>, %arg8: memref<512x1024xf32, #tpu.memory_space<vmem>>, %arg9: memref<512x128xf32, #tpu.memory_space<vmem>>, %arg10: memref<512x128xf32, #tpu.memory_space<vmem>>) attributes {dimension_semantics = [#tpu.dimension_semantics<arbitrary>], iteration_bounds = array<i64: 20>, scalar_prefetch = 0 : i64, scratch_operands = 0 : i64, tpu.core_type = #tpu.core_type<tc>, window_params = [{transform_indices = @transform_0, window_bounds = array<i64: 512, 128>}, {transform_indices = @transform_1, window_bounds = array<i64: 512, 128>}, {pipeline_mode = #tpu.pipeline_mode<synchronous>, transform_indices = @transform_2, window_bounds = array<i64: 1, 128>}, {pipeline_mode = #tpu.pipeline_mode<synchronous>, transform_indices = @transform_3, window_bounds = array<i64: 128, 1024>}, {pipeline_mode = #tpu.pipeline_mode<synchronous>, transform_indices = @transform_4, window_bounds = array<i64: 1, 1024>}, {pipeline_mode = #tpu.pipeline_mode<synchronous>, transform_indices = @transform_5, window_bounds = array<i64: 1, 1024>}, {transform_indices = @transform_6, window_bounds = array<i64: 512, 128>}, {transform_indices = @transform_7, window_bounds = array<i64: 512, 1024>}, {transform_indices = @transform_8, window_bounds = array<i64: 512, 128>}, {transform_indices = @transform_9, window_bounds = array<i64: 512, 128>}]} {
    %get3A = arith.constant 0 : index
    %get3A_0 = arith.constant 0 : index
    %get3A_1 = vector.load %arg1[%get3A, %get3A_0] : memref<512x128xf32, #tpu.memory_space<vmem>>, vector<512x128xf32>
    %get3A_2 = arith.constant 0 : index
    %get3A_3 = arith.constant 0 : index
    %get3A_4 = vector.load %arg2[%get3A_2, %get3A_3] : memref<512x128xf32, #tpu.memory_space<vmem>>, vector<512x128xf32>
    %add3A = arith.addf %get3A_1, %get3A_4 : vector<512x128xf32>
    %get3A_5 = arith.constant 0 : index
    %get3A_6 = arith.constant 0 : index
    %get3A_7 = vector.load %arg3[%get3A_5, %get3A_6] : memref<1x128xf32, #tpu.memory_space<vmem>>, vector<1x128xf32>
    %add3A_8 = vector.broadcast %get3A_7 : vector<1x128xf32> to vector<512x128xf32>
    %add3A_9 = arith.addf %add3A, %add3A_8 : vector<512x128xf32>
    %max3A = arith.constant 0.000000e+00 : f32
    %max3A_10 = vector.broadcast %max3A : f32 to vector<512x128xf32>
    %max3A_11 = arith.maximumf %add3A_9, %max3A_10 : vector<512x128xf32>
    %swap3A = arith.constant 0 : index
    %swap3A_12 = arith.constant 0 : index
    %swap3A_13 = vector.load %arg7[%swap3A, %swap3A_12] : memref<512x128xf32, #tpu.memory_space<vmem>>, vector<512x128xf32>
    tpu.vector_store %arg7[%swap3A, %swap3A_12], %max3A_11 {strides = array<i32>} : memref<512x128xf32, #tpu.memory_space<vmem>>, vector<512x128xf32>,
    %get3A_14 = arith.constant 0 : index
    %get3A_15 = arith.constant 0 : index
    %get3A_16 = vector.load %arg4[%get3A_14, %get3A_15] : memref<128x1024xf32, #tpu.memory_space<vmem>>, vector<128x1024xf32>
    %dot_general3A = arith.constant dense<0.000000e+00> : vector<512x1024xf32>
    %dot_general3A_17 = tpu.matmul %max3A_11, %get3A_16, %dot_general3A {dimension_numbers = #tpu.dot_dimension_numbers<[1], [0], [0], [1], [0, 0, 1, 1], [], []>, transpose_lhs_hint = false} : vector<512x128xf32>, vector<128x1024xf32>, vector<512x1024xf32> -> vector<512x1024xf32>
    %swap3A_18 = arith.constant 0 : index
    %swap3A_19 = arith.constant 0 : index
    %swap3A_20 = vector.load %arg8[%swap3A_18, %swap3A_19] : memref<512x1024xf32, #tpu.memory_space<vmem>>, vector<512x1024xf32>
    tpu.vector_store %arg8[%swap3A_18, %swap3A_19], %dot_general3A_17 {strides = array<i32>} : memref<512x1024xf32, #tpu.memory_space<vmem>>, vector<512x1024xf32>,
    %iota3A = tpu.iota {dimensions = array<i32: 0>} : vector<1024x128xi32>
    %jit3A = arith.constant 128 : i32
    %div3A = vector.broadcast %jit3A : i32 to vector<1024x128xi32>
    %div3A_21 = arith.divsi %iota3A, %div3A : vector<1024x128xi32>
    %sign3A = arith.constant 0 : i32
    %sign3A_22 = vector.broadcast %sign3A : i32 to vector<1024x128xi32>
    %sign3A_23 = arith.cmpi sgt, %iota3A, %sign3A_22 : vector<1024x128xi32>
    %sign3A_24 = arith.extui %sign3A_23 : vector<1024x128xi1> to vector<1024x128xi32>
    %sign3A_25 = arith.constant 0 : i32
    %sign3A_26 = vector.broadcast %sign3A_25 : i32 to vector<1024x128xi32>
    %sign3A_27 = arith.cmpi slt, %iota3A, %sign3A_26 : vector<1024x128xi32>
    %sign3A_28 = arith.extui %sign3A_27 : vector<1024x128xi1> to vector<1024x128xi32>
    %sign3A_29 = arith.subi %sign3A_24, %sign3A_28 : vector<1024x128xi32>
    %sign3A_30 = arith.constant 0 : i32
    %sign3A_31 = arith.cmpi sgt, %jit3A, %sign3A_30 : i32
    %sign3A_32 = arith.extui %sign3A_31 : i1 to i32
    %sign3A_33 = arith.constant 0 : i32
    %sign3A_34 = arith.cmpi slt, %jit3A, %sign3A_33 : i32
    %sign3A_35 = arith.extui %sign3A_34 : i1 to i32
    %sign3A_36 = arith.subi %sign3A_32, %sign3A_35 : i32
    %ne3A = vector.broadcast %sign3A_36 : i32 to vector<1024x128xi32>
    %ne3A_37 = arith.cmpi ne, %sign3A_29, %ne3A : vector<1024x128xi32>
    %rem3A = vector.broadcast %jit3A : i32 to vector<1024x128xi32>
    %rem3A_38 = arith.remsi %iota3A, %rem3A : vector<1024x128xi32>
    %ne3A_39 = arith.constant 0 : i32
    %ne3A_40 = vector.broadcast %ne3A_39 : i32 to vector<1024x128xi32>
    %ne3A_41 = arith.cmpi ne, %rem3A_38, %ne3A_40 : vector<1024x128xi32>
    %and3A = arith.andi %ne3A_37, %ne3A_41 : vector<1024x128xi1>
    %sub3A = arith.constant 1 : i32
    %sub3A_42 = vector.broadcast %sub3A : i32 to vector<1024x128xi32>
    %sub3A_43 = arith.subi %div3A_21, %sub3A_42 : vector<1024x128xi32>
    %select_n3A = arith.select %and3A, %sub3A_43, %div3A_21 : vector<1024x128xi1>, vector<1024x128xi32>
    %iota3A_44 = tpu.iota {dimensions = array<i32: 1>} : vector<1024x128xi32>
    %eq3A = arith.cmpi eq, %select_n3A, %iota3A_44 : vector<1024x128xi32>
    %convert_element_type3A = arith.extui %eq3A : vector<1024x128xi1> to vector<1024x128xi32>
    %convert_element_type3A_45 = arith.sitofp %convert_element_type3A : vector<1024x128xi32> to vector<1024x128xf32>
    %get3A_46 = arith.constant 0 : index
    %get3A_47 = arith.constant 0 : index
    %get3A_48 = vector.load %arg5[%get3A_46, %get3A_47] : memref<1x1024xf32, #tpu.memory_space<vmem>>, vector<1x1024xf32>
    %reshape3A = vector.shape_cast %get3A_48 : vector<1x1024xf32> to vector<1024x1xf32>
    %mul3A = vector.broadcast %reshape3A : vector<1024x1xf32> to vector<1024x128xf32>
    %mul3A_49 = arith.mulf %mul3A, %convert_element_type3A_45 : vector<1024x128xf32>
    %get3A_50 = arith.constant 0 : index
    %get3A_51 = arith.constant 0 : index
    %get3A_52 = vector.load %arg6[%get3A_50, %get3A_51] : memref<1x1024xf32, #tpu.memory_space<vmem>>, vector<1x1024xf32>
    %reshape3A_53 = vector.shape_cast %get3A_52 : vector<1x1024xf32> to vector<1024x1xf32>
    %mul3A_54 = vector.broadcast %reshape3A_53 : vector<1024x1xf32> to vector<1024x128xf32>
    %mul3A_55 = arith.mulf %mul3A_54, %convert_element_type3A_45 : vector<1024x128xf32>
    %dot_general3A_56 = arith.constant dense<0.000000e+00> : vector<512x128xf32>
    %dot_general3A_57 = tpu.matmul %dot_general3A_17, %mul3A_49, %dot_general3A_56 {dimension_numbers = #tpu.dot_dimension_numbers<[1], [0], [0], [1], [0, 0, 1, 1], [], []>, transpose_lhs_hint = false} : vector<512x1024xf32>, vector<1024x128xf32>, vector<512x128xf32> -> vector<512x128xf32>
    %swap3A_58 = arith.constant 0 : index
    %swap3A_59 = arith.constant 0 : index
    %swap3A_60 = vector.load %arg9[%swap3A_58, %swap3A_59] : memref<512x128xf32, #tpu.memory_space<vmem>>, vector<512x128xf32>
    tpu.vector_store %arg9[%swap3A_58, %swap3A_59], %dot_general3A_57 {strides = array<i32>} : memref<512x128xf32, #tpu.memory_space<vmem>>, vector<512x128xf32>,
    %dot_general3A_61 = arith.constant dense<0.000000e+00> : vector<512x128xf32>
    %dot_general3A_62 = tpu.matmul %dot_general3A_17, %mul3A_55, %dot_general3A_61 {dimension_numbers = #tpu.dot_dimension_numbers<[1], [0], [0], [1], [0, 0, 1, 1], [], []>, transpose_lhs_hint = false} : vector<512x1024xf32>, vector<1024x128xf32>, vector<512x128xf32> -> vector<512x128xf32>
    %swap3A_63 = arith.constant 0 : index
    %swap3A_64 = arith.constant 0 : index
    %swap3A_65 = vector.load %arg10[%swap3A_63, %swap3A_64] : memref<512x128xf32, #tpu.memory_space<vmem>>, vector<512x128xf32>
    tpu.vector_store %arg10[%swap3A_63, %swap3A_64], %dot_general3A_62 {strides = array<i32>} : memref<512x128xf32, #tpu.memory_space<vmem>>, vector<512x128xf32>,
    return
  }
  func.func @transform_0(%arg0: i32) -> (i32, i32) {
    %c0_i32 = arith.constant 0 : i32
    %c0_i32_0 = arith.constant 0 : i32
    return %arg0, %c0_i32 : i32, i32
  }
  func.func @transform_1(%arg0: i32) -> (i32, i32) {
    %add3A = arith.constant 20 : i32
    %add3A_0 = arith.addi %arg0, %add3A : i32
    %c0_i32 = arith.constant 0 : i32
    %c0_i32_1 = arith.constant 0 : i32
    return %add3A_0, %c0_i32 : i32, i32
  }
  func.func @transform_2(%arg0: i32) -> (i32, i32) {
    %c0_i32 = arith.constant 0 : i32
    %c0_i32_0 = arith.constant 0 : i32
    %c0_i32_1 = arith.constant 0 : i32
    return %c0_i32, %c0_i32_0 : i32, i32
  }
  func.func @transform_3(%arg0: i32) -> (i32, i32) {
    %c0_i32 = arith.constant 0 : i32
    %c0_i32_0 = arith.constant 0 : i32
    %c0_i32_1 = arith.constant 0 : i32
    return %c0_i32, %c0_i32_0 : i32, i32
  }
  func.func @transform_4(%arg0: i32) -> (i32, i32) {
    %c0_i32 = arith.constant 0 : i32
    %c0_i32_0 = arith.constant 0 : i32
    %c0_i32_1 = arith.constant 0 : i32
    return %c0_i32, %c0_i32_0 : i32, i32
  }
  func.func @transform_5(%arg0: i32) -> (i32, i32) {
    %c0_i32 = arith.constant 0 : i32
    %c0_i32_0 = arith.constant 0 : i32
    %c0_i32_1 = arith.constant 0 : i32
    return %c0_i32, %c0_i32_0 : i32, i32
  }
  func.func @transform_6(%arg0: i32) -> (i32, i32) {
    %c0_i32 = arith.constant 0 : i32
    %c0_i32_0 = arith.constant 0 : i32
    return %arg0, %c0_i32 : i32, i32
  }
  func.func @transform_7(%arg0: i32) -> (i32, i32) {
    %c0_i32 = arith.constant 0 : i32
    %c0_i32_0 = arith.constant 0 : i32
    return %arg0, %c0_i32 : i32, i32
  }
  func.func @transform_8(%arg0: i32) -> (i32, i32) {
    %c0_i32 = arith.constant 0 : i32
    %c0_i32_0 = arith.constant 0 : i32
    return %arg0, %c0_i32 : i32, i32
  }
  func.func @transform_9(%arg0: i32) -> (i32, i32) {
    %c0_i32 = arith.constant 0 : i32
    %c0_i32_0 = arith.constant 0 : i32
    return %arg0, %c0_i32 : i32, i32
  }
}

module attributes {stable_mosaic.version = 14 : i64} {
  func.func @_final_kernel(%arg0: i32, %arg1: memref<512x128xf32, #tpu.memory_space<vmem>>, %arg2: memref<512x128xf32, #tpu.memory_space<vmem>>, %arg3: memref<1x128xf32, #tpu.memory_space<vmem>>, %arg4: memref<512x128xf32, #tpu.memory_space<vmem>>, %arg5: memref<128x128xf32, #tpu.memory_space<vmem>>, %arg6: memref<128x128xf32, #tpu.memory_space<vmem>>, %arg7: memref<1x128xf32, #tpu.memory_space<vmem>>, %arg8: memref<512x128xf32, #tpu.memory_space<vmem>>) attributes {dimension_semantics = [#tpu.dimension_semantics<arbitrary>], iteration_bounds = array<i64: 20>, scalar_prefetch = 0 : i64, scratch_operands = 0 : i64, tpu.core_type = #tpu.core_type<tc>, window_params = [{transform_indices = @transform_0, window_bounds = array<i64: 512, 128>}, {transform_indices = @transform_1, window_bounds = array<i64: 512, 128>}, {pipeline_mode = #tpu.pipeline_mode<synchronous>, transform_indices = @transform_2, window_bounds = array<i64: 1, 128>}, {transform_indices = @transform_3, window_bounds = array<i64: 512, 128>}, {pipeline_mode = #tpu.pipeline_mode<synchronous>, transform_indices = @transform_4, window_bounds = array<i64: 128, 128>}, {pipeline_mode = #tpu.pipeline_mode<synchronous>, transform_indices = @transform_5, window_bounds = array<i64: 128, 128>}, {pipeline_mode = #tpu.pipeline_mode<synchronous>, transform_indices = @transform_6, window_bounds = array<i64: 1, 128>}, {transform_indices = @transform_7, window_bounds = array<i64: 512, 128>}]} {
    %get3A = arith.constant 0 : index
    %get3A_0 = arith.constant 0 : index
    %get3A_1 = vector.load %arg1[%get3A, %get3A_0] : memref<512x128xf32, #tpu.memory_space<vmem>>, vector<512x128xf32>
    %get3A_2 = arith.constant 0 : index
    %get3A_3 = arith.constant 0 : index
    %get3A_4 = vector.load %arg2[%get3A_2, %get3A_3] : memref<512x128xf32, #tpu.memory_space<vmem>>, vector<512x128xf32>
    %add3A = arith.addf %get3A_1, %get3A_4 : vector<512x128xf32>
    %get3A_5 = arith.constant 0 : index
    %get3A_6 = arith.constant 0 : index
    %get3A_7 = vector.load %arg3[%get3A_5, %get3A_6] : memref<1x128xf32, #tpu.memory_space<vmem>>, vector<1x128xf32>
    %add3A_8 = vector.broadcast %get3A_7 : vector<1x128xf32> to vector<512x128xf32>
    %add3A_9 = arith.addf %add3A, %add3A_8 : vector<512x128xf32>
    %max3A = arith.constant 0.000000e+00 : f32
    %max3A_10 = vector.broadcast %max3A : f32 to vector<512x128xf32>
    %max3A_11 = arith.maximumf %add3A_9, %max3A_10 : vector<512x128xf32>
    %get3A_12 = arith.constant 0 : index
    %get3A_13 = arith.constant 0 : index
    %get3A_14 = vector.load %arg4[%get3A_12, %get3A_13] : memref<512x128xf32, #tpu.memory_space<vmem>>, vector<512x128xf32>
    %get3A_15 = arith.constant 0 : index
    %get3A_16 = arith.constant 0 : index
    %get3A_17 = vector.load %arg5[%get3A_15, %get3A_16] : memref<128x128xf32, #tpu.memory_space<vmem>>, vector<128x128xf32>
    %dot_general3A = arith.constant dense<0.000000e+00> : vector<512x128xf32>
    %dot_general3A_18 = tpu.matmul %get3A_14, %get3A_17, %dot_general3A {dimension_numbers = #tpu.dot_dimension_numbers<[1], [0], [0], [1], [0, 0, 1, 1], [], []>, transpose_lhs_hint = false} : vector<512x128xf32>, vector<128x128xf32>, vector<512x128xf32> -> vector<512x128xf32>
    %get3A_19 = arith.constant 0 : index
    %get3A_20 = arith.constant 0 : index
    %get3A_21 = vector.load %arg6[%get3A_19, %get3A_20] : memref<128x128xf32, #tpu.memory_space<vmem>>, vector<128x128xf32>
    %dot_general3A_22 = arith.constant dense<0.000000e+00> : vector<512x128xf32>
    %dot_general3A_23 = tpu.matmul %max3A_11, %get3A_21, %dot_general3A_22 {dimension_numbers = #tpu.dot_dimension_numbers<[1], [0], [0], [1], [0, 0, 1, 1], [], []>, transpose_lhs_hint = false} : vector<512x128xf32>, vector<128x128xf32>, vector<512x128xf32> -> vector<512x128xf32>
    %add3A_24 = arith.addf %dot_general3A_18, %dot_general3A_23 : vector<512x128xf32>
    %get3A_25 = arith.constant 0 : index
    %get3A_26 = arith.constant 0 : index
    %get3A_27 = vector.load %arg7[%get3A_25, %get3A_26] : memref<1x128xf32, #tpu.memory_space<vmem>>, vector<1x128xf32>
    %add3A_28 = vector.broadcast %get3A_27 : vector<1x128xf32> to vector<512x128xf32>
    %add3A_29 = arith.addf %add3A_24, %add3A_28 : vector<512x128xf32>
    %swap3A = arith.constant 0 : index
    %swap3A_30 = arith.constant 0 : index
    %swap3A_31 = vector.load %arg8[%swap3A, %swap3A_30] : memref<512x128xf32, #tpu.memory_space<vmem>>, vector<512x128xf32>
    tpu.vector_store %arg8[%swap3A, %swap3A_30], %add3A_29 {strides = array<i32>} : memref<512x128xf32, #tpu.memory_space<vmem>>, vector<512x128xf32>,
    return
  }
  func.func @transform_0(%arg0: i32) -> (i32, i32) {
    %c0_i32 = arith.constant 0 : i32
    %c0_i32_0 = arith.constant 0 : i32
    return %arg0, %c0_i32 : i32, i32
  }
  func.func @transform_1(%arg0: i32) -> (i32, i32) {
    %add3A = arith.constant 20 : i32
    %add3A_0 = arith.addi %arg0, %add3A : i32
    %c0_i32 = arith.constant 0 : i32
    %c0_i32_1 = arith.constant 0 : i32
    return %add3A_0, %c0_i32 : i32, i32
  }
  func.func @transform_2(%arg0: i32) -> (i32, i32) {
    %c0_i32 = arith.constant 0 : i32
    %c0_i32_0 = arith.constant 0 : i32
    %c0_i32_1 = arith.constant 0 : i32
    return %c0_i32, %c0_i32_0 : i32, i32
  }
  func.func @transform_3(%arg0: i32) -> (i32, i32) {
    %c0_i32 = arith.constant 0 : i32
    %c0_i32_0 = arith.constant 0 : i32
    return %arg0, %c0_i32 : i32, i32
  }
  func.func @transform_4(%arg0: i32) -> (i32, i32) {
    %c0_i32 = arith.constant 0 : i32
    %c0_i32_0 = arith.constant 0 : i32
    %c0_i32_1 = arith.constant 0 : i32
    return %c0_i32, %c0_i32_0 : i32, i32
  }
  func.func @transform_5(%arg0: i32) -> (i32, i32) {
    %c0_i32 = arith.constant 0 : i32
    %c0_i32_0 = arith.constant 0 : i32
    %c0_i32_1 = arith.constant 0 : i32
    return %c0_i32, %c0_i32_0 : i32, i32
  }
  func.func @transform_6(%arg0: i32) -> (i32, i32) {
    %c0_i32 = arith.constant 0 : i32
    %c0_i32_0 = arith.constant 0 : i32
    %c0_i32_1 = arith.constant 0 : i32
    return %c0_i32, %c0_i32_0 : i32, i32
  }
  func.func @transform_7(%arg0: i32) -> (i32, i32) {
    %c0_i32 = arith.constant 0 : i32
    %c0_i32_0 = arith.constant 0 : i32
    return %arg0, %c0_i32 : i32, i32
  }
}

module attributes {stable_mosaic.version = 14 : i64} {
  func.func @_scores_kernel(%arg0: i32, %arg1: memref<512x128xf32, #tpu.memory_space<vmem>>, %arg2: memref<640x128xf32, #tpu.memory_space<vmem>>, %arg3: memref<512x640xf32, #tpu.memory_space<vmem>>) attributes {dimension_semantics = [#tpu.dimension_semantics<arbitrary>], iteration_bounds = array<i64: 15>, scalar_prefetch = 0 : i64, scratch_operands = 0 : i64, tpu.core_type = #tpu.core_type<tc>, window_params = [{pipeline_mode = #tpu.pipeline_mode<synchronous>, transform_indices = @transform_0, window_bounds = array<i64: 512, 128>}, {transform_indices = @transform_1, window_bounds = array<i64: 640, 128>}, {transform_indices = @transform_2, window_bounds = array<i64: 512, 640>}]} {
    %get3A = arith.constant 0 : index
    %get3A_0 = arith.constant 0 : index
    %get3A_1 = vector.load %arg1[%get3A, %get3A_0] : memref<512x128xf32, #tpu.memory_space<vmem>>, vector<512x128xf32>
    %get3A_2 = arith.constant 0 : index
    %get3A_3 = arith.constant 0 : index
    %get3A_4 = vector.load %arg2[%get3A_2, %get3A_3] : memref<640x128xf32, #tpu.memory_space<vmem>>, vector<640x128xf32>
    %dot_general3A = arith.constant dense<0.000000e+00> : vector<512x640xf32>
    %dot_general3A_5 = tpu.matmul %get3A_1, %get3A_4, %dot_general3A {dimension_numbers = #tpu.dot_dimension_numbers<[1], [1], [0], [0], [0, 0, 1, 0], [], []>, transpose_lhs_hint = false} : vector<512x128xf32>, vector<640x128xf32>, vector<512x640xf32> -> vector<512x640xf32>
    %swap3A = arith.constant 0 : index
    %swap3A_6 = arith.constant 0 : index
    %swap3A_7 = vector.load %arg3[%swap3A, %swap3A_6] : memref<512x640xf32, #tpu.memory_space<vmem>>, vector<512x640xf32>
    tpu.vector_store %arg3[%swap3A, %swap3A_6], %dot_general3A_5 {strides = array<i32>} : memref<512x640xf32, #tpu.memory_space<vmem>>, vector<512x640xf32>,
    return
  }
  func.func @transform_0(%arg0: i32) -> (i32, i32) {
    %c0_i32 = arith.constant 0 : i32
    %c0_i32_0 = arith.constant 0 : i32
    %c0_i32_1 = arith.constant 0 : i32
    return %c0_i32, %c0_i32_0 : i32, i32
  }
  func.func @transform_1(%arg0: i32) -> (i32, i32) {
    %c0_i32 = arith.constant 0 : i32
    %c0_i32_0 = arith.constant 0 : i32
    return %arg0, %c0_i32 : i32, i32
  }
  func.func @transform_2(%arg0: i32) -> (i32, i32) {
    %c0_i32 = arith.constant 0 : i32
    %c0_i32_0 = arith.constant 0 : i32
    return %c0_i32, %arg0 : i32, i32
  }
}

</mosaic_0001>

<sc_bundles>
// kernel: kernel.12.cloned.1.call-start
scs
__scs_entry_jumppad:
0x0: {  	(pc) =	sbr.rel $0x88, $3  }
0x1: {  	(tag) =	ssettag $0x0;
	lr =	simm.s32 $0x1  }
0x2: {  	[smem:$0x3F95] =	sst lr;
	_ =	strace $0xD0000000  }
0x3: {  	_ = 	snop  }
0x4: {  	_ = 	snop  }
0x5: {  	_ = 	snop  }
0x6: {  	_ = 	snop  }
0x7: {  	_ = 	snop  }
__scs_overlays_trampoline_lowered:
0x8: {  	[smem:$0x3FA4] =	sst s0  }
0x9: {  	[smem:$0x3FA5] =	sst s1  }
0xa: {  	[smem:$0x3FA6] =	sst s2  }
0xb: {  	[smem:$0x3FA7] =	sst s3  }
0xc: {  	[smem:$0x3FA8] =	sst s4  }
0xd: {  	[smem:$0x3FA9] =	sst s5  }
0xe: {  	[smem:$0x3FAA] =	sst s6  }
0xf: {  	[smem:$0x3FAB] =	sst s7  }
0x10: {  	[smem:$0x3FAC] =	sst s8  }
0x11: {  	[smem:$0x3FAD] =	sst s9;
	s0 =	simm.s32 @!p0 $0x0  }
0x12: {  	s1 =	sld [smem:$0x3F93];
	s0 =	simm.s32 @p0 $0x1  }
0x13: {  	[smem:$0x3FAE] =	sst s0;
	s0 =	simm.s32 @!p1 $0x0  }
0x14: {  	s2 =	sld [smem:$0x3F92];
	s0 =	simm.s32 @p1 $0x1  }
0x15: {  	[smem:$0x3FAF] =	sst s0;
	s0 =	simm.s32 @!p2 $0x0  }
0x16: {  	s3 =	sld [smem:$0x3FDB];
	s0 =	simm.s32 @p2 $0x1  }
0x17: {  	s4 =	simm.s32 $0x1BF5;
	[smem:$0x3FB1] =	sst s0  }
0x18: {  	s0 =	sld [smem:$0x3F94];
	_ =	swait.ge [sflag:s4], $0x0  }
0x19: {  	s7 =	sld [smem:$0x3F95]  }
0x1a: {  	s8 =	sadd.s32 $0xFFFFE003, lr  }
0x1b: {  	s9 =	sadd.s32 $0xFFFFFEF7, lr;
	s5 =	simm.s32 $0xFFFFFFFF;
	p2 =	slt.u32 s8, $0xFFFFF086  }
0x1c: {  	p1 =	slt.u32 s9, $0xF7A;
	s5 =	simm.s32 @!p2 $0x0  }
0x1d: {  	s5 =	simm.s32 @p1 $0x1;
	p0 =	seq.s32 s7, s2  }
0x1e: {  	s7 =	smul.u32 @!p0 $0xF7A, s2;
	p2 =	seq.s32 @!p0 s5, $0x0  }
0x1f: {  	s9 =	smul.u32 $0xF7A, s1;
	s8 =	simm.s32 @!p0 $0x1BF5;
	p2 =	por !p2, p0  }
0x20: {  	[sflag:s8] =	ssyncset.s32 @!p0 $0xFFFFF086;
	s6 =	sadd.s32 @!p0 s3, s7;
	s7 =	simm.s32 @!p0 $0x108  }
0x21: {  	s3 =	sadd.s32 s3, s9;
	s6 =	sadd.s32 @!p0 $0x88, s6;
	s7 =	simm.s32 @p2 $0x1082  }
0x22: {  	[simem:s7], [sflag:s8] =	dma.local @!p0 [hbm:s6], $0xF7A  }
0x23: {  	s9 =	sor.u32 $0xD0000000, s2;
	s6 =	simm.s32 $0x108;
	_ =	swait.ge @!p0 [sflag:s8], $0x0  }
0x24: {  	s3 =	sadd.s32 $0x88, s3;
	s6 =	simm.s32 @!p1 $0x1082;
	[sflag:s4] =	ssyncset.s32 $0xFFFFF086  }
0x25: {  	[simem:s6], [sflag:s4] =	dma.local [hbm:s3], $0xF7A  }
0x26: {  	[smem:$0x3F95] =	sst s1;
	(tag) =	ssettag s2;
	_ =	strace s9  }
0x27: {  	s1 =	sld [smem:$0x3FA5]  }
0x28: {  	s2 =	sld [smem:$0x3FA6]  }
0x29: {  	s4 =	sld [smem:$0x3FA8]  }
0x2a: {  	p0 =	seq.s32 s5, $0x0;
	s5 =	sld [smem:$0x3FA9]  }
0x2b: {  	s6 =	sld [smem:$0x3FAA]  }
0x2c: {  	s7 =	sld [smem:$0x3FAB]  }
0x2d: {  	s3 =	simm.s32 $0x108;
	s8 =	sld [smem:$0x3FAC]  }
0x2e: {  	s3 =	simm.s32 @!p0 $0x1082;
	s9 =	sld [smem:$0x3FAD]  }
0x2f: {  	lr =	sadd.s32 s0, s3;
	s0 =	sld [smem:$0x3FA4]  }
0x30: {  	s3 =	sld [smem:$0x3FA7]  }
0x31: {  	[smem:$0x3FB0] =	sst s10  }
0x32: {  	s10 =	sld [smem:$0x3FAE];
	_ =	sdelay $0x3  }
0x33: {  	p0 =	seq.s32 s10, $0x1;
	s10 =	sld [smem:$0x3FB0];
	_ =	sdelay $0x3  }
0x34: {  	[smem:$0x3FB0] =	sst s10  }
0x35: {  	s10 =	sld [smem:$0x3FAF];
	_ =	sdelay $0x3  }
0x36: {  	p1 =	seq.s32 s10, $0x1;
	s10 =	sld [smem:$0x3FB0];
	_ =	sdelay $0x3  }
0x37: {  	[smem:$0x3FB0] =	sst s10  }
0x38: {  	s10 =	sld [smem:$0x3FB1]  }
0x39: {  	_ = 	snop;
	(pc) =	sbr.ind lr, $3  }
0x3a: {  	_ = 	snop  }
0x3b: {  	_ = 	snop  }
0x3c: {  	p2 =	seq.s32 s10, $0x1;
	s10 =	sld [smem:$0x3FB0]  }
0x3d: {  	_ =	shalt  }
0x3e: {  	_ =	shalt  }
0x3f: {  	_ =	shalt  }
0x40: {  	_ =	shalt  }
0x41: {  	_ =	shalt  }
0x42: {  	_ =	shalt  }
0x43: {  	_ =	shalt  }
0x44: {  	_ =	shalt  }
0x45: {  	_ =	shalt  }
0x46: {  	_ =	shalt  }
0x47: {  	_ =	shalt  }
0x48: {  	_ =	shalt  }
0x49: {  	_ =	shalt  }
0x4a: {  	_ =	shalt  }
0x4b: {  	_ =	shalt  }
0x4c: {  	_ =	shalt  }
0x4d: {  	_ =	shalt  }
0x4e: {  	_ =	shalt  }
0x4f: {  	_ =	shalt  }
0x50: {  	_ =	shalt  }
0x51: {  	_ =	shalt  }
0x52: {  	_ =	shalt  }
0x53: {  	_ =	shalt  }
0x54: {  	_ =	shalt  }
0x55: {  	_ =	shalt  }
0x56: {  	_ =	shalt  }
0x57: {  	_ =	shalt  }
0x58: {  	_ =	shalt  }
0x59: {  	_ =	shalt  }
0x5a: {  	_ =	shalt  }
0x5b: {  	_ =	shalt  }
0x5c: {  	_ =	shalt  }
0x5d: {  	_ =	shalt  }
0x5e: {  	_ =	shalt  }
0x5f: {  	_ =	shalt  }
0x60: {  	_ =	shalt  }
0x61: {  	_ =	shalt  }
0x62: {  	_ =	shalt  }
0x63: {  	_ =	shalt  }
0x64: {  	_ =	shalt  }
0x65: {  	_ =	shalt  }
0x66: {  	_ =	shalt  }
0x67: {  	_ =	shalt  }
0x68: {  	_ =	shalt  }
0x69: {  	_ =	shalt  }
0x6a: {  	_ =	shalt  }
0x6b: {  	_ =	shalt  }
0x6c: {  	_ =	shalt  }
0x6d: {  	_ =	shalt  }
0x6e: {  	_ =	shalt  }
0x6f: {  	_ =	shalt  }
0x70: {  	_ =	shalt  }
0x71: {  	_ =	shalt  }
0x72: {  	_ =	shalt  }
0x73: {  	_ =	shalt  }
0x74: {  	_ =	shalt  }
0x75: {  	_ =	shalt  }
0x76: {  	_ =	shalt  }
0x77: {  	_ =	shalt  }
0x78: {  	_ =	shalt  }
0x79: {  	_ =	shalt  }
0x7a: {  	_ =	shalt  }
0x7b: {  	_ =	shalt  }
0x7c: {  	_ =	shalt  }
0x7d: {  	_ =	shalt  }
0x7e: {  	_ =	shalt  }
0x7f: {  	_ =	shalt  }
0x80: {  	_ =	shalt  }
0x81: {  	_ =	shalt  }
0x82: {  	_ =	shalt  }
0x83: {  	_ =	shalt  }
0x84: {  	_ =	shalt  }
0x85: {  	_ =	shalt  }
0x86: {  	_ =	shalt  }
0x87: {  	_ =	shalt  }
.Lfunc_end0:
.L_simem_size_0:
called_computation_lowered:
.L_overlay_start_0:
0x88: {  	s2 =	sld [smem:$0x3FD9]  }
0x89: {  	s3 =	sld [smem:$0x3FFE];
	_ =	sdelay $0x1  }
0x8a: {  	s1 =	srdreg.scid  }
0x8b: {  	s0 =	sand.u32 $0x1, s1  }
0x8c: {  	s14 =	sshll.u32 s0, $0xA;
	s2 =	sadd.s32 s3, s2  }
0x8d: {  	s2 =	sadd.s32 s2, s14  }
0x8e: {  	[smem:$0x3FBC] =	sst s2  }
0x8f: {  	_ = 	snop  }
0x90: {  	s2 =	sld [smem:$0x3FD0];
	_ =	sdelay $0x2  }
0x91: {  	s15 =	simm.s32 $0xA;
	s4 =	simm.s32 $0x10  }
0x92: {  	[smem:s4], [sflag:s15] =	dma.local [hbm:s2], $0x1  }
0x93: {  	_ =	swait.eq [sflag:s15], $0x1  }
0x94: {  	s16 =	sld [smem:$0x10];
	[sflag:s15] =	ssyncset.done $0x0  }
0x95: {  	s17 =	sld [smem:$0x11];
	[sflag:s15] =	ssyncadd.s32 $0xFFFFFFFF  }
0x96: {  	s18 =	sld [smem:$0x12];
	(tm) =	ssettm $0x1  }
0x97: {  	s5 =	sld [smem:$0x3FFB];
	_ =	sdelay $0x3  }
0x98: {  	_ =	strace s5  }
0x99: {  	s5 =	sld [smem:$0x3FFC];
	_ =	sdelay $0x3  }
0x9a: {  	_ =	strace s5  }
0x9b: {  	s5 =	sld [smem:$0x3FFD];
	_ =	sdelay $0x3  }
0x9c: {  	_ =	strace s5  }
0x9d: {  	_ =	strace $0x8FFFFFFF  }
0x9e: {  	s19 =	sld [smem:$0x3FDB];
	_ =	sdelay $0x1  }
0x9f: {  	s6 =	simm.s32 $_scs_section_size  }
0xa0: {  	s7 =	simm.s32 $_size__tile_overlayer_lowered;
	s8 =	simm.s32 $_tile_overlayer_lowered  }
0xa1: {  	s22 =	simm.s32 $0x1BFF;
	s21 =	sshll.u32 s8, $0x1;
	s5 =	sadd.s32 s6, s19  }
0xa2: {  	s9 =	simm.s32 $0x0;
	s20 =	sshll.u32 s7, $0x1;
	s7 =	sadd.s32 s21, s5  }
0xa3: {  	[timem:s9], [sflag:s22] =	dma.local [hbm:s7], s20  }
0xa4: {  	_ =	swait.ge [sflag:s22], s20  }
0xa5: {  	s6 =	ssub.s32 $0x0, s20;
	[sflag:s22] =	ssyncset.done $0x0  }
0xa6: {  	[sflag:s22] =	ssyncadd.s32 s6;
	_ =	sdelay $0x1  }
0xa7: {  	s23 =	simm.s32 $0x1B8B  }
0xa8: {  	_ =	swait.ge [sflag:s23], $0x1  }
0xa9: {  	[sflag:s23] =	ssyncset.done $0x0  }
0xaa: {  	s25 =	simm.s32 $0x1B8E;
	s24 =	sld [smem:$0x3FFE];
	[sflag:s23] =	ssyncadd.s32 $0xFFFFFFFF  }
0xab: {  	s26 =	simm.s32 $execute0_lowered;
	[smem:$0x3FD2] =	sst s25  }
0xac: {  	s7 =	sshll.u32 s26, $0x1;
	_ =	strace $0x80000046;
	[dreg:$0x1] =	wrdreg $0xFFFFFFFF  }
0xad: {  	s28 =	simm.s32 $_size_execute0_lowered;
	s5 =	sadd.s32 s5, s7;
	[dreg:$0x0] =	wrdreg $0x0  }
0xae: {  	s7 =	sshll.u32 s28, $0x1;
	[dreg:$0x2] =	wrdreg s5  }
0xaf: {  	[dreg:$0x3] =	wrdreg s7  }
0xb0: {  	[dreg:$0x4] =	wrdreg $0xC0  }
0xb1: {  	_ =	task [dreg:s9], $0x5FFFF  }
0xb2: {  	[dreg:$0x1] =	wrdreg $0xFFFFFFFF  }
0xb3: {  	[dreg:$0x0] =	wrdreg $0x60  }
0xb4: {  	[dreg:$0x2] =	wrdreg s18  }
0xb5: {  	[dreg:$0x3] =	wrdreg s24  }
0xb6: {  	[dreg:$0x4] =	wrdreg s17  }
0xb7: {  	[dreg:$0x5] =	wrdreg s16  }
0xb8: {  	[dreg:$0x6] =	wrdreg $0xA7000  }
0xb9: {  	[dreg:$0x7] =	wrdreg $0x9  }
0xba: {  	_ =	task.clear_ibuf [dreg:s9], $0x8FFFF;
	_ =	strace $0x90000046  }
0xbb: {  	s29 =	simm.s32 $0x9;
	_ =	strace $0x80000048  }
0xbc: {  	_ =	swait.ge [sflag:s29], $0x1  }
0xbd: {  	[sflag:s29] =	ssyncadd.s32 $0xFFFFFFFF  }
0xbe: {  	_ =	strace $0x90000048  }
0xbf: {  	_ =	sfence  }
0xc0: {  	s30 =	sld [smem:$0x0];
	_ =	sdelay $0x2  }
0xc1: {  	s31 =	sshll.u32 s1, $0xD;
	s1 =	sshrl.u32 s1, $0x2  }
0xc2: {  	s3 =	sand.u32 $0x4000, s31;
	s1 =	sadd.s32 s1, s30  }
0xc3: {  	s0 =	sor.u32 s3, s0;
	s1 =	sshll.u32 s1, $0x11  }
0xc4: {  	s0 =	sor.u32 s1, s0  }
0xc5: {  	s0 =	sadd.s32 $0x8F2B, s0  }
0xc6: {  	[sflag:s0] =	ssyncadd.remote.s32 $0x1  }
0xc7: {  	_ =	sfence.sel $0xFFFF  }
0xc8: {  	[dreg:$0x0] =	wrdreg $0xFFFFFFFF;
	(pc) =	sbr.abs _section_cstart, $3  }
0xc9: {  	[dreg:$0x1] =	wrdreg $0xFFFFFFFF  }
0xca: {  	_ =	task.clear_ibuf [dreg:s9], $0x2FFFF;
	_ =	strace $0x9FFFFFFF  }
0xcb: {  	(tm) =	ssettm $0x7FFFFFFF  }
tec
execute0_lowered:
.L_overlay_start_1:
0x0: {  	(tag) =	ssettag $0x1  }
0x1: {  	s1 =	rddreg [dreg:$0x0]  }
0x2: {  	s0 =	rddreg [dreg:$0x1]  }
0x3: {  	s2 =	rddreg [dreg:$0x2]  }
0x4: {  	s5 =	rddreg [dreg:$0x3]  }
0x5: {  	s3 =	rddreg [dreg:$0x4];
	s4 =	simm.s32 $0x0;
	s8 =	srdreg.scid  }
0x6: {  	s14 =	stileid.u32;
	[smem:$0x7FF] =	sst s4;
	s12 =	sand.u32 $0x1, s8  }
0x7: {  	s6 =	sadd.s32 $0x3E00, s0;
	s11 =	smul.u32 $0x50000, s14;
	s10 =	ssub.s32 $0x2, s12  }
0x8: {  	s7 =	sadd.s32 $0x14E000, s0;
	s8 =	sadd.s32 $0x176000, s0;
	s26 =	sshrl.u32 s10, $0x1  }
0x9: {  	s9 =	sadd.s32 $0x19E000, s0;
	s28 =	sshrl.u32 s11, $0x2;
	s0 =	ssub.s32 s10, s26  }
0xa: {  	s13 =	sshll.u32 s14, $0x1;
	s10 =	sadd.s32 s28, s3;
	s0 =	smax.u32 s0, $0x1  }
0xb: {  	_ =	strace $0x80000047;
	s29 =	sadd.s32 $0x1000, s10;
	[dreg:$0x6] =	wrdreg s0  }
0xc: {  	s13 =	sor.u32 s12, s13;
	s30 =	sadd.s32 $0x2000, s10;
	[dreg:$0x7] =	wrdreg s29  }
0xd: {  	s11 =	smul.u32 $0x2880, s13;
	s13 =	sadd.s32 $0x3000, s10;
	[dreg:$0x8] =	wrdreg s30  }
0xe: {  	s15 =	sadd.s32 $0x4000, s10;
	[dreg:$0x9] =	wrdreg s13  }
0xf: {  	s16 =	sadd.s32 $0x5000, s10;
	[dreg:$0xa] =	wrdreg s15  }
0x10: {  	s18 =	sadd.s32 $0x6000, s10;
	[dreg:$0xb] =	wrdreg s16  }
0x11: {  	s19 =	sadd.s32 $0x7000, s10;
	[dreg:$0xc] =	wrdreg s18  }
0x12: {  	s21 =	sadd.s32 $0x8000, s10;
	[dreg:$0xd] =	wrdreg s19  }
0x13: {  	s22 =	sadd.s32 $0x9000, s10;
	[dreg:$0xe] =	wrdreg s21  }
0x14: {  	s20 =	smul.u32 $0x2800, s14;
	s23 =	sadd.s32 $0xA000, s10;
	[dreg:$0xf] =	wrdreg s22  }
0x15: {  	s14 =	simm.s32 $0x6700;
	s24 =	sadd.s32 $0xB000, s10;
	[dreg:$0x10] =	wrdreg s23  }
0x16: {  	s17 =	smul.u32 $0x28000, s12;
	s25 =	sadd.s32 $0xC000, s10;
	[dreg:$0x11] =	wrdreg s24  }
0x17: {  	s12 =	simm.s32 $0x9700;
	s26 =	sadd.s32 $0xD000, s10;
	[dreg:$0x12] =	wrdreg s25  }
0x18: {  	s28 =	sadd.s32 $0xE000, s10;
	s31 =	sadd.s32 $0x11000, s10;
	[dreg:$0x13] =	wrdreg s26  }
0x19: {  	s0 =	sadd.s32 s17, s5;
	[dreg:$0x14] =	wrdreg s28;
	s29 =	sadd.s32 $0xF000, s10  }
0x1a: {  	s30 =	sadd.s32 $0x10000, s10;
	s5 =	sadd.s32 $0x13000, s10;
	s13 =	simm.s32 $0x3  }
0x1b: {  	s15 =	simm.s32 $0x80;
	s16 =	simm.s32 $0x60;
	s17 =	simm.s32 $0x100  }
0x1c: {  	s18 =	simm.s32 $0x3100;
	s19 =	simm.s32 $0x1;
	s21 =	simm.s32 $0x6100  }
0x1d: {  	s22 =	simm.s32 $0x0;
	s24 =	sadd.s32 s20, s0;
	[dreg:$0x15] =	wrdreg s29  }
0x1e: {  	[dreg:$0x16] =	wrdreg s30;
	s0 =	sadd.s32 $0x12000, s10;
	s20 =	simm.s32 $0x2  }
.LBB2_1:
0x1f: {  	[tilespmem:s12], [sflag:$0x3] =	stream.linear.gather [hbm4b:s2+s4], $0x1000, $0x38;
	[tilespmem:$0x1E700] =	vst v63  }
0x20: {  	_ =	swait.ge [sflag:s13], $0x1000  }
0x21: {  	[sflag:s13] =	ssyncset.done $0x0  }
0x22: {  	[sflag:s13] =	ssyncadd.s32 $0xFFFFF000  }
0x23: {  	[spmem:s10] =	stream.linear.scatter [tilespmem:s12], [sflag:$0x3], $0x1000, $0x38;
	[tilespmem:$0x1E700] =	vst v63  }
0x24: {  	_ =	swait.ge [sflag:s13], $0x1000  }
0x25: {  	[sflag:s13] =	ssyncset.done $0x0  }
0x26: {  	s23 =	rddreg [dreg:$0x7];
	[sflag:s13] =	ssyncadd.s32 $0xFFFFF000  }
0x27: {  	[spmem:s23] =	stream.linear.scatter [tilespmem:s12], [sflag:$0x3], $0x1000, $0x38;
	[tilespmem:$0x1E700] =	vst v63  }
0x28: {  	_ =	swait.ge [sflag:s13], $0x1000  }
0x29: {  	[sflag:s13] =	ssyncset.done $0x0  }
0x2a: {  	s29 =	rddreg [dreg:$0x8];
	[sflag:s13] =	ssyncadd.s32 $0xFFFFF000  }
0x2b: {  	[spmem:s29] =	stream.linear.scatter [tilespmem:s12], [sflag:$0x3], $0x1000, $0x38;
	[tilespmem:$0x1E700] =	vst v63  }
0x2c: {  	_ =	swait.ge [sflag:s13], $0x1000  }
0x2d: {  	[sflag:s13] =	ssyncset.done $0x0  }
0x2e: {  	s30 =	rddreg [dreg:$0x9];
	[sflag:s13] =	ssyncadd.s32 $0xFFFFF000  }
0x2f: {  	[spmem:s30] =	stream.linear.scatter [tilespmem:s12], [sflag:$0x3], $0x1000, $0x38;
	[tilespmem:$0x1E700] =	vst v63  }
0x30: {  	_ =	swait.ge [sflag:s13], $0x1000  }
0x31: {  	[sflag:s13] =	ssyncset.done $0x0  }
0x32: {  	s25 =	rddreg [dreg:$0xa];
	[sflag:s13] =	ssyncadd.s32 $0xFFFFF000  }
0x33: {  	[spmem:s25] =	stream.linear.scatter [tilespmem:s12], [sflag:$0x3], $0x1000, $0x38;
	[tilespmem:$0x1E700] =	vst v63  }
0x34: {  	_ =	swait.ge [sflag:s13], $0x1000  }
0x35: {  	[sflag:s13] =	ssyncset.done $0x0  }
0x36: {  	s26 =	rddreg [dreg:$0xb];
	[sflag:s13] =	ssyncadd.s32 $0xFFFFF000  }
0x37: {  	[spmem:s26] =	stream.linear.scatter [tilespmem:s12], [sflag:$0x3], $0x1000, $0x38;
	[tilespmem:$0x1E700] =	vst v63  }
0x38: {  	_ =	swait.ge [sflag:s13], $0x1000  }
0x39: {  	[sflag:s13] =	ssyncset.done $0x0  }
0x3a: {  	s28 =	rddreg [dreg:$0xc];
	[sflag:s13] =	ssyncadd.s32 $0xFFFFF000  }
0x3b: {  	[spmem:s28] =	stream.linear.scatter [tilespmem:s12], [sflag:$0x3], $0x1000, $0x38;
	[tilespmem:$0x1E700] =	vst v63  }
0x3c: {  	_ =	swait.ge [sflag:s13], $0x1000  }
0x3d: {  	[sflag:s13] =	ssyncset.done $0x0  }
0x3e: {  	s29 =	rddreg [dreg:$0xd];
	[sflag:s13] =	ssyncadd.s32 $0xFFFFF000  }
0x3f: {  	[spmem:s29] =	stream.linear.scatter [tilespmem:s12], [sflag:$0x3], $0x1000, $0x38;
	[tilespmem:$0x1E700] =	vst v63  }
0x40: {  	_ =	swait.ge [sflag:s13], $0x1000  }
0x41: {  	[sflag:s13] =	ssyncset.done $0x0  }
0x42: {  	s30 =	rddreg [dreg:$0xe];
	[sflag:s13] =	ssyncadd.s32 $0xFFFFF000  }
0x43: {  	[spmem:s30] =	stream.linear.scatter [tilespmem:s12], [sflag:$0x3], $0x1000, $0x38;
	[tilespmem:$0x1E700] =	vst v63  }
0x44: {  	_ =	swait.ge [sflag:s13], $0x1000  }
0x45: {  	[sflag:s13] =	ssyncset.done $0x0  }
0x46: {  	s25 =	rddreg [dreg:$0xf];
	[sflag:s13] =	ssyncadd.s32 $0xFFFFF000  }
0x47: {  	[spmem:s25] =	stream.linear.scatter [tilespmem:s12], [sflag:$0x3], $0x1000, $0x38;
	[tilespmem:$0x1E700] =	vst v63  }
0x48: {  	_ =	swait.ge [sflag:s13], $0x1000  }
0x49: {  	[sflag:s13] =	ssyncset.done $0x0  }
0x4a: {  	s26 =	rddreg [dreg:$0x10];
	[sflag:s13] =	ssyncadd.s32 $0xFFFFF000  }
0x4b: {  	[spmem:s26] =	stream.linear.scatter [tilespmem:s12], [sflag:$0x3], $0x1000, $0x38;
	[tilespmem:$0x1E700] =	vst v63  }
0x4c: {  	_ =	swait.ge [sflag:s13], $0x1000  }
0x4d: {  	[sflag:s13] =	ssyncset.done $0x0  }
0x4e: {  	s28 =	rddreg [dreg:$0x11];
	[sflag:s13] =	ssyncadd.s32 $0xFFFFF000  }
0x4f: {  	[spmem:s28] =	stream.linear.scatter [tilespmem:s12], [sflag:$0x3], $0x1000, $0x38;
	[tilespmem:$0x1E700] =	vst v63  }
0x50: {  	_ =	swait.ge [sflag:s13], $0x1000  }
0x51: {  	[sflag:s13] =	ssyncset.done $0x0  }
0x52: {  	s29 =	rddreg [dreg:$0x12];
	[sflag:s13] =	ssyncadd.s32 $0xFFFFF000  }
0x53: {  	[spmem:s29] =	stream.linear.scatter [tilespmem:s12], [sflag:$0x3], $0x1000, $0x38;
	[tilespmem:$0x1E700] =	vst v63  }
0x54: {  	_ =	swait.ge [sflag:s13], $0x1000  }
0x55: {  	[sflag:s13] =	ssyncset.done $0x0  }
0x56: {  	s30 =	rddreg [dreg:$0x13];
	[sflag:s13] =	ssyncadd.s32 $0xFFFFF000  }
0x57: {  	[spmem:s30] =	stream.linear.scatter [tilespmem:s12], [sflag:$0x3], $0x1000, $0x38;
	[tilespmem:$0x1E700] =	vst v63  }
0x58: {  	_ =	swait.ge [sflag:s13], $0x1000  }
0x59: {  	[sflag:s13] =	ssyncset.done $0x0  }
0x5a: {  	s25 =	rddreg [dreg:$0x14];
	[sflag:s13] =	ssyncadd.s32 $0xFFFFF000  }
0x5b: {  	[spmem:s25] =	stream.linear.scatter [tilespmem:s12], [sflag:$0x3], $0x1000, $0x38;
	[tilespmem:$0x1E700] =	vst v63  }
0x5c: {  	_ =	swait.ge [sflag:s13], $0x1000  }
0x5d: {  	[sflag:s13] =	ssyncset.done $0x0  }
0x5e: {  	s26 =	rddreg [dreg:$0x15];
	[sflag:s13] =	ssyncadd.s32 $0xFFFFF000  }
0x5f: {  	[spmem:s26] =	stream.linear.scatter [tilespmem:s12], [sflag:$0x3], $0x1000, $0x38;
	[tilespmem:$0x1E700] =	vst v63  }
0x60: {  	_ =	swait.ge [sflag:s13], $0x1000  }
0x61: {  	[sflag:s13] =	ssyncset.done $0x0  }
0x62: {  	s28 =	rddreg [dreg:$0x16];
	[sflag:s13] =	ssyncadd.s32 $0xFFFFF000  }
0x63: {  	[spmem:s28] =	stream.linear.scatter [tilespmem:s12], [sflag:$0x3], $0x1000, $0x38;
	[tilespmem:$0x1E700] =	vst v63  }
0x64: {  	_ =	swait.ge [sflag:s13], $0x1000  }
0x65: {  	[sflag:s13] =	ssyncset.done $0x0  }
0x66: {  	[sflag:s13] =	ssyncadd.s32 $0xFFFFF000  }
0x67: {  	[spmem:s31] =	stream.linear.scatter [tilespmem:s12], [sflag:$0x3], $0x1000, $0x38;
	[tilespmem:$0x1E700] =	vst v63  }
0x68: {  	_ =	swait.ge [sflag:s13], $0x1000  }
0x69: {  	[sflag:s13] =	ssyncset.done $0x0  }
0x6a: {  	[sflag:s13] =	ssyncadd.s32 $0xFFFFF000  }
0x6b: {  	[spmem:s0] =	stream.linear.scatter [tilespmem:s12], [sflag:$0x3], $0x1000, $0x38;
	[tilespmem:$0x1E700] =	vst v63  }
0x6c: {  	_ =	swait.ge [sflag:s13], $0x1000  }
0x6d: {  	[sflag:s13] =	ssyncset.done $0x0  }
0x6e: {  	[sflag:s13] =	ssyncadd.s32 $0xFFFFF000  }
0x6f: {  	[spmem:s5] =	stream.linear.scatter [tilespmem:s12], [sflag:$0x3], $0x1000, $0x38;
	[tilespmem:$0x1E700] =	vst v63  }
0x70: {  	_ =	swait.ge [sflag:s13], $0x1000  }
0x71: {  	[sflag:s13] =	ssyncset.done $0x0  }
0x72: {  	[sflag:s13] =	ssyncadd.s32 $0xFFFFF000  }
0x73: {  	[tilespmem:s14], [sflag:$0x3] =	stream.linear.gather [hbm4b:s2+s4], $0x1000, $0x38;
	[tilespmem:$0x1E700] =	vst v63  }
0x74: {  	_ =	swait.ge [sflag:s13], $0x1000  }
0x75: {  	[sflag:s13] =	ssyncset.done $0x0  }
0x76: {  	s29 =	simm.s32 $0x7700;
	[sflag:s13] =	ssyncadd.s32 $0xFFFFF000  }
0x77: {  	[tilespmem:s29], [sflag:$0x3] =	stream.linear.gather [hbm4b:s2+s4], $0x1000, $0x38;
	[tilespmem:$0x1E700] =	vst v63  }
0x78: {  	_ =	swait.ge [sflag:s13], $0x1000  }
0x79: {  	[sflag:s13] =	ssyncset.done $0x0  }
0x7a: {  	s30 =	simm.s32 $0x8700;
	[sflag:s13] =	ssyncadd.s32 $0xFFFFF000  }
0x7b: {  	[tilespmem:s30], [sflag:$0x3] =	stream.linear.gather [hbm4b:s2+s4], $0x1000, $0x38;
	[tilespmem:$0x1E700] =	vst v63  }
0x7c: {  	_ =	swait.ge [sflag:s13], $0x1000  }
0x7d: {  	[sflag:s13] =	ssyncset.done $0x0  }
0x7e: {  	[sflag:s13] =	ssyncadd.s32 $0xFFFFF000  }
0x7f: {  	s23 =	simm.s32 $0x0;
	[bflag:$0x0] =	sbarrier.arrive $0xFFFF  }
.LBB2_2:
0x80: {  	s25 =	smul.u32 $0x60, s23;
	_ =	sdelay $0x1  }
0x81: {  	s25 =	sadd.s32 s11, s25  }
0x82: {  	s26 =	sshrl.u32 s25, $0x3  }
0x83: {  	s29 =	simm.s32 $0x0;
	s28 =	sadd.s32 s1, s26  }
0x84: {  	[tilespmem:s29], [sflag:$0x3] =	stream.linear.gather [hbm4b:s28+s29], $0x60, $0x38;
	[tilespmem:$0x1E700] =	vst v63  }
0x85: {  	_ =	swait.ge [sflag:s13], $0x60  }
0x86: {  	[sflag:s13] =	ssyncset.done $0x0  }
0x87: {  	s26 =	sadd.s32 s6, s26;
	[sflag:s13] =	ssyncadd.s32 $0xFFFFFFA0  }
0x88: {  	[tilespmem:s15], [sflag:$0x3] =	stream.linear.gather [hbm4b:s26+s29], $0x60, $0x38;
	[tilespmem:$0x1E700] =	vst v63  }
0x89: {  	_ =	swait.ge [sflag:s13], $0x60  }
0x8a: {  	[sflag:s13] =	ssyncset.done $0x0  }
0x8b: {  	[sflag:s13] =	ssyncadd.s32 $0xFFFFFFA0  }
0x8c: {  	[tilespmem:s17], [sflag:$0x1] =	stream.indirect.gather [hbm4b:s7+s16], $0x80, s29, s16, $0xb8;
	[tilespmem:$0x1E700] =	vst v63  }
0x8d: {  	_ = 	snop  }
0x8e: {  	[tilespmem:s18], [sflag:$0x2] =	stream.indirect.gather [hbm4b:s8+s16], $0x80, s15, s16, $0xb8;
	[tilespmem:$0x1E700] =	vst v63  }
0x8f: {  	_ =	swait.ge [sflag:s19], $0x3000  }
0x90: {  	[sflag:s19] =	ssyncset.done $0x0  }
0x91: {  	[sflag:s19] =	ssyncadd.s32 $0xFFFFD000  }
0x92: {  	_ =	swait.ge [sflag:s20], $0x3000  }
0x93: {  	[sflag:s20] =	ssyncset.done $0x0  }
0x94: {  	s30 =	simm.s32 $0x0;
	[sflag:s20] =	ssyncadd.s32 $0xFFFFD000  }
0x95: {  	v0 =	vld [tilespmem:s30+$0x3100]  }
0x96: {  	v1 =	vld [tilespmem:s30+$0x100];
	_ =	sdelay $0x4  }
0x97: {  	v0 =	vadd.f32 v0, v1;
	_ =	sdelay $0x1  }
0x98: {  	v1 =	vmul.f32 $2.000000030e-01, v0;
	_ =	sdelay $0x1  }
0x99: {  	v0 =	vmax.f32 v0, v1  }
0x9a: {  	v0 =	vmul.f32 $1.442695020e+00, v0;
	_ =	sdelay $0x1  }
0x9b: {  	(erf) = vpow2.f32 v0;
	_ =	sdelay $0x8  }
0x9c: {  	s28 =	simm.s32 $0x6100;
	v1 =	vpop (erf)  }
0x9d: {  	s26 =	simm.s32 $0x80;
	[tilespmem:s28+$0x0] =	vst v1  }
0x9e: {  	s29 =	simm.s32 $0x400;
	v0 =	vld [tilespmem:s26+$0x3100];
	[tilespmem:s30+$0x6700] =	vst v1  }
.LBB2_3:
0x9f: {  	p0 =	sne.s32 s29, $0xBE00;
	v1 =	vld [tilespmem:s26+$0x100];
	_ =	sdelay $0x4  }
0xa0: {  	v0 =	vadd.f32 v0, v1;
	_ =	sdelay $0x1  }
0xa1: {  	v1 =	vmul.f32 $2.000000030e-01, v0;
	_ =	sdelay $0x1  }
0xa2: {  	v0 =	vmax.f32 v0, v1  }
0xa3: {  	v0 =	vmul.f32 $1.442695020e+00, v0;
	_ =	sdelay $0x1  }
0xa4: {  	(erf) = vpow2.f32 v0;
	_ =	sdelay $0x6  }
.Ltmp0:
0xa5: {  	(pc) =	sbr.rel @p0 .LBB2_3-.Ltmp0, $4  }
0xa6: {  	_ = 	snop  }
0xa7: {  	s28 =	sadd.s32 $0x10, s28;
	v1 =	vpop (erf)  }
0xa8: {  	s30 =	sshra.s32 s29, $0x2;
	[tilespmem:s28+$0x0] =	vst v1  }
0xa9: {  	s29 =	sadd.s32 $0x200, s29;
	v0 =	vld [tilespmem:s30+$0x3100];
	[tilespmem:s26+$0x6700] =	vst v1;
	s26 =	smov.u32 s30  }
0xaa: {  	v1 =	vld [tilespmem:s26+$0x100];
	_ =	sdelay $0x4  }
0xab: {  	v0 =	vadd.f32 v0, v1;
	_ =	sdelay $0x1  }
0xac: {  	v1 =	vmul.f32 $2.000000030e-01, v0;
	_ =	sdelay $0x1  }
0xad: {  	v0 =	vmax.f32 v0, v1  }
0xae: {  	v0 =	vmul.f32 $1.442695020e+00, v0;
	_ =	sdelay $0x1  }
0xaf: {  	(erf) = vpow2.f32 v0;
	_ =	sdelay $0x8  }
0xb0: {  	s28 =	sadd.s32 $0x10, s28;
	v0 =	vpop (erf)  }
0xb1: {  	s25 =	sshll.u32 s25, $0x1;
	[tilespmem:s28+$0x0] =	vst v0  }
0xb2: {  	s25 =	sadd.s32 s9, s25;
	[tilespmem:s26+$0x6700] =	vst v0  }
0xb3: {  	[hbm4b:s25+s4] =	stream.linear.scatter [tilespmem:s21], [sflag:$0x3], $0x600, $0x38;
	[tilespmem:$0x1E700] =	vst v63  }
0xb4: {  	s23 =	sadd.s32 $0x1, s23;
	_ =	swait.ge [sflag:s13], $0x600  }
0xb5: {  	p0 =	sne.s32 s23, $0x6C;
	[sflag:s13] =	ssyncset.done $0x0  }
.Ltmp1:
0xb6: {  	[sflag:s13] =	ssyncadd.s32 $0xFFFFFA00;
	(pc) =	sbr.rel @p0 .LBB2_2-.Ltmp1, $4  }
0xb7: {  	[spmem:s3] =	stream.indirect.scatter.add.f32 [tilespmem:s14], [sflag:$0x3], $0x80, s15, s16, $0xb8;
	[tilespmem:$0x1E700] =	vst v63  }
0xb8: {  	_ =	swait.ge [sflag:s13], $0x3000  }
0xb9: {  	[sflag:s13] =	ssyncset.done $0x0  }
0xba: {  	[sflag:s13] =	ssyncadd.s32 $0xFFFFD000  }
0xbb: {  	[bflag:$0x0] =	sbarrier.arrive $0xFFFF  }
0xbc: {  	[tilespmem:s12], [sflag:$0x3] =	stream.linear.gather [spmem:s10], $0x1000, $0x38;
	[tilespmem:$0x1E700] =	vst v63  }
0xbd: {  	_ =	swait.ge [sflag:s13], $0x1000  }
0xbe: {  	[sflag:s13] =	ssyncset.done $0x0  }
0xbf: {  	s23 =	sadd.s32 $0x0, s24;
	[sflag:s13] =	ssyncadd.s32 $0xFFFFF000  }
0xc0: {  	[hbm4b:s23+s4] =	stream.linear.scatter [tilespmem:s12], [sflag:$0x3], $0x1000, $0x38;
	[tilespmem:$0x1E700] =	vst v63  }
0xc1: {  	_ =	swait.ge [sflag:s13], $0x1000  }
0xc2: {  	s25 =	smov.u32 s10;
	s23 =	simm.s32 $0x200;
	[sflag:s13] =	ssyncset.done $0x0  }
.LBB2_6:
0xc3: {  	p0 =	sne.s32 s23, $0x2600;
	[sflag:s13] =	ssyncadd.s32 $0xFFFFF000;
	s25 =	sadd.s32 $0x1000, s25  }
0xc4: {  	[tilespmem:s12], [sflag:$0x3] =	stream.linear.gather [spmem:s25], $0x1000, $0x38;
	[tilespmem:$0x1E700] =	vst v63  }
0xc5: {  	s26 =	smov.u32 s23;
	s23 =	sadd.s32 $0x200, s23;
	_ =	swait.ge [sflag:s13], $0x1000  }
.Ltmp2:
0xc6: {  	[sflag:s13] =	ssyncset.done $0x0;
	(pc) =	sbr.rel @p0 .LBB2_6-.Ltmp2, $4  }
0xc7: {  	s26 =	sadd.s32 s26, s24;
	[sflag:s13] =	ssyncadd.s32 $0xFFFFF000  }
0xc8: {  	[hbm4b:s26+s4] =	stream.linear.scatter [tilespmem:s12], [sflag:$0x3], $0x1000, $0x38;
	[tilespmem:$0x1E700] =	vst v63  }
0xc9: {  	_ =	swait.ge [sflag:s13], $0x1000  }
0xca: {  	[sflag:s13] =	ssyncset.done $0x0  }
0xcb: {  	s22 =	sadd.s32 $0x1, s22;
	s23 =	rddreg [dreg:$0x6]  }
0xcc: {  	p0 =	sne.s32 s22, s23  }
.Ltmp3:
0xcd: {  	_ = 	snop;
	(pc) =	sbr.rel @p0 .LBB2_1-.Ltmp3, $2  }
0xce: {  	_ =	sdelay $0x2  }
0xcf: {  	[sflag:s13] =	ssyncadd.s32 $0xFFFFF000  }
0xd0: {  	_ =	sfence.sel $0x180000  }
0xd1: {  	[bflag:$0x0] =	sbarrier.arrive $0xFFFF  }
0xd2: {  	_ =	strace $0x90000047  }
0xd3: {  	s0 =	stileid.u32;
	[bflag:$0x2] =	sbarrier.arrive $0xFFFF  }
0xd4: {  	p0 =	sne.s32 s0, $0x0;
	s0 =	rddreg [dreg:$0x5]  }
0xd5: {  	s0 =	sadd.s32 @!p0 $0x100000, s0  }
0xd6: {  	[sflag:s0] =	ssyncadd.tile.s32 @!p0 $0x1;
	_ =	shalt  }
.Lfunc_end2:
_tile_overlayer_lowered:
.L_overlay_start_2:
0xd7: {  	(tag) =	ssettag $0x2  }
0xd8: {  	s0 =	rddreg [dreg:$0x0];
	s2 =	stileid.u32  }
0xd9: {  	s1 =	rddreg [dreg:$0x1];
	p0 =	sne.s32 s2, $0x0  }
0xda: {  	s3 =	rddreg [dreg:$0x2];
	[bflag:$0x3] =	sbarrier.arrive $0xFFFF;
	s2 =	simm.s32 @!p0 $0x1C03  }
0xdb: {  	[timem:s3], [sflag:s2] =	dma.local @!p0 [hbm:s0], s1  }
0xdc: {  	s0 =	simm.s32 @!p0 $0x3  }
0xdd: {  	_ =	swait.ge @!p0 [sflag:s0], s1  }
0xde: {  	s1 =	ssub.s32 @!p0 $0x0, s1;
	[sflag:s0] =	ssyncset.done @!p0 $0x0  }
0xdf: {  	[sflag:s0] =	ssyncadd.s32 @!p0 s1  }
0xe0: {  	[bflag:$0x3] =	sbarrier.arrive $0xFFFF  }
0xe1: {  	_ =	shalt  }

// kernel: kernel.15.cloned.1.call-start
scs
__scs_entry_jumppad:
0x0: {  	(pc) =	sbr.rel $0x88, $3  }
0x1: {  	(tag) =	ssettag $0x0;
	lr =	simm.s32 $0x1  }
0x2: {  	[smem:$0x3F95] =	sst lr;
	_ =	strace $0xD0000000  }
0x3: {  	_ = 	snop  }
0x4: {  	_ = 	snop  }
0x5: {  	_ = 	snop  }
0x6: {  	_ = 	snop  }
0x7: {  	_ = 	snop  }
__scs_overlays_trampoline_lowered:
0x8: {  	[smem:$0x3FA4] =	sst s0  }
0x9: {  	[smem:$0x3FA5] =	sst s1  }
0xa: {  	[smem:$0x3FA6] =	sst s2  }
0xb: {  	[smem:$0x3FA7] =	sst s3  }
0xc: {  	[smem:$0x3FA8] =	sst s4  }
0xd: {  	[smem:$0x3FA9] =	sst s5  }
0xe: {  	[smem:$0x3FAA] =	sst s6  }
0xf: {  	[smem:$0x3FAB] =	sst s7  }
0x10: {  	[smem:$0x3FAC] =	sst s8  }
0x11: {  	[smem:$0x3FAD] =	sst s9;
	s0 =	simm.s32 @!p0 $0x0  }
0x12: {  	s1 =	sld [smem:$0x3F93];
	s0 =	simm.s32 @p0 $0x1  }
0x13: {  	[smem:$0x3FAE] =	sst s0;
	s0 =	simm.s32 @!p1 $0x0  }
0x14: {  	s2 =	sld [smem:$0x3F92];
	s0 =	simm.s32 @p1 $0x1  }
0x15: {  	[smem:$0x3FAF] =	sst s0;
	s0 =	simm.s32 @!p2 $0x0  }
0x16: {  	s3 =	sld [smem:$0x3FDB];
	s0 =	simm.s32 @p2 $0x1  }
0x17: {  	s4 =	simm.s32 $0x1BF5;
	[smem:$0x3FB1] =	sst s0  }
0x18: {  	s0 =	sld [smem:$0x3F94];
	_ =	swait.ge [sflag:s4], $0x0  }
0x19: {  	s7 =	sld [smem:$0x3F95]  }
0x1a: {  	s8 =	sadd.s32 $0xFFFFE003, lr  }
0x1b: {  	s9 =	sadd.s32 $0xFFFFFEF7, lr;
	s5 =	simm.s32 $0xFFFFFFFF;
	p2 =	slt.u32 s8, $0xFFFFF086  }
0x1c: {  	p1 =	slt.u32 s9, $0xF7A;
	s5 =	simm.s32 @!p2 $0x0  }
0x1d: {  	s5 =	simm.s32 @p1 $0x1;
	p0 =	seq.s32 s7, s2  }
0x1e: {  	s7 =	smul.u32 @!p0 $0xF7A, s2;
	p2 =	seq.s32 @!p0 s5, $0x0  }
0x1f: {  	s9 =	smul.u32 $0xF7A, s1;
	s8 =	simm.s32 @!p0 $0x1BF5;
	p2 =	por !p2, p0  }
0x20: {  	[sflag:s8] =	ssyncset.s32 @!p0 $0xFFFFF086;
	s6 =	sadd.s32 @!p0 s3, s7;
	s7 =	simm.s32 @!p0 $0x108  }
0x21: {  	s3 =	sadd.s32 s3, s9;
	s6 =	sadd.s32 @!p0 $0x88, s6;
	s7 =	simm.s32 @p2 $0x1082  }
0x22: {  	[simem:s7], [sflag:s8] =	dma.local @!p0 [hbm:s6], $0xF7A  }
0x23: {  	s9 =	sor.u32 $0xD0000000, s2;
	s6 =	simm.s32 $0x108;
	_ =	swait.ge @!p0 [sflag:s8], $0x0  }
0x24: {  	s3 =	sadd.s32 $0x88, s3;
	s6 =	simm.s32 @!p1 $0x1082;
	[sflag:s4] =	ssyncset.s32 $0xFFFFF086  }
0x25: {  	[simem:s6], [sflag:s4] =	dma.local [hbm:s3], $0xF7A  }
0x26: {  	[smem:$0x3F95] =	sst s1;
	(tag) =	ssettag s2;
	_ =	strace s9  }
0x27: {  	s1 =	sld [smem:$0x3FA5]  }
0x28: {  	s2 =	sld [smem:$0x3FA6]  }
0x29: {  	s4 =	sld [smem:$0x3FA8]  }
0x2a: {  	p0 =	seq.s32 s5, $0x0;
	s5 =	sld [smem:$0x3FA9]  }
0x2b: {  	s6 =	sld [smem:$0x3FAA]  }
0x2c: {  	s7 =	sld [smem:$0x3FAB]  }
0x2d: {  	s3 =	simm.s32 $0x108;
	s8 =	sld [smem:$0x3FAC]  }
0x2e: {  	s3 =	simm.s32 @!p0 $0x1082;
	s9 =	sld [smem:$0x3FAD]  }
0x2f: {  	lr =	sadd.s32 s0, s3;
	s0 =	sld [smem:$0x3FA4]  }
0x30: {  	s3 =	sld [smem:$0x3FA7]  }
0x31: {  	[smem:$0x3FB0] =	sst s10  }
0x32: {  	s10 =	sld [smem:$0x3FAE];
	_ =	sdelay $0x3  }
0x33: {  	p0 =	seq.s32 s10, $0x1;
	s10 =	sld [smem:$0x3FB0];
	_ =	sdelay $0x3  }
0x34: {  	[smem:$0x3FB0] =	sst s10  }
0x35: {  	s10 =	sld [smem:$0x3FAF];
	_ =	sdelay $0x3  }
0x36: {  	p1 =	seq.s32 s10, $0x1;
	s10 =	sld [smem:$0x3FB0];
	_ =	sdelay $0x3  }
0x37: {  	[smem:$0x3FB0] =	sst s10  }
0x38: {  	s10 =	sld [smem:$0x3FB1]  }
0x39: {  	_ = 	snop;
	(pc) =	sbr.ind lr, $3  }
0x3a: {  	_ = 	snop  }
0x3b: {  	_ = 	snop  }
0x3c: {  	p2 =	seq.s32 s10, $0x1;
	s10 =	sld [smem:$0x3FB0]  }
0x3d: {  	_ =	shalt  }
0x3e: {  	_ =	shalt  }
0x3f: {  	_ =	shalt  }
0x40: {  	_ =	shalt  }
0x41: {  	_ =	shalt  }
0x42: {  	_ =	shalt  }
0x43: {  	_ =	shalt  }
0x44: {  	_ =	shalt  }
0x45: {  	_ =	shalt  }
0x46: {  	_ =	shalt  }
0x47: {  	_ =	shalt  }
0x48: {  	_ =	shalt  }
0x49: {  	_ =	shalt  }
0x4a: {  	_ =	shalt  }
0x4b: {  	_ =	shalt  }
0x4c: {  	_ =	shalt  }
0x4d: {  	_ =	shalt  }
0x4e: {  	_ =	shalt  }
0x4f: {  	_ =	shalt  }
0x50: {  	_ =	shalt  }
0x51: {  	_ =	shalt  }
0x52: {  	_ =	shalt  }
0x53: {  	_ =	shalt  }
0x54: {  	_ =	shalt  }
0x55: {  	_ =	shalt  }
0x56: {  	_ =	shalt  }
0x57: {  	_ =	shalt  }
0x58: {  	_ =	shalt  }
0x59: {  	_ =	shalt  }
0x5a: {  	_ =	shalt  }
0x5b: {  	_ =	shalt  }
0x5c: {  	_ =	shalt  }
0x5d: {  	_ =	shalt  }
0x5e: {  	_ =	shalt  }
0x5f: {  	_ =	shalt  }
0x60: {  	_ =	shalt  }
0x61: {  	_ =	shalt  }
0x62: {  	_ =	shalt  }
0x63: {  	_ =	shalt  }
0x64: {  	_ =	shalt  }
0x65: {  	_ =	shalt  }
0x66: {  	_ =	shalt  }
0x67: {  	_ =	shalt  }
0x68: {  	_ =	shalt  }
0x69: {  	_ =	shalt  }
0x6a: {  	_ =	shalt  }
0x6b: {  	_ =	shalt  }
0x6c: {  	_ =	shalt  }
0x6d: {  	_ =	shalt  }
0x6e: {  	_ =	shalt  }
0x6f: {  	_ =	shalt  }
0x70: {  	_ =	shalt  }
0x71: {  	_ =	shalt  }
0x72: {  	_ =	shalt  }
0x73: {  	_ =	shalt  }
0x74: {  	_ =	shalt  }
0x75: {  	_ =	shalt  }
0x76: {  	_ =	shalt  }
0x77: {  	_ =	shalt  }
0x78: {  	_ =	shalt  }
0x79: {  	_ =	shalt  }
0x7a: {  	_ =	shalt  }
0x7b: {  	_ =	shalt  }
0x7c: {  	_ =	shalt  }
0x7d: {  	_ =	shalt  }
0x7e: {  	_ =	shalt  }
0x7f: {  	_ =	shalt  }
0x80: {  	_ =	shalt  }
0x81: {  	_ =	shalt  }
0x82: {  	_ =	shalt  }
0x83: {  	_ =	shalt  }
0x84: {  	_ =	shalt  }
0x85: {  	_ =	shalt  }
0x86: {  	_ =	shalt  }
0x87: {  	_ =	shalt  }
.Lfunc_end0:
.L_simem_size_0:
called_computation.1_lowered:
.L_overlay_start_0:
0x88: {  	s2 =	sld [smem:$0x3FD9]  }
0x89: {  	s3 =	sld [smem:$0x3FFE];
	_ =	sdelay $0x1  }
0x8a: {  	s1 =	srdreg.scid  }
0x8b: {  	s0 =	sand.u32 $0x1, s1  }
0x8c: {  	s14 =	sshll.u32 s0, $0xA;
	s2 =	sadd.s32 s3, s2  }
0x8d: {  	s2 =	sadd.s32 s2, s14  }
0x8e: {  	[smem:$0x3FBC] =	sst s2  }
0x8f: {  	_ = 	snop  }
0x90: {  	s2 =	sld [smem:$0x3FD0];
	_ =	sdelay $0x2  }
0x91: {  	s15 =	simm.s32 $0xA;
	s4 =	simm.s32 $0x10  }
0x92: {  	[smem:s4], [sflag:s15] =	dma.local [hbm:s2], $0x1  }
0x93: {  	_ =	swait.eq [sflag:s15], $0x1  }
0x94: {  	s16 =	sld [smem:$0x10];
	[sflag:s15] =	ssyncset.done $0x0  }
0x95: {  	s17 =	sld [smem:$0x11];
	[sflag:s15] =	ssyncadd.s32 $0xFFFFFFFF  }
0x96: {  	s18 =	sld [smem:$0x12];
	(tm) =	ssettm $0x1  }
0x97: {  	s5 =	sld [smem:$0x3FFB];
	_ =	sdelay $0x3  }
0x98: {  	_ =	strace s5  }
0x99: {  	s5 =	sld [smem:$0x3FFC];
	_ =	sdelay $0x3  }
0x9a: {  	_ =	strace s5  }
0x9b: {  	s5 =	sld [smem:$0x3FFD];
	_ =	sdelay $0x3  }
0x9c: {  	_ =	strace s5  }
0x9d: {  	_ =	strace $0x8FFFFFFF  }
0x9e: {  	s19 =	sld [smem:$0x3FDB];
	_ =	sdelay $0x1  }
0x9f: {  	s6 =	simm.s32 $_scs_section_size  }
0xa0: {  	s7 =	simm.s32 $_size__tile_overlayer_lowered;
	s8 =	simm.s32 $_tile_overlayer_lowered  }
0xa1: {  	s22 =	simm.s32 $0x1BFF;
	s21 =	sshll.u32 s8, $0x1;
	s5 =	sadd.s32 s6, s19  }
0xa2: {  	s9 =	simm.s32 $0x0;
	s20 =	sshll.u32 s7, $0x1;
	s7 =	sadd.s32 s21, s5  }
0xa3: {  	[timem:s9], [sflag:s22] =	dma.local [hbm:s7], s20  }
0xa4: {  	_ =	swait.ge [sflag:s22], s20  }
0xa5: {  	s6 =	ssub.s32 $0x0, s20;
	[sflag:s22] =	ssyncset.done $0x0  }
0xa6: {  	[sflag:s22] =	ssyncadd.s32 s6;
	_ =	sdelay $0x1  }
0xa7: {  	s23 =	simm.s32 $0x1B8B  }
0xa8: {  	_ =	swait.ge [sflag:s23], $0x1  }
0xa9: {  	[sflag:s23] =	ssyncset.done $0x0  }
0xaa: {  	s25 =	simm.s32 $0x1B8E;
	s24 =	sld [smem:$0x3FFE];
	[sflag:s23] =	ssyncadd.s32 $0xFFFFFFFF  }
0xab: {  	s26 =	simm.s32 $execute0_lowered;
	[smem:$0x3FD2] =	sst s25  }
0xac: {  	s7 =	sshll.u32 s26, $0x1;
	_ =	strace $0x80000049;
	[dreg:$0x1] =	wrdreg $0xFFFFFFFF  }
0xad: {  	s28 =	simm.s32 $_size_execute0_lowered;
	s5 =	sadd.s32 s5, s7;
	[dreg:$0x0] =	wrdreg $0x0  }
0xae: {  	s7 =	sshll.u32 s28, $0x1;
	[dreg:$0x2] =	wrdreg s5  }
0xaf: {  	[dreg:$0x3] =	wrdreg s7  }
0xb0: {  	[dreg:$0x4] =	wrdreg $0xC0  }
0xb1: {  	_ =	task [dreg:s9], $0x5FFFF  }
0xb2: {  	[dreg:$0x1] =	wrdreg $0xFFFFFFFF  }
0xb3: {  	[dreg:$0x0] =	wrdreg $0x60  }
0xb4: {  	[dreg:$0x2] =	wrdreg s18  }
0xb5: {  	[dreg:$0x3] =	wrdreg s24  }
0xb6: {  	[dreg:$0x4] =	wrdreg s17  }
0xb7: {  	[dreg:$0x5] =	wrdreg s16  }
0xb8: {  	[dreg:$0x6] =	wrdreg $0xAC000  }
0xb9: {  	[dreg:$0x7] =	wrdreg $0x9  }
0xba: {  	_ =	task.clear_ibuf [dreg:s9], $0x8FFFF;
	_ =	strace $0x90000049  }
0xbb: {  	s29 =	simm.s32 $0x9;
	_ =	strace $0x8000004B  }
0xbc: {  	_ =	swait.ge [sflag:s29], $0x1  }
0xbd: {  	[sflag:s29] =	ssyncadd.s32 $0xFFFFFFFF  }
0xbe: {  	_ =	strace $0x9000004B  }
0xbf: {  	_ =	sfence  }
0xc0: {  	s30 =	sld [smem:$0x0];
	_ =	sdelay $0x2  }
0xc1: {  	s31 =	sshll.u32 s1, $0xD;
	s1 =	sshrl.u32 s1, $0x2  }
0xc2: {  	s3 =	sand.u32 $0x4000, s31;
	s1 =	sadd.s32 s1, s30  }
0xc3: {  	s0 =	sor.u32 s3, s0;
	s1 =	sshll.u32 s1, $0x11  }
0xc4: {  	s0 =	sor.u32 s1, s0  }
0xc5: {  	s0 =	sadd.s32 $0x8F2B, s0  }
0xc6: {  	[sflag:s0] =	ssyncadd.remote.s32 $0x1  }
0xc7: {  	_ =	sfence.sel $0xFFFF  }
0xc8: {  	[dreg:$0x0] =	wrdreg $0xFFFFFFFF;
	(pc) =	sbr.abs _section_cstart, $3  }
0xc9: {  	[dreg:$0x1] =	wrdreg $0xFFFFFFFF  }
0xca: {  	_ =	task.clear_ibuf [dreg:s9], $0x2FFFF;
	_ =	strace $0x9FFFFFFF  }
0xcb: {  	(tm) =	ssettm $0x7FFFFFFF  }
tec
execute0_lowered:
.L_overlay_start_1:
0x0: {  	(tag) =	ssettag $0x1  }
0x1: {  	s31 =	rddreg [dreg:$0x0]  }
0x2: {  	s0 =	rddreg [dreg:$0x1]  }
0x3: {  	s1 =	rddreg [dreg:$0x3]  }
0x4: {  	s9 =	rddreg [dreg:$0x4]  }
0x5: {  	s2 =	srdreg.scid;
	s13 =	stileid.u32  }
0x6: {  	s5 =	simm.s32 $0x0;
	s2 =	sand.u32 $0x1, s2;
	s3 =	sshll.u32 s13, $0x1  }
0x7: {  	[smem:$0x7FF] =	sst s5;
	s4 =	smul.u32 $0x50000, s13;
	s3 =	sor.u32 s2, s3  }
0x8: {  	s8 =	sadd.s32 $0x19E000, s0;
	_ =	strace $0x8000004A;
	s17 =	smul.u32 $0x2880, s3  }
0x9: {  	s11 =	ssub.s32 $0x2, s2;
	s4 =	sshrl.u32 s4, $0x2;
	s3 =	smul.u32 $0x5100, s3  }
0xa: {  	s12 =	sshrl.u32 s11, $0x1;
	s18 =	sadd.s32 s4, s9;
	[dreg:$0x6] =	wrdreg s17  }
0xb: {  	s11 =	ssub.s32 s11, s12;
	s12 =	sadd.s32 s8, s3;
	[dreg:$0x7] =	wrdreg s18  }
0xc: {  	s19 =	sor.u32 $0x20, s17;
	[dreg:$0xa] =	wrdreg s12  }
0xd: {  	s6 =	sadd.s32 $0x3E00, s0;
	s21 =	smax.u32 s11, $0x1;
	[dreg:$0xb] =	wrdreg s19  }
0xe: {  	s7 =	sadd.s32 $0xE000, s0;
	s22 =	sadd.s32 $0x1000, s18;
	[dreg:$0xc] =	wrdreg s21  }
0xf: {  	s10 =	sadd.s32 $0x14E000, s0;
	s24 =	sadd.s32 $0x2000, s18;
	[dreg:$0xd] =	wrdreg s22  }
0x10: {  	s20 =	smul.u32 $0x28000, s2;
	s2 =	sadd.s32 $0x5000, s18;
	[dreg:$0xe] =	wrdreg s24  }
0x11: {  	s14 =	sadd.s32 $0xE100, s0;
	s3 =	sadd.s32 $0x6000, s18;
	[dreg:$0x11] =	wrdreg s2  }
0x12: {  	s15 =	sadd.s32 $0xE200, s0;
	s9 =	sadd.s32 $0x8000, s18;
	[dreg:$0x12] =	wrdreg s3  }
0x13: {  	s16 =	sadd.s32 $0xE300, s0;
	s11 =	sadd.s32 $0x9000, s18;
	[dreg:$0x14] =	wrdreg s9  }
0x14: {  	s23 =	smul.u32 $0x2800, s13;
	s13 =	sadd.s32 $0xB000, s18;
	[dreg:$0x15] =	wrdreg s11  }
0x15: {  	s25 =	sshrl.u32 s17, $0x3;
	s17 =	sadd.s32 $0xC000, s18;
	[dreg:$0x17] =	wrdreg s13  }
0x16: {  	s0 =	sadd.s32 s20, s1;
	s20 =	sadd.s32 $0xE000, s18;
	[dreg:$0x18] =	wrdreg s17  }
0x17: {  	s26 =	sadd.s32 s31, s25;
	[dreg:$0x1a] =	wrdreg s20  }
0x18: {  	s28 =	simm.s32 $0x1;
	s4 =	sadd.s32 s6, s25;
	[dreg:$0x8] =	wrdreg s26  }
0x19: {  	s29 =	simm.s32 $0x3;
	s25 =	sadd.s32 $0x3000, s18;
	[dreg:$0x9] =	wrdreg s4  }
0x1a: {  	s30 =	simm.s32 $0x5;
	s12 =	sadd.s32 $0xA000, s18;
	[dreg:$0xf] =	wrdreg s25  }
0x1b: {  	s24 =	sadd.s32 s23, s0;
	s19 =	sadd.s32 $0xD000, s18;
	[dreg:$0x16] =	wrdreg s12  }
0x1c: {  	s21 =	sadd.s32 $0xF000, s18;
	s22 =	sadd.s32 $0x10000, s18;
	[dreg:$0x19] =	wrdreg s19  }
0x1d: {  	s23 =	sadd.s32 $0x11000, s18;
	s0 =	simm.s32 $0x180;
	[dreg:$0x1b] =	wrdreg s21  }
0x1e: {  	s2 =	simm.s32 $0x2;
	s13 =	simm.s32 $0x6;
	[dreg:$0x1c] =	wrdreg s22  }
0x1f: {  	s3 =	simm.s32 $0x0;
	s26 =	sadd.s32 $0x4000, s18;
	[dreg:$0x1d] =	wrdreg s23  }
0x20: {  	s4 =	sadd.s32 $0x7000, s18;
	s25 =	sadd.s32 $0x12000, s18;
	[dreg:$0x10] =	wrdreg s26  }
0x21: {  	v2 =	vlaneseq.u32;
	s22 =	simm.s32 $0x9C00;
	s23 =	simm.s32 $0x7;
	[dreg:$0x13] =	wrdreg s4  }
0x22: {  	vm0 =	vmmov $0xffff;
	v1 =	vshrl.u32 v2, $0x3;
	s12 =	simm.s32 $0x4;
	[dreg:$0x1e] =	wrdreg s25;
	s26 =	sadd.s32 $0x13000, s18  }
0x23: {  	v0 =	vand.u32 $0x7, v2;
	v2 =	vor.u32 $0x8, v2;
	v1 =	vmul.u32 $0x8, v1;
	s4 =	simm.s32 $0x9400;
	[dreg:$0x1f] =	wrdreg s26;
	s26 =	simm.s32 $0x10  }
.LBB2_1:
0x24: {  	[smem:$0x7FD] =	sst s3  }
0x25: {  	s1 =	rddreg [dreg:$0x2]  }
0x26: {  	[tilespmem:s22], [sflag:$0x7] =	stream.linear.gather [hbm4b:s1+s5], $0x1000, $0x38;
	[tilespmem:$0x1EC00] =	vst v63  }
0x27: {  	_ =	swait.ge [sflag:s23], $0x1000  }
0x28: {  	[sflag:s23] =	ssyncset.done $0x0  }
0x29: {  	[sflag:s23] =	ssyncadd.s32 $0xFFFFF000  }
0x2a: {  	[spmem:s18] =	stream.linear.scatter [tilespmem:s22], [sflag:$0x7], $0x1000, $0x38;
	[tilespmem:$0x1EC00] =	vst v63  }
0x2b: {  	_ =	swait.ge [sflag:s23], $0x1000  }
0x2c: {  	[sflag:s23] =	ssyncset.done $0x0  }
0x2d: {  	s17 =	rddreg [dreg:$0xd];
	[sflag:s23] =	ssyncadd.s32 $0xFFFFF000  }
0x2e: {  	[spmem:s17] =	stream.linear.scatter [tilespmem:s22], [sflag:$0x7], $0x1000, $0x38;
	[tilespmem:$0x1EC00] =	vst v63  }
0x2f: {  	_ =	swait.ge [sflag:s23], $0x1000  }
0x30: {  	[sflag:s23] =	ssyncset.done $0x0  }
0x31: {  	s18 =	rddreg [dreg:$0xe];
	[sflag:s23] =	ssyncadd.s32 $0xFFFFF000  }
0x32: {  	[spmem:s18] =	stream.linear.scatter [tilespmem:s22], [sflag:$0x7], $0x1000, $0x38;
	[tilespmem:$0x1EC00] =	vst v63  }
0x33: {  	_ =	swait.ge [sflag:s23], $0x1000  }
0x34: {  	[sflag:s23] =	ssyncset.done $0x0  }
0x35: {  	s19 =	rddreg [dreg:$0xf];
	[sflag:s23] =	ssyncadd.s32 $0xFFFFF000  }
0x36: {  	[spmem:s19] =	stream.linear.scatter [tilespmem:s22], [sflag:$0x7], $0x1000, $0x38;
	[tilespmem:$0x1EC00] =	vst v63  }
0x37: {  	_ =	swait.ge [sflag:s23], $0x1000  }
0x38: {  	[sflag:s23] =	ssyncset.done $0x0  }
0x39: {  	s20 =	rddreg [dreg:$0x10];
	[sflag:s23] =	ssyncadd.s32 $0xFFFFF000  }
0x3a: {  	[spmem:s20] =	stream.linear.scatter [tilespmem:s22], [sflag:$0x7], $0x1000, $0x38;
	[tilespmem:$0x1EC00] =	vst v63  }
0x3b: {  	_ =	swait.ge [sflag:s23], $0x1000  }
0x3c: {  	[sflag:s23] =	ssyncset.done $0x0  }
0x3d: {  	s21 =	rddreg [dreg:$0x11];
	[sflag:s23] =	ssyncadd.s32 $0xFFFFF000  }
0x3e: {  	[spmem:s21] =	stream.linear.scatter [tilespmem:s22], [sflag:$0x7], $0x1000, $0x38;
	[tilespmem:$0x1EC00] =	vst v63  }
0x3f: {  	_ =	swait.ge [sflag:s23], $0x1000  }
0x40: {  	[sflag:s23] =	ssyncset.done $0x0  }
0x41: {  	s25 =	rddreg [dreg:$0x12];
	[sflag:s23] =	ssyncadd.s32 $0xFFFFF000  }
0x42: {  	[spmem:s25] =	stream.linear.scatter [tilespmem:s22], [sflag:$0x7], $0x1000, $0x38;
	[tilespmem:$0x1EC00] =	vst v63  }
0x43: {  	_ =	swait.ge [sflag:s23], $0x1000  }
0x44: {  	[sflag:s23] =	ssyncset.done $0x0  }
0x45: {  	s3 =	rddreg [dreg:$0x13];
	[sflag:s23] =	ssyncadd.s32 $0xFFFFF000  }
0x46: {  	[spmem:s3] =	stream.linear.scatter [tilespmem:s22], [sflag:$0x7], $0x1000, $0x38;
	[tilespmem:$0x1EC00] =	vst v63  }
0x47: {  	_ =	swait.ge [sflag:s23], $0x1000  }
0x48: {  	[sflag:s23] =	ssyncset.done $0x0  }
0x49: {  	s9 =	rddreg [dreg:$0x14];
	[sflag:s23] =	ssyncadd.s32 $0xFFFFF000  }
0x4a: {  	[spmem:s9] =	stream.linear.scatter [tilespmem:s22], [sflag:$0x7], $0x1000, $0x38;
	[tilespmem:$0x1EC00] =	vst v63  }
0x4b: {  	_ =	swait.ge [sflag:s23], $0x1000  }
0x4c: {  	[sflag:s23] =	ssyncset.done $0x0  }
0x4d: {  	s11 =	rddreg [dreg:$0x15];
	[sflag:s23] =	ssyncadd.s32 $0xFFFFF000  }
0x4e: {  	[spmem:s11] =	stream.linear.scatter [tilespmem:s22], [sflag:$0x7], $0x1000, $0x38;
	[tilespmem:$0x1EC00] =	vst v63  }
0x4f: {  	_ =	swait.ge [sflag:s23], $0x1000  }
0x50: {  	[sflag:s23] =	ssyncset.done $0x0  }
0x51: {  	s17 =	rddreg [dreg:$0x16];
	[sflag:s23] =	ssyncadd.s32 $0xFFFFF000  }
0x52: {  	[spmem:s17] =	stream.linear.scatter [tilespmem:s22], [sflag:$0x7], $0x1000, $0x38;
	[tilespmem:$0x1EC00] =	vst v63  }
0x53: {  	_ =	swait.ge [sflag:s23], $0x1000  }
0x54: {  	[sflag:s23] =	ssyncset.done $0x0  }
0x55: {  	s18 =	rddreg [dreg:$0x17];
	[sflag:s23] =	ssyncadd.s32 $0xFFFFF000  }
0x56: {  	[spmem:s18] =	stream.linear.scatter [tilespmem:s22], [sflag:$0x7], $0x1000, $0x38;
	[tilespmem:$0x1EC00] =	vst v63  }
0x57: {  	_ =	swait.ge [sflag:s23], $0x1000  }
0x58: {  	[sflag:s23] =	ssyncset.done $0x0  }
0x59: {  	s19 =	rddreg [dreg:$0x18];
	[sflag:s23] =	ssyncadd.s32 $0xFFFFF000  }
0x5a: {  	[spmem:s19] =	stream.linear.scatter [tilespmem:s22], [sflag:$0x7], $0x1000, $0x38;
	[tilespmem:$0x1EC00] =	vst v63  }
0x5b: {  	_ =	swait.ge [sflag:s23], $0x1000  }
0x5c: {  	[sflag:s23] =	ssyncset.done $0x0  }
0x5d: {  	s20 =	rddreg [dreg:$0x19];
	[sflag:s23] =	ssyncadd.s32 $0xFFFFF000  }
0x5e: {  	[spmem:s20] =	stream.linear.scatter [tilespmem:s22], [sflag:$0x7], $0x1000, $0x38;
	[tilespmem:$0x1EC00] =	vst v63  }
0x5f: {  	_ =	swait.ge [sflag:s23], $0x1000  }
0x60: {  	[sflag:s23] =	ssyncset.done $0x0  }
0x61: {  	s21 =	rddreg [dreg:$0x1a];
	[sflag:s23] =	ssyncadd.s32 $0xFFFFF000  }
0x62: {  	[spmem:s21] =	stream.linear.scatter [tilespmem:s22], [sflag:$0x7], $0x1000, $0x38;
	[tilespmem:$0x1EC00] =	vst v63  }
0x63: {  	_ =	swait.ge [sflag:s23], $0x1000  }
0x64: {  	[sflag:s23] =	ssyncset.done $0x0  }
0x65: {  	s25 =	rddreg [dreg:$0x1b];
	[sflag:s23] =	ssyncadd.s32 $0xFFFFF000  }
0x66: {  	[spmem:s25] =	stream.linear.scatter [tilespmem:s22], [sflag:$0x7], $0x1000, $0x38;
	[tilespmem:$0x1EC00] =	vst v63  }
0x67: {  	_ =	swait.ge [sflag:s23], $0x1000  }
0x68: {  	[sflag:s23] =	ssyncset.done $0x0  }
0x69: {  	s3 =	rddreg [dreg:$0x1c];
	[sflag:s23] =	ssyncadd.s32 $0xFFFFF000  }
0x6a: {  	[spmem:s3] =	stream.linear.scatter [tilespmem:s22], [sflag:$0x7], $0x1000, $0x38;
	[tilespmem:$0x1EC00] =	vst v63  }
0x6b: {  	_ =	swait.ge [sflag:s23], $0x1000  }
0x6c: {  	[sflag:s23] =	ssyncset.done $0x0  }
0x6d: {  	s9 =	rddreg [dreg:$0x1d];
	[sflag:s23] =	ssyncadd.s32 $0xFFFFF000  }
0x6e: {  	[spmem:s9] =	stream.linear.scatter [tilespmem:s22], [sflag:$0x7], $0x1000, $0x38;
	[tilespmem:$0x1EC00] =	vst v63  }
0x6f: {  	_ =	swait.ge [sflag:s23], $0x1000  }
0x70: {  	[sflag:s23] =	ssyncset.done $0x0  }
0x71: {  	s11 =	rddreg [dreg:$0x1e];
	[sflag:s23] =	ssyncadd.s32 $0xFFFFF000  }
0x72: {  	[spmem:s11] =	stream.linear.scatter [tilespmem:s22], [sflag:$0x7], $0x1000, $0x38;
	[tilespmem:$0x1EC00] =	vst v63  }
0x73: {  	_ =	swait.ge [sflag:s23], $0x1000  }
0x74: {  	[sflag:s23] =	ssyncset.done $0x0  }
0x75: {  	s17 =	rddreg [dreg:$0x1f];
	[sflag:s23] =	ssyncadd.s32 $0xFFFFF000  }
0x76: {  	[spmem:s17] =	stream.linear.scatter [tilespmem:s22], [sflag:$0x7], $0x1000, $0x38;
	[tilespmem:$0x1EC00] =	vst v63  }
0x77: {  	_ =	swait.ge [sflag:s23], $0x1000  }
0x78: {  	[sflag:s23] =	ssyncset.done $0x0  }
0x79: {  	[sflag:s23] =	ssyncadd.s32 $0xFFFFF000  }
0x7a: {  	[bflag:$0x0] =	sbarrier.arrive $0xFFFF  }
0x7b: {  	s18 =	rddreg [dreg:$0x8]  }
0x7c: {  	[tilespmem:s5], [sflag:$0x7] =	stream.linear.gather [hbm4b:s18+s5], $0x10, $0x38;
	[tilespmem:$0x1EC00] =	vst v63  }
0x7d: {  	_ =	swait.ge [sflag:s23], $0x10  }
0x7e: {  	[sflag:s23] =	ssyncset.done $0x0  }
0x7f: {  	s3 =	simm.s32 $0x100;
	s19 =	rddreg [dreg:$0x9];
	[sflag:s23] =	ssyncadd.s32 $0xFFFFFFF0  }
0x80: {  	[tilespmem:s3], [sflag:$0x7] =	stream.linear.gather [hbm4b:s19+s5], $0x10, $0x38;
	[tilespmem:$0x1EC00] =	vst v63  }
0x81: {  	_ =	swait.ge [sflag:s23], $0x10  }
0x82: {  	[sflag:s23] =	ssyncset.done $0x0  }
0x83: {  	[sflag:s23] =	ssyncadd.s32 $0xFFFFFFF0  }
0x84: {  	v3 =	vld [tilespmem:$0x0];
	_ =	sdelay $0x4  }
0x85: {  	v4 =	vshll.u32 v3, $0x3  }
0x86: {  	v3 =	vand.u32 $0x7, v3;
	v4 =	vand.u32 $0xFFFFFFC0, v4  }
0x87: {  	v3 =	vor.u32 v3, v4  }
0x88: {  	v4 =	vperm.xlane v3, v0;
	_ =	sdelay $0x1  }
0x89: {  	v4 =	vadd.s32 v1, v4;
	_ =	sdelay $0x3  }
0x8a: {  	s20 =	simm.s32 $0x200  }
0x8b: {  	[tilespmem:s20], [sflag:$0x1] =	stream.indirect_vreg.gather [hbm4b:s7+s5], $0x80, v4, vm0, $0xb8;
	[tilespmem:$0x1EC00] =	vst v63  }
0x8c: {  	s21 =	simm.s32 $0xA00;
	v3 =	vperm.xlane v3, v2  }
0x8d: {  	[tilespmem:s21], [sflag:$0x1] =	stream.indirect_vreg.gather [hbm4b:s14+s5], $0x80, v4, vm0, $0xb8;
	[tilespmem:$0x1EC00] =	vst v63  }
0x8e: {  	s25 =	simm.s32 $0x1200;
	v3 =	vadd.s32 v1, v3  }
0x8f: {  	[tilespmem:s25], [sflag:$0x1] =	stream.indirect_vreg.gather [hbm4b:s15+s5], $0x80, v4, vm0, $0xb8;
	[tilespmem:$0x1EC00] =	vst v63  }
0x90: {  	s9 =	simm.s32 $0x1A00  }
0x91: {  	[tilespmem:s9], [sflag:$0x1] =	stream.indirect_vreg.gather [hbm4b:s16+s5], $0x80, v4, vm0, $0xb8;
	[tilespmem:$0x1EC00] =	vst v63  }
0x92: {  	s11 =	simm.s32 $0x2200  }
0x93: {  	[tilespmem:s11], [sflag:$0x1] =	stream.indirect_vreg.gather [hbm4b:s7+s5], $0x80, v3, vm0, $0xb8;
	[tilespmem:$0x1EC00] =	vst v63  }
0x94: {  	s17 =	simm.s32 $0x2A00  }
0x95: {  	[tilespmem:s17], [sflag:$0x1] =	stream.indirect_vreg.gather [hbm4b:s14+s5], $0x80, v3, vm0, $0xb8;
	[tilespmem:$0x1EC00] =	vst v63  }
0x96: {  	s18 =	simm.s32 $0x3200  }
0x97: {  	[tilespmem:s18], [sflag:$0x1] =	stream.indirect_vreg.gather [hbm4b:s15+s5], $0x80, v3, vm0, $0xb8;
	[tilespmem:$0x1EC00] =	vst v63  }
0x98: {  	s19 =	simm.s32 $0x3A00  }
0x99: {  	[tilespmem:s19], [sflag:$0x1] =	stream.indirect_vreg.gather [hbm4b:s16+s5], $0x80, v3, vm0, $0xb8;
	[tilespmem:$0x1EC00] =	vst v63  }
0x9a: {  	s20 =	simm.s32 $0x8400  }
0x9b: {  	[tilespmem:s20], [sflag:$0x3] =	stream.indirect.gather [hbm4b:s10+s26], $0x80, s3, s26, $0xb8;
	[tilespmem:$0x1EC00] =	vst v63  }
0x9c: {  	s21 =	rddreg [dreg:$0xa];
	s25 =	simm.s32 $0x8200;
	s17 =	simm.s32 $0x0  }
0x9d: {  	[tilespmem:s25], [sflag:$0x5] =	stream.linear.gather [hbm4b:s21+s5], $0x100, $0x38;
	[tilespmem:$0x1EC00] =	vst v63  }
.LBB2_2:
0x9e: {  	_ =	swait.ge [sflag:s28], $0x4000  }
0x9f: {  	[sflag:s28] =	ssyncset.done $0x0  }
0xa0: {  	[sflag:s28] =	ssyncadd.s32 $0xFFFFC000  }
0xa1: {  	_ =	swait.ge [sflag:s29], $0x800  }
0xa2: {  	s19 =	sshll.u32 s17, $0x5;
	[sflag:s29] =	ssyncset.done $0x0;
	s1 =	rddreg [dreg:$0x6]  }
0xa3: {  	[sflag:s29] =	ssyncadd.s32 $0xFFFFF800;
	s1 =	sadd.s32 s19, s1  }
0xa4: {  	_ =	swait.ge [sflag:s30], $0x100;
	s1 =	sadd.s32 $0x10, s1  }
0xa5: {  	s20 =	simm.s32 $0x0;
	[sflag:s30] =	ssyncset.done $0x0;
	s3 =	sshrl.u32 s1, $0x3  }
0xa6: {  	s9 =	simm.s32 $0x80;
	[sflag:s30] =	ssyncadd.s32 $0xFFFFFF00;
	s11 =	sadd.s32 s31, s3  }
0xa7: {  	[tilespmem:s9], [sflag:$0x7] =	stream.linear.gather [hbm4b:s11+s20], $0x10, $0x38;
	[tilespmem:$0x1EC00] =	vst v63  }
0xa8: {  	_ =	swait.ge [sflag:s23], $0x10  }
0xa9: {  	[sflag:s23] =	ssyncset.done $0x0  }
0xaa: {  	s3 =	sadd.s32 s6, s3;
	[sflag:s23] =	ssyncadd.s32 $0xFFFFFFF0  }
0xab: {  	[tilespmem:s0], [sflag:$0x7] =	stream.linear.gather [hbm4b:s3+s20], $0x10, $0x38;
	[tilespmem:$0x1EC00] =	vst v63  }
0xac: {  	_ =	swait.ge [sflag:s23], $0x10  }
0xad: {  	[sflag:s23] =	ssyncset.done $0x0  }
0xae: {  	[sflag:s23] =	ssyncadd.s32 $0xFFFFFFF0  }
0xaf: {  	v3 =	vld [tilespmem:$0x80];
	_ =	sdelay $0x4  }
0xb0: {  	v4 =	vshll.u32 v3, $0x3  }
0xb1: {  	v3 =	vand.u32 $0x7, v3;
	v4 =	vand.u32 $0xFFFFFFC0, v4  }
0xb2: {  	v3 =	vor.u32 v3, v4  }
0xb3: {  	v4 =	vperm.xlane v3, v0;
	_ =	sdelay $0x1  }
0xb4: {  	v4 =	vadd.s32 v1, v4;
	_ =	sdelay $0x3  }
0xb5: {  	s21 =	simm.s32 $0x4200  }
0xb6: {  	[tilespmem:s21], [sflag:$0x2] =	stream.indirect_vreg.gather [hbm4b:s7+s20], $0x80, v4, vm0, $0xb8;
	[tilespmem:$0x1EC00] =	vst v63  }
0xb7: {  	s25 =	simm.s32 $0x4A00;
	v3 =	vperm.xlane v3, v2  }
0xb8: {  	[tilespmem:s25], [sflag:$0x2] =	stream.indirect_vreg.gather [hbm4b:s14+s20], $0x80, v4, vm0, $0xb8;
	[tilespmem:$0x1EC00] =	vst v63  }
0xb9: {  	s9 =	simm.s32 $0x5200;
	v3 =	vadd.s32 v1, v3  }
0xba: {  	[tilespmem:s9], [sflag:$0x2] =	stream.indirect_vreg.gather [hbm4b:s15+s20], $0x80, v4, vm0, $0xb8;
	[tilespmem:$0x1EC00] =	vst v63  }
0xbb: {  	s11 =	simm.s32 $0x5A00  }
0xbc: {  	[tilespmem:s11], [sflag:$0x2] =	stream.indirect_vreg.gather [hbm4b:s16+s20], $0x80, v4, vm0, $0xb8;
	[tilespmem:$0x1EC00] =	vst v63  }
0xbd: {  	s21 =	simm.s32 $0x6200  }
0xbe: {  	[tilespmem:s21], [sflag:$0x2] =	stream.indirect_vreg.gather [hbm4b:s7+s20], $0x80, v3, vm0, $0xb8;
	[tilespmem:$0x1EC00] =	vst v63  }
0xbf: {  	s25 =	simm.s32 $0x6A00  }
0xc0: {  	[tilespmem:s25], [sflag:$0x2] =	stream.indirect_vreg.gather [hbm4b:s14+s20], $0x80, v3, vm0, $0xb8;
	[tilespmem:$0x1EC00] =	vst v63  }
0xc1: {  	s9 =	simm.s32 $0x7200  }
0xc2: {  	[tilespmem:s9], [sflag:$0x2] =	stream.indirect_vreg.gather [hbm4b:s15+s20], $0x80, v3, vm0, $0xb8;
	[tilespmem:$0x1EC00] =	vst v63  }
0xc3: {  	s18 =	smov.u32 s31;
	s1 =	sshll.u32 s1, $0x1;
	s11 =	simm.s32 $0x7A00  }
0xc4: {  	[tilespmem:s11], [sflag:$0x2] =	stream.indirect_vreg.gather [hbm4b:s16+s20], $0x80, v3, vm0, $0xb8;
	[tilespmem:$0x1EC00] =	vst v63  }
0xc5: {  	s1 =	sand.u32 $0x1FFFFFE0, s1;
	s31 =	simm.s32 $0x9440;
	s21 =	simm.s32 $0x8C00  }
0xc6: {  	[tilespmem:s21], [sflag:$0x4] =	stream.indirect.gather [hbm4b:s10+s26], $0x80, s0, s26, $0xb8;
	[tilespmem:$0x1EC00] =	vst v63  }
0xc7: {  	s1 =	sadd.s32 s8, s1;
	s25 =	simm.s32 $0x8300;
	s11 =	simm.s32 $0x8200  }
0xc8: {  	[tilespmem:s25], [sflag:$0x6] =	stream.linear.gather [hbm4b:s1+s20], $0x100, $0x38;
	[tilespmem:$0x1EC00] =	vst v63  }
0xc9: {  	s21 =	simm.s32 $0x8400;
	s25 =	simm.s32 $0x0;
	s1 =	simm.s32 $0x0  }
.LBB2_3:
0xca: {  	v3 =	vld [tilespmem:s11+$0x0];
	s3 =	sand.u32 $0x2000, s25;
	s9 =	sand.u32 $0x380, s1  }
0xcb: {  	v4 =	vld [tilespmem:s21+$0x0];
	s3 =	sor.u32 s9, s3  }
0xcc: {  	v5 =	vld [tilespmem:s3+$0x200]  }
0xcd: {  	v6 =	vld [tilespmem:s3+$0x210]  }
0xce: {  	v7 =	vld [tilespmem:s3+$0x220]  }
0xcf: {  	v8 =	vld [tilespmem:s3+$0x230]  }
0xd0: {  	v9 =	vld [tilespmem:s3+$0x240]  }
0xd1: {  	v10 =	vld [tilespmem:s3+$0x250]  }
0xd2: {  	v11 =	vld [tilespmem:s3+$0x260]  }
0xd3: {  	v12 =	vld [tilespmem:s3+$0x270]  }
0xd4: {  	v13 =	vld [tilespmem:s3+$0x600]  }
0xd5: {  	v14 =	vld [tilespmem:s3+$0x610]  }
0xd6: {  	v15 =	vld [tilespmem:s3+$0x620]  }
0xd7: {  	v16 =	vld [tilespmem:s3+$0x630]  }
0xd8: {  	v17 =	vld [tilespmem:s3+$0x640]  }
0xd9: {  	v18 =	vld [tilespmem:s3+$0x650]  }
0xda: {  	v19 =	vld [tilespmem:s3+$0x660]  }
0xdb: {  	v20 =	vld [tilespmem:s3+$0x670]  }
0xdc: {  	v21 =	vld [tilespmem:s3+$0xA00]  }
0xdd: {  	v22 =	vld [tilespmem:s3+$0xA10]  }
0xde: {  	v23 =	vld [tilespmem:s3+$0xA20];
	v3 =	vmul.f32 v4, v3  }
0xdf: {  	v24 =	vld [tilespmem:s3+$0xA30]  }
0xe0: {  	v44 =	vld [tilespmem:s3+$0xA40];
	v26 =	vbroadcast v3, $0x0;
	v31 =	vbroadcast v3, $0x1  }
0xe1: {  	v25 =	vld [tilespmem:s3+$0xA50];
	v50 =	vbroadcast v3, $0x2;
	v59 =	vbroadcast v3, $0x3  }
0xe2: {  	v27 =	vld [tilespmem:s3+$0xA60];
	v5 =	vmul.f32 v26, v5;
	v6 =	vmul.f32 v6, v26  }
0xe3: {  	v28 =	vld [tilespmem:s3+$0xA70];
	v7 =	vmul.f32 v7, v26;
	v8 =	vmul.f32 v8, v26  }
0xe4: {  	v29 =	vld [tilespmem:s3+$0xE00];
	v9 =	vmul.f32 v9, v26;
	v10 =	vmul.f32 v10, v26  }
0xe5: {  	v30 =	vld [tilespmem:s3+$0xE10];
	v13 =	vmul.f32 v13, v31;
	v11 =	vmul.f32 v11, v26  }
0xe6: {  	v32 =	vld [tilespmem:s3+$0xE20];
	v14 =	vmul.f32 v14, v31;
	v45 =	vmul.f32 v15, v31  }
0xe7: {  	v33 =	vld [tilespmem:s3+$0xE30];
	v46 =	vmul.f32 v16, v31;
	v48 =	vmul.f32 v17, v31  }
0xe8: {  	v34 =	vld [tilespmem:s3+$0xE40];
	v12 =	vmul.f32 v12, v26;
	v49 =	vmul.f32 v18, v31  }
0xe9: {  	v35 =	vld [tilespmem:s3+$0xE50];
	v19 =	vmul.f32 v19, v31;
	v20 =	vmul.f32 v20, v31  }
0xea: {  	v47 =	vld [tilespmem:s3+$0xE60];
	v52 =	vmul.f32 v21, v50;
	v53 =	vmul.f32 v22, v50  }
0xeb: {  	v51 =	vld [tilespmem:s3+$0x1210];
	v55 =	vmul.f32 v23, v50;
	v57 =	vmul.f32 v24, v50  }
0xec: {  	v54 =	vld [tilespmem:s3+$0x1230];
	v4 =	vmul.f32 v44, v50;
	v60 =	vmul.f32 v25, v50  }
0xed: {  	v56 =	vld [tilespmem:s3+$0x1240];
	v61 =	vmul.f32 v27, v50;
	v63 =	vmul.f32 v28, v50;
	v5 =	vadd.f32 $0.0e+00, v5  }
0xee: {  	v58 =	vld [tilespmem:s3+$0x1250];
	v31 =	vmul.f32 v29, v59;
	v6 =	vadd.f32 $0.0e+00, v6;
	v7 =	vadd.f32 $0.0e+00, v7  }
0xef: {  	v62 =	vld [tilespmem:s3+$0x1270];
	v37 =	vmul.f32 v30, v59;
	v8 =	vadd.f32 $0.0e+00, v8;
	v9 =	vadd.f32 $0.0e+00, v9  }
0xf0: {  	v17 =	vld [tilespmem:s3+$0xE70];
	v39 =	vmul.f32 v32, v59;
	v10 =	vadd.f32 $0.0e+00, v10;
	v11 =	vadd.f32 $0.0e+00, v11  }
0xf1: {  	v36 =	vld [tilespmem:s3+$0x1600];
	v41 =	vmul.f32 v33, v59;
	v12 =	vadd.f32 $0.0e+00, v12;
	v5 =	vadd.f32 v13, v5  }
0xf2: {  	v38 =	vld [tilespmem:s3+$0x1610];
	v42 =	vmul.f32 v34, v59;
	v6 =	vadd.f32 v14, v6;
	v7 =	vadd.f32 v45, v7  }
0xf3: {  	v26 =	vld [tilespmem:s3+$0x1220];
	v44 =	vmul.f32 v35, v59;
	v8 =	vadd.f32 v46, v8;
	v9 =	vadd.f32 v48, v9  }
0xf4: {  	v40 =	vld [tilespmem:s3+$0x1620];
	v47 =	vmul.f32 v47, v59;
	v10 =	vadd.f32 v49, v10;
	v11 =	vadd.f32 v19, v11  }
0xf5: {  	v23 =	vld [tilespmem:s3+$0x1260];
	v12 =	vadd.f32 v20, v12;
	v45 =	vbroadcast v3, $0x4;
	v49 =	vmul.f32 v17, v59  }
0xf6: {  	v43 =	vld [tilespmem:s3+$0x1630];
	v59 =	vbroadcast v3, $0x5;
	v5 =	vadd.f32 v52, v5;
	v6 =	vadd.f32 v53, v6  }
0xf7: {  	v50 =	vld [tilespmem:s3+$0x1660];
	v7 =	vadd.f32 v55, v7;
	v8 =	vadd.f32 v57, v8;
	v51 =	vmul.f32 v51, v45  }
0xf8: {  	v30 =	vld [tilespmem:s3+$0x1A40];
	v4 =	vadd.f32 v4, v9;
	v52 =	vmul.f32 v26, v45;
	v54 =	vmul.f32 v54, v45  }
0xf9: {  	v33 =	vld [tilespmem:s3+$0x1A50];
	v10 =	vadd.f32 v60, v10;
	v56 =	vmul.f32 v56, v45;
	v58 =	vmul.f32 v58, v45  }
0xfa: {  	v13 =	vld [tilespmem:s3+$0x1200];
	v11 =	vadd.f32 v61, v11;
	v61 =	vmul.f32 v23, v45;
	v62 =	vmul.f32 v62, v45  }
0xfb: {  	v46 =	vld [tilespmem:s3+$0x1640];
	v9 =	vadd.f32 v63, v12;
	v28 =	vmul.f32 v36, v59;
	v24 =	vmul.f32 v38, v59  }
0xfc: {  	v48 =	vld [tilespmem:s3+$0x1650];
	v32 =	vmul.f32 v40, v59;
	v5 =	vadd.f32 v31, v5;
	v6 =	vadd.f32 v37, v6  }
0xfd: {  	v53 =	vld [tilespmem:s3+$0x1670];
	v34 =	vmul.f32 v43, v59;
	v7 =	vadd.f32 v39, v7;
	v8 =	vadd.f32 v41, v8  }
0xfe: {  	v55 =	vld [tilespmem:s3+$0x1A00];
	v38 =	vmul.f32 v50, v59;
	v4 =	vadd.f32 v42, v4;
	v10 =	vadd.f32 v44, v10  }
0xff: {  	v57 =	vld [tilespmem:s3+$0x1A10];
	v11 =	vadd.f32 v47, v11;
	v9 =	vadd.f32 v49, v9;
	v39 =	vbroadcast v3, $0x6  }
0x100: {  	s9 =	sand.u32 $0x7, s20;
	v60 =	vld [tilespmem:s3+$0x1A20];
	v3 =	vbroadcast v3, $0x7;
	v13 =	vmul.f32 v13, v45;
	v6 =	vadd.f32 v51, v6  }
0x101: {  	s9 =	sshll.u32 s9, $0x7;
	v63 =	vld [tilespmem:s3+$0x1A30];
	v36 =	vmul.f32 v46, v59;
	v7 =	vadd.f32 v52, v7;
	v8 =	vadd.f32 v54, v8  }
0x102: {  	s9 =	sadd.s32 s9, s25;
	v35 =	vld [tilespmem:s3+$0x1A60];
	v16 =	vmul.f32 v48, v59;
	v4 =	vadd.f32 v56, v4;
	v10 =	vadd.f32 v58, v10  }
0x103: {  	v37 =	vld [tilespmem:s3+$0x1A70];
	s3 =	sor.u32 $0x1C00, s9;
	v11 =	vadd.f32 v61, v11;
	v9 =	vadd.f32 v62, v9;
	v50 =	vmul.f32 v30, v39  }
0x104: {  	v40 =	vld [tilespmem:s3+$0x200];
	s3 =	sor.u32 $0x1C10, s9;
	v5 =	vadd.f32 v13, v5;
	v41 =	vmul.f32 v53, v59;
	v43 =	vmul.f32 v55, v39  }
0x105: {  	v42 =	vld [tilespmem:s3+$0x200];
	s3 =	sor.u32 $0x1C20, s9;
	v44 =	vmul.f32 v57, v39;
	v46 =	vmul.f32 v60, v39;
	v6 =	vadd.f32 v24, v6  }
0x106: {  	v45 =	vld [tilespmem:s3+$0x200];
	s3 =	sor.u32 $0x1C30, s9;
	v48 =	vmul.f32 v63, v39;
	v7 =	vadd.f32 v32, v7;
	v8 =	vadd.f32 v34, v8  }
0x107: {  	v53 =	vmul.f32 v33, v39;
	v4 =	vadd.f32 v36, v4;
	v47 =	vld [tilespmem:s3+$0x200];
	s3 =	sor.u32 $0x1C40, s9;
	v5 =	vadd.f32 v28, v5  }
0x108: {  	v59 =	vmul.f32 v35, v39;
	v10 =	vadd.f32 v16, v10;
	v11 =	vadd.f32 v38, v11;
	v49 =	vld [tilespmem:s3+$0x200];
	s3 =	sor.u32 $0x1C50, s9  }
0x109: {  	v9 =	vadd.f32 v41, v9;
	v51 =	vmul.f32 v40, v3;
	v52 =	vld [tilespmem:s3+$0x200];
	s3 =	sor.u32 $0x1C60, s9;
	v5 =	vadd.f32 v43, v5  }
0x10a: {  	v60 =	vmul.f32 v37, v39;
	v6 =	vadd.f32 v44, v6;
	s9 =	sor.u32 $0x1C70, s9;
	v54 =	vmul.f32 v42, v3;
	v55 =	vld [tilespmem:s3+$0x200]  }
0x10b: {  	v7 =	vadd.f32 v46, v7;
	v57 =	vld [tilespmem:s9+$0x200];
	v56 =	vmul.f32 v45, v3;
	v5 =	vadd.f32 v51, v5  }
0x10c: {  	v8 =	vadd.f32 v48, v8;
	v6 =	vadd.f32 v54, v6;
	v58 =	vmul.f32 v47, v3  }
0x10d: {  	v4 =	vadd.f32 v50, v4;
	v7 =	vadd.f32 v56, v7;
	v13 =	vmul.f32 v49, v3;
	[tilespmem:s31+$0xFFFFFFC0] =	vst v5  }
0x10e: {  	v10 =	vadd.f32 v53, v10;
	v8 =	vadd.f32 v58, v8;
	[tilespmem:s31+$0xFFFFFFD0] =	vst v6;
	v61 =	vmul.f32 v52, v3  }
0x10f: {  	p0 =	sne.s32 s1, $0x780;
	v5 =	vadd.f32 v59, v11;
	v4 =	vadd.f32 v13, v4;
	v62 =	vmul.f32 v55, v3;
	[tilespmem:s31+$0xFFFFFFE0] =	vst v7  }
.Ltmp0:
0x110: {  	v63 =	vadd.f32 v60, v9;
	v3 =	vmul.f32 v57, v3;
	v6 =	vadd.f32 v61, v10;
	[tilespmem:s31+$0xFFFFFFF0] =	vst v8;
	(pc) =	sbr.rel @p0 .LBB2_3-.Ltmp0, $4  }
0x111: {  	v5 =	vadd.f32 v62, v5;
	[tilespmem:s31+$0x0] =	vst v4  }
0x112: {  	v3 =	vadd.f32 v3, v63;
	[tilespmem:s31+$0x10] =	vst v6  }
0x113: {  	s21 =	sadd.s32 $0x80, s21;
	s11 =	sadd.s32 $0x10, s11;
	s1 =	sadd.s32 $0x80, s1;
	[tilespmem:s31+$0x20] =	vst v5  }
0x114: {  	s20 =	sadd.s32 $0x1, s20;
	s25 =	sadd.s32 $0x400, s25;
	[tilespmem:s31+$0x30] =	vst v3;
	s31 =	sadd.s32 $0x80, s31  }
0x115: {  	s1 =	rddreg [dreg:$0x4];
	s3 =	simm.s32 $0x100  }
0x116: {  	[spmem:s1] =	stream.indirect.scatter.add.f32 [tilespmem:s4], [sflag:$0x7], $0x80, s3, s26, $0xb8;
	[tilespmem:$0x1EC00] =	vst v63  }
0x117: {  	_ =	swait.ge [sflag:s23], $0x800  }
0x118: {  	[sflag:s23] =	ssyncset.done $0x0  }
0x119: {  	[sflag:s23] =	ssyncadd.s32 $0xFFFFF800  }
0x11a: {  	_ =	swait.ge [sflag:s2], $0x4000  }
0x11b: {  	[sflag:s2] =	ssyncset.done $0x0  }
0x11c: {  	[sflag:s2] =	ssyncadd.s32 $0xFFFFC000  }
0x11d: {  	_ =	swait.ge [sflag:s12], $0x800  }
0x11e: {  	[sflag:s12] =	ssyncset.done $0x0  }
0x11f: {  	[sflag:s12] =	ssyncadd.s32 $0xFFFFF800  }
0x120: {  	_ =	swait.ge [sflag:s13], $0x100  }
0x121: {  	p0 =	seq.s32 s17, $0x143;
	s1 =	rddreg [dreg:$0xb]  }
0x122: {  	s1 =	sadd.s32 @!p0 s19, s1  }
0x123: {  	[sflag:s13] =	ssyncset.done $0x0;
	s3 =	sshrl.u32 @!p0 s1, $0x3  }
0x124: {  	s11 =	simm.s32 @!p0 $0x0;
	[sflag:s13] =	ssyncadd.s32 $0xFFFFFF00;
	s9 =	sadd.s32 @!p0 s18, s3  }
0x125: {  	[tilespmem:s11], [sflag:$0x7] =	stream.linear.gather @!p0 [hbm4b:s9+s11], $0x10, $0x38;
	[tilespmem:$0x1EC00] =	vst v63  }
0x126: {  	s9 =	simm.s32 @!p0 $0x7  }
0x127: {  	_ =	swait.ge @!p0 [sflag:s9], $0x10  }
0x128: {  	[sflag:s9] =	ssyncset.done @!p0 $0x0  }
0x129: {  	s19 =	simm.s32 @!p0 $0x100;
	s3 =	sadd.s32 @!p0 s6, s3;
	[sflag:s9] =	ssyncadd.s32 @!p0 $0xFFFFFFF0  }
0x12a: {  	[tilespmem:s19], [sflag:$0x7] =	stream.linear.gather @!p0 [hbm4b:s3+s11], $0x10, $0x38;
	[tilespmem:$0x1EC00] =	vst v63  }
0x12b: {  	_ =	swait.ge @!p0 [sflag:s9], $0x10  }
0x12c: {  	[sflag:s9] =	ssyncset.done @!p0 $0x0  }
0x12d: {  	[sflag:s9] =	ssyncadd.s32 @!p0 $0xFFFFFFF0  }
0x12e: {  	v3 =	vld @!p0 [tilespmem:$0x0];
	_ =	sdelay $0x4  }
0x12f: {  	v4 =	vshll.u32 @!p0 v3, $0x3  }
0x130: {  	v5 =	vlaneseq.u32 @!p0;
	v3 =	vand.u32 @!p0 $0x7, v3;
	v4 =	vand.u32 @!p0 $0xFFFFFFC0, v4  }
0x131: {  	v6 =	vshrl.u32 @!p0 v5, $0x3;
	v3 =	vor.u32 @!p0 v3, v4;
	v4 =	vand.u32 @!p0 $0x7, v5  }
0x132: {  	v6 =	vmul.u32 @!p0 $0x8, v6;
	v4 =	vperm.xlane @!p0 v3, v4;
	_ =	sdelay $0x1  }
0x133: {  	v4 =	vadd.s32 @!p0 v6, v4;
	_ =	sdelay $0x3  }
0x134: {  	vm1 =	vmmov @!p0 $0xffff;
	s3 =	simm.s32 @!p0 $0x200  }
0x135: {  	v5 =	vor.u32 @!p0 $0x8, v5;
	[tilespmem:s3], [sflag:$0x1] =	stream.indirect_vreg.gather @!p0 [hbm4b:s7+s11], $0x80, v4, vm1, $0xb8;
	[tilespmem:$0x1EC00] =	vst v63  }
0x136: {  	v3 =	vperm.xlane @!p0 v3, v5;
	s3 =	simm.s32 @!p0 $0xA00  }
0x137: {  	[tilespmem:s3], [sflag:$0x1] =	stream.indirect_vreg.gather @!p0 [hbm4b:s14+s11], $0x80, v4, vm1, $0xb8;
	[tilespmem:$0x1EC00] =	vst v63  }
0x138: {  	v3 =	vadd.s32 @!p0 v6, v3;
	s3 =	simm.s32 @!p0 $0x1200  }
0x139: {  	[tilespmem:s3], [sflag:$0x1] =	stream.indirect_vreg.gather @!p0 [hbm4b:s15+s11], $0x80, v4, vm1, $0xb8;
	[tilespmem:$0x1EC00] =	vst v63  }
0x13a: {  	s3 =	simm.s32 @!p0 $0x1A00  }
0x13b: {  	[tilespmem:s3], [sflag:$0x1] =	stream.indirect_vreg.gather @!p0 [hbm4b:s16+s11], $0x80, v4, vm1, $0xb8;
	[tilespmem:$0x1EC00] =	vst v63  }
0x13c: {  	s3 =	simm.s32 @!p0 $0x2200  }
0x13d: {  	[tilespmem:s3], [sflag:$0x1] =	stream.indirect_vreg.gather @!p0 [hbm4b:s7+s11], $0x80, v3, vm1, $0xb8;
	[tilespmem:$0x1EC00] =	vst v63  }
0x13e: {  	s3 =	simm.s32 @!p0 $0x2A00  }
0x13f: {  	[tilespmem:s3], [sflag:$0x1] =	stream.indirect_vreg.gather @!p0 [hbm4b:s14+s11], $0x80, v3, vm1, $0xb8;
	[tilespmem:$0x1EC00] =	vst v63  }
0x140: {  	s31 =	smov.u32 s18;
	s20 =	simm.s32 $0x8C00;
	s3 =	simm.s32 @!p0 $0x3200  }
0x141: {  	[tilespmem:s3], [sflag:$0x1] =	stream.indirect_vreg.gather @!p0 [hbm4b:s15+s11], $0x80, v3, vm1, $0xb8;
	[tilespmem:$0x1EC00] =	vst v63  }
0x142: {  	s21 =	simm.s32 $0x9440;
	s1 =	sshll.u32 @!p0 s1, $0x1;
	s3 =	simm.s32 @!p0 $0x3A00  }
0x143: {  	[tilespmem:s3], [sflag:$0x1] =	stream.indirect_vreg.gather @!p0 [hbm4b:s16+s11], $0x80, v3, vm1, $0xb8;
	[tilespmem:$0x1EC00] =	vst v63  }
0x144: {  	s1 =	sand.u32 @!p0 $0x1FFFFFC0, s1;
	s9 =	simm.s32 @!p0 $0x8400;
	s3 =	simm.s32 @!p0 $0x10  }
0x145: {  	[tilespmem:s9], [sflag:$0x3] =	stream.indirect.gather @!p0 [hbm4b:s10+s3], $0x80, s19, s3, $0xb8;
	[tilespmem:$0x1EC00] =	vst v63  }
0x146: {  	s25 =	simm.s32 $0x0;
	s1 =	sadd.s32 @!p0 s8, s1;
	s3 =	simm.s32 @!p0 $0x8200  }
0x147: {  	[tilespmem:s3], [sflag:$0x5] =	stream.linear.gather @!p0 [hbm4b:s1+s11], $0x100, $0x38;
	[tilespmem:$0x1EC00] =	vst v63  }
0x148: {  	s19 =	simm.s32 $0x0;
	s11 =	simm.s32 $0x8300;
	s1 =	simm.s32 $0x0  }
.LBB2_5:
0x149: {  	v3 =	vld [tilespmem:s11+$0x0];
	s3 =	sand.u32 $0x2000, s25;
	s9 =	sand.u32 $0x380, s1  }
0x14a: {  	v4 =	vld [tilespmem:s20+$0x0];
	s3 =	sor.u32 s9, s3  }
0x14b: {  	v5 =	vld [tilespmem:s3+$0x4200]  }
0x14c: {  	v6 =	vld [tilespmem:s3+$0x4210]  }
0x14d: {  	v7 =	vld [tilespmem:s3+$0x4220]  }
0x14e: {  	v8 =	vld [tilespmem:s3+$0x4230]  }
0x14f: {  	v9 =	vld [tilespmem:s3+$0x4240]  }
0x150: {  	v10 =	vld [tilespmem:s3+$0x4250]  }
0x151: {  	v11 =	vld [tilespmem:s3+$0x4260]  }
0x152: {  	v12 =	vld [tilespmem:s3+$0x4270]  }
0x153: {  	v13 =	vld [tilespmem:s3+$0x4600]  }
0x154: {  	v14 =	vld [tilespmem:s3+$0x4610]  }
0x155: {  	v15 =	vld [tilespmem:s3+$0x4620]  }
0x156: {  	v16 =	vld [tilespmem:s3+$0x4630]  }
0x157: {  	v17 =	vld [tilespmem:s3+$0x4640]  }
0x158: {  	v18 =	vld [tilespmem:s3+$0x4650]  }
0x159: {  	v19 =	vld [tilespmem:s3+$0x4660]  }
0x15a: {  	v20 =	vld [tilespmem:s3+$0x4670]  }
0x15b: {  	v21 =	vld [tilespmem:s3+$0x4A00]  }
0x15c: {  	v22 =	vld [tilespmem:s3+$0x4A10]  }
0x15d: {  	v23 =	vld [tilespmem:s3+$0x4A20];
	v3 =	vmul.f32 v4, v3  }
0x15e: {  	v24 =	vld [tilespmem:s3+$0x4A30]  }
0x15f: {  	v44 =	vld [tilespmem:s3+$0x4A40];
	v26 =	vbroadcast v3, $0x0;
	v31 =	vbroadcast v3, $0x1  }
0x160: {  	v25 =	vld [tilespmem:s3+$0x4A50];
	v50 =	vbroadcast v3, $0x2;
	v59 =	vbroadcast v3, $0x3  }
0x161: {  	v27 =	vld [tilespmem:s3+$0x4A60];
	v5 =	vmul.f32 v26, v5;
	v6 =	vmul.f32 v6, v26  }
0x162: {  	v28 =	vld [tilespmem:s3+$0x4A70];
	v7 =	vmul.f32 v7, v26;
	v8 =	vmul.f32 v8, v26  }
0x163: {  	v29 =	vld [tilespmem:s3+$0x4E00];
	v9 =	vmul.f32 v9, v26;
	v10 =	vmul.f32 v10, v26  }
0x164: {  	v30 =	vld [tilespmem:s3+$0x4E10];
	v13 =	vmul.f32 v13, v31;
	v11 =	vmul.f32 v11, v26  }
0x165: {  	v32 =	vld [tilespmem:s3+$0x4E20];
	v14 =	vmul.f32 v14, v31;
	v45 =	vmul.f32 v15, v31  }
0x166: {  	v33 =	vld [tilespmem:s3+$0x4E30];
	v46 =	vmul.f32 v16, v31;
	v48 =	vmul.f32 v17, v31  }
0x167: {  	v34 =	vld [tilespmem:s3+$0x4E40];
	v12 =	vmul.f32 v12, v26;
	v49 =	vmul.f32 v18, v31  }
0x168: {  	v35 =	vld [tilespmem:s3+$0x4E50];
	v19 =	vmul.f32 v19, v31;
	v20 =	vmul.f32 v20, v31  }
0x169: {  	v47 =	vld [tilespmem:s3+$0x4E60];
	v52 =	vmul.f32 v21, v50;
	v53 =	vmul.f32 v22, v50  }
0x16a: {  	v51 =	vld [tilespmem:s3+$0x5210];
	v55 =	vmul.f32 v23, v50;
	v57 =	vmul.f32 v24, v50  }
0x16b: {  	v54 =	vld [tilespmem:s3+$0x5230];
	v4 =	vmul.f32 v44, v50;
	v60 =	vmul.f32 v25, v50  }
0x16c: {  	v56 =	vld [tilespmem:s3+$0x5240];
	v61 =	vmul.f32 v27, v50;
	v63 =	vmul.f32 v28, v50;
	v5 =	vadd.f32 $0.0e+00, v5  }
0x16d: {  	v58 =	vld [tilespmem:s3+$0x5250];
	v31 =	vmul.f32 v29, v59;
	v6 =	vadd.f32 $0.0e+00, v6;
	v7 =	vadd.f32 $0.0e+00, v7  }
0x16e: {  	v62 =	vld [tilespmem:s3+$0x5270];
	v37 =	vmul.f32 v30, v59;
	v8 =	vadd.f32 $0.0e+00, v8;
	v9 =	vadd.f32 $0.0e+00, v9  }
0x16f: {  	v17 =	vld [tilespmem:s3+$0x4E70];
	v39 =	vmul.f32 v32, v59;
	v10 =	vadd.f32 $0.0e+00, v10;
	v11 =	vadd.f32 $0.0e+00, v11  }
0x170: {  	v36 =	vld [tilespmem:s3+$0x5600];
	v41 =	vmul.f32 v33, v59;
	v12 =	vadd.f32 $0.0e+00, v12;
	v5 =	vadd.f32 v13, v5  }
0x171: {  	v38 =	vld [tilespmem:s3+$0x5610];
	v42 =	vmul.f32 v34, v59;
	v6 =	vadd.f32 v14, v6;
	v7 =	vadd.f32 v45, v7  }
0x172: {  	v26 =	vld [tilespmem:s3+$0x5220];
	v44 =	vmul.f32 v35, v59;
	v8 =	vadd.f32 v46, v8;
	v9 =	vadd.f32 v48, v9  }
0x173: {  	v40 =	vld [tilespmem:s3+$0x5620];
	v47 =	vmul.f32 v47, v59;
	v10 =	vadd.f32 v49, v10;
	v11 =	vadd.f32 v19, v11  }
0x174: {  	v23 =	vld [tilespmem:s3+$0x5260];
	v12 =	vadd.f32 v20, v12;
	v45 =	vbroadcast v3, $0x4;
	v49 =	vmul.f32 v17, v59  }
0x175: {  	v43 =	vld [tilespmem:s3+$0x5630];
	v59 =	vbroadcast v3, $0x5;
	v5 =	vadd.f32 v52, v5;
	v6 =	vadd.f32 v53, v6  }
0x176: {  	v50 =	vld [tilespmem:s3+$0x5660];
	v7 =	vadd.f32 v55, v7;
	v8 =	vadd.f32 v57, v8;
	v51 =	vmul.f32 v51, v45  }
0x177: {  	v30 =	vld [tilespmem:s3+$0x5A40];
	v4 =	vadd.f32 v4, v9;
	v52 =	vmul.f32 v26, v45;
	v54 =	vmul.f32 v54, v45  }
0x178: {  	v13 =	vld [tilespmem:s3+$0x5200];
	v10 =	vadd.f32 v60, v10;
	v56 =	vmul.f32 v56, v45;
	v58 =	vmul.f32 v58, v45  }
0x179: {  	v46 =	vld [tilespmem:s3+$0x5640];
	v11 =	vadd.f32 v61, v11;
	v61 =	vmul.f32 v23, v45;
	v62 =	vmul.f32 v62, v45  }
0x17a: {  	v48 =	vld [tilespmem:s3+$0x5650];
	v9 =	vadd.f32 v63, v12;
	v28 =	vmul.f32 v36, v59;
	v24 =	vmul.f32 v38, v59  }
0x17b: {  	v53 =	vld [tilespmem:s3+$0x5670];
	v32 =	vmul.f32 v40, v59;
	v5 =	vadd.f32 v31, v5;
	v6 =	vadd.f32 v37, v6  }
0x17c: {  	v55 =	vld [tilespmem:s3+$0x5A00];
	v34 =	vmul.f32 v43, v59;
	v7 =	vadd.f32 v39, v7;
	v8 =	vadd.f32 v41, v8  }
0x17d: {  	v57 =	vld [tilespmem:s3+$0x5A10];
	v38 =	vmul.f32 v50, v59;
	v4 =	vadd.f32 v42, v4;
	v10 =	vadd.f32 v44, v10  }
0x17e: {  	s18 =	sand.u32 $0x7, s19;
	v60 =	vld [tilespmem:s3+$0x5A20];
	v11 =	vadd.f32 v47, v11;
	v9 =	vadd.f32 v49, v9;
	v39 =	vbroadcast v3, $0x6  }
0x17f: {  	s9 =	sshll.u32 s18, $0x7;
	v63 =	vld [tilespmem:s3+$0x5A30];
	v3 =	vbroadcast v3, $0x7;
	v13 =	vmul.f32 v13, v45;
	v6 =	vadd.f32 v51, v6  }
0x180: {  	s9 =	sadd.s32 s9, s25;
	v33 =	vld [tilespmem:s3+$0x5A50];
	v36 =	vmul.f32 v46, v59;
	v7 =	vadd.f32 v52, v7;
	v8 =	vadd.f32 v54, v8  }
0x181: {  	s18 =	sor.u32 $0x1C00, s9;
	v35 =	vld [tilespmem:s3+$0x5A60];
	v16 =	vmul.f32 v48, v59;
	v4 =	vadd.f32 v56, v4;
	v10 =	vadd.f32 v58, v10  }
0x182: {  	v40 =	vld [tilespmem:s18+$0x4200];
	s18 =	sor.u32 $0x1C10, s9;
	v11 =	vadd.f32 v61, v11;
	v50 =	vmul.f32 v30, v39;
	v41 =	vmul.f32 v53, v59  }
0x183: {  	v42 =	vld [tilespmem:s18+$0x4200];
	s18 =	sor.u32 $0x1C20, s9;
	v9 =	vadd.f32 v62, v9;
	v43 =	vmul.f32 v55, v39;
	v44 =	vmul.f32 v57, v39  }
0x184: {  	v45 =	vld [tilespmem:s18+$0x4200];
	v5 =	vadd.f32 v13, v5;
	v46 =	vmul.f32 v60, v39;
	v48 =	vmul.f32 v63, v39  }
0x185: {  	v37 =	vld [tilespmem:s3+$0x5A70];
	s18 =	sor.u32 $0x1C30, s9;
	v53 =	vmul.f32 v33, v39;
	v6 =	vadd.f32 v24, v6;
	v7 =	vadd.f32 v32, v7  }
0x186: {  	v47 =	vld [tilespmem:s18+$0x4200];
	s18 =	sor.u32 $0x1C40, s9;
	v59 =	vmul.f32 v35, v39;
	v8 =	vadd.f32 v34, v8;
	v4 =	vadd.f32 v36, v4  }
0x187: {  	v49 =	vld [tilespmem:s18+$0x4200];
	s18 =	sor.u32 $0x1C50, s9;
	v10 =	vadd.f32 v16, v10;
	v11 =	vadd.f32 v38, v11;
	v51 =	vmul.f32 v40, v3  }
0x188: {  	v52 =	vld [tilespmem:s18+$0x4200];
	s18 =	sor.u32 $0x1C60, s9;
	v5 =	vadd.f32 v28, v5;
	v54 =	vmul.f32 v42, v3;
	v6 =	vadd.f32 v44, v6  }
0x189: {  	v9 =	vadd.f32 v41, v9;
	v55 =	vld [tilespmem:s18+$0x4200];
	s18 =	sor.u32 $0x1C70, s9;
	v7 =	vadd.f32 v46, v7;
	v56 =	vmul.f32 v45, v3  }
0x18a: {  	v60 =	vmul.f32 v37, v39;
	v57 =	vld [tilespmem:s18+$0x4200];
	v5 =	vadd.f32 v43, v5;
	v6 =	vadd.f32 v54, v6  }
0x18b: {  	v8 =	vadd.f32 v48, v8;
	v58 =	vmul.f32 v47, v3;
	v7 =	vadd.f32 v56, v7  }
0x18c: {  	v4 =	vadd.f32 v50, v4;
	v13 =	vmul.f32 v49, v3;
	v5 =	vadd.f32 v51, v5;
	[tilespmem:s21+$0xFFFFFFD0] =	vst v6  }
0x18d: {  	v10 =	vadd.f32 v53, v10;
	v8 =	vadd.f32 v58, v8;
	v61 =	vmul.f32 v52, v3;
	[tilespmem:s21+$0xFFFFFFE0] =	vst v7  }
0x18e: {  	p0 =	sne.s32 s1, $0x780;
	v4 =	vadd.f32 v13, v4;
	v62 =	vmul.f32 v55, v3;
	[tilespmem:s21+$0xFFFFFFC0] =	vst v5;
	v5 =	vadd.f32 v59, v11  }
.Ltmp1:
0x18f: {  	v63 =	vadd.f32 v60, v9;
	v6 =	vadd.f32 v61, v10;
	v3 =	vmul.f32 v57, v3;
	[tilespmem:s21+$0xFFFFFFF0] =	vst v8;
	(pc) =	sbr.rel @p0 .LBB2_5-.Ltmp1, $4  }
0x190: {  	[tilespmem:s21+$0x0] =	vst v4;
	v5 =	vadd.f32 v62, v5  }
0x191: {  	v3 =	vadd.f32 v3, v63;
	[tilespmem:s21+$0x10] =	vst v6  }
0x192: {  	s19 =	sadd.s32 $0x1, s19;
	s20 =	sadd.s32 $0x80, s20;
	s11 =	sadd.s32 $0x10, s11;
	[tilespmem:s21+$0x20] =	vst v5  }
0x193: {  	s1 =	sadd.s32 $0x80, s1;
	s25 =	sadd.s32 $0x400, s25;
	[tilespmem:s21+$0x30] =	vst v3;
	s21 =	sadd.s32 $0x80, s21  }
0x194: {  	s17 =	sadd.s32 $0x1, s17  }
0x195: {  	p0 =	sne.s32 s17, $0x144  }
.Ltmp2:
0x196: {  	s1 =	rddreg [dreg:$0x4];
	(pc) =	sbr.rel @p0 .LBB2_2-.Ltmp2, $4  }
0x197: {  	[spmem:s1] =	stream.indirect.scatter.add.f32 [tilespmem:s4], [sflag:$0x7], $0x80, s0, s26, $0xb8;
	[tilespmem:$0x1EC00] =	vst v63  }
0x198: {  	_ =	swait.ge [sflag:s23], $0x800  }
0x199: {  	[sflag:s23] =	ssyncset.done $0x0  }
0x19a: {  	[sflag:s23] =	ssyncadd.s32 $0xFFFFF800  }
0x19b: {  	[bflag:$0x0] =	sbarrier.arrive $0xFFFF  }
0x19c: {  	s18 =	rddreg [dreg:$0x7]  }
0x19d: {  	[tilespmem:s22], [sflag:$0x7] =	stream.linear.gather [spmem:s18], $0x1000, $0x38;
	[tilespmem:$0x1EC00] =	vst v63  }
0x19e: {  	_ =	swait.ge [sflag:s23], $0x1000  }
0x19f: {  	[sflag:s23] =	ssyncset.done $0x0  }
0x1a0: {  	s1 =	sadd.s32 $0x0, s24;
	[sflag:s23] =	ssyncadd.s32 $0xFFFFF000  }
0x1a1: {  	[hbm4b:s1+s5] =	stream.linear.scatter [tilespmem:s22], [sflag:$0x7], $0x1000, $0x38;
	[tilespmem:$0x1EC00] =	vst v63  }
0x1a2: {  	_ =	swait.ge [sflag:s23], $0x1000  }
0x1a3: {  	s3 =	smov.u32 s18;
	s1 =	simm.s32 $0x200;
	[sflag:s23] =	ssyncset.done $0x0  }
.LBB2_8:
0x1a4: {  	p0 =	sne.s32 s1, $0x2600;
	[sflag:s23] =	ssyncadd.s32 $0xFFFFF000;
	s3 =	sadd.s32 $0x1000, s3  }
0x1a5: {  	[tilespmem:s22], [sflag:$0x7] =	stream.linear.gather [spmem:s3], $0x1000, $0x38;
	[tilespmem:$0x1EC00] =	vst v63  }
0x1a6: {  	s9 =	smov.u32 s1;
	s1 =	sadd.s32 $0x200, s1;
	_ =	swait.ge [sflag:s23], $0x1000  }
.Ltmp3:
0x1a7: {  	[sflag:s23] =	ssyncset.done $0x0;
	(pc) =	sbr.rel @p0 .LBB2_8-.Ltmp3, $4  }
0x1a8: {  	s9 =	sadd.s32 s9, s24;
	[sflag:s23] =	ssyncadd.s32 $0xFFFFF000  }
0x1a9: {  	[hbm4b:s9+s5] =	stream.linear.scatter [tilespmem:s22], [sflag:$0x7], $0x1000, $0x38;
	[tilespmem:$0x1EC00] =	vst v63  }
0x1aa: {  	_ =	swait.ge [sflag:s23], $0x1000  }
0x1ab: {  	[sflag:s23] =	ssyncset.done $0x0  }
0x1ac: {  	s3 =	sld [smem:$0x7FD];
	_ =	sdelay $0x2  }
0x1ad: {  	s1 =	rddreg [dreg:$0xc];
	s3 =	sadd.s32 $0x1, s3  }
0x1ae: {  	p0 =	sne.s32 s3, s1  }
.Ltmp4:
0x1af: {  	_ = 	snop;
	(pc) =	sbr.rel @p0 .LBB2_1-.Ltmp4, $2  }
0x1b0: {  	_ =	sdelay $0x2  }
0x1b1: {  	[sflag:s23] =	ssyncadd.s32 $0xFFFFF000  }
0x1b2: {  	_ =	sfence.sel $0x180000  }
0x1b3: {  	[bflag:$0x0] =	sbarrier.arrive $0xFFFF  }
0x1b4: {  	_ =	strace $0x9000004A  }
0x1b5: {  	s0 =	stileid.u32;
	[bflag:$0x2] =	sbarrier.arrive $0xFFFF  }
0x1b6: {  	p0 =	sne.s32 s0, $0x0;
	s0 =	rddreg [dreg:$0x5]  }
0x1b7: {  	s0 =	sadd.s32 @!p0 $0x100000, s0  }
0x1b8: {  	[sflag:s0] =	ssyncadd.tile.s32 @!p0 $0x1;
	_ =	shalt  }
.Lfunc_end2:
_tile_overlayer_lowered:
.L_overlay_start_2:
0x1b9: {  	(tag) =	ssettag $0x2  }
0x1ba: {  	s0 =	rddreg [dreg:$0x0];
	s2 =	stileid.u32  }
0x1bb: {  	s1 =	rddreg [dreg:$0x1];
	p0 =	sne.s32 s2, $0x0  }
0x1bc: {  	s3 =	rddreg [dreg:$0x2];
	[bflag:$0x3] =	sbarrier.arrive $0xFFFF;
	s2 =	simm.s32 @!p0 $0x1C07  }
0x1bd: {  	[timem:s3], [sflag:s2] =	dma.local @!p0 [hbm:s0], s1  }
0x1be: {  	s0 =	simm.s32 @!p0 $0x7  }
0x1bf: {  	_ =	swait.ge @!p0 [sflag:s0], s1  }
0x1c0: {  	s1 =	ssub.s32 @!p0 $0x0, s1;
	[sflag:s0] =	ssyncset.done @!p0 $0x0  }
0x1c1: {  	[sflag:s0] =	ssyncadd.s32 @!p0 s1  }
0x1c2: {  	[bflag:$0x3] =	sbarrier.arrive $0xFFFF  }
0x1c3: {  	_ =	shalt  }

// kernel: kernel.18.cloned.1.call-start
scs
__scs_entry_jumppad:
0x0: {  	(pc) =	sbr.rel $0x88, $3  }
0x1: {  	(tag) =	ssettag $0x0;
	lr =	simm.s32 $0x1  }
0x2: {  	[smem:$0x3F95] =	sst lr;
	_ =	strace $0xD0000000  }
0x3: {  	_ = 	snop  }
0x4: {  	_ = 	snop  }
0x5: {  	_ = 	snop  }
0x6: {  	_ = 	snop  }
0x7: {  	_ = 	snop  }
__scs_overlays_trampoline_lowered:
0x8: {  	[smem:$0x3FA4] =	sst s0  }
0x9: {  	[smem:$0x3FA5] =	sst s1  }
0xa: {  	[smem:$0x3FA6] =	sst s2  }
0xb: {  	[smem:$0x3FA7] =	sst s3  }
0xc: {  	[smem:$0x3FA8] =	sst s4  }
0xd: {  	[smem:$0x3FA9] =	sst s5  }
0xe: {  	[smem:$0x3FAA] =	sst s6  }
0xf: {  	[smem:$0x3FAB] =	sst s7  }
0x10: {  	[smem:$0x3FAC] =	sst s8  }
0x11: {  	[smem:$0x3FAD] =	sst s9;
	s0 =	simm.s32 @!p0 $0x0  }
0x12: {  	s1 =	sld [smem:$0x3F93];
	s0 =	simm.s32 @p0 $0x1  }
0x13: {  	[smem:$0x3FAE] =	sst s0;
	s0 =	simm.s32 @!p1 $0x0  }
0x14: {  	s2 =	sld [smem:$0x3F92];
	s0 =	simm.s32 @p1 $0x1  }
0x15: {  	[smem:$0x3FAF] =	sst s0;
	s0 =	simm.s32 @!p2 $0x0  }
0x16: {  	s3 =	sld [smem:$0x3FDB];
	s0 =	simm.s32 @p2 $0x1  }
0x17: {  	s4 =	simm.s32 $0x1BF5;
	[smem:$0x3FB1] =	sst s0  }
0x18: {  	s0 =	sld [smem:$0x3F94];
	_ =	swait.ge [sflag:s4], $0x0  }
0x19: {  	s7 =	sld [smem:$0x3F95]  }
0x1a: {  	s8 =	sadd.s32 $0xFFFFE003, lr  }
0x1b: {  	s9 =	sadd.s32 $0xFFFFFEF7, lr;
	s5 =	simm.s32 $0xFFFFFFFF;
	p2 =	slt.u32 s8, $0xFFFFF086  }
0x1c: {  	p1 =	slt.u32 s9, $0xF7A;
	s5 =	simm.s32 @!p2 $0x0  }
0x1d: {  	s5 =	simm.s32 @p1 $0x1;
	p0 =	seq.s32 s7, s2  }
0x1e: {  	s7 =	smul.u32 @!p0 $0xF7A, s2;
	p2 =	seq.s32 @!p0 s5, $0x0  }
0x1f: {  	s9 =	smul.u32 $0xF7A, s1;
	s8 =	simm.s32 @!p0 $0x1BF5;
	p2 =	por !p2, p0  }
0x20: {  	[sflag:s8] =	ssyncset.s32 @!p0 $0xFFFFF086;
	s6 =	sadd.s32 @!p0 s3, s7;
	s7 =	simm.s32 @!p0 $0x108  }
0x21: {  	s3 =	sadd.s32 s3, s9;
	s6 =	sadd.s32 @!p0 $0x88, s6;
	s7 =	simm.s32 @p2 $0x1082  }
0x22: {  	[simem:s7], [sflag:s8] =	dma.local @!p0 [hbm:s6], $0xF7A  }
0x23: {  	s9 =	sor.u32 $0xD0000000, s2;
	s6 =	simm.s32 $0x108;
	_ =	swait.ge @!p0 [sflag:s8], $0x0  }
0x24: {  	s3 =	sadd.s32 $0x88, s3;
	s6 =	simm.s32 @!p1 $0x1082;
	[sflag:s4] =	ssyncset.s32 $0xFFFFF086  }
0x25: {  	[simem:s6], [sflag:s4] =	dma.local [hbm:s3], $0xF7A  }
0x26: {  	[smem:$0x3F95] =	sst s1;
	(tag) =	ssettag s2;
	_ =	strace s9  }
0x27: {  	s1 =	sld [smem:$0x3FA5]  }
0x28: {  	s2 =	sld [smem:$0x3FA6]  }
0x29: {  	s4 =	sld [smem:$0x3FA8]  }
0x2a: {  	p0 =	seq.s32 s5, $0x0;
	s5 =	sld [smem:$0x3FA9]  }
0x2b: {  	s6 =	sld [smem:$0x3FAA]  }
0x2c: {  	s7 =	sld [smem:$0x3FAB]  }
0x2d: {  	s3 =	simm.s32 $0x108;
	s8 =	sld [smem:$0x3FAC]  }
0x2e: {  	s3 =	simm.s32 @!p0 $0x1082;
	s9 =	sld [smem:$0x3FAD]  }
0x2f: {  	lr =	sadd.s32 s0, s3;
	s0 =	sld [smem:$0x3FA4]  }
0x30: {  	s3 =	sld [smem:$0x3FA7]  }
0x31: {  	[smem:$0x3FB0] =	sst s10  }
0x32: {  	s10 =	sld [smem:$0x3FAE];
	_ =	sdelay $0x3  }
0x33: {  	p0 =	seq.s32 s10, $0x1;
	s10 =	sld [smem:$0x3FB0];
	_ =	sdelay $0x3  }
0x34: {  	[smem:$0x3FB0] =	sst s10  }
0x35: {  	s10 =	sld [smem:$0x3FAF];
	_ =	sdelay $0x3  }
0x36: {  	p1 =	seq.s32 s10, $0x1;
	s10 =	sld [smem:$0x3FB0];
	_ =	sdelay $0x3  }
0x37: {  	[smem:$0x3FB0] =	sst s10  }
0x38: {  	s10 =	sld [smem:$0x3FB1]  }
0x39: {  	_ = 	snop;
	(pc) =	sbr.ind lr, $3  }
0x3a: {  	_ = 	snop  }
0x3b: {  	_ = 	snop  }
0x3c: {  	p2 =	seq.s32 s10, $0x1;
	s10 =	sld [smem:$0x3FB0]  }
0x3d: {  	_ =	shalt  }
0x3e: {  	_ =	shalt  }
0x3f: {  	_ =	shalt  }
0x40: {  	_ =	shalt  }
0x41: {  	_ =	shalt  }
0x42: {  	_ =	shalt  }
0x43: {  	_ =	shalt  }
0x44: {  	_ =	shalt  }
0x45: {  	_ =	shalt  }
0x46: {  	_ =	shalt  }
0x47: {  	_ =	shalt  }
0x48: {  	_ =	shalt  }
0x49: {  	_ =	shalt  }
0x4a: {  	_ =	shalt  }
0x4b: {  	_ =	shalt  }
0x4c: {  	_ =	shalt  }
0x4d: {  	_ =	shalt  }
0x4e: {  	_ =	shalt  }
0x4f: {  	_ =	shalt  }
0x50: {  	_ =	shalt  }
0x51: {  	_ =	shalt  }
0x52: {  	_ =	shalt  }
0x53: {  	_ =	shalt  }
0x54: {  	_ =	shalt  }
0x55: {  	_ =	shalt  }
0x56: {  	_ =	shalt  }
0x57: {  	_ =	shalt  }
0x58: {  	_ =	shalt  }
0x59: {  	_ =	shalt  }
0x5a: {  	_ =	shalt  }
0x5b: {  	_ =	shalt  }
0x5c: {  	_ =	shalt  }
0x5d: {  	_ =	shalt  }
0x5e: {  	_ =	shalt  }
0x5f: {  	_ =	shalt  }
0x60: {  	_ =	shalt  }
0x61: {  	_ =	shalt  }
0x62: {  	_ =	shalt  }
0x63: {  	_ =	shalt  }
0x64: {  	_ =	shalt  }
0x65: {  	_ =	shalt  }
0x66: {  	_ =	shalt  }
0x67: {  	_ =	shalt  }
0x68: {  	_ =	shalt  }
0x69: {  	_ =	shalt  }
0x6a: {  	_ =	shalt  }
0x6b: {  	_ =	shalt  }
0x6c: {  	_ =	shalt  }
0x6d: {  	_ =	shalt  }
0x6e: {  	_ =	shalt  }
0x6f: {  	_ =	shalt  }
0x70: {  	_ =	shalt  }
0x71: {  	_ =	shalt  }
0x72: {  	_ =	shalt  }
0x73: {  	_ =	shalt  }
0x74: {  	_ =	shalt  }
0x75: {  	_ =	shalt  }
0x76: {  	_ =	shalt  }
0x77: {  	_ =	shalt  }
0x78: {  	_ =	shalt  }
0x79: {  	_ =	shalt  }
0x7a: {  	_ =	shalt  }
0x7b: {  	_ =	shalt  }
0x7c: {  	_ =	shalt  }
0x7d: {  	_ =	shalt  }
0x7e: {  	_ =	shalt  }
0x7f: {  	_ =	shalt  }
0x80: {  	_ =	shalt  }
0x81: {  	_ =	shalt  }
0x82: {  	_ =	shalt  }
0x83: {  	_ =	shalt  }
0x84: {  	_ =	shalt  }
0x85: {  	_ =	shalt  }
0x86: {  	_ =	shalt  }
0x87: {  	_ =	shalt  }
.Lfunc_end0:
.L_simem_size_0:
called_computation.2_lowered:
.L_overlay_start_0:
0x88: {  	s2 =	sld [smem:$0x3FD9]  }
0x89: {  	s3 =	sld [smem:$0x3FFE];
	_ =	sdelay $0x1  }
0x8a: {  	s1 =	srdreg.scid  }
0x8b: {  	s0 =	sand.u32 $0x1, s1  }
0x8c: {  	s14 =	sshll.u32 s0, $0xA;
	s2 =	sadd.s32 s3, s2  }
0x8d: {  	s2 =	sadd.s32 s2, s14  }
0x8e: {  	[smem:$0x3FBC] =	sst s2  }
0x8f: {  	_ = 	snop  }
0x90: {  	s2 =	sld [smem:$0x3FD0];
	_ =	sdelay $0x2  }
0x91: {  	s15 =	simm.s32 $0xA;
	s4 =	simm.s32 $0x10  }
0x92: {  	[smem:s4], [sflag:s15] =	dma.local [hbm:s2], $0x1  }
0x93: {  	_ =	swait.eq [sflag:s15], $0x1  }
0x94: {  	s16 =	sld [smem:$0x10];
	[sflag:s15] =	ssyncset.done $0x0  }
0x95: {  	s17 =	sld [smem:$0x11];
	[sflag:s15] =	ssyncadd.s32 $0xFFFFFFFF  }
0x96: {  	s18 =	sld [smem:$0x12];
	(tm) =	ssettm $0x1  }
0x97: {  	s5 =	sld [smem:$0x3FFB];
	_ =	sdelay $0x3  }
0x98: {  	_ =	strace s5  }
0x99: {  	s5 =	sld [smem:$0x3FFC];
	_ =	sdelay $0x3  }
0x9a: {  	_ =	strace s5  }
0x9b: {  	s5 =	sld [smem:$0x3FFD];
	_ =	sdelay $0x3  }
0x9c: {  	_ =	strace s5  }
0x9d: {  	_ =	strace $0x8FFFFFFF  }
0x9e: {  	s19 =	sld [smem:$0x3FDB];
	_ =	sdelay $0x1  }
0x9f: {  	s6 =	simm.s32 $_scs_section_size  }
0xa0: {  	s7 =	simm.s32 $_size__tile_overlayer_lowered;
	s8 =	simm.s32 $_tile_overlayer_lowered  }
0xa1: {  	s22 =	simm.s32 $0x1BFF;
	s21 =	sshll.u32 s8, $0x1;
	s5 =	sadd.s32 s6, s19  }
0xa2: {  	s9 =	simm.s32 $0x0;
	s20 =	sshll.u32 s7, $0x1;
	s7 =	sadd.s32 s21, s5  }
0xa3: {  	[timem:s9], [sflag:s22] =	dma.local [hbm:s7], s20  }
0xa4: {  	_ =	swait.ge [sflag:s22], s20  }
0xa5: {  	s6 =	ssub.s32 $0x0, s20;
	[sflag:s22] =	ssyncset.done $0x0  }
0xa6: {  	[sflag:s22] =	ssyncadd.s32 s6;
	_ =	sdelay $0x1  }
0xa7: {  	s23 =	simm.s32 $0x1B8B  }
0xa8: {  	_ =	swait.ge [sflag:s23], $0x1  }
0xa9: {  	[sflag:s23] =	ssyncset.done $0x0  }
0xaa: {  	s25 =	simm.s32 $0x1B8E;
	s24 =	sld [smem:$0x3FFE];
	[sflag:s23] =	ssyncadd.s32 $0xFFFFFFFF  }
0xab: {  	s26 =	simm.s32 $execute0_lowered;
	[smem:$0x3FD2] =	sst s25  }
0xac: {  	s7 =	sshll.u32 s26, $0x1;
	_ =	strace $0x8000004C;
	[dreg:$0x1] =	wrdreg $0xFFFFFFFF  }
0xad: {  	s28 =	simm.s32 $_size_execute0_lowered;
	s5 =	sadd.s32 s5, s7;
	[dreg:$0x0] =	wrdreg $0x0  }
0xae: {  	s7 =	sshll.u32 s28, $0x1;
	[dreg:$0x2] =	wrdreg s5  }
0xaf: {  	[dreg:$0x3] =	wrdreg s7  }
0xb0: {  	[dreg:$0x4] =	wrdreg $0xC0  }
0xb1: {  	_ =	task [dreg:s9], $0x5FFFF  }
0xb2: {  	[dreg:$0x1] =	wrdreg $0xFFFFFFFF  }
0xb3: {  	[dreg:$0x0] =	wrdreg $0x60  }
0xb4: {  	[dreg:$0x2] =	wrdreg s18  }
0xb5: {  	[dreg:$0x3] =	wrdreg s24  }
0xb6: {  	[dreg:$0x4] =	wrdreg s17  }
0xb7: {  	[dreg:$0x5] =	wrdreg s16  }
0xb8: {  	[dreg:$0x6] =	wrdreg $0xA7000  }
0xb9: {  	[dreg:$0x7] =	wrdreg $0x9  }
0xba: {  	_ =	task.clear_ibuf [dreg:s9], $0x8FFFF;
	_ =	strace $0x9000004C  }
0xbb: {  	s29 =	simm.s32 $0x9;
	_ =	strace $0x8000004E  }
0xbc: {  	_ =	swait.ge [sflag:s29], $0x1  }
0xbd: {  	[sflag:s29] =	ssyncadd.s32 $0xFFFFFFFF  }
0xbe: {  	_ =	strace $0x9000004E  }
0xbf: {  	_ =	sfence  }
0xc0: {  	s30 =	sld [smem:$0x0];
	_ =	sdelay $0x2  }
0xc1: {  	s31 =	sshll.u32 s1, $0xD;
	s1 =	sshrl.u32 s1, $0x2  }
0xc2: {  	s3 =	sand.u32 $0x4000, s31;
	s1 =	sadd.s32 s1, s30  }
0xc3: {  	s0 =	sor.u32 s3, s0;
	s1 =	sshll.u32 s1, $0x11  }
0xc4: {  	s0 =	sor.u32 s1, s0  }
0xc5: {  	s0 =	sadd.s32 $0x8F2B, s0  }
0xc6: {  	[sflag:s0] =	ssyncadd.remote.s32 $0x1  }
0xc7: {  	_ =	sfence.sel $0xFFFF  }
0xc8: {  	[dreg:$0x0] =	wrdreg $0xFFFFFFFF;
	(pc) =	sbr.abs _section_cstart, $3  }
0xc9: {  	[dreg:$0x1] =	wrdreg $0xFFFFFFFF  }
0xca: {  	_ =	task.clear_ibuf [dreg:s9], $0x2FFFF;
	_ =	strace $0x9FFFFFFF  }
0xcb: {  	(tm) =	ssettm $0x7FFFFFFF  }
tec
execute0_lowered:
.L_overlay_start_1:
0x0: {  	(tag) =	ssettag $0x1  }
0x1: {  	s1 =	rddreg [dreg:$0x0]  }
0x2: {  	s0 =	rddreg [dreg:$0x1]  }
0x3: {  	s2 =	rddreg [dreg:$0x2]  }
0x4: {  	s5 =	rddreg [dreg:$0x3]  }
0x5: {  	s3 =	rddreg [dreg:$0x4];
	s4 =	simm.s32 $0x0;
	s8 =	srdreg.scid  }
0x6: {  	s14 =	stileid.u32;
	[smem:$0x7FF] =	sst s4;
	s12 =	sand.u32 $0x1, s8  }
0x7: {  	s6 =	sadd.s32 $0x3E00, s0;
	s11 =	smul.u32 $0x50000, s14;
	s10 =	ssub.s32 $0x2, s12  }
0x8: {  	s7 =	sadd.s32 $0x14E000, s0;
	s8 =	sadd.s32 $0x176000, s0;
	s26 =	sshrl.u32 s10, $0x1  }
0x9: {  	s9 =	sadd.s32 $0x19E000, s0;
	s28 =	sshrl.u32 s11, $0x2;
	s0 =	ssub.s32 s10, s26  }
0xa: {  	s13 =	sshll.u32 s14, $0x1;
	s10 =	sadd.s32 s28, s3;
	s0 =	smax.u32 s0, $0x1  }
0xb: {  	_ =	strace $0x8000004D;
	s29 =	sadd.s32 $0x1000, s10;
	[dreg:$0x6] =	wrdreg s0  }
0xc: {  	s13 =	sor.u32 s12, s13;
	s30 =	sadd.s32 $0x2000, s10;
	[dreg:$0x7] =	wrdreg s29  }
0xd: {  	s11 =	smul.u32 $0x2880, s13;
	s13 =	sadd.s32 $0x3000, s10;
	[dreg:$0x8] =	wrdreg s30  }
0xe: {  	s15 =	sadd.s32 $0x4000, s10;
	[dreg:$0x9] =	wrdreg s13  }
0xf: {  	s16 =	sadd.s32 $0x5000, s10;
	[dreg:$0xa] =	wrdreg s15  }
0x10: {  	s18 =	sadd.s32 $0x6000, s10;
	[dreg:$0xb] =	wrdreg s16  }
0x11: {  	s19 =	sadd.s32 $0x7000, s10;
	[dreg:$0xc] =	wrdreg s18  }
0x12: {  	s21 =	sadd.s32 $0x8000, s10;
	[dreg:$0xd] =	wrdreg s19  }
0x13: {  	s22 =	sadd.s32 $0x9000, s10;
	[dreg:$0xe] =	wrdreg s21  }
0x14: {  	s20 =	smul.u32 $0x2800, s14;
	s23 =	sadd.s32 $0xA000, s10;
	[dreg:$0xf] =	wrdreg s22  }
0x15: {  	s14 =	simm.s32 $0x6700;
	s24 =	sadd.s32 $0xB000, s10;
	[dreg:$0x10] =	wrdreg s23  }
0x16: {  	s17 =	smul.u32 $0x28000, s12;
	s25 =	sadd.s32 $0xC000, s10;
	[dreg:$0x11] =	wrdreg s24  }
0x17: {  	s12 =	simm.s32 $0x9700;
	s26 =	sadd.s32 $0xD000, s10;
	[dreg:$0x12] =	wrdreg s25  }
0x18: {  	s28 =	sadd.s32 $0xE000, s10;
	s31 =	sadd.s32 $0x11000, s10;
	[dreg:$0x13] =	wrdreg s26  }
0x19: {  	s0 =	sadd.s32 s17, s5;
	[dreg:$0x14] =	wrdreg s28;
	s29 =	sadd.s32 $0xF000, s10  }
0x1a: {  	s30 =	sadd.s32 $0x10000, s10;
	s5 =	sadd.s32 $0x13000, s10;
	s13 =	simm.s32 $0x3  }
0x1b: {  	s15 =	simm.s32 $0x80;
	s16 =	simm.s32 $0x60;
	s17 =	simm.s32 $0x100  }
0x1c: {  	s18 =	simm.s32 $0x3100;
	s19 =	simm.s32 $0x1;
	s21 =	simm.s32 $0x6100  }
0x1d: {  	s22 =	simm.s32 $0x0;
	s24 =	sadd.s32 s20, s0;
	[dreg:$0x15] =	wrdreg s29  }
0x1e: {  	[dreg:$0x16] =	wrdreg s30;
	s0 =	sadd.s32 $0x12000, s10;
	s20 =	simm.s32 $0x2  }
.LBB2_1:
0x1f: {  	[tilespmem:s12], [sflag:$0x3] =	stream.linear.gather [hbm4b:s2+s4], $0x1000, $0x38;
	[tilespmem:$0x1E700] =	vst v63  }
0x20: {  	_ =	swait.ge [sflag:s13], $0x1000  }
0x21: {  	[sflag:s13] =	ssyncset.done $0x0  }
0x22: {  	[sflag:s13] =	ssyncadd.s32 $0xFFFFF000  }
0x23: {  	[spmem:s10] =	stream.linear.scatter [tilespmem:s12], [sflag:$0x3], $0x1000, $0x38;
	[tilespmem:$0x1E700] =	vst v63  }
0x24: {  	_ =	swait.ge [sflag:s13], $0x1000  }
0x25: {  	[sflag:s13] =	ssyncset.done $0x0  }
0x26: {  	s23 =	rddreg [dreg:$0x7];
	[sflag:s13] =	ssyncadd.s32 $0xFFFFF000  }
0x27: {  	[spmem:s23] =	stream.linear.scatter [tilespmem:s12], [sflag:$0x3], $0x1000, $0x38;
	[tilespmem:$0x1E700] =	vst v63  }
0x28: {  	_ =	swait.ge [sflag:s13], $0x1000  }
0x29: {  	[sflag:s13] =	ssyncset.done $0x0  }
0x2a: {  	s29 =	rddreg [dreg:$0x8];
	[sflag:s13] =	ssyncadd.s32 $0xFFFFF000  }
0x2b: {  	[spmem:s29] =	stream.linear.scatter [tilespmem:s12], [sflag:$0x3], $0x1000, $0x38;
	[tilespmem:$0x1E700] =	vst v63  }
0x2c: {  	_ =	swait.ge [sflag:s13], $0x1000  }
0x2d: {  	[sflag:s13] =	ssyncset.done $0x0  }
0x2e: {  	s30 =	rddreg [dreg:$0x9];
	[sflag:s13] =	ssyncadd.s32 $0xFFFFF000  }
0x2f: {  	[spmem:s30] =	stream.linear.scatter [tilespmem:s12], [sflag:$0x3], $0x1000, $0x38;
	[tilespmem:$0x1E700] =	vst v63  }
0x30: {  	_ =	swait.ge [sflag:s13], $0x1000  }
0x31: {  	[sflag:s13] =	ssyncset.done $0x0  }
0x32: {  	s25 =	rddreg [dreg:$0xa];
	[sflag:s13] =	ssyncadd.s32 $0xFFFFF000  }
0x33: {  	[spmem:s25] =	stream.linear.scatter [tilespmem:s12], [sflag:$0x3], $0x1000, $0x38;
	[tilespmem:$0x1E700] =	vst v63  }
0x34: {  	_ =	swait.ge [sflag:s13], $0x1000  }
0x35: {  	[sflag:s13] =	ssyncset.done $0x0  }
0x36: {  	s26 =	rddreg [dreg:$0xb];
	[sflag:s13] =	ssyncadd.s32 $0xFFFFF000  }
0x37: {  	[spmem:s26] =	stream.linear.scatter [tilespmem:s12], [sflag:$0x3], $0x1000, $0x38;
	[tilespmem:$0x1E700] =	vst v63  }
0x38: {  	_ =	swait.ge [sflag:s13], $0x1000  }
0x39: {  	[sflag:s13] =	ssyncset.done $0x0  }
0x3a: {  	s28 =	rddreg [dreg:$0xc];
	[sflag:s13] =	ssyncadd.s32 $0xFFFFF000  }
0x3b: {  	[spmem:s28] =	stream.linear.scatter [tilespmem:s12], [sflag:$0x3], $0x1000, $0x38;
	[tilespmem:$0x1E700] =	vst v63  }
0x3c: {  	_ =	swait.ge [sflag:s13], $0x1000  }
0x3d: {  	[sflag:s13] =	ssyncset.done $0x0  }
0x3e: {  	s29 =	rddreg [dreg:$0xd];
	[sflag:s13] =	ssyncadd.s32 $0xFFFFF000  }
0x3f: {  	[spmem:s29] =	stream.linear.scatter [tilespmem:s12], [sflag:$0x3], $0x1000, $0x38;
	[tilespmem:$0x1E700] =	vst v63  }
0x40: {  	_ =	swait.ge [sflag:s13], $0x1000  }
0x41: {  	[sflag:s13] =	ssyncset.done $0x0  }
0x42: {  	s30 =	rddreg [dreg:$0xe];
	[sflag:s13] =	ssyncadd.s32 $0xFFFFF000  }
0x43: {  	[spmem:s30] =	stream.linear.scatter [tilespmem:s12], [sflag:$0x3], $0x1000, $0x38;
	[tilespmem:$0x1E700] =	vst v63  }
0x44: {  	_ =	swait.ge [sflag:s13], $0x1000  }
0x45: {  	[sflag:s13] =	ssyncset.done $0x0  }
0x46: {  	s25 =	rddreg [dreg:$0xf];
	[sflag:s13] =	ssyncadd.s32 $0xFFFFF000  }
0x47: {  	[spmem:s25] =	stream.linear.scatter [tilespmem:s12], [sflag:$0x3], $0x1000, $0x38;
	[tilespmem:$0x1E700] =	vst v63  }
0x48: {  	_ =	swait.ge [sflag:s13], $0x1000  }
0x49: {  	[sflag:s13] =	ssyncset.done $0x0  }
0x4a: {  	s26 =	rddreg [dreg:$0x10];
	[sflag:s13] =	ssyncadd.s32 $0xFFFFF000  }
0x4b: {  	[spmem:s26] =	stream.linear.scatter [tilespmem:s12], [sflag:$0x3], $0x1000, $0x38;
	[tilespmem:$0x1E700] =	vst v63  }
0x4c: {  	_ =	swait.ge [sflag:s13], $0x1000  }
0x4d: {  	[sflag:s13] =	ssyncset.done $0x0  }
0x4e: {  	s28 =	rddreg [dreg:$0x11];
	[sflag:s13] =	ssyncadd.s32 $0xFFFFF000  }
0x4f: {  	[spmem:s28] =	stream.linear.scatter [tilespmem:s12], [sflag:$0x3], $0x1000, $0x38;
	[tilespmem:$0x1E700] =	vst v63  }
0x50: {  	_ =	swait.ge [sflag:s13], $0x1000  }
0x51: {  	[sflag:s13] =	ssyncset.done $0x0  }
0x52: {  	s29 =	rddreg [dreg:$0x12];
	[sflag:s13] =	ssyncadd.s32 $0xFFFFF000  }
0x53: {  	[spmem:s29] =	stream.linear.scatter [tilespmem:s12], [sflag:$0x3], $0x1000, $0x38;
	[tilespmem:$0x1E700] =	vst v63  }
0x54: {  	_ =	swait.ge [sflag:s13], $0x1000  }
0x55: {  	[sflag:s13] =	ssyncset.done $0x0  }
0x56: {  	s30 =	rddreg [dreg:$0x13];
	[sflag:s13] =	ssyncadd.s32 $0xFFFFF000  }
0x57: {  	[spmem:s30] =	stream.linear.scatter [tilespmem:s12], [sflag:$0x3], $0x1000, $0x38;
	[tilespmem:$0x1E700] =	vst v63  }
0x58: {  	_ =	swait.ge [sflag:s13], $0x1000  }
0x59: {  	[sflag:s13] =	ssyncset.done $0x0  }
0x5a: {  	s25 =	rddreg [dreg:$0x14];
	[sflag:s13] =	ssyncadd.s32 $0xFFFFF000  }
0x5b: {  	[spmem:s25] =	stream.linear.scatter [tilespmem:s12], [sflag:$0x3], $0x1000, $0x38;
	[tilespmem:$0x1E700] =	vst v63  }
0x5c: {  	_ =	swait.ge [sflag:s13], $0x1000  }
0x5d: {  	[sflag:s13] =	ssyncset.done $0x0  }
0x5e: {  	s26 =	rddreg [dreg:$0x15];
	[sflag:s13] =	ssyncadd.s32 $0xFFFFF000  }
0x5f: {  	[spmem:s26] =	stream.linear.scatter [tilespmem:s12], [sflag:$0x3], $0x1000, $0x38;
	[tilespmem:$0x1E700] =	vst v63  }
0x60: {  	_ =	swait.ge [sflag:s13], $0x1000  }
0x61: {  	[sflag:s13] =	ssyncset.done $0x0  }
0x62: {  	s28 =	rddreg [dreg:$0x16];
	[sflag:s13] =	ssyncadd.s32 $0xFFFFF000  }
0x63: {  	[spmem:s28] =	stream.linear.scatter [tilespmem:s12], [sflag:$0x3], $0x1000, $0x38;
	[tilespmem:$0x1E700] =	vst v63  }
0x64: {  	_ =	swait.ge [sflag:s13], $0x1000  }
0x65: {  	[sflag:s13] =	ssyncset.done $0x0  }
0x66: {  	[sflag:s13] =	ssyncadd.s32 $0xFFFFF000  }
0x67: {  	[spmem:s31] =	stream.linear.scatter [tilespmem:s12], [sflag:$0x3], $0x1000, $0x38;
	[tilespmem:$0x1E700] =	vst v63  }
0x68: {  	_ =	swait.ge [sflag:s13], $0x1000  }
0x69: {  	[sflag:s13] =	ssyncset.done $0x0  }
0x6a: {  	[sflag:s13] =	ssyncadd.s32 $0xFFFFF000  }
0x6b: {  	[spmem:s0] =	stream.linear.scatter [tilespmem:s12], [sflag:$0x3], $0x1000, $0x38;
	[tilespmem:$0x1E700] =	vst v63  }
0x6c: {  	_ =	swait.ge [sflag:s13], $0x1000  }
0x6d: {  	[sflag:s13] =	ssyncset.done $0x0  }
0x6e: {  	[sflag:s13] =	ssyncadd.s32 $0xFFFFF000  }
0x6f: {  	[spmem:s5] =	stream.linear.scatter [tilespmem:s12], [sflag:$0x3], $0x1000, $0x38;
	[tilespmem:$0x1E700] =	vst v63  }
0x70: {  	_ =	swait.ge [sflag:s13], $0x1000  }
0x71: {  	[sflag:s13] =	ssyncset.done $0x0  }
0x72: {  	[sflag:s13] =	ssyncadd.s32 $0xFFFFF000  }
0x73: {  	[tilespmem:s14], [sflag:$0x3] =	stream.linear.gather [hbm4b:s2+s4], $0x1000, $0x38;
	[tilespmem:$0x1E700] =	vst v63  }
0x74: {  	_ =	swait.ge [sflag:s13], $0x1000  }
0x75: {  	[sflag:s13] =	ssyncset.done $0x0  }
0x76: {  	s29 =	simm.s32 $0x7700;
	[sflag:s13] =	ssyncadd.s32 $0xFFFFF000  }
0x77: {  	[tilespmem:s29], [sflag:$0x3] =	stream.linear.gather [hbm4b:s2+s4], $0x1000, $0x38;
	[tilespmem:$0x1E700] =	vst v63  }
0x78: {  	_ =	swait.ge [sflag:s13], $0x1000  }
0x79: {  	[sflag:s13] =	ssyncset.done $0x0  }
0x7a: {  	s30 =	simm.s32 $0x8700;
	[sflag:s13] =	ssyncadd.s32 $0xFFFFF000  }
0x7b: {  	[tilespmem:s30], [sflag:$0x3] =	stream.linear.gather [hbm4b:s2+s4], $0x1000, $0x38;
	[tilespmem:$0x1E700] =	vst v63  }
0x7c: {  	_ =	swait.ge [sflag:s13], $0x1000  }
0x7d: {  	[sflag:s13] =	ssyncset.done $0x0  }
0x7e: {  	[sflag:s13] =	ssyncadd.s32 $0xFFFFF000  }
0x7f: {  	s23 =	simm.s32 $0x0;
	[bflag:$0x0] =	sbarrier.arrive $0xFFFF  }
.LBB2_2:
0x80: {  	s25 =	smul.u32 $0x60, s23;
	_ =	sdelay $0x1  }
0x81: {  	s25 =	sadd.s32 s11, s25  }
0x82: {  	s26 =	sshrl.u32 s25, $0x3  }
0x83: {  	s29 =	simm.s32 $0x0;
	s28 =	sadd.s32 s1, s26  }
0x84: {  	[tilespmem:s29], [sflag:$0x3] =	stream.linear.gather [hbm4b:s28+s29], $0x60, $0x38;
	[tilespmem:$0x1E700] =	vst v63  }
0x85: {  	_ =	swait.ge [sflag:s13], $0x60  }
0x86: {  	[sflag:s13] =	ssyncset.done $0x0  }
0x87: {  	s26 =	sadd.s32 s6, s26;
	[sflag:s13] =	ssyncadd.s32 $0xFFFFFFA0  }
0x88: {  	[tilespmem:s15], [sflag:$0x3] =	stream.linear.gather [hbm4b:s26+s29], $0x60, $0x38;
	[tilespmem:$0x1E700] =	vst v63  }
0x89: {  	_ =	swait.ge [sflag:s13], $0x60  }
0x8a: {  	[sflag:s13] =	ssyncset.done $0x0  }
0x8b: {  	[sflag:s13] =	ssyncadd.s32 $0xFFFFFFA0  }
0x8c: {  	[tilespmem:s17], [sflag:$0x1] =	stream.indirect.gather [hbm4b:s7+s16], $0x80, s29, s16, $0xb8;
	[tilespmem:$0x1E700] =	vst v63  }
0x8d: {  	_ = 	snop  }
0x8e: {  	[tilespmem:s18], [sflag:$0x2] =	stream.indirect.gather [hbm4b:s8+s16], $0x80, s15, s16, $0xb8;
	[tilespmem:$0x1E700] =	vst v63  }
0x8f: {  	_ =	swait.ge [sflag:s19], $0x3000  }
0x90: {  	[sflag:s19] =	ssyncset.done $0x0  }
0x91: {  	[sflag:s19] =	ssyncadd.s32 $0xFFFFD000  }
0x92: {  	_ =	swait.ge [sflag:s20], $0x3000  }
0x93: {  	[sflag:s20] =	ssyncset.done $0x0  }
0x94: {  	s30 =	simm.s32 $0x0;
	[sflag:s20] =	ssyncadd.s32 $0xFFFFD000  }
0x95: {  	v0 =	vld [tilespmem:s30+$0x3100]  }
0x96: {  	v1 =	vld [tilespmem:s30+$0x100];
	_ =	sdelay $0x4  }
0x97: {  	v0 =	vadd.f32 v0, v1;
	_ =	sdelay $0x1  }
0x98: {  	v1 =	vmul.f32 $2.000000030e-01, v0;
	_ =	sdelay $0x1  }
0x99: {  	v0 =	vmax.f32 v0, v1  }
0x9a: {  	v0 =	vmul.f32 $1.442695020e+00, v0;
	_ =	sdelay $0x1  }
0x9b: {  	(erf) = vpow2.f32 v0;
	_ =	sdelay $0x8  }
0x9c: {  	s28 =	simm.s32 $0x6100;
	v1 =	vpop (erf)  }
0x9d: {  	s26 =	simm.s32 $0x80;
	[tilespmem:s28+$0x0] =	vst v1  }
0x9e: {  	s29 =	simm.s32 $0x400;
	v0 =	vld [tilespmem:s26+$0x3100];
	[tilespmem:s30+$0x6700] =	vst v1  }
.LBB2_3:
0x9f: {  	p0 =	sne.s32 s29, $0xBE00;
	v1 =	vld [tilespmem:s26+$0x100];
	_ =	sdelay $0x4  }
0xa0: {  	v0 =	vadd.f32 v0, v1;
	_ =	sdelay $0x1  }
0xa1: {  	v1 =	vmul.f32 $2.000000030e-01, v0;
	_ =	sdelay $0x1  }
0xa2: {  	v0 =	vmax.f32 v0, v1  }
0xa3: {  	v0 =	vmul.f32 $1.442695020e+00, v0;
	_ =	sdelay $0x1  }
0xa4: {  	(erf) = vpow2.f32 v0;
	_ =	sdelay $0x6  }
.Ltmp0:
0xa5: {  	(pc) =	sbr.rel @p0 .LBB2_3-.Ltmp0, $4  }
0xa6: {  	_ = 	snop  }
0xa7: {  	s28 =	sadd.s32 $0x10, s28;
	v1 =	vpop (erf)  }
0xa8: {  	s30 =	sshra.s32 s29, $0x2;
	[tilespmem:s28+$0x0] =	vst v1  }
0xa9: {  	s29 =	sadd.s32 $0x200, s29;
	v0 =	vld [tilespmem:s30+$0x3100];
	[tilespmem:s26+$0x6700] =	vst v1;
	s26 =	smov.u32 s30  }
0xaa: {  	v1 =	vld [tilespmem:s26+$0x100];
	_ =	sdelay $0x4  }
0xab: {  	v0 =	vadd.f32 v0, v1;
	_ =	sdelay $0x1  }
0xac: {  	v1 =	vmul.f32 $2.000000030e-01, v0;
	_ =	sdelay $0x1  }
0xad: {  	v0 =	vmax.f32 v0, v1  }
0xae: {  	v0 =	vmul.f32 $1.442695020e+00, v0;
	_ =	sdelay $0x1  }
0xaf: {  	(erf) = vpow2.f32 v0;
	_ =	sdelay $0x8  }
0xb0: {  	s28 =	sadd.s32 $0x10, s28;
	v0 =	vpop (erf)  }
0xb1: {  	s25 =	sshll.u32 s25, $0x1;
	[tilespmem:s28+$0x0] =	vst v0  }
0xb2: {  	s25 =	sadd.s32 s9, s25;
	[tilespmem:s26+$0x6700] =	vst v0  }
0xb3: {  	[hbm4b:s25+s4] =	stream.linear.scatter [tilespmem:s21], [sflag:$0x3], $0x600, $0x38;
	[tilespmem:$0x1E700] =	vst v63  }
0xb4: {  	s23 =	sadd.s32 $0x1, s23;
	_ =	swait.ge [sflag:s13], $0x600  }
0xb5: {  	p0 =	sne.s32 s23, $0x6C;
	[sflag:s13] =	ssyncset.done $0x0  }
.Ltmp1:
0xb6: {  	[sflag:s13] =	ssyncadd.s32 $0xFFFFFA00;
	(pc) =	sbr.rel @p0 .LBB2_2-.Ltmp1, $4  }
0xb7: {  	[spmem:s3] =	stream.indirect.scatter.add.f32 [tilespmem:s14], [sflag:$0x3], $0x80, s15, s16, $0xb8;
	[tilespmem:$0x1E700] =	vst v63  }
0xb8: {  	_ =	swait.ge [sflag:s13], $0x3000  }
0xb9: {  	[sflag:s13] =	ssyncset.done $0x0  }
0xba: {  	[sflag:s13] =	ssyncadd.s32 $0xFFFFD000  }
0xbb: {  	[bflag:$0x0] =	sbarrier.arrive $0xFFFF  }
0xbc: {  	[tilespmem:s12], [sflag:$0x3] =	stream.linear.gather [spmem:s10], $0x1000, $0x38;
	[tilespmem:$0x1E700] =	vst v63  }
0xbd: {  	_ =	swait.ge [sflag:s13], $0x1000  }
0xbe: {  	[sflag:s13] =	ssyncset.done $0x0  }
0xbf: {  	s23 =	sadd.s32 $0x0, s24;
	[sflag:s13] =	ssyncadd.s32 $0xFFFFF000  }
0xc0: {  	[hbm4b:s23+s4] =	stream.linear.scatter [tilespmem:s12], [sflag:$0x3], $0x1000, $0x38;
	[tilespmem:$0x1E700] =	vst v63  }
0xc1: {  	_ =	swait.ge [sflag:s13], $0x1000  }
0xc2: {  	s25 =	smov.u32 s10;
	s23 =	simm.s32 $0x200;
	[sflag:s13] =	ssyncset.done $0x0  }
.LBB2_6:
0xc3: {  	p0 =	sne.s32 s23, $0x2600;
	[sflag:s13] =	ssyncadd.s32 $0xFFFFF000;
	s25 =	sadd.s32 $0x1000, s25  }
0xc4: {  	[tilespmem:s12], [sflag:$0x3] =	stream.linear.gather [spmem:s25], $0x1000, $0x38;
	[tilespmem:$0x1E700] =	vst v63  }
0xc5: {  	s26 =	smov.u32 s23;
	s23 =	sadd.s32 $0x200, s23;
	_ =	swait.ge [sflag:s13], $0x1000  }
.Ltmp2:
0xc6: {  	[sflag:s13] =	ssyncset.done $0x0;
	(pc) =	sbr.rel @p0 .LBB2_6-.Ltmp2, $4  }
0xc7: {  	s26 =	sadd.s32 s26, s24;
	[sflag:s13] =	ssyncadd.s32 $0xFFFFF000  }
0xc8: {  	[hbm4b:s26+s4] =	stream.linear.scatter [tilespmem:s12], [sflag:$0x3], $0x1000, $0x38;
	[tilespmem:$0x1E700] =	vst v63  }
0xc9: {  	_ =	swait.ge [sflag:s13], $0x1000  }
0xca: {  	[sflag:s13] =	ssyncset.done $0x0  }
0xcb: {  	s22 =	sadd.s32 $0x1, s22;
	s23 =	rddreg [dreg:$0x6]  }
0xcc: {  	p0 =	sne.s32 s22, s23  }
.Ltmp3:
0xcd: {  	_ = 	snop;
	(pc) =	sbr.rel @p0 .LBB2_1-.Ltmp3, $2  }
0xce: {  	_ =	sdelay $0x2  }
0xcf: {  	[sflag:s13] =	ssyncadd.s32 $0xFFFFF000  }
0xd0: {  	_ =	sfence.sel $0x180000  }
0xd1: {  	[bflag:$0x0] =	sbarrier.arrive $0xFFFF  }
0xd2: {  	_ =	strace $0x9000004D  }
0xd3: {  	s0 =	stileid.u32;
	[bflag:$0x2] =	sbarrier.arrive $0xFFFF  }
0xd4: {  	p0 =	sne.s32 s0, $0x0;
	s0 =	rddreg [dreg:$0x5]  }
0xd5: {  	s0 =	sadd.s32 @!p0 $0x100000, s0  }
0xd6: {  	[sflag:s0] =	ssyncadd.tile.s32 @!p0 $0x1;
	_ =	shalt  }
.Lfunc_end2:
_tile_overlayer_lowered:
.L_overlay_start_2:
0xd7: {  	(tag) =	ssettag $0x2  }
0xd8: {  	s0 =	rddreg [dreg:$0x0];
	s2 =	stileid.u32  }
0xd9: {  	s1 =	rddreg [dreg:$0x1];
	p0 =	sne.s32 s2, $0x0  }
0xda: {  	s3 =	rddreg [dreg:$0x2];
	[bflag:$0x3] =	sbarrier.arrive $0xFFFF;
	s2 =	simm.s32 @!p0 $0x1C03  }
0xdb: {  	[timem:s3], [sflag:s2] =	dma.local @!p0 [hbm:s0], s1  }
0xdc: {  	s0 =	simm.s32 @!p0 $0x3  }
0xdd: {  	_ =	swait.ge @!p0 [sflag:s0], s1  }
0xde: {  	s1 =	ssub.s32 @!p0 $0x0, s1;
	[sflag:s0] =	ssyncset.done @!p0 $0x0  }
0xdf: {  	[sflag:s0] =	ssyncadd.s32 @!p0 s1  }
0xe0: {  	[bflag:$0x3] =	sbarrier.arrive $0xFFFF  }
0xe1: {  	_ =	shalt  }

// kernel: kernel.21.cloned.1.call-start
scs
__scs_entry_jumppad:
0x0: {  	(pc) =	sbr.rel $0x88, $3  }
0x1: {  	(tag) =	ssettag $0x0;
	lr =	simm.s32 $0x1  }
0x2: {  	[smem:$0x3F95] =	sst lr;
	_ =	strace $0xD0000000  }
0x3: {  	_ = 	snop  }
0x4: {  	_ = 	snop  }
0x5: {  	_ = 	snop  }
0x6: {  	_ = 	snop  }
0x7: {  	_ = 	snop  }
__scs_overlays_trampoline_lowered:
0x8: {  	[smem:$0x3FA4] =	sst s0  }
0x9: {  	[smem:$0x3FA5] =	sst s1  }
0xa: {  	[smem:$0x3FA6] =	sst s2  }
0xb: {  	[smem:$0x3FA7] =	sst s3  }
0xc: {  	[smem:$0x3FA8] =	sst s4  }
0xd: {  	[smem:$0x3FA9] =	sst s5  }
0xe: {  	[smem:$0x3FAA] =	sst s6  }
0xf: {  	[smem:$0x3FAB] =	sst s7  }
0x10: {  	[smem:$0x3FAC] =	sst s8  }
0x11: {  	[smem:$0x3FAD] =	sst s9;
	s0 =	simm.s32 @!p0 $0x0  }
0x12: {  	s1 =	sld [smem:$0x3F93];
	s0 =	simm.s32 @p0 $0x1  }
0x13: {  	[smem:$0x3FAE] =	sst s0;
	s0 =	simm.s32 @!p1 $0x0  }
0x14: {  	s2 =	sld [smem:$0x3F92];
	s0 =	simm.s32 @p1 $0x1  }
0x15: {  	[smem:$0x3FAF] =	sst s0;
	s0 =	simm.s32 @!p2 $0x0  }
0x16: {  	s3 =	sld [smem:$0x3FDB];
	s0 =	simm.s32 @p2 $0x1  }
0x17: {  	s4 =	simm.s32 $0x1BF5;
	[smem:$0x3FB1] =	sst s0  }
0x18: {  	s0 =	sld [smem:$0x3F94];
	_ =	swait.ge [sflag:s4], $0x0  }
0x19: {  	s7 =	sld [smem:$0x3F95]  }
0x1a: {  	s8 =	sadd.s32 $0xFFFFE003, lr  }
0x1b: {  	s9 =	sadd.s32 $0xFFFFFEF7, lr;
	s5 =	simm.s32 $0xFFFFFFFF;
	p2 =	slt.u32 s8, $0xFFFFF086  }
0x1c: {  	p1 =	slt.u32 s9, $0xF7A;
	s5 =	simm.s32 @!p2 $0x0  }
0x1d: {  	s5 =	simm.s32 @p1 $0x1;
	p0 =	seq.s32 s7, s2  }
0x1e: {  	s7 =	smul.u32 @!p0 $0xF7A, s2;
	p2 =	seq.s32 @!p0 s5, $0x0  }
0x1f: {  	s9 =	smul.u32 $0xF7A, s1;
	s8 =	simm.s32 @!p0 $0x1BF5;
	p2 =	por !p2, p0  }
0x20: {  	[sflag:s8] =	ssyncset.s32 @!p0 $0xFFFFF086;
	s6 =	sadd.s32 @!p0 s3, s7;
	s7 =	simm.s32 @!p0 $0x108  }
0x21: {  	s3 =	sadd.s32 s3, s9;
	s6 =	sadd.s32 @!p0 $0x88, s6;
	s7 =	simm.s32 @p2 $0x1082  }
0x22: {  	[simem:s7], [sflag:s8] =	dma.local @!p0 [hbm:s6], $0xF7A  }
0x23: {  	s9 =	sor.u32 $0xD0000000, s2;
	s6 =	simm.s32 $0x108;
	_ =	swait.ge @!p0 [sflag:s8], $0x0  }
0x24: {  	s3 =	sadd.s32 $0x88, s3;
	s6 =	simm.s32 @!p1 $0x1082;
	[sflag:s4] =	ssyncset.s32 $0xFFFFF086  }
0x25: {  	[simem:s6], [sflag:s4] =	dma.local [hbm:s3], $0xF7A  }
0x26: {  	[smem:$0x3F95] =	sst s1;
	(tag) =	ssettag s2;
	_ =	strace s9  }
0x27: {  	s1 =	sld [smem:$0x3FA5]  }
0x28: {  	s2 =	sld [smem:$0x3FA6]  }
0x29: {  	s4 =	sld [smem:$0x3FA8]  }
0x2a: {  	p0 =	seq.s32 s5, $0x0;
	s5 =	sld [smem:$0x3FA9]  }
0x2b: {  	s6 =	sld [smem:$0x3FAA]  }
0x2c: {  	s7 =	sld [smem:$0x3FAB]  }
0x2d: {  	s3 =	simm.s32 $0x108;
	s8 =	sld [smem:$0x3FAC]  }
0x2e: {  	s3 =	simm.s32 @!p0 $0x1082;
	s9 =	sld [smem:$0x3FAD]  }
0x2f: {  	lr =	sadd.s32 s0, s3;
	s0 =	sld [smem:$0x3FA4]  }
0x30: {  	s3 =	sld [smem:$0x3FA7]  }
0x31: {  	[smem:$0x3FB0] =	sst s10  }
0x32: {  	s10 =	sld [smem:$0x3FAE];
	_ =	sdelay $0x3  }
0x33: {  	p0 =	seq.s32 s10, $0x1;
	s10 =	sld [smem:$0x3FB0];
	_ =	sdelay $0x3  }
0x34: {  	[smem:$0x3FB0] =	sst s10  }
0x35: {  	s10 =	sld [smem:$0x3FAF];
	_ =	sdelay $0x3  }
0x36: {  	p1 =	seq.s32 s10, $0x1;
	s10 =	sld [smem:$0x3FB0];
	_ =	sdelay $0x3  }
0x37: {  	[smem:$0x3FB0] =	sst s10  }
0x38: {  	s10 =	sld [smem:$0x3FB1]  }
0x39: {  	_ = 	snop;
	(pc) =	sbr.ind lr, $3  }
0x3a: {  	_ = 	snop  }
0x3b: {  	_ = 	snop  }
0x3c: {  	p2 =	seq.s32 s10, $0x1;
	s10 =	sld [smem:$0x3FB0]  }
0x3d: {  	_ =	shalt  }
0x3e: {  	_ =	shalt  }
0x3f: {  	_ =	shalt  }
0x40: {  	_ =	shalt  }
0x41: {  	_ =	shalt  }
0x42: {  	_ =	shalt  }
0x43: {  	_ =	shalt  }
0x44: {  	_ =	shalt  }
0x45: {  	_ =	shalt  }
0x46: {  	_ =	shalt  }
0x47: {  	_ =	shalt  }
0x48: {  	_ =	shalt  }
0x49: {  	_ =	shalt  }
0x4a: {  	_ =	shalt  }
0x4b: {  	_ =	shalt  }
0x4c: {  	_ =	shalt  }
0x4d: {  	_ =	shalt  }
0x4e: {  	_ =	shalt  }
0x4f: {  	_ =	shalt  }
0x50: {  	_ =	shalt  }
0x51: {  	_ =	shalt  }
0x52: {  	_ =	shalt  }
0x53: {  	_ =	shalt  }
0x54: {  	_ =	shalt  }
0x55: {  	_ =	shalt  }
0x56: {  	_ =	shalt  }
0x57: {  	_ =	shalt  }
0x58: {  	_ =	shalt  }
0x59: {  	_ =	shalt  }
0x5a: {  	_ =	shalt  }
0x5b: {  	_ =	shalt  }
0x5c: {  	_ =	shalt  }
0x5d: {  	_ =	shalt  }
0x5e: {  	_ =	shalt  }
0x5f: {  	_ =	shalt  }
0x60: {  	_ =	shalt  }
0x61: {  	_ =	shalt  }
0x62: {  	_ =	shalt  }
0x63: {  	_ =	shalt  }
0x64: {  	_ =	shalt  }
0x65: {  	_ =	shalt  }
0x66: {  	_ =	shalt  }
0x67: {  	_ =	shalt  }
0x68: {  	_ =	shalt  }
0x69: {  	_ =	shalt  }
0x6a: {  	_ =	shalt  }
0x6b: {  	_ =	shalt  }
0x6c: {  	_ =	shalt  }
0x6d: {  	_ =	shalt  }
0x6e: {  	_ =	shalt  }
0x6f: {  	_ =	shalt  }
0x70: {  	_ =	shalt  }
0x71: {  	_ =	shalt  }
0x72: {  	_ =	shalt  }
0x73: {  	_ =	shalt  }
0x74: {  	_ =	shalt  }
0x75: {  	_ =	shalt  }
0x76: {  	_ =	shalt  }
0x77: {  	_ =	shalt  }
0x78: {  	_ =	shalt  }
0x79: {  	_ =	shalt  }
0x7a: {  	_ =	shalt  }
0x7b: {  	_ =	shalt  }
0x7c: {  	_ =	shalt  }
0x7d: {  	_ =	shalt  }
0x7e: {  	_ =	shalt  }
0x7f: {  	_ =	shalt  }
0x80: {  	_ =	shalt  }
0x81: {  	_ =	shalt  }
0x82: {  	_ =	shalt  }
0x83: {  	_ =	shalt  }
0x84: {  	_ =	shalt  }
0x85: {  	_ =	shalt  }
0x86: {  	_ =	shalt  }
0x87: {  	_ =	shalt  }
.Lfunc_end0:
.L_simem_size_0:
called_computation.3_lowered:
.L_overlay_start_0:
0x88: {  	s2 =	sld [smem:$0x3FD9]  }
0x89: {  	s3 =	sld [smem:$0x3FFE];
	_ =	sdelay $0x1  }
0x8a: {  	s1 =	srdreg.scid  }
0x8b: {  	s0 =	sand.u32 $0x1, s1  }
0x8c: {  	s14 =	sshll.u32 s0, $0xA;
	s2 =	sadd.s32 s3, s2  }
0x8d: {  	s2 =	sadd.s32 s2, s14  }
0x8e: {  	[smem:$0x3FBC] =	sst s2  }
0x8f: {  	_ = 	snop  }
0x90: {  	s2 =	sld [smem:$0x3FD0];
	_ =	sdelay $0x2  }
0x91: {  	s15 =	simm.s32 $0xA;
	s4 =	simm.s32 $0x10  }
0x92: {  	[smem:s4], [sflag:s15] =	dma.local [hbm:s2], $0x1  }
0x93: {  	_ =	swait.eq [sflag:s15], $0x1  }
0x94: {  	s16 =	sld [smem:$0x10];
	[sflag:s15] =	ssyncset.done $0x0  }
0x95: {  	s17 =	sld [smem:$0x11];
	[sflag:s15] =	ssyncadd.s32 $0xFFFFFFFF  }
0x96: {  	s18 =	sld [smem:$0x12];
	(tm) =	ssettm $0x1  }
0x97: {  	s5 =	sld [smem:$0x3FFB];
	_ =	sdelay $0x3  }
0x98: {  	_ =	strace s5  }
0x99: {  	s5 =	sld [smem:$0x3FFC];
	_ =	sdelay $0x3  }
0x9a: {  	_ =	strace s5  }
0x9b: {  	s5 =	sld [smem:$0x3FFD];
	_ =	sdelay $0x3  }
0x9c: {  	_ =	strace s5  }
0x9d: {  	_ =	strace $0x8FFFFFFF  }
0x9e: {  	s19 =	sld [smem:$0x3FDB];
	_ =	sdelay $0x1  }
0x9f: {  	s6 =	simm.s32 $_scs_section_size  }
0xa0: {  	s7 =	simm.s32 $_size__tile_overlayer_lowered;
	s8 =	simm.s32 $_tile_overlayer_lowered  }
0xa1: {  	s22 =	simm.s32 $0x1BFF;
	s21 =	sshll.u32 s8, $0x1;
	s5 =	sadd.s32 s6, s19  }
0xa2: {  	s9 =	simm.s32 $0x0;
	s20 =	sshll.u32 s7, $0x1;
	s7 =	sadd.s32 s21, s5  }
0xa3: {  	[timem:s9], [sflag:s22] =	dma.local [hbm:s7], s20  }
0xa4: {  	_ =	swait.ge [sflag:s22], s20  }
0xa5: {  	s6 =	ssub.s32 $0x0, s20;
	[sflag:s22] =	ssyncset.done $0x0  }
0xa6: {  	[sflag:s22] =	ssyncadd.s32 s6;
	_ =	sdelay $0x1  }
0xa7: {  	s23 =	simm.s32 $0x1B8B  }
0xa8: {  	_ =	swait.ge [sflag:s23], $0x1  }
0xa9: {  	[sflag:s23] =	ssyncset.done $0x0  }
0xaa: {  	s25 =	simm.s32 $0x1B8E;
	s24 =	sld [smem:$0x3FFE];
	[sflag:s23] =	ssyncadd.s32 $0xFFFFFFFF  }
0xab: {  	s26 =	simm.s32 $execute0_lowered;
	[smem:$0x3FD2] =	sst s25  }
0xac: {  	s7 =	sshll.u32 s26, $0x1;
	_ =	strace $0x8000004F;
	[dreg:$0x1] =	wrdreg $0xFFFFFFFF  }
0xad: {  	s28 =	simm.s32 $_size_execute0_lowered;
	s5 =	sadd.s32 s5, s7;
	[dreg:$0x0] =	wrdreg $0x0  }
0xae: {  	s7 =	sshll.u32 s28, $0x1;
	[dreg:$0x2] =	wrdreg s5  }
0xaf: {  	[dreg:$0x3] =	wrdreg s7  }
0xb0: {  	[dreg:$0x4] =	wrdreg $0xC0  }
0xb1: {  	_ =	task [dreg:s9], $0x5FFFF  }
0xb2: {  	[dreg:$0x1] =	wrdreg $0xFFFFFFFF  }
0xb3: {  	[dreg:$0x0] =	wrdreg $0x60  }
0xb4: {  	[dreg:$0x2] =	wrdreg s18  }
0xb5: {  	[dreg:$0x3] =	wrdreg s24  }
0xb6: {  	[dreg:$0x4] =	wrdreg s17  }
0xb7: {  	[dreg:$0x5] =	wrdreg s16  }
0xb8: {  	[dreg:$0x6] =	wrdreg $0xAC000  }
0xb9: {  	[dreg:$0x7] =	wrdreg $0x9  }
0xba: {  	_ =	task.clear_ibuf [dreg:s9], $0x8FFFF;
	_ =	strace $0x9000004F  }
0xbb: {  	s29 =	simm.s32 $0x9;
	_ =	strace $0x80000051  }
0xbc: {  	_ =	swait.ge [sflag:s29], $0x1  }
0xbd: {  	[sflag:s29] =	ssyncadd.s32 $0xFFFFFFFF  }
0xbe: {  	_ =	strace $0x90000051  }
0xbf: {  	_ =	sfence  }
0xc0: {  	s30 =	sld [smem:$0x0];
	_ =	sdelay $0x2  }
0xc1: {  	s31 =	sshll.u32 s1, $0xD;
	s1 =	sshrl.u32 s1, $0x2  }
0xc2: {  	s3 =	sand.u32 $0x4000, s31;
	s1 =	sadd.s32 s1, s30  }
0xc3: {  	s0 =	sor.u32 s3, s0;
	s1 =	sshll.u32 s1, $0x11  }
0xc4: {  	s0 =	sor.u32 s1, s0  }
0xc5: {  	s0 =	sadd.s32 $0x8F2B, s0  }
0xc6: {  	[sflag:s0] =	ssyncadd.remote.s32 $0x1  }
0xc7: {  	_ =	sfence.sel $0xFFFF  }
0xc8: {  	[dreg:$0x0] =	wrdreg $0xFFFFFFFF;
	(pc) =	sbr.abs _section_cstart, $3  }
0xc9: {  	[dreg:$0x1] =	wrdreg $0xFFFFFFFF  }
0xca: {  	_ =	task.clear_ibuf [dreg:s9], $0x2FFFF;
	_ =	strace $0x9FFFFFFF  }
0xcb: {  	(tm) =	ssettm $0x7FFFFFFF  }
tec
execute0_lowered:
.L_overlay_start_1:
0x0: {  	(tag) =	ssettag $0x1  }
0x1: {  	s31 =	rddreg [dreg:$0x0]  }
0x2: {  	s0 =	rddreg [dreg:$0x1]  }
0x3: {  	s1 =	rddreg [dreg:$0x3]  }
0x4: {  	s9 =	rddreg [dreg:$0x4]  }
0x5: {  	s2 =	srdreg.scid;
	s13 =	stileid.u32  }
0x6: {  	s5 =	simm.s32 $0x0;
	s2 =	sand.u32 $0x1, s2;
	s3 =	sshll.u32 s13, $0x1  }
0x7: {  	[smem:$0x7FF] =	sst s5;
	s4 =	smul.u32 $0x50000, s13;
	s3 =	sor.u32 s2, s3  }
0x8: {  	s8 =	sadd.s32 $0x19E000, s0;
	_ =	strace $0x80000050;
	s17 =	smul.u32 $0x2880, s3  }
0x9: {  	s11 =	ssub.s32 $0x2, s2;
	s4 =	sshrl.u32 s4, $0x2;
	s3 =	smul.u32 $0x5100, s3  }
0xa: {  	s12 =	sshrl.u32 s11, $0x1;
	s18 =	sadd.s32 s4, s9;
	[dreg:$0x6] =	wrdreg s17  }
0xb: {  	s11 =	ssub.s32 s11, s12;
	s12 =	sadd.s32 s8, s3;
	[dreg:$0x7] =	wrdreg s18  }
0xc: {  	s19 =	sor.u32 $0x20, s17;
	[dreg:$0xa] =	wrdreg s12  }
0xd: {  	s6 =	sadd.s32 $0x3E00, s0;
	s21 =	smax.u32 s11, $0x1;
	[dreg:$0xb] =	wrdreg s19  }
0xe: {  	s7 =	sadd.s32 $0xE000, s0;
	s22 =	sadd.s32 $0x1000, s18;
	[dreg:$0xc] =	wrdreg s21  }
0xf: {  	s10 =	sadd.s32 $0x14E000, s0;
	s24 =	sadd.s32 $0x2000, s18;
	[dreg:$0xd] =	wrdreg s22  }
0x10: {  	s20 =	smul.u32 $0x28000, s2;
	s2 =	sadd.s32 $0x5000, s18;
	[dreg:$0xe] =	wrdreg s24  }
0x11: {  	s14 =	sadd.s32 $0xE100, s0;
	s3 =	sadd.s32 $0x6000, s18;
	[dreg:$0x11] =	wrdreg s2  }
0x12: {  	s15 =	sadd.s32 $0xE200, s0;
	s9 =	sadd.s32 $0x8000, s18;
	[dreg:$0x12] =	wrdreg s3  }
0x13: {  	s16 =	sadd.s32 $0xE300, s0;
	s11 =	sadd.s32 $0x9000, s18;
	[dreg:$0x14] =	wrdreg s9  }
0x14: {  	s23 =	smul.u32 $0x2800, s13;
	s13 =	sadd.s32 $0xB000, s18;
	[dreg:$0x15] =	wrdreg s11  }
0x15: {  	s25 =	sshrl.u32 s17, $0x3;
	s17 =	sadd.s32 $0xC000, s18;
	[dreg:$0x17] =	wrdreg s13  }
0x16: {  	s0 =	sadd.s32 s20, s1;
	s20 =	sadd.s32 $0xE000, s18;
	[dreg:$0x18] =	wrdreg s17  }
0x17: {  	s26 =	sadd.s32 s31, s25;
	[dreg:$0x1a] =	wrdreg s20  }
0x18: {  	s28 =	simm.s32 $0x1;
	s4 =	sadd.s32 s6, s25;
	[dreg:$0x8] =	wrdreg s26  }
0x19: {  	s29 =	simm.s32 $0x3;
	s25 =	sadd.s32 $0x3000, s18;
	[dreg:$0x9] =	wrdreg s4  }
0x1a: {  	s30 =	simm.s32 $0x5;
	s12 =	sadd.s32 $0xA000, s18;
	[dreg:$0xf] =	wrdreg s25  }
0x1b: {  	s24 =	sadd.s32 s23, s0;
	s19 =	sadd.s32 $0xD000, s18;
	[dreg:$0x16] =	wrdreg s12  }
0x1c: {  	s21 =	sadd.s32 $0xF000, s18;
	s22 =	sadd.s32 $0x10000, s18;
	[dreg:$0x19] =	wrdreg s19  }
0x1d: {  	s23 =	sadd.s32 $0x11000, s18;
	s0 =	simm.s32 $0x180;
	[dreg:$0x1b] =	wrdreg s21  }
0x1e: {  	s2 =	simm.s32 $0x2;
	s13 =	simm.s32 $0x6;
	[dreg:$0x1c] =	wrdreg s22  }
0x1f: {  	s3 =	simm.s32 $0x0;
	s26 =	sadd.s32 $0x4000, s18;
	[dreg:$0x1d] =	wrdreg s23  }
0x20: {  	s4 =	sadd.s32 $0x7000, s18;
	s25 =	sadd.s32 $0x12000, s18;
	[dreg:$0x10] =	wrdreg s26  }
0x21: {  	v2 =	vlaneseq.u32;
	s22 =	simm.s32 $0x9C00;
	s23 =	simm.s32 $0x7;
	[dreg:$0x13] =	wrdreg s4  }
0x22: {  	vm0 =	vmmov $0xffff;
	v1 =	vshrl.u32 v2, $0x3;
	s12 =	simm.s32 $0x4;
	[dreg:$0x1e] =	wrdreg s25;
	s26 =	sadd.s32 $0x13000, s18  }
0x23: {  	v0 =	vand.u32 $0x7, v2;
	v2 =	vor.u32 $0x8, v2;
	v1 =	vmul.u32 $0x8, v1;
	s4 =	simm.s32 $0x9400;
	[dreg:$0x1f] =	wrdreg s26;
	s26 =	simm.s32 $0x10  }
.LBB2_1:
0x24: {  	[smem:$0x7FD] =	sst s3  }
0x25: {  	s1 =	rddreg [dreg:$0x2]  }
0x26: {  	[tilespmem:s22], [sflag:$0x7] =	stream.linear.gather [hbm4b:s1+s5], $0x1000, $0x38;
	[tilespmem:$0x1EC00] =	vst v63  }
0x27: {  	_ =	swait.ge [sflag:s23], $0x1000  }
0x28: {  	[sflag:s23] =	ssyncset.done $0x0  }
0x29: {  	[sflag:s23] =	ssyncadd.s32 $0xFFFFF000  }
0x2a: {  	[spmem:s18] =	stream.linear.scatter [tilespmem:s22], [sflag:$0x7], $0x1000, $0x38;
	[tilespmem:$0x1EC00] =	vst v63  }
0x2b: {  	_ =	swait.ge [sflag:s23], $0x1000  }
0x2c: {  	[sflag:s23] =	ssyncset.done $0x0  }
0x2d: {  	s17 =	rddreg [dreg:$0xd];
	[sflag:s23] =	ssyncadd.s32 $0xFFFFF000  }
0x2e: {  	[spmem:s17] =	stream.linear.scatter [tilespmem:s22], [sflag:$0x7], $0x1000, $0x38;
	[tilespmem:$0x1EC00] =	vst v63  }
0x2f: {  	_ =	swait.ge [sflag:s23], $0x1000  }
0x30: {  	[sflag:s23] =	ssyncset.done $0x0  }
0x31: {  	s18 =	rddreg [dreg:$0xe];
	[sflag:s23] =	ssyncadd.s32 $0xFFFFF000  }
0x32: {  	[spmem:s18] =	stream.linear.scatter [tilespmem:s22], [sflag:$0x7], $0x1000, $0x38;
	[tilespmem:$0x1EC00] =	vst v63  }
0x33: {  	_ =	swait.ge [sflag:s23], $0x1000  }
0x34: {  	[sflag:s23] =	ssyncset.done $0x0  }
0x35: {  	s19 =	rddreg [dreg:$0xf];
	[sflag:s23] =	ssyncadd.s32 $0xFFFFF000  }
0x36: {  	[spmem:s19] =	stream.linear.scatter [tilespmem:s22], [sflag:$0x7], $0x1000, $0x38;
	[tilespmem:$0x1EC00] =	vst v63  }
0x37: {  	_ =	swait.ge [sflag:s23], $0x1000  }
0x38: {  	[sflag:s23] =	ssyncset.done $0x0  }
0x39: {  	s20 =	rddreg [dreg:$0x10];
	[sflag:s23] =	ssyncadd.s32 $0xFFFFF000  }
0x3a: {  	[spmem:s20] =	stream.linear.scatter [tilespmem:s22], [sflag:$0x7], $0x1000, $0x38;
	[tilespmem:$0x1EC00] =	vst v63  }
0x3b: {  	_ =	swait.ge [sflag:s23], $0x1000  }
0x3c: {  	[sflag:s23] =	ssyncset.done $0x0  }
0x3d: {  	s21 =	rddreg [dreg:$0x11];
	[sflag:s23] =	ssyncadd.s32 $0xFFFFF000  }
0x3e: {  	[spmem:s21] =	stream.linear.scatter [tilespmem:s22], [sflag:$0x7], $0x1000, $0x38;
	[tilespmem:$0x1EC00] =	vst v63  }
0x3f: {  	_ =	swait.ge [sflag:s23], $0x1000  }
0x40: {  	[sflag:s23] =	ssyncset.done $0x0  }
0x41: {  	s25 =	rddreg [dreg:$0x12];
	[sflag:s23] =	ssyncadd.s32 $0xFFFFF000  }
0x42: {  	[spmem:s25] =	stream.linear.scatter [tilespmem:s22], [sflag:$0x7], $0x1000, $0x38;
	[tilespmem:$0x1EC00] =	vst v63  }
0x43: {  	_ =	swait.ge [sflag:s23], $0x1000  }
0x44: {  	[sflag:s23] =	ssyncset.done $0x0  }
0x45: {  	s3 =	rddreg [dreg:$0x13];
	[sflag:s23] =	ssyncadd.s32 $0xFFFFF000  }
0x46: {  	[spmem:s3] =	stream.linear.scatter [tilespmem:s22], [sflag:$0x7], $0x1000, $0x38;
	[tilespmem:$0x1EC00] =	vst v63  }
0x47: {  	_ =	swait.ge [sflag:s23], $0x1000  }
0x48: {  	[sflag:s23] =	ssyncset.done $0x0  }
0x49: {  	s9 =	rddreg [dreg:$0x14];
	[sflag:s23] =	ssyncadd.s32 $0xFFFFF000  }
0x4a: {  	[spmem:s9] =	stream.linear.scatter [tilespmem:s22], [sflag:$0x7], $0x1000, $0x38;
	[tilespmem:$0x1EC00] =	vst v63  }
0x4b: {  	_ =	swait.ge [sflag:s23], $0x1000  }
0x4c: {  	[sflag:s23] =	ssyncset.done $0x0  }
0x4d: {  	s11 =	rddreg [dreg:$0x15];
	[sflag:s23] =	ssyncadd.s32 $0xFFFFF000  }
0x4e: {  	[spmem:s11] =	stream.linear.scatter [tilespmem:s22], [sflag:$0x7], $0x1000, $0x38;
	[tilespmem:$0x1EC00] =	vst v63  }
0x4f: {  	_ =	swait.ge [sflag:s23], $0x1000  }
0x50: {  	[sflag:s23] =	ssyncset.done $0x0  }
0x51: {  	s17 =	rddreg [dreg:$0x16];
	[sflag:s23] =	ssyncadd.s32 $0xFFFFF000  }
0x52: {  	[spmem:s17] =	stream.linear.scatter [tilespmem:s22], [sflag:$0x7], $0x1000, $0x38;
	[tilespmem:$0x1EC00] =	vst v63  }
0x53: {  	_ =	swait.ge [sflag:s23], $0x1000  }
0x54: {  	[sflag:s23] =	ssyncset.done $0x0  }
0x55: {  	s18 =	rddreg [dreg:$0x17];
	[sflag:s23] =	ssyncadd.s32 $0xFFFFF000  }
0x56: {  	[spmem:s18] =	stream.linear.scatter [tilespmem:s22], [sflag:$0x7], $0x1000, $0x38;
	[tilespmem:$0x1EC00] =	vst v63  }
0x57: {  	_ =	swait.ge [sflag:s23], $0x1000  }
0x58: {  	[sflag:s23] =	ssyncset.done $0x0  }
0x59: {  	s19 =	rddreg [dreg:$0x18];
	[sflag:s23] =	ssyncadd.s32 $0xFFFFF000  }
0x5a: {  	[spmem:s19] =	stream.linear.scatter [tilespmem:s22], [sflag:$0x7], $0x1000, $0x38;
	[tilespmem:$0x1EC00] =	vst v63  }
0x5b: {  	_ =	swait.ge [sflag:s23], $0x1000  }
0x5c: {  	[sflag:s23] =	ssyncset.done $0x0  }
0x5d: {  	s20 =	rddreg [dreg:$0x19];
	[sflag:s23] =	ssyncadd.s32 $0xFFFFF000  }
0x5e: {  	[spmem:s20] =	stream.linear.scatter [tilespmem:s22], [sflag:$0x7], $0x1000, $0x38;
	[tilespmem:$0x1EC00] =	vst v63  }
0x5f: {  	_ =	swait.ge [sflag:s23], $0x1000  }
0x60: {  	[sflag:s23] =	ssyncset.done $0x0  }
0x61: {  	s21 =	rddreg [dreg:$0x1a];
	[sflag:s23] =	ssyncadd.s32 $0xFFFFF000  }
0x62: {  	[spmem:s21] =	stream.linear.scatter [tilespmem:s22], [sflag:$0x7], $0x1000, $0x38;
	[tilespmem:$0x1EC00] =	vst v63  }
0x63: {  	_ =	swait.ge [sflag:s23], $0x1000  }
0x64: {  	[sflag:s23] =	ssyncset.done $0x0  }
0x65: {  	s25 =	rddreg [dreg:$0x1b];
	[sflag:s23] =	ssyncadd.s32 $0xFFFFF000  }
0x66: {  	[spmem:s25] =	stream.linear.scatter [tilespmem:s22], [sflag:$0x7], $0x1000, $0x38;
	[tilespmem:$0x1EC00] =	vst v63  }
0x67: {  	_ =	swait.ge [sflag:s23], $0x1000  }
0x68: {  	[sflag:s23] =	ssyncset.done $0x0  }
0x69: {  	s3 =	rddreg [dreg:$0x1c];
	[sflag:s23] =	ssyncadd.s32 $0xFFFFF000  }
0x6a: {  	[spmem:s3] =	stream.linear.scatter [tilespmem:s22], [sflag:$0x7], $0x1000, $0x38;
	[tilespmem:$0x1EC00] =	vst v63  }
0x6b: {  	_ =	swait.ge [sflag:s23], $0x1000  }
0x6c: {  	[sflag:s23] =	ssyncset.done $0x0  }
0x6d: {  	s9 =	rddreg [dreg:$0x1d];
	[sflag:s23] =	ssyncadd.s32 $0xFFFFF000  }
0x6e: {  	[spmem:s9] =	stream.linear.scatter [tilespmem:s22], [sflag:$0x7], $0x1000, $0x38;
	[tilespmem:$0x1EC00] =	vst v63  }
0x6f: {  	_ =	swait.ge [sflag:s23], $0x1000  }
0x70: {  	[sflag:s23] =	ssyncset.done $0x0  }
0x71: {  	s11 =	rddreg [dreg:$0x1e];
	[sflag:s23] =	ssyncadd.s32 $0xFFFFF000  }
0x72: {  	[spmem:s11] =	stream.linear.scatter [tilespmem:s22], [sflag:$0x7], $0x1000, $0x38;
	[tilespmem:$0x1EC00] =	vst v63  }
0x73: {  	_ =	swait.ge [sflag:s23], $0x1000  }
0x74: {  	[sflag:s23] =	ssyncset.done $0x0  }
0x75: {  	s17 =	rddreg [dreg:$0x1f];
	[sflag:s23] =	ssyncadd.s32 $0xFFFFF000  }
0x76: {  	[spmem:s17] =	stream.linear.scatter [tilespmem:s22], [sflag:$0x7], $0x1000, $0x38;
	[tilespmem:$0x1EC00] =	vst v63  }
0x77: {  	_ =	swait.ge [sflag:s23], $0x1000  }
0x78: {  	[sflag:s23] =	ssyncset.done $0x0  }
0x79: {  	[sflag:s23] =	ssyncadd.s32 $0xFFFFF000  }
0x7a: {  	[bflag:$0x0] =	sbarrier.arrive $0xFFFF  }
0x7b: {  	s18 =	rddreg [dreg:$0x8]  }
0x7c: {  	[tilespmem:s5], [sflag:$0x7] =	stream.linear.gather [hbm4b:s18+s5], $0x10, $0x38;
	[tilespmem:$0x1EC00] =	vst v63  }
0x7d: {  	_ =	swait.ge [sflag:s23], $0x10  }
0x7e: {  	[sflag:s23] =	ssyncset.done $0x0  }
0x7f: {  	s3 =	simm.s32 $0x100;
	s19 =	rddreg [dreg:$0x9];
	[sflag:s23] =	ssyncadd.s32 $0xFFFFFFF0  }
0x80: {  	[tilespmem:s3], [sflag:$0x7] =	stream.linear.gather [hbm4b:s19+s5], $0x10, $0x38;
	[tilespmem:$0x1EC00] =	vst v63  }
0x81: {  	_ =	swait.ge [sflag:s23], $0x10  }
0x82: {  	[sflag:s23] =	ssyncset.done $0x0  }
0x83: {  	[sflag:s23] =	ssyncadd.s32 $0xFFFFFFF0  }
0x84: {  	v3 =	vld [tilespmem:$0x0];
	_ =	sdelay $0x4  }
0x85: {  	v4 =	vshll.u32 v3, $0x3  }
0x86: {  	v3 =	vand.u32 $0x7, v3;
	v4 =	vand.u32 $0xFFFFFFC0, v4  }
0x87: {  	v3 =	vor.u32 v3, v4  }
0x88: {  	v4 =	vperm.xlane v3, v0;
	_ =	sdelay $0x1  }
0x89: {  	v4 =	vadd.s32 v1, v4;
	_ =	sdelay $0x3  }
0x8a: {  	s20 =	simm.s32 $0x200  }
0x8b: {  	[tilespmem:s20], [sflag:$0x1] =	stream.indirect_vreg.gather [hbm4b:s7+s5], $0x80, v4, vm0, $0xb8;
	[tilespmem:$0x1EC00] =	vst v63  }
0x8c: {  	s21 =	simm.s32 $0xA00;
	v3 =	vperm.xlane v3, v2  }
0x8d: {  	[tilespmem:s21], [sflag:$0x1] =	stream.indirect_vreg.gather [hbm4b:s14+s5], $0x80, v4, vm0, $0xb8;
	[tilespmem:$0x1EC00] =	vst v63  }
0x8e: {  	s25 =	simm.s32 $0x1200;
	v3 =	vadd.s32 v1, v3  }
0x8f: {  	[tilespmem:s25], [sflag:$0x1] =	stream.indirect_vreg.gather [hbm4b:s15+s5], $0x80, v4, vm0, $0xb8;
	[tilespmem:$0x1EC00] =	vst v63  }
0x90: {  	s9 =	simm.s32 $0x1A00  }
0x91: {  	[tilespmem:s9], [sflag:$0x1] =	stream.indirect_vreg.gather [hbm4b:s16+s5], $0x80, v4, vm0, $0xb8;
	[tilespmem:$0x1EC00] =	vst v63  }
0x92: {  	s11 =	simm.s32 $0x2200  }
0x93: {  	[tilespmem:s11], [sflag:$0x1] =	stream.indirect_vreg.gather [hbm4b:s7+s5], $0x80, v3, vm0, $0xb8;
	[tilespmem:$0x1EC00] =	vst v63  }
0x94: {  	s17 =	simm.s32 $0x2A00  }
0x95: {  	[tilespmem:s17], [sflag:$0x1] =	stream.indirect_vreg.gather [hbm4b:s14+s5], $0x80, v3, vm0, $0xb8;
	[tilespmem:$0x1EC00] =	vst v63  }
0x96: {  	s18 =	simm.s32 $0x3200  }
0x97: {  	[tilespmem:s18], [sflag:$0x1] =	stream.indirect_vreg.gather [hbm4b:s15+s5], $0x80, v3, vm0, $0xb8;
	[tilespmem:$0x1EC00] =	vst v63  }
0x98: {  	s19 =	simm.s32 $0x3A00  }
0x99: {  	[tilespmem:s19], [sflag:$0x1] =	stream.indirect_vreg.gather [hbm4b:s16+s5], $0x80, v3, vm0, $0xb8;
	[tilespmem:$0x1EC00] =	vst v63  }
0x9a: {  	s20 =	simm.s32 $0x8400  }
0x9b: {  	[tilespmem:s20], [sflag:$0x3] =	stream.indirect.gather [hbm4b:s10+s26], $0x80, s3, s26, $0xb8;
	[tilespmem:$0x1EC00] =	vst v63  }
0x9c: {  	s21 =	rddreg [dreg:$0xa];
	s25 =	simm.s32 $0x8200;
	s17 =	simm.s32 $0x0  }
0x9d: {  	[tilespmem:s25], [sflag:$0x5] =	stream.linear.gather [hbm4b:s21+s5], $0x100, $0x38;
	[tilespmem:$0x1EC00] =	vst v63  }
.LBB2_2:
0x9e: {  	_ =	swait.ge [sflag:s28], $0x4000  }
0x9f: {  	[sflag:s28] =	ssyncset.done $0x0  }
0xa0: {  	[sflag:s28] =	ssyncadd.s32 $0xFFFFC000  }
0xa1: {  	_ =	swait.ge [sflag:s29], $0x800  }
0xa2: {  	s19 =	sshll.u32 s17, $0x5;
	[sflag:s29] =	ssyncset.done $0x0;
	s1 =	rddreg [dreg:$0x6]  }
0xa3: {  	[sflag:s29] =	ssyncadd.s32 $0xFFFFF800;
	s1 =	sadd.s32 s19, s1  }
0xa4: {  	_ =	swait.ge [sflag:s30], $0x100;
	s1 =	sadd.s32 $0x10, s1  }
0xa5: {  	s20 =	simm.s32 $0x0;
	[sflag:s30] =	ssyncset.done $0x0;
	s3 =	sshrl.u32 s1, $0x3  }
0xa6: {  	s9 =	simm.s32 $0x80;
	[sflag:s30] =	ssyncadd.s32 $0xFFFFFF00;
	s11 =	sadd.s32 s31, s3  }
0xa7: {  	[tilespmem:s9], [sflag:$0x7] =	stream.linear.gather [hbm4b:s11+s20], $0x10, $0x38;
	[tilespmem:$0x1EC00] =	vst v63  }
0xa8: {  	_ =	swait.ge [sflag:s23], $0x10  }
0xa9: {  	[sflag:s23] =	ssyncset.done $0x0  }
0xaa: {  	s3 =	sadd.s32 s6, s3;
	[sflag:s23] =	ssyncadd.s32 $0xFFFFFFF0  }
0xab: {  	[tilespmem:s0], [sflag:$0x7] =	stream.linear.gather [hbm4b:s3+s20], $0x10, $0x38;
	[tilespmem:$0x1EC00] =	vst v63  }
0xac: {  	_ =	swait.ge [sflag:s23], $0x10  }
0xad: {  	[sflag:s23] =	ssyncset.done $0x0  }
0xae: {  	[sflag:s23] =	ssyncadd.s32 $0xFFFFFFF0  }
0xaf: {  	v3 =	vld [tilespmem:$0x80];
	_ =	sdelay $0x4  }
0xb0: {  	v4 =	vshll.u32 v3, $0x3  }
0xb1: {  	v3 =	vand.u32 $0x7, v3;
	v4 =	vand.u32 $0xFFFFFFC0, v4  }
0xb2: {  	v3 =	vor.u32 v3, v4  }
0xb3: {  	v4 =	vperm.xlane v3, v0;
	_ =	sdelay $0x1  }
0xb4: {  	v4 =	vadd.s32 v1, v4;
	_ =	sdelay $0x3  }
0xb5: {  	s21 =	simm.s32 $0x4200  }
0xb6: {  	[tilespmem:s21], [sflag:$0x2] =	stream.indirect_vreg.gather [hbm4b:s7+s20], $0x80, v4, vm0, $0xb8;
	[tilespmem:$0x1EC00] =	vst v63  }
0xb7: {  	s25 =	simm.s32 $0x4A00;
	v3 =	vperm.xlane v3, v2  }
0xb8: {  	[tilespmem:s25], [sflag:$0x2] =	stream.indirect_vreg.gather [hbm4b:s14+s20], $0x80, v4, vm0, $0xb8;
	[tilespmem:$0x1EC00] =	vst v63  }
0xb9: {  	s9 =	simm.s32 $0x5200;
	v3 =	vadd.s32 v1, v3  }
0xba: {  	[tilespmem:s9], [sflag:$0x2] =	stream.indirect_vreg.gather [hbm4b:s15+s20], $0x80, v4, vm0, $0xb8;
	[tilespmem:$0x1EC00] =	vst v63  }
0xbb: {  	s11 =	simm.s32 $0x5A00  }
0xbc: {  	[tilespmem:s11], [sflag:$0x2] =	stream.indirect_vreg.gather [hbm4b:s16+s20], $0x80, v4, vm0, $0xb8;
	[tilespmem:$0x1EC00] =	vst v63  }
0xbd: {  	s21 =	simm.s32 $0x6200  }
0xbe: {  	[tilespmem:s21], [sflag:$0x2] =	stream.indirect_vreg.gather [hbm4b:s7+s20], $0x80, v3, vm0, $0xb8;
	[tilespmem:$0x1EC00] =	vst v63  }
0xbf: {  	s25 =	simm.s32 $0x6A00  }
0xc0: {  	[tilespmem:s25], [sflag:$0x2] =	stream.indirect_vreg.gather [hbm4b:s14+s20], $0x80, v3, vm0, $0xb8;
	[tilespmem:$0x1EC00] =	vst v63  }
0xc1: {  	s9 =	simm.s32 $0x7200  }
0xc2: {  	[tilespmem:s9], [sflag:$0x2] =	stream.indirect_vreg.gather [hbm4b:s15+s20], $0x80, v3, vm0, $0xb8;
	[tilespmem:$0x1EC00] =	vst v63  }
0xc3: {  	s18 =	smov.u32 s31;
	s1 =	sshll.u32 s1, $0x1;
	s11 =	simm.s32 $0x7A00  }
0xc4: {  	[tilespmem:s11], [sflag:$0x2] =	stream.indirect_vreg.gather [hbm4b:s16+s20], $0x80, v3, vm0, $0xb8;
	[tilespmem:$0x1EC00] =	vst v63  }
0xc5: {  	s1 =	sand.u32 $0x1FFFFFE0, s1;
	s31 =	simm.s32 $0x9440;
	s21 =	simm.s32 $0x8C00  }
0xc6: {  	[tilespmem:s21], [sflag:$0x4] =	stream.indirect.gather [hbm4b:s10+s26], $0x80, s0, s26, $0xb8;
	[tilespmem:$0x1EC00] =	vst v63  }
0xc7: {  	s1 =	sadd.s32 s8, s1;
	s25 =	simm.s32 $0x8300;
	s11 =	simm.s32 $0x8200  }
0xc8: {  	[tilespmem:s25], [sflag:$0x6] =	stream.linear.gather [hbm4b:s1+s20], $0x100, $0x38;
	[tilespmem:$0x1EC00] =	vst v63  }
0xc9: {  	s21 =	simm.s32 $0x8400;
	s25 =	simm.s32 $0x0;
	s1 =	simm.s32 $0x0  }
.LBB2_3:
0xca: {  	v3 =	vld [tilespmem:s11+$0x0];
	s3 =	sand.u32 $0x2000, s25;
	s9 =	sand.u32 $0x380, s1  }
0xcb: {  	v4 =	vld [tilespmem:s21+$0x0];
	s3 =	sor.u32 s9, s3  }
0xcc: {  	v5 =	vld [tilespmem:s3+$0x200]  }
0xcd: {  	v6 =	vld [tilespmem:s3+$0x210]  }
0xce: {  	v7 =	vld [tilespmem:s3+$0x220]  }
0xcf: {  	v8 =	vld [tilespmem:s3+$0x230]  }
0xd0: {  	v9 =	vld [tilespmem:s3+$0x240]  }
0xd1: {  	v10 =	vld [tilespmem:s3+$0x250]  }
0xd2: {  	v11 =	vld [tilespmem:s3+$0x260]  }
0xd3: {  	v12 =	vld [tilespmem:s3+$0x270]  }
0xd4: {  	v13 =	vld [tilespmem:s3+$0x600]  }
0xd5: {  	v14 =	vld [tilespmem:s3+$0x610]  }
0xd6: {  	v15 =	vld [tilespmem:s3+$0x620]  }
0xd7: {  	v16 =	vld [tilespmem:s3+$0x630]  }
0xd8: {  	v17 =	vld [tilespmem:s3+$0x640]  }
0xd9: {  	v18 =	vld [tilespmem:s3+$0x650]  }
0xda: {  	v19 =	vld [tilespmem:s3+$0x660]  }
0xdb: {  	v20 =	vld [tilespmem:s3+$0x670]  }
0xdc: {  	v21 =	vld [tilespmem:s3+$0xA00]  }
0xdd: {  	v22 =	vld [tilespmem:s3+$0xA10]  }
0xde: {  	v23 =	vld [tilespmem:s3+$0xA20];
	v3 =	vmul.f32 v4, v3  }
0xdf: {  	v24 =	vld [tilespmem:s3+$0xA30]  }
0xe0: {  	v44 =	vld [tilespmem:s3+$0xA40];
	v26 =	vbroadcast v3, $0x0;
	v31 =	vbroadcast v3, $0x1  }
0xe1: {  	v25 =	vld [tilespmem:s3+$0xA50];
	v50 =	vbroadcast v3, $0x2;
	v59 =	vbroadcast v3, $0x3  }
0xe2: {  	v27 =	vld [tilespmem:s3+$0xA60];
	v5 =	vmul.f32 v26, v5;
	v6 =	vmul.f32 v6, v26  }
0xe3: {  	v28 =	vld [tilespmem:s3+$0xA70];
	v7 =	vmul.f32 v7, v26;
	v8 =	vmul.f32 v8, v26  }
0xe4: {  	v29 =	vld [tilespmem:s3+$0xE00];
	v9 =	vmul.f32 v9, v26;
	v10 =	vmul.f32 v10, v26  }
0xe5: {  	v30 =	vld [tilespmem:s3+$0xE10];
	v13 =	vmul.f32 v13, v31;
	v11 =	vmul.f32 v11, v26  }
0xe6: {  	v32 =	vld [tilespmem:s3+$0xE20];
	v14 =	vmul.f32 v14, v31;
	v45 =	vmul.f32 v15, v31  }
0xe7: {  	v33 =	vld [tilespmem:s3+$0xE30];
	v46 =	vmul.f32 v16, v31;
	v48 =	vmul.f32 v17, v31  }
0xe8: {  	v34 =	vld [tilespmem:s3+$0xE40];
	v12 =	vmul.f32 v12, v26;
	v49 =	vmul.f32 v18, v31  }
0xe9: {  	v35 =	vld [tilespmem:s3+$0xE50];
	v19 =	vmul.f32 v19, v31;
	v20 =	vmul.f32 v20, v31  }
0xea: {  	v47 =	vld [tilespmem:s3+$0xE60];
	v52 =	vmul.f32 v21, v50;
	v53 =	vmul.f32 v22, v50  }
0xeb: {  	v51 =	vld [tilespmem:s3+$0x1210];
	v55 =	vmul.f32 v23, v50;
	v57 =	vmul.f32 v24, v50  }
0xec: {  	v54 =	vld [tilespmem:s3+$0x1230];
	v4 =	vmul.f32 v44, v50;
	v60 =	vmul.f32 v25, v50  }
0xed: {  	v56 =	vld [tilespmem:s3+$0x1240];
	v61 =	vmul.f32 v27, v50;
	v63 =	vmul.f32 v28, v50;
	v5 =	vadd.f32 $0.0e+00, v5  }
0xee: {  	v58 =	vld [tilespmem:s3+$0x1250];
	v31 =	vmul.f32 v29, v59;
	v6 =	vadd.f32 $0.0e+00, v6;
	v7 =	vadd.f32 $0.0e+00, v7  }
0xef: {  	v62 =	vld [tilespmem:s3+$0x1270];
	v37 =	vmul.f32 v30, v59;
	v8 =	vadd.f32 $0.0e+00, v8;
	v9 =	vadd.f32 $0.0e+00, v9  }
0xf0: {  	v17 =	vld [tilespmem:s3+$0xE70];
	v39 =	vmul.f32 v32, v59;
	v10 =	vadd.f32 $0.0e+00, v10;
	v11 =	vadd.f32 $0.0e+00, v11  }
0xf1: {  	v36 =	vld [tilespmem:s3+$0x1600];
	v41 =	vmul.f32 v33, v59;
	v12 =	vadd.f32 $0.0e+00, v12;
	v5 =	vadd.f32 v13, v5  }
0xf2: {  	v38 =	vld [tilespmem:s3+$0x1610];
	v42 =	vmul.f32 v34, v59;
	v6 =	vadd.f32 v14, v6;
	v7 =	vadd.f32 v45, v7  }
0xf3: {  	v26 =	vld [tilespmem:s3+$0x1220];
	v44 =	vmul.f32 v35, v59;
	v8 =	vadd.f32 v46, v8;
	v9 =	vadd.f32 v48, v9  }
0xf4: {  	v40 =	vld [tilespmem:s3+$0x1620];
	v47 =	vmul.f32 v47, v59;
	v10 =	vadd.f32 v49, v10;
	v11 =	vadd.f32 v19, v11  }
0xf5: {  	v23 =	vld [tilespmem:s3+$0x1260];
	v12 =	vadd.f32 v20, v12;
	v45 =	vbroadcast v3, $0x4;
	v49 =	vmul.f32 v17, v59  }
0xf6: {  	v43 =	vld [tilespmem:s3+$0x1630];
	v59 =	vbroadcast v3, $0x5;
	v5 =	vadd.f32 v52, v5;
	v6 =	vadd.f32 v53, v6  }
0xf7: {  	v50 =	vld [tilespmem:s3+$0x1660];
	v7 =	vadd.f32 v55, v7;
	v8 =	vadd.f32 v57, v8;
	v51 =	vmul.f32 v51, v45  }
0xf8: {  	v30 =	vld [tilespmem:s3+$0x1A40];
	v4 =	vadd.f32 v4, v9;
	v52 =	vmul.f32 v26, v45;
	v54 =	vmul.f32 v54, v45  }
0xf9: {  	v33 =	vld [tilespmem:s3+$0x1A50];
	v10 =	vadd.f32 v60, v10;
	v56 =	vmul.f32 v56, v45;
	v58 =	vmul.f32 v58, v45  }
0xfa: {  	v13 =	vld [tilespmem:s3+$0x1200];
	v11 =	vadd.f32 v61, v11;
	v61 =	vmul.f32 v23, v45;
	v62 =	vmul.f32 v62, v45  }
0xfb: {  	v46 =	vld [tilespmem:s3+$0x1640];
	v9 =	vadd.f32 v63, v12;
	v28 =	vmul.f32 v36, v59;
	v24 =	vmul.f32 v38, v59  }
0xfc: {  	v48 =	vld [tilespmem:s3+$0x1650];
	v32 =	vmul.f32 v40, v59;
	v5 =	vadd.f32 v31, v5;
	v6 =	vadd.f32 v37, v6  }
0xfd: {  	v53 =	vld [tilespmem:s3+$0x1670];
	v34 =	vmul.f32 v43, v59;
	v7 =	vadd.f32 v39, v7;
	v8 =	vadd.f32 v41, v8  }
0xfe: {  	v55 =	vld [tilespmem:s3+$0x1A00];
	v38 =	vmul.f32 v50, v59;
	v4 =	vadd.f32 v42, v4;
	v10 =	vadd.f32 v44, v10  }
0xff: {  	v57 =	vld [tilespmem:s3+$0x1A10];
	v11 =	vadd.f32 v47, v11;
	v9 =	vadd.f32 v49, v9;
	v39 =	vbroadcast v3, $0x6  }
0x100: {  	s9 =	sand.u32 $0x7, s20;
	v60 =	vld [tilespmem:s3+$0x1A20];
	v3 =	vbroadcast v3, $0x7;
	v13 =	vmul.f32 v13, v45;
	v6 =	vadd.f32 v51, v6  }
0x101: {  	s9 =	sshll.u32 s9, $0x7;
	v63 =	vld [tilespmem:s3+$0x1A30];
	v36 =	vmul.f32 v46, v59;
	v7 =	vadd.f32 v52, v7;
	v8 =	vadd.f32 v54, v8  }
0x102: {  	s9 =	sadd.s32 s9, s25;
	v35 =	vld [tilespmem:s3+$0x1A60];
	v16 =	vmul.f32 v48, v59;
	v4 =	vadd.f32 v56, v4;
	v10 =	vadd.f32 v58, v10  }
0x103: {  	v37 =	vld [tilespmem:s3+$0x1A70];
	s3 =	sor.u32 $0x1C00, s9;
	v11 =	vadd.f32 v61, v11;
	v9 =	vadd.f32 v62, v9;
	v50 =	vmul.f32 v30, v39  }
0x104: {  	v40 =	vld [tilespmem:s3+$0x200];
	s3 =	sor.u32 $0x1C10, s9;
	v5 =	vadd.f32 v13, v5;
	v41 =	vmul.f32 v53, v59;
	v43 =	vmul.f32 v55, v39  }
0x105: {  	v42 =	vld [tilespmem:s3+$0x200];
	s3 =	sor.u32 $0x1C20, s9;
	v44 =	vmul.f32 v57, v39;
	v46 =	vmul.f32 v60, v39;
	v6 =	vadd.f32 v24, v6  }
0x106: {  	v45 =	vld [tilespmem:s3+$0x200];
	s3 =	sor.u32 $0x1C30, s9;
	v48 =	vmul.f32 v63, v39;
	v7 =	vadd.f32 v32, v7;
	v8 =	vadd.f32 v34, v8  }
0x107: {  	v53 =	vmul.f32 v33, v39;
	v4 =	vadd.f32 v36, v4;
	v47 =	vld [tilespmem:s3+$0x200];
	s3 =	sor.u32 $0x1C40, s9;
	v5 =	vadd.f32 v28, v5  }
0x108: {  	v59 =	vmul.f32 v35, v39;
	v10 =	vadd.f32 v16, v10;
	v11 =	vadd.f32 v38, v11;
	v49 =	vld [tilespmem:s3+$0x200];
	s3 =	sor.u32 $0x1C50, s9  }
0x109: {  	v9 =	vadd.f32 v41, v9;
	v51 =	vmul.f32 v40, v3;
	v52 =	vld [tilespmem:s3+$0x200];
	s3 =	sor.u32 $0x1C60, s9;
	v5 =	vadd.f32 v43, v5  }
0x10a: {  	v60 =	vmul.f32 v37, v39;
	v6 =	vadd.f32 v44, v6;
	s9 =	sor.u32 $0x1C70, s9;
	v54 =	vmul.f32 v42, v3;
	v55 =	vld [tilespmem:s3+$0x200]  }
0x10b: {  	v7 =	vadd.f32 v46, v7;
	v57 =	vld [tilespmem:s9+$0x200];
	v56 =	vmul.f32 v45, v3;
	v5 =	vadd.f32 v51, v5  }
0x10c: {  	v8 =	vadd.f32 v48, v8;
	v6 =	vadd.f32 v54, v6;
	v58 =	vmul.f32 v47, v3  }
0x10d: {  	v4 =	vadd.f32 v50, v4;
	v7 =	vadd.f32 v56, v7;
	v13 =	vmul.f32 v49, v3;
	[tilespmem:s31+$0xFFFFFFC0] =	vst v5  }
0x10e: {  	v10 =	vadd.f32 v53, v10;
	v8 =	vadd.f32 v58, v8;
	[tilespmem:s31+$0xFFFFFFD0] =	vst v6;
	v61 =	vmul.f32 v52, v3  }
0x10f: {  	p0 =	sne.s32 s1, $0x780;
	v5 =	vadd.f32 v59, v11;
	v4 =	vadd.f32 v13, v4;
	v62 =	vmul.f32 v55, v3;
	[tilespmem:s31+$0xFFFFFFE0] =	vst v7  }
.Ltmp0:
0x110: {  	v63 =	vadd.f32 v60, v9;
	v3 =	vmul.f32 v57, v3;
	v6 =	vadd.f32 v61, v10;
	[tilespmem:s31+$0xFFFFFFF0] =	vst v8;
	(pc) =	sbr.rel @p0 .LBB2_3-.Ltmp0, $4  }
0x111: {  	v5 =	vadd.f32 v62, v5;
	[tilespmem:s31+$0x0] =	vst v4  }
0x112: {  	v3 =	vadd.f32 v3, v63;
	[tilespmem:s31+$0x10] =	vst v6  }
0x113: {  	s21 =	sadd.s32 $0x80, s21;
	s11 =	sadd.s32 $0x10, s11;
	s1 =	sadd.s32 $0x80, s1;
	[tilespmem:s31+$0x20] =	vst v5  }
0x114: {  	s20 =	sadd.s32 $0x1, s20;
	s25 =	sadd.s32 $0x400, s25;
	[tilespmem:s31+$0x30] =	vst v3;
	s31 =	sadd.s32 $0x80, s31  }
0x115: {  	s1 =	rddreg [dreg:$0x4];
	s3 =	simm.s32 $0x100  }
0x116: {  	[spmem:s1] =	stream.indirect.scatter.add.f32 [tilespmem:s4], [sflag:$0x7], $0x80, s3, s26, $0xb8;
	[tilespmem:$0x1EC00] =	vst v63  }
0x117: {  	_ =	swait.ge [sflag:s23], $0x800  }
0x118: {  	[sflag:s23] =	ssyncset.done $0x0  }
0x119: {  	[sflag:s23] =	ssyncadd.s32 $0xFFFFF800  }
0x11a: {  	_ =	swait.ge [sflag:s2], $0x4000  }
0x11b: {  	[sflag:s2] =	ssyncset.done $0x0  }
0x11c: {  	[sflag:s2] =	ssyncadd.s32 $0xFFFFC000  }
0x11d: {  	_ =	swait.ge [sflag:s12], $0x800  }
0x11e: {  	[sflag:s12] =	ssyncset.done $0x0  }
0x11f: {  	[sflag:s12] =	ssyncadd.s32 $0xFFFFF800  }
0x120: {  	_ =	swait.ge [sflag:s13], $0x100  }
0x121: {  	p0 =	seq.s32 s17, $0x143;
	s1 =	rddreg [dreg:$0xb]  }
0x122: {  	s1 =	sadd.s32 @!p0 s19, s1  }
0x123: {  	[sflag:s13] =	ssyncset.done $0x0;
	s3 =	sshrl.u32 @!p0 s1, $0x3  }
0x124: {  	s11 =	simm.s32 @!p0 $0x0;
	[sflag:s13] =	ssyncadd.s32 $0xFFFFFF00;
	s9 =	sadd.s32 @!p0 s18, s3  }
0x125: {  	[tilespmem:s11], [sflag:$0x7] =	stream.linear.gather @!p0 [hbm4b:s9+s11], $0x10, $0x38;
	[tilespmem:$0x1EC00] =	vst v63  }
0x126: {  	s9 =	simm.s32 @!p0 $0x7  }
0x127: {  	_ =	swait.ge @!p0 [sflag:s9], $0x10  }
0x128: {  	[sflag:s9] =	ssyncset.done @!p0 $0x0  }
0x129: {  	s19 =	simm.s32 @!p0 $0x100;
	s3 =	sadd.s32 @!p0 s6, s3;
	[sflag:s9] =	ssyncadd.s32 @!p0 $0xFFFFFFF0  }
0x12a: {  	[tilespmem:s19], [sflag:$0x7] =	stream.linear.gather @!p0 [hbm4b:s3+s11], $0x10, $0x38;
	[tilespmem:$0x1EC00] =	vst v63  }
0x12b: {  	_ =	swait.ge @!p0 [sflag:s9], $0x10  }
0x12c: {  	[sflag:s9] =	ssyncset.done @!p0 $0x0  }
0x12d: {  	[sflag:s9] =	ssyncadd.s32 @!p0 $0xFFFFFFF0  }
0x12e: {  	v3 =	vld @!p0 [tilespmem:$0x0];
	_ =	sdelay $0x4  }
0x12f: {  	v4 =	vshll.u32 @!p0 v3, $0x3  }
0x130: {  	v5 =	vlaneseq.u32 @!p0;
	v3 =	vand.u32 @!p0 $0x7, v3;
	v4 =	vand.u32 @!p0 $0xFFFFFFC0, v4  }
0x131: {  	v6 =	vshrl.u32 @!p0 v5, $0x3;
	v3 =	vor.u32 @!p0 v3, v4;
	v4 =	vand.u32 @!p0 $0x7, v5  }
0x132: {  	v6 =	vmul.u32 @!p0 $0x8, v6;
	v4 =	vperm.xlane @!p0 v3, v4;
	_ =	sdelay $0x1  }
0x133: {  	v4 =	vadd.s32 @!p0 v6, v4;
	_ =	sdelay $0x3  }
0x134: {  	vm1 =	vmmov @!p0 $0xffff;
	s3 =	simm.s32 @!p0 $0x200  }
0x135: {  	v5 =	vor.u32 @!p0 $0x8, v5;
	[tilespmem:s3], [sflag:$0x1] =	stream.indirect_vreg.gather @!p0 [hbm4b:s7+s11], $0x80, v4, vm1, $0xb8;
	[tilespmem:$0x1EC00] =	vst v63  }
0x136: {  	v3 =	vperm.xlane @!p0 v3, v5;
	s3 =	simm.s32 @!p0 $0xA00  }
0x137: {  	[tilespmem:s3], [sflag:$0x1] =	stream.indirect_vreg.gather @!p0 [hbm4b:s14+s11], $0x80, v4, vm1, $0xb8;
	[tilespmem:$0x1EC00] =	vst v63  }
0x138: {  	v3 =	vadd.s32 @!p0 v6, v3;
	s3 =	simm.s32 @!p0 $0x1200  }
0x139: {  	[tilespmem:s3], [sflag:$0x1] =	stream.indirect_vreg.gather @!p0 [hbm4b:s15+s11], $0x80, v4, vm1, $0xb8;
	[tilespmem:$0x1EC00] =	vst v63  }
0x13a: {  	s3 =	simm.s32 @!p0 $0x1A00  }
0x13b: {  	[tilespmem:s3], [sflag:$0x1] =	stream.indirect_vreg.gather @!p0 [hbm4b:s16+s11], $0x80, v4, vm1, $0xb8;
	[tilespmem:$0x1EC00] =	vst v63  }
0x13c: {  	s3 =	simm.s32 @!p0 $0x2200  }
0x13d: {  	[tilespmem:s3], [sflag:$0x1] =	stream.indirect_vreg.gather @!p0 [hbm4b:s7+s11], $0x80, v3, vm1, $0xb8;
	[tilespmem:$0x1EC00] =	vst v63  }
0x13e: {  	s3 =	simm.s32 @!p0 $0x2A00  }
0x13f: {  	[tilespmem:s3], [sflag:$0x1] =	stream.indirect_vreg.gather @!p0 [hbm4b:s14+s11], $0x80, v3, vm1, $0xb8;
	[tilespmem:$0x1EC00] =	vst v63  }
0x140: {  	s31 =	smov.u32 s18;
	s20 =	simm.s32 $0x8C00;
	s3 =	simm.s32 @!p0 $0x3200  }
0x141: {  	[tilespmem:s3], [sflag:$0x1] =	stream.indirect_vreg.gather @!p0 [hbm4b:s15+s11], $0x80, v3, vm1, $0xb8;
	[tilespmem:$0x1EC00] =	vst v63  }
0x142: {  	s21 =	simm.s32 $0x9440;
	s1 =	sshll.u32 @!p0 s1, $0x1;
	s3 =	simm.s32 @!p0 $0x3A00  }
0x143: {  	[tilespmem:s3], [sflag:$0x1] =	stream.indirect_vreg.gather @!p0 [hbm4b:s16+s11], $0x80, v3, vm1, $0xb8;
	[tilespmem:$0x1EC00] =	vst v63  }
0x144: {  	s1 =	sand.u32 @!p0 $0x1FFFFFC0, s1;
	s9 =	simm.s32 @!p0 $0x8400;
	s3 =	simm.s32 @!p0 $0x10  }
0x145: {  	[tilespmem:s9], [sflag:$0x3] =	stream.indirect.gather @!p0 [hbm4b:s10+s3], $0x80, s19, s3, $0xb8;
	[tilespmem:$0x1EC00] =	vst v63  }
0x146: {  	s25 =	simm.s32 $0x0;
	s1 =	sadd.s32 @!p0 s8, s1;
	s3 =	simm.s32 @!p0 $0x8200  }
0x147: {  	[tilespmem:s3], [sflag:$0x5] =	stream.linear.gather @!p0 [hbm4b:s1+s11], $0x100, $0x38;
	[tilespmem:$0x1EC00] =	vst v63  }
0x148: {  	s19 =	simm.s32 $0x0;
	s11 =	simm.s32 $0x8300;
	s1 =	simm.s32 $0x0  }
.LBB2_5:
0x149: {  	v3 =	vld [tilespmem:s11+$0x0];
	s3 =	sand.u32 $0x2000, s25;
	s9 =	sand.u32 $0x380, s1  }
0x14a: {  	v4 =	vld [tilespmem:s20+$0x0];
	s3 =	sor.u32 s9, s3  }
0x14b: {  	v5 =	vld [tilespmem:s3+$0x4200]  }
0x14c: {  	v6 =	vld [tilespmem:s3+$0x4210]  }
0x14d: {  	v7 =	vld [tilespmem:s3+$0x4220]  }
0x14e: {  	v8 =	vld [tilespmem:s3+$0x4230]  }
0x14f: {  	v9 =	vld [tilespmem:s3+$0x4240]  }
0x150: {  	v10 =	vld [tilespmem:s3+$0x4250]  }
0x151: {  	v11 =	vld [tilespmem:s3+$0x4260]  }
0x152: {  	v12 =	vld [tilespmem:s3+$0x4270]  }
0x153: {  	v13 =	vld [tilespmem:s3+$0x4600]  }
0x154: {  	v14 =	vld [tilespmem:s3+$0x4610]  }
0x155: {  	v15 =	vld [tilespmem:s3+$0x4620]  }
0x156: {  	v16 =	vld [tilespmem:s3+$0x4630]  }
0x157: {  	v17 =	vld [tilespmem:s3+$0x4640]  }
0x158: {  	v18 =	vld [tilespmem:s3+$0x4650]  }
0x159: {  	v19 =	vld [tilespmem:s3+$0x4660]  }
0x15a: {  	v20 =	vld [tilespmem:s3+$0x4670]  }
0x15b: {  	v21 =	vld [tilespmem:s3+$0x4A00]  }
0x15c: {  	v22 =	vld [tilespmem:s3+$0x4A10]  }
0x15d: {  	v23 =	vld [tilespmem:s3+$0x4A20];
	v3 =	vmul.f32 v4, v3  }
0x15e: {  	v24 =	vld [tilespmem:s3+$0x4A30]  }
0x15f: {  	v44 =	vld [tilespmem:s3+$0x4A40];
	v26 =	vbroadcast v3, $0x0;
	v31 =	vbroadcast v3, $0x1  }
0x160: {  	v25 =	vld [tilespmem:s3+$0x4A50];
	v50 =	vbroadcast v3, $0x2;
	v59 =	vbroadcast v3, $0x3  }
0x161: {  	v27 =	vld [tilespmem:s3+$0x4A60];
	v5 =	vmul.f32 v26, v5;
	v6 =	vmul.f32 v6, v26  }
0x162: {  	v28 =	vld [tilespmem:s3+$0x4A70];
	v7 =	vmul.f32 v7, v26;
	v8 =	vmul.f32 v8, v26  }
0x163: {  	v29 =	vld [tilespmem:s3+$0x4E00];
	v9 =	vmul.f32 v9, v26;
	v10 =	vmul.f32 v10, v26  }
0x164: {  	v30 =	vld [tilespmem:s3+$0x4E10];
	v13 =	vmul.f32 v13, v31;
	v11 =	vmul.f32 v11, v26  }
0x165: {  	v32 =	vld [tilespmem:s3+$0x4E20];
	v14 =	vmul.f32 v14, v31;
	v45 =	vmul.f32 v15, v31  }
0x166: {  	v33 =	vld [tilespmem:s3+$0x4E30];
	v46 =	vmul.f32 v16, v31;
	v48 =	vmul.f32 v17, v31  }
0x167: {  	v34 =	vld [tilespmem:s3+$0x4E40];
	v12 =	vmul.f32 v12, v26;
	v49 =	vmul.f32 v18, v31  }
0x168: {  	v35 =	vld [tilespmem:s3+$0x4E50];
	v19 =	vmul.f32 v19, v31;
	v20 =	vmul.f32 v20, v31  }
0x169: {  	v47 =	vld [tilespmem:s3+$0x4E60];
	v52 =	vmul.f32 v21, v50;
	v53 =	vmul.f32 v22, v50  }
0x16a: {  	v51 =	vld [tilespmem:s3+$0x5210];
	v55 =	vmul.f32 v23, v50;
	v57 =	vmul.f32 v24, v50  }
0x16b: {  	v54 =	vld [tilespmem:s3+$0x5230];
	v4 =	vmul.f32 v44, v50;
	v60 =	vmul.f32 v25, v50  }
0x16c: {  	v56 =	vld [tilespmem:s3+$0x5240];
	v61 =	vmul.f32 v27, v50;
	v63 =	vmul.f32 v28, v50;
	v5 =	vadd.f32 $0.0e+00, v5  }
0x16d: {  	v58 =	vld [tilespmem:s3+$0x5250];
	v31 =	vmul.f32 v29, v59;
	v6 =	vadd.f32 $0.0e+00, v6;
	v7 =	vadd.f32 $0.0e+00, v7  }
0x16e: {  	v62 =	vld [tilespmem:s3+$0x5270];
	v37 =	vmul.f32 v30, v59;
	v8 =	vadd.f32 $0.0e+00, v8;
	v9 =	vadd.f32 $0.0e+00, v9  }
0x16f: {  	v17 =	vld [tilespmem:s3+$0x4E70];
	v39 =	vmul.f32 v32, v59;
	v10 =	vadd.f32 $0.0e+00, v10;
	v11 =	vadd.f32 $0.0e+00, v11  }
0x170: {  	v36 =	vld [tilespmem:s3+$0x5600];
	v41 =	vmul.f32 v33, v59;
	v12 =	vadd.f32 $0.0e+00, v12;
	v5 =	vadd.f32 v13, v5  }
0x171: {  	v38 =	vld [tilespmem:s3+$0x5610];
	v42 =	vmul.f32 v34, v59;
	v6 =	vadd.f32 v14, v6;
	v7 =	vadd.f32 v45, v7  }
0x172: {  	v26 =	vld [tilespmem:s3+$0x5220];
	v44 =	vmul.f32 v35, v59;
	v8 =	vadd.f32 v46, v8;
	v9 =	vadd.f32 v48, v9  }
0x173: {  	v40 =	vld [tilespmem:s3+$0x5620];
	v47 =	vmul.f32 v47, v59;
	v10 =	vadd.f32 v49, v10;
	v11 =	vadd.f32 v19, v11  }
0x174: {  	v23 =	vld [tilespmem:s3+$0x5260];
	v12 =	vadd.f32 v20, v12;
	v45 =	vbroadcast v3, $0x4;
	v49 =	vmul.f32 v17, v59  }
0x175: {  	v43 =	vld [tilespmem:s3+$0x5630];
	v59 =	vbroadcast v3, $0x5;
	v5 =	vadd.f32 v52, v5;
	v6 =	vadd.f32 v53, v6  }
0x176: {  	v50 =	vld [tilespmem:s3+$0x5660];
	v7 =	vadd.f32 v55, v7;
	v8 =	vadd.f32 v57, v8;
	v51 =	vmul.f32 v51, v45  }
0x177: {  	v30 =	vld [tilespmem:s3+$0x5A40];
	v4 =	vadd.f32 v4, v9;
	v52 =	vmul.f32 v26, v45;
	v54 =	vmul.f32 v54, v45  }
0x178: {  	v13 =	vld [tilespmem:s3+$0x5200];
	v10 =	vadd.f32 v60, v10;
	v56 =	vmul.f32 v56, v45;
	v58 =	vmul.f32 v58, v45  }
0x179: {  	v46 =	vld [tilespmem:s3+$0x5640];
	v11 =	vadd.f32 v61, v11;
	v61 =	vmul.f32 v23, v45;
	v62 =	vmul.f32 v62, v45  }
0x17a: {  	v48 =	vld [tilespmem:s3+$0x5650];
	v9 =	vadd.f32 v63, v12;
	v28 =	vmul.f32 v36, v59;
	v24 =	vmul.f32 v38, v59  }
0x17b: {  	v53 =	vld [tilespmem:s3+$0x5670];
	v32 =	vmul.f32 v40, v59;
	v5 =	vadd.f32 v31, v5;
	v6 =	vadd.f32 v37, v6  }
0x17c: {  	v55 =	vld [tilespmem:s3+$0x5A00];
	v34 =	vmul.f32 v43, v59;
	v7 =	vadd.f32 v39, v7;
	v8 =	vadd.f32 v41, v8  }
0x17d: {  	v57 =	vld [tilespmem:s3+$0x5A10];
	v38 =	vmul.f32 v50, v59;
	v4 =	vadd.f32 v42, v4;
	v10 =	vadd.f32 v44, v10  }
0x17e: {  	s18 =	sand.u32 $0x7, s19;
	v60 =	vld [tilespmem:s3+$0x5A20];
	v11 =	vadd.f32 v47, v11;
	v9 =	vadd.f32 v49, v9;
	v39 =	vbroadcast v3, $0x6  }
0x17f: {  	s9 =	sshll.u32 s18, $0x7;
	v63 =	vld [tilespmem:s3+$0x5A30];
	v3 =	vbroadcast v3, $0x7;
	v13 =	vmul.f32 v13, v45;
	v6 =	vadd.f32 v51, v6  }
0x180: {  	s9 =	sadd.s32 s9, s25;
	v33 =	vld [tilespmem:s3+$0x5A50];
	v36 =	vmul.f32 v46, v59;
	v7 =	vadd.f32 v52, v7;
	v8 =	vadd.f32 v54, v8  }
0x181: {  	s18 =	sor.u32 $0x1C00, s9;
	v35 =	vld [tilespmem:s3+$0x5A60];
	v16 =	vmul.f32 v48, v59;
	v4 =	vadd.f32 v56, v4;
	v10 =	vadd.f32 v58, v10  }
0x182: {  	v40 =	vld [tilespmem:s18+$0x4200];
	s18 =	sor.u32 $0x1C10, s9;
	v11 =	vadd.f32 v61, v11;
	v50 =	vmul.f32 v30, v39;
	v41 =	vmul.f32 v53, v59  }
0x183: {  	v42 =	vld [tilespmem:s18+$0x4200];
	s18 =	sor.u32 $0x1C20, s9;
	v9 =	vadd.f32 v62, v9;
	v43 =	vmul.f32 v55, v39;
	v44 =	vmul.f32 v57, v39  }
0x184: {  	v45 =	vld [tilespmem:s18+$0x4200];
	v5 =	vadd.f32 v13, v5;
	v46 =	vmul.f32 v60, v39;
	v48 =	vmul.f32 v63, v39  }
0x185: {  	v37 =	vld [tilespmem:s3+$0x5A70];
	s18 =	sor.u32 $0x1C30, s9;
	v53 =	vmul.f32 v33, v39;
	v6 =	vadd.f32 v24, v6;
	v7 =	vadd.f32 v32, v7  }
0x186: {  	v47 =	vld [tilespmem:s18+$0x4200];
	s18 =	sor.u32 $0x1C40, s9;
	v59 =	vmul.f32 v35, v39;
	v8 =	vadd.f32 v34, v8;
	v4 =	vadd.f32 v36, v4  }
0x187: {  	v49 =	vld [tilespmem:s18+$0x4200];
	s18 =	sor.u32 $0x1C50, s9;
	v10 =	vadd.f32 v16, v10;
	v11 =	vadd.f32 v38, v11;
	v51 =	vmul.f32 v40, v3  }
0x188: {  	v52 =	vld [tilespmem:s18+$0x4200];
	s18 =	sor.u32 $0x1C60, s9;
	v5 =	vadd.f32 v28, v5;
	v54 =	vmul.f32 v42, v3;
	v6 =	vadd.f32 v44, v6  }
0x189: {  	v9 =	vadd.f32 v41, v9;
	v55 =	vld [tilespmem:s18+$0x4200];
	s18 =	sor.u32 $0x1C70, s9;
	v7 =	vadd.f32 v46, v7;
	v56 =	vmul.f32 v45, v3  }
0x18a: {  	v60 =	vmul.f32 v37, v39;
	v57 =	vld [tilespmem:s18+$0x4200];
	v5 =	vadd.f32 v43, v5;
	v6 =	vadd.f32 v54, v6  }
0x18b: {  	v8 =	vadd.f32 v48, v8;
	v58 =	vmul.f32 v47, v3;
	v7 =	vadd.f32 v56, v7  }
0x18c: {  	v4 =	vadd.f32 v50, v4;
	v13 =	vmul.f32 v49, v3;
	v5 =	vadd.f32 v51, v5;
	[tilespmem:s21+$0xFFFFFFD0] =	vst v6  }
0x18d: {  	v10 =	vadd.f32 v53, v10;
	v8 =	vadd.f32 v58, v8;
	v61 =	vmul.f32 v52, v3;
	[tilespmem:s21+$0xFFFFFFE0] =	vst v7  }
0x18e: {  	p0 =	sne.s32 s1, $0x780;
	v4 =	vadd.f32 v13, v4;
	v62 =	vmul.f32 v55, v3;
	[tilespmem:s21+$0xFFFFFFC0] =	vst v5;
	v5 =	vadd.f32 v59, v11  }
.Ltmp1:
0x18f: {  	v63 =	vadd.f32 v60, v9;
	v6 =	vadd.f32 v61, v10;
	v3 =	vmul.f32 v57, v3;
	[tilespmem:s21+$0xFFFFFFF0] =	vst v8;
	(pc) =	sbr.rel @p0 .LBB2_5-.Ltmp1, $4  }
0x190: {  	[tilespmem:s21+$0x0] =	vst v4;
	v5 =	vadd.f32 v62, v5  }
0x191: {  	v3 =	vadd.f32 v3, v63;
	[tilespmem:s21+$0x10] =	vst v6  }
0x192: {  	s19 =	sadd.s32 $0x1, s19;
	s20 =	sadd.s32 $0x80, s20;
	s11 =	sadd.s32 $0x10, s11;
	[tilespmem:s21+$0x20] =	vst v5  }
0x193: {  	s1 =	sadd.s32 $0x80, s1;
	s25 =	sadd.s32 $0x400, s25;
	[tilespmem:s21+$0x30] =	vst v3;
	s21 =	sadd.s32 $0x80, s21  }
0x194: {  	s17 =	sadd.s32 $0x1, s17  }
0x195: {  	p0 =	sne.s32 s17, $0x144  }
.Ltmp2:
0x196: {  	s1 =	rddreg [dreg:$0x4];
	(pc) =	sbr.rel @p0 .LBB2_2-.Ltmp2, $4  }
0x197: {  	[spmem:s1] =	stream.indirect.scatter.add.f32 [tilespmem:s4], [sflag:$0x7], $0x80, s0, s26, $0xb8;
	[tilespmem:$0x1EC00] =	vst v63  }
0x198: {  	_ =	swait.ge [sflag:s23], $0x800  }
0x199: {  	[sflag:s23] =	ssyncset.done $0x0  }
0x19a: {  	[sflag:s23] =	ssyncadd.s32 $0xFFFFF800  }
0x19b: {  	[bflag:$0x0] =	sbarrier.arrive $0xFFFF  }
0x19c: {  	s18 =	rddreg [dreg:$0x7]  }
0x19d: {  	[tilespmem:s22], [sflag:$0x7] =	stream.linear.gather [spmem:s18], $0x1000, $0x38;
	[tilespmem:$0x1EC00] =	vst v63  }
0x19e: {  	_ =	swait.ge [sflag:s23], $0x1000  }
0x19f: {  	[sflag:s23] =	ssyncset.done $0x0  }
0x1a0: {  	s1 =	sadd.s32 $0x0, s24;
	[sflag:s23] =	ssyncadd.s32 $0xFFFFF000  }
0x1a1: {  	[hbm4b:s1+s5] =	stream.linear.scatter [tilespmem:s22], [sflag:$0x7], $0x1000, $0x38;
	[tilespmem:$0x1EC00] =	vst v63  }
0x1a2: {  	_ =	swait.ge [sflag:s23], $0x1000  }
0x1a3: {  	s3 =	smov.u32 s18;
	s1 =	simm.s32 $0x200;
	[sflag:s23] =	ssyncset.done $0x0  }
.LBB2_8:
0x1a4: {  	p0 =	sne.s32 s1, $0x2600;
	[sflag:s23] =	ssyncadd.s32 $0xFFFFF000;
	s3 =	sadd.s32 $0x1000, s3  }
0x1a5: {  	[tilespmem:s22], [sflag:$0x7] =	stream.linear.gather [spmem:s3], $0x1000, $0x38;
	[tilespmem:$0x1EC00] =	vst v63  }
0x1a6: {  	s9 =	smov.u32 s1;
	s1 =	sadd.s32 $0x200, s1;
	_ =	swait.ge [sflag:s23], $0x1000  }
.Ltmp3:
0x1a7: {  	[sflag:s23] =	ssyncset.done $0x0;
	(pc) =	sbr.rel @p0 .LBB2_8-.Ltmp3, $4  }
0x1a8: {  	s9 =	sadd.s32 s9, s24;
	[sflag:s23] =	ssyncadd.s32 $0xFFFFF000  }
0x1a9: {  	[hbm4b:s9+s5] =	stream.linear.scatter [tilespmem:s22], [sflag:$0x7], $0x1000, $0x38;
	[tilespmem:$0x1EC00] =	vst v63  }
0x1aa: {  	_ =	swait.ge [sflag:s23], $0x1000  }
0x1ab: {  	[sflag:s23] =	ssyncset.done $0x0  }
0x1ac: {  	s3 =	sld [smem:$0x7FD];
	_ =	sdelay $0x2  }
0x1ad: {  	s1 =	rddreg [dreg:$0xc];
	s3 =	sadd.s32 $0x1, s3  }
0x1ae: {  	p0 =	sne.s32 s3, s1  }
.Ltmp4:
0x1af: {  	_ = 	snop;
	(pc) =	sbr.rel @p0 .LBB2_1-.Ltmp4, $2  }
0x1b0: {  	_ =	sdelay $0x2  }
0x1b1: {  	[sflag:s23] =	ssyncadd.s32 $0xFFFFF000  }
0x1b2: {  	_ =	sfence.sel $0x180000  }
0x1b3: {  	[bflag:$0x0] =	sbarrier.arrive $0xFFFF  }
0x1b4: {  	_ =	strace $0x90000050  }
0x1b5: {  	s0 =	stileid.u32;
	[bflag:$0x2] =	sbarrier.arrive $0xFFFF  }
0x1b6: {  	p0 =	sne.s32 s0, $0x0;
	s0 =	rddreg [dreg:$0x5]  }
0x1b7: {  	s0 =	sadd.s32 @!p0 $0x100000, s0  }
0x1b8: {  	[sflag:s0] =	ssyncadd.tile.s32 @!p0 $0x1;
	_ =	shalt  }
.Lfunc_end2:
_tile_overlayer_lowered:
.L_overlay_start_2:
0x1b9: {  	(tag) =	ssettag $0x2  }
0x1ba: {  	s0 =	rddreg [dreg:$0x0];
	s2 =	stileid.u32  }
0x1bb: {  	s1 =	rddreg [dreg:$0x1];
	p0 =	sne.s32 s2, $0x0  }
0x1bc: {  	s3 =	rddreg [dreg:$0x2];
	[bflag:$0x3] =	sbarrier.arrive $0xFFFF;
	s2 =	simm.s32 @!p0 $0x1C07  }
0x1bd: {  	[timem:s3], [sflag:s2] =	dma.local @!p0 [hbm:s0], s1  }
0x1be: {  	s0 =	simm.s32 @!p0 $0x7  }
0x1bf: {  	_ =	swait.ge @!p0 [sflag:s0], s1  }
0x1c0: {  	s1 =	ssub.s32 @!p0 $0x0, s1;
	[sflag:s0] =	ssyncset.done @!p0 $0x0  }
0x1c1: {  	[sflag:s0] =	ssyncadd.s32 @!p0 s1  }
0x1c2: {  	[bflag:$0x3] =	sbarrier.arrive $0xFFFF  }
0x1c3: {  	_ =	shalt  }

</sc_bundles>
